<compile_context>
chip_gen: v7x
topology: tpu7x:2x2x1
jax: 0.10.2.dev20260603
libtpu: 0.0.44.dev20260713+nightly
codegen_flags: <defaults>
</compile_context>

<pallas_src>
import functools

import jax
import jax.numpy as jnp
from jax import lax
from jax.experimental import pallas as pl
from jax.experimental.pallas import tpu as pltpu
from jax.experimental.pallas import tpu_sc as plsc

N = 10000
E = 320000
D = 128
EPS = 1e-3

NC = 2
NS = 16
NW = NC * NS
E_W = E // NW
CHUNK = 80
NCHUNK = E_W // CHUNK
NSEC = 5
SEC = NCHUNK // NSEC
NGRP = (SEC - 1) // 3
N_PAD = 10240
ROWS_TILE = N_PAD // NS

BM = 2000


def _sc_segment_sum(P, edges_w):
  mesh = plsc.VectorSubcoreMesh(core_axis_name="c", subcore_axis_name="s")

  @functools.partial(
      pl.kernel,
      mesh=mesh,
      out_type=jax.ShapeDtypeStruct((NC, N_PAD, D), jnp.float32),
      scratch_types=[
          pltpu.VMEM((SEC * CHUNK,), jnp.int32),
          pltpu.VMEM((SEC * CHUNK,), jnp.int32),
          pltpu.VMEM((CHUNK, D), jnp.float32),
          pltpu.VMEM((CHUNK, D), jnp.float32),
          pltpu.VMEM((CHUNK, D), jnp.float32),
          pltpu.VMEM_SHARED((N_PAD, D), jnp.float32),
          pltpu.SemaphoreType.DMA,
          pltpu.SemaphoreType.DMA,
          pltpu.SemaphoreType.DMA,
          pltpu.SemaphoreType.DMA,
          pltpu.SemaphoreType.DMA,
          pltpu.SemaphoreType.DMA,
      ],
  )
  def seg_sum(p_hbm, e_hbm, out_hbm, src_v, dst_v, rows0, rows1,
              rows2, agg_sh, gsem0, gsem1, gsem2, ssem0, ssem1, ssem2):
    rows = (rows0, rows1, rows2)
    gsem = (gsem0, gsem1, gsem2)
    ssem = (ssem0, ssem1, ssem2)
    cid = lax.axis_index("c")
    sid = lax.axis_index("s")
    wid = sid * NC + cid

    def _wait_g(c, k):
      pltpu.make_async_copy(p_hbm.at[src_v.at[pl.ds(c * CHUNK, CHUNK)]],
                            rows[k], gsem[k]).wait()

    def _issue_s(c, k):
      pltpu.async_copy(rows[k], agg_sh.at[dst_v.at[pl.ds(c * CHUNK, CHUNK)]],
                       ssem[k], add=True)

    def _wait_s(c, k):
      pltpu.make_async_copy(rows[k],
                            agg_sh.at[dst_v.at[pl.ds(c * CHUNK, CHUNK)]],
                            ssem[k]).wait()

    def _issue_g(c, k):
      pltpu.async_copy(p_hbm.at[src_v.at[pl.ds(c * CHUNK, CHUNK)]],
                       rows[k], gsem[k])

    SECW = SEC * CHUNK

    pltpu.sync_copy(e_hbm.at[pl.ds(wid * E_W, SECW)], src_v)
    pltpu.sync_copy(e_hbm.at[pl.ds(E + wid * E_W, SECW)], dst_v)
    _issue_g(0, 0)
    _issue_g(1, 1)

    def _zrow(i, _):
      r = i // (D // 16)
      c0 = (i % (D // 16)) * 16
      rows2[r, pl.ds(c0, 16)] = jnp.zeros((16,), jnp.float32)
      return 0
    lax.fori_loop(0, CHUNK * (D // 16), _zrow, 0)

    def _zcp(j, _):
      pltpu.sync_copy(rows2, agg_sh.at[pl.ds(sid * ROWS_TILE + j * CHUNK, CHUNK)])
      return 0
    lax.fori_loop(0, ROWS_TILE // CHUNK, _zcp, 0)
    plsc.subcore_barrier()

    for sec in range(NSEC):
      def _group(g, _):
        for k in range(3):
          c = 3 * g + k
          kp = (k + 2) % 3
          _wait_g(c, k)
          _issue_s(c, k)
          if k == 0:
            @pl.when(g > 0)
            def _w0():
              _wait_s(c, kp)
          else:
            _wait_s(c, kp)
          if k == 2:
            @pl.when(g + 1 < NGRP)
            def _g2():
              _issue_g(c + 2, kp)
          else:
            _issue_g(c + 2, kp)
        return 0

      lax.fori_loop(0, NGRP, _group, 0)
      _wait_g(SEC - 1, 0)
      _issue_s(SEC - 1, 0)
      if sec + 1 < NSEC:
        pltpu.sync_copy(e_hbm.at[pl.ds(wid * E_W + (sec + 1) * SECW, SECW)],
                        src_v)
        _issue_g(1, 1)
      _wait_s(SEC - 2, 2)
      _wait_s(SEC - 1, 0)
      if sec + 1 < NSEC:
        pltpu.sync_copy(
            e_hbm.at[pl.ds(E + wid * E_W + (sec + 1) * SECW, SECW)], dst_v)
        _issue_g(0, 0)
    plsc.subcore_barrier()

    pltpu.sync_copy(
        agg_sh.at[pl.ds(sid * ROWS_TILE, ROWS_TILE)],
        out_hbm.at[cid, pl.ds(sid * ROWS_TILE, ROWS_TILE)])

  return seg_sum(P, edges_w)


def _tc_msg(h, Wm, bm):
  def body(h_ref, w_ref, b_ref, o_ref):
    o_ref[...] = jnp.maximum(
        jnp.dot(h_ref[...], w_ref[...], preferred_element_type=jnp.float32)
        + b_ref[...], 0.0)

  return pl.pallas_call(
      body,
      grid=(N // BM,),
      in_specs=[
          pl.BlockSpec((BM, D), lambda i: (i, 0)),
          pl.BlockSpec((D, D), lambda i: (0, 0)),
          pl.BlockSpec((1, D), lambda i: (0, 0)),
      ],
      out_specs=pl.BlockSpec((BM, D), lambda i: (i, 0)),
      out_shape=jax.ShapeDtypeStruct((N, D), jnp.float32),
  )(h, Wm, bm.reshape(1, D))


def _update_block(hv, a0, a1, wt, wb, b, gg, be):
  t = (jnp.dot(hv, wt, preferred_element_type=jnp.float32)
       + jnp.dot(a0 + a1, wb, preferred_element_type=jnp.float32) + b)
  hn = jnp.maximum(hv + jnp.maximum(t, 0.0), 0.0)
  mu = jnp.mean(hn, axis=1, keepdims=True)
  var = jnp.mean((hn - mu) ** 2, axis=1, keepdims=True)
  return (hn - mu) * lax.rsqrt(var + EPS) * gg + be


_AGG_SPECS = [
    pl.BlockSpec((BM, D), lambda i: (i, 0)),
    pl.BlockSpec((1, BM, D), lambda i: (0, i, 0)),
    pl.BlockSpec((1, BM, D), lambda i: (1, i, 0)),
    pl.BlockSpec((D, D), lambda i: (0, 0)),
    pl.BlockSpec((D, D), lambda i: (1, 0)),
    pl.BlockSpec((1, D), lambda i: (0, 0)),
    pl.BlockSpec((1, D), lambda i: (0, 0)),
    pl.BlockSpec((1, D), lambda i: (0, 0)),
]


def _tc_update_msg(h, agg2, Wn, bn, g, be, Wm_next, bm_next):
  def body(h_ref, a0_ref, a1_ref, wt_ref, wb_ref, b_ref, g_ref, be_ref,
           wm_ref, bm_ref, o_ref, p_ref):
    y = _update_block(h_ref[...], a0_ref[0], a1_ref[0], wt_ref[...],
                      wb_ref[...], b_ref[...], g_ref[...], be_ref[...])
    o_ref[...] = y
    p_ref[...] = jnp.maximum(
        jnp.dot(y, wm_ref[...], preferred_element_type=jnp.float32)
        + bm_ref[...], 0.0)

  return pl.pallas_call(
      body,
      grid=(N // BM,),
      in_specs=_AGG_SPECS + [
          pl.BlockSpec((D, D), lambda i: (0, 0)),
          pl.BlockSpec((1, D), lambda i: (0, 0)),
      ],
      out_specs=[
          pl.BlockSpec((BM, D), lambda i: (i, 0)),
          pl.BlockSpec((BM, D), lambda i: (i, 0)),
      ],
      out_shape=[
          jax.ShapeDtypeStruct((N, D), jnp.float32),
          jax.ShapeDtypeStruct((N, D), jnp.float32),
      ],
  )(h, agg2, agg2, Wn, Wn, bn.reshape(1, D), g.reshape(1, D),
    be.reshape(1, D), Wm_next, bm_next.reshape(1, D))


def _tc_update_final(h, agg2, Wn, bn, g, be):
  def body(h_ref, a0_ref, a1_ref, wt_ref, wb_ref, b_ref, g_ref, be_ref,
           o_ref, ctx_ref):
    y = _update_block(h_ref[...], a0_ref[0], a1_ref[0], wt_ref[...],
                      wb_ref[...], b_ref[...], g_ref[...], be_ref[...])
    o_ref[...] = y

    @pl.when(pl.program_id(0) == 0)
    def _init():
      ctx_ref[...] = jnp.zeros_like(ctx_ref)

    ctx_ref[...] += jnp.sum(y, axis=0, keepdims=True)

    @pl.when(pl.program_id(0) == N // BM - 1)
    def _fin():
      ctx_ref[...] = ctx_ref[...] * (1.0 / N)

  return pl.pallas_call(
      body,
      grid=(N // BM,),
      in_specs=_AGG_SPECS,
      out_specs=[
          pl.BlockSpec((BM, D), lambda i: (i, 0)),
          pl.BlockSpec((1, D), lambda i: (0, 0)),
      ],
      out_shape=[
          jax.ShapeDtypeStruct((N, D), jnp.float32),
          jax.ShapeDtypeStruct((1, D), jnp.float32),
      ],
  )(h, agg2, agg2, Wn, Wn, bn.reshape(1, D), g.reshape(1, D),
    be.reshape(1, D))


def kernel(x, edge_index, Wm0, bm0, Wn0, bn0, g0, be0, Wm1, bm1, Wn1, bn1,
           g1, be1):
  edges_w = edge_index.reshape(2 * E)

  P0 = _tc_msg(x, Wm0, bm0)
  agg0 = _sc_segment_sum(P0, edges_w)
  h1, P1 = _tc_update_msg(x, agg0, Wn0, bn0, g0, be0, Wm1, bm1)
  agg1 = _sc_segment_sum(P1, edges_w)
  h2, ctx = _tc_update_final(h1, agg1, Wn1, bn1, g1, be1)
  return (h2, ctx)

# --- scband reference (transcript-rebuilt; emitter-appended) ---
"""Pipeline reference for scband-simple-convolution-gnn-1357209666175 (READ-ONLY COPY).

The authoritative reference and input builder live on the scoring server;
editing this copy changes nothing except your own understanding.
"""

import jax, jax.numpy as jnp
import numpy as np

N = 10000
E = 320000
D = 128
EPS = 1e-3


def layer_norm(h, g, b):
    mu = jnp.mean(h, axis=-1, keepdims=True)
    var = jnp.mean((h - mu) ** 2, axis=-1, keepdims=True)
    return (h - mu) / jnp.sqrt(var + EPS) * g + b


def setup_inputs(seed: int = 0) -> dict:
    key = jax.random.key(seed)
    ks = jax.random.split(key, 16)
    x = jax.random.normal(ks[0], (N, D), dtype=jnp.float32)
    edge_index = jax.random.randint(ks[1], (2, E), 0, N, dtype=jnp.int32)
    s = 1.0 / np.sqrt(D)
    s2 = 1.0 / np.sqrt(2 * D)
    inp = {"x": x, "edge_index": edge_index}
    # per-hop params: message dense [D,D], next-state dense on concat [2D,D], layernorm gamma/beta
    inp["Wm0"] = jax.random.normal(ks[2], (D, D), jnp.float32) * s
    inp["bm0"] = jnp.zeros((D,), jnp.float32)
    inp["Wn0"] = jax.random.normal(ks[3], (2 * D, D), jnp.float32) * s2
    inp["bn0"] = jnp.zeros((D,), jnp.float32)
    inp["g0"] = jnp.ones((D,), jnp.float32)
    inp["be0"] = jnp.zeros((D,), jnp.float32)
    inp["Wm1"] = jax.random.normal(ks[4], (D, D), jnp.float32) * s
    inp["bm1"] = jnp.zeros((D,), jnp.float32)
    inp["Wn1"] = jax.random.normal(ks[5], (2 * D, D), jnp.float32) * s2
    inp["bn1"] = jnp.zeros((D,), jnp.float32)
    inp["g1"] = jnp.ones((D,), jnp.float32)
    inp["be1"] = jnp.zeros((D,), jnp.float32)
    return inp


def reference(x, edge_index, Wm0, bm0, Wn0, bn0, g0, be0, Wm1, bm1, Wn1, bn1, g1, be1):
    # SimpleConvolutionGNN forward (inference: dropout is identity).
    # Each hop: simple convolution (dense on gathered source states, sum-reduce to
    # target), next-state dense on concat(old, pooled), residual + activation,
    # layer norm. Final: mean-pool node states into the context hidden state.
    src = edge_index[0]
    dst = edge_index[1]
    h = x
    hop_params = ((Wm0, bm0, Wn0, bn0, g0, be0), (Wm1, bm1, Wn1, bn1, g1, be1))
    for (Wm, bm, Wn, bn, g, be) in hop_params:
        msg = jax.nn.relu(jnp.take(h, src, axis=0) @ Wm + bm)   # gather + dense
        agg = jax.ops.segment_sum(msg, dst, num_segments=N)      # scatter-add reduce
        nxt = jax.nn.relu(jnp.concatenate([h, agg], axis=-1) @ Wn + bn)
        h = jax.nn.relu(h + nxt)                                  # residual_activation
        h = layer_norm(h, g, be)                                  # node-set layer norm
    ctx = jnp.mean(h, axis=0, keepdims=True)                      # final_reduce_type='mean' to CONTEXT
    return (h, ctx)

if __name__ == "__main__":
    import jax
    _d = setup_inputs()
    print(jax.jit(kernel)(*tuple(_d.values())))

</pallas_src>

<mosaic_0001>
#map = affine_map<(d0, d1) -> (0, 0)>
#map1 = affine_map<(d0, d1) -> (0)>
#map2 = affine_map<(d0, d1) -> (0, 0, 0)>
module attributes {stable_mosaic.version = 14 : i64} {
  func.func @seg_sum(%arg0: i32, %arg1: i32, %arg2: memref<10000x128xf32, #tpu.memory_space<hbm>>, %arg3: memref<640000xi32, #tpu.memory_space<hbm>>, %arg4: memref<2x10240x128xf32, #tpu.memory_space<hbm>>, %arg5: memref<2000xi32, #tpu.memory_space<vmem>>, %arg6: memref<2000xi32, #tpu.memory_space<vmem>>, %arg7: memref<80x128xf32, #tpu.memory_space<vmem>>, %arg8: memref<80x128xf32, #tpu.memory_space<vmem>>, %arg9: memref<80x128xf32, #tpu.memory_space<vmem>>, %arg10: memref<10240x128xf32, #tpu.memory_space<vmem_shared>>, %arg11: memref<!tpu.dma_semaphore, #tpu.memory_space<semaphore_mem>>, %arg12: memref<!tpu.dma_semaphore, #tpu.memory_space<semaphore_mem>>, %arg13: memref<!tpu.dma_semaphore, #tpu.memory_space<semaphore_mem>>, %arg14: memref<!tpu.dma_semaphore, #tpu.memory_space<semaphore_mem>>, %arg15: memref<!tpu.dma_semaphore, #tpu.memory_space<semaphore_mem>>, %arg16: memref<!tpu.dma_semaphore, #tpu.memory_space<semaphore_mem>>) attributes {dimension_semantics = [#tpu.dimension_semantics<core_parallel>, #tpu.dimension_semantics<subcore_parallel>], iteration_bounds = array<i64: 2, 16>, scalar_prefetch = 0 : i64, scratch_operands = 12 : i64, tpu.core_type = #tpu.core_type<sc_vector_subcore>, window_params = [{transform_indices = #map}, {transform_indices = #map1}, {transform_indices = #map2}]} {
    %mul3A = arith.constant 2 : i32
    %mul3A_0 = arith.muli %arg1, %mul3A : i32
    %add3A = arith.addi %mul3A_0, %arg0 : i32
    %mul3A_1 = arith.constant 10000 : i32
    %mul3A_2 = arith.muli %add3A, %mul3A_1 : i32
    "tpu.region"() ({
      %run_scoped3A = tpu.sem_alloc : memref<!tpu.dma_semaphore, #tpu.memory_space<semaphore_mem>>
      %dma_start3A_248 = tpu.memref_slice %arg3[%mul3A_2] : memref<640000xi32, #tpu.memory_space<hbm>> -> memref<2000xi32, #tpu.memory_space<hbm>>
      %dma_start3A_249 = tpu.memref_slice %arg3[%mul3A_2] : memref<640000xi32, #tpu.memory_space<hbm>> -> memref<2000xi32, #tpu.memory_space<hbm>>
      tpu.enqueue_dma source(%dma_start3A_249 : memref<2000xi32, #tpu.memory_space<hbm>>) target(%arg5 : memref<2000xi32, #tpu.memory_space<vmem>>) target_semaphore(%run_scoped3A : memref<!tpu.dma_semaphore, #tpu.memory_space<semaphore_mem>>)
      %dma_wait3A_250 = tpu.memref_slice %arg3[%mul3A_2] : memref<640000xi32, #tpu.memory_space<hbm>> -> memref<2000xi32, #tpu.memory_space<hbm>>
      %dma_wait3A_251 = tpu.memref_slice %arg3[%mul3A_2] : memref<640000xi32, #tpu.memory_space<hbm>> -> memref<2000xi32, #tpu.memory_space<hbm>>
      tpu.wait_dma2 semaphore(%run_scoped3A : memref<!tpu.dma_semaphore, #tpu.memory_space<semaphore_mem>>) src(%dma_wait3A_251 : memref<2000xi32, #tpu.memory_space<hbm>>) dst(%arg5 : memref<2000xi32, #tpu.memory_space<vmem>>)
      tpu.yield
    }) : () -> ()
    %mul3A_3 = arith.constant 10000 : i32
    %mul3A_4 = arith.muli %add3A, %mul3A_3 : i32
    %add3A_5 = arith.constant 320000 : i32
    %add3A_6 = arith.addi %add3A_5, %mul3A_4 : i32
    "tpu.region"() ({
      %run_scoped3A = tpu.sem_alloc : memref<!tpu.dma_semaphore, #tpu.memory_space<semaphore_mem>>
      %dma_start3A_248 = tpu.memref_slice %arg3[%add3A_6] : memref<640000xi32, #tpu.memory_space<hbm>> -> memref<2000xi32, #tpu.memory_space<hbm>>
      %dma_start3A_249 = tpu.memref_slice %arg3[%add3A_6] : memref<640000xi32, #tpu.memory_space<hbm>> -> memref<2000xi32, #tpu.memory_space<hbm>>
      tpu.enqueue_dma source(%dma_start3A_249 : memref<2000xi32, #tpu.memory_space<hbm>>) target(%arg6 : memref<2000xi32, #tpu.memory_space<vmem>>) target_semaphore(%run_scoped3A : memref<!tpu.dma_semaphore, #tpu.memory_space<semaphore_mem>>)
      %dma_wait3A_250 = tpu.memref_slice %arg3[%add3A_6] : memref<640000xi32, #tpu.memory_space<hbm>> -> memref<2000xi32, #tpu.memory_space<hbm>>
      %dma_wait3A_251 = tpu.memref_slice %arg3[%add3A_6] : memref<640000xi32, #tpu.memory_space<hbm>> -> memref<2000xi32, #tpu.memory_space<hbm>>
      tpu.wait_dma2 semaphore(%run_scoped3A : memref<!tpu.dma_semaphore, #tpu.memory_space<semaphore_mem>>) src(%dma_wait3A_251 : memref<2000xi32, #tpu.memory_space<hbm>>) dst(%arg6 : memref<2000xi32, #tpu.memory_space<vmem>>)
      tpu.yield
    }) : () -> ()
    %dma_start3A = arith.constant 0 : i32
    %dma_start3A_7 = tpu.memref_slice %arg5[%dma_start3A] : memref<2000xi32, #tpu.memory_space<vmem>> -> memref<80xi32, #tpu.memory_space<vmem>>
    %dma_start3A_8 = arith.constant 0 : i32
    %dma_start3A_9 = arith.constant 0 : i32
    %dma_start3A_10 = tpu.memref_slice %arg2[%dma_start3A_8, %dma_start3A_9] : memref<10000x128xf32, #tpu.memory_space<hbm>> -> memref<10000x128xf32, #tpu.memory_space<hbm>>
    tpu.enqueue_indirect_dma source(%dma_start3A_10 : memref<10000x128xf32, #tpu.memory_space<hbm>>) target(%arg7 : memref<80x128xf32, #tpu.memory_space<vmem>>) offsets(%dma_start3A_7 : memref<80xi32, #tpu.memory_space<vmem>>) semaphore(%arg11 : memref<!tpu.dma_semaphore, #tpu.memory_space<semaphore_mem>>)
    %dma_start3A_11 = arith.constant 80 : i32
    %dma_start3A_12 = tpu.memref_slice %arg5[%dma_start3A_11] : memref<2000xi32, #tpu.memory_space<vmem>> -> memref<80xi32, #tpu.memory_space<vmem>>
    %dma_start3A_13 = arith.constant 0 : i32
    %dma_start3A_14 = arith.constant 0 : i32
    %dma_start3A_15 = tpu.memref_slice %arg2[%dma_start3A_13, %dma_start3A_14] : memref<10000x128xf32, #tpu.memory_space<hbm>> -> memref<10000x128xf32, #tpu.memory_space<hbm>>
    tpu.enqueue_indirect_dma source(%dma_start3A_15 : memref<10000x128xf32, #tpu.memory_space<hbm>>) target(%arg8 : memref<80x128xf32, #tpu.memory_space<vmem>>) offsets(%dma_start3A_12 : memref<80xi32, #tpu.memory_space<vmem>>) semaphore(%arg12 : memref<!tpu.dma_semaphore, #tpu.memory_space<semaphore_mem>>)
    %scan3A = arith.constant 0 : i32
    %scan3A_16 = arith.constant 0 : i32
    %scan3A_17 = arith.constant 640 : i32
    %scan3A_18 = arith.addi %scan3A_16, %scan3A_17 : i32
    %scan3A_19 = arith.constant 1 : i32
    %scan3A_20 = scf.for %scan3A_248 = %scan3A_16 to %scan3A_18 step %scan3A_19 iter_args(%scan3A_249 = %scan3A) -> (i32)  : i32 {
      %jit3A = arith.constant 8 : i32
      %div3A = arith.divsi %scan3A_248, %jit3A : i32
      %sign3A = arith.constant 0 : i32
      %sign3A_250 = arith.cmpi sgt, %scan3A_248, %sign3A : i32
      %sign3A_251 = arith.extui %sign3A_250 : i1 to i32
      %sign3A_252 = arith.constant 0 : i32
      %sign3A_253 = arith.cmpi slt, %scan3A_248, %sign3A_252 : i32
      %sign3A_254 = arith.extui %sign3A_253 : i1 to i32
      %sign3A_255 = arith.subi %sign3A_251, %sign3A_254 : i32
      %sign3A_256 = arith.constant 0 : i32
      %sign3A_257 = arith.cmpi sgt, %jit3A, %sign3A_256 : i32
      %sign3A_258 = arith.extui %sign3A_257 : i1 to i32
      %sign3A_259 = arith.constant 0 : i32
      %sign3A_260 = arith.cmpi slt, %jit3A, %sign3A_259 : i32
      %sign3A_261 = arith.extui %sign3A_260 : i1 to i32
      %sign3A_262 = arith.subi %sign3A_258, %sign3A_261 : i32
      %ne3A = arith.cmpi ne, %sign3A_255, %sign3A_262 : i32
      %rem3A = arith.remsi %scan3A_248, %jit3A : i32
      %ne3A_263 = arith.constant 0 : i32
      %ne3A_264 = arith.cmpi ne, %rem3A, %ne3A_263 : i32
      %and3A = arith.andi %ne3A, %ne3A_264 : i1
      %sub3A = arith.constant 1 : i32
      %sub3A_265 = arith.subi %div3A, %sub3A : i32
      %select_n3A = arith.select %and3A, %sub3A_265, %div3A : i32
      %jit3A_266 = arith.constant 8 : i32
      %eq3A = arith.constant 0 : i32
      %eq3A_267 = arith.cmpi eq, %jit3A_266, %eq3A : i32
      %jit3A_268 = arith.constant 1 : i32
      %select_n3A_269 = arith.select %eq3A_267, %jit3A_268, %jit3A_266 : i32
      %rem3A_270 = arith.remsi %scan3A_248, %select_n3A_269 : i32
      %ne3A_271 = arith.constant 0 : i32
      %ne3A_272 = arith.cmpi ne, %rem3A_270, %ne3A_271 : i32
      %lt3A = arith.constant 0 : i32
      %lt3A_273 = arith.cmpi slt, %rem3A_270, %lt3A : i32
      %lt3A_274 = arith.constant 0 : i32
      %lt3A_275 = arith.cmpi slt, %select_n3A_269, %lt3A_274 : i32
      %ne3A_276 = arith.xori %lt3A_273, %lt3A_275 : i1
      %and3A_277 = arith.andi %ne3A_276, %ne3A_272 : i1
      %add3A_278 = arith.addi %rem3A_270, %select_n3A_269 : i32
      %select_n3A_279 = arith.select %and3A_277, %add3A_278, %rem3A_270 : i32
      %mul3A_280 = arith.constant 16 : i32
      %mul3A_281 = arith.muli %select_n3A_279, %mul3A_280 : i32
      %broadcast_in_dim3A = arith.constant 0.000000e+00 : f32
      %broadcast_in_dim3A_282 = vector.broadcast %broadcast_in_dim3A : f32 to vector<16xf32>
      %swap3A = arith.index_cast %select_n3A : i32 to index
      %swap3A_283 = arith.index_cast %mul3A_281 : i32 to index
      %swap3A_284 = tpu.vector_load %arg9[%swap3A, %swap3A_283] {strides = array<i32>} : memref<80x128xf32, #tpu.memory_space<vmem>>, vector<1x16xf32>,
      %swap3A_285 = vector.shape_cast %swap3A_284 : vector<1x16xf32> to vector<16xf32>
      %swap3A_286 = vector.shape_cast %broadcast_in_dim3A_282 : vector<16xf32> to vector<1x16xf32>
      tpu.vector_store %arg9[%swap3A, %swap3A_283], %swap3A_286 {strides = array<i32>} : memref<80x128xf32, #tpu.memory_space<vmem>>, vector<1x16xf32>,
      %scan3A_287 = arith.constant 0 : i32
      scf.yield %scan3A_287 : i32
    }
    %scan3A_21 = arith.constant 640 : i32
    %scan3A_22 = arith.constant 0 : i32
    %scan3A_23 = arith.constant 0 : i32
    %scan3A_24 = arith.constant 8 : i32
    %scan3A_25 = arith.addi %scan3A_23, %scan3A_24 : i32
    %scan3A_26 = arith.constant 1 : i32
    %scan3A_27 = scf.for %scan3A_248 = %scan3A_23 to %scan3A_25 step %scan3A_26 iter_args(%scan3A_249 = %scan3A_22) -> (i32)  : i32 {
      %mul3A_250 = arith.constant 640 : i32
      %mul3A_251 = arith.muli %arg1, %mul3A_250 : i32
      %mul3A_252 = arith.constant 80 : i32
      %mul3A_253 = arith.muli %scan3A_248, %mul3A_252 : i32
      %add3A_254 = arith.addi %mul3A_251, %mul3A_253 : i32
      "tpu.region"() ({
        %run_scoped3A = tpu.sem_alloc : memref<!tpu.dma_semaphore, #tpu.memory_space<semaphore_mem>>
        %dma_start3A_256 = arith.constant 0 : i32
        %dma_start3A_257 = tpu.memref_slice %arg10[%add3A_254, %dma_start3A_256] : memref<10240x128xf32, #tpu.memory_space<vmem_shared>> -> memref<80x128xf32, #tpu.memory_space<vmem_shared>>
        %dma_start3A_258 = arith.constant 0 : i32
        %dma_start3A_259 = tpu.memref_slice %arg10[%add3A_254, %dma_start3A_258] : memref<10240x128xf32, #tpu.memory_space<vmem_shared>> -> memref<80x128xf32, #tpu.memory_space<vmem_shared>>
        tpu.enqueue_dma source(%arg9 : memref<80x128xf32, #tpu.memory_space<vmem>>) target(%dma_start3A_259 : memref<80x128xf32, #tpu.memory_space<vmem_shared>>) target_semaphore(%run_scoped3A : memref<!tpu.dma_semaphore, #tpu.memory_space<semaphore_mem>>)
        %dma_wait3A_260 = arith.constant 0 : i32
        %dma_wait3A_261 = tpu.memref_slice %arg10[%add3A_254, %dma_wait3A_260] : memref<10240x128xf32, #tpu.memory_space<vmem_shared>> -> memref<80x128xf32, #tpu.memory_space<vmem_shared>>
        %dma_wait3A_262 = arith.constant 0 : i32
        %dma_wait3A_263 = tpu.memref_slice %arg10[%add3A_254, %dma_wait3A_262] : memref<10240x128xf32, #tpu.memory_space<vmem_shared>> -> memref<80x128xf32, #tpu.memory_space<vmem_shared>>
        tpu.wait_dma2 semaphore(%run_scoped3A : memref<!tpu.dma_semaphore, #tpu.memory_space<semaphore_mem>>) src(%arg9 : memref<80x128xf32, #tpu.memory_space<vmem>>) dst(%dma_wait3A_263 : memref<80x128xf32, #tpu.memory_space<vmem_shared>>)
        tpu.yield
      }) : () -> ()
      %scan3A_255 = arith.constant 0 : i32
      scf.yield %scan3A_255 : i32
    }
    %scan3A_28 = arith.constant 8 : i32
    %barrier3A = arith.constant 0 : index
    tpu.barrier barrier_id(%barrier3A)
    %scan3A_29 = arith.constant 0 : i32
    %scan3A_30 = arith.constant 0 : i32
    %scan3A_31 = arith.constant 8 : i32
    %scan3A_32 = arith.addi %scan3A_30, %scan3A_31 : i32
    %scan3A_33 = arith.constant 1 : i32
    %scan3A_34 = scf.for %scan3A_248 = %scan3A_30 to %scan3A_32 step %scan3A_33 iter_args(%scan3A_249 = %scan3A_29) -> (i32)  : i32 {
      %mul3A_250 = arith.constant 3 : i32
      %mul3A_251 = arith.muli %mul3A_250, %scan3A_248 : i32
      %add3A_252 = arith.constant 0 : i32
      %add3A_253 = arith.addi %mul3A_251, %add3A_252 : i32
      %mul3A_254 = arith.constant 80 : i32
      %mul3A_255 = arith.muli %add3A_253, %mul3A_254 : i32
      %dma_wait3A_256 = tpu.memref_slice %arg5[%mul3A_255] : memref<2000xi32, #tpu.memory_space<vmem>> -> memref<80xi32, #tpu.memory_space<vmem>>
      %dma_wait3A_257 = arith.constant 0 : i32
      %dma_wait3A_258 = arith.constant 0 : i32
      %dma_wait3A_259 = tpu.memref_slice %arg2[%dma_wait3A_257, %dma_wait3A_258] : memref<10000x128xf32, #tpu.memory_space<hbm>> -> memref<10000x128xf32, #tpu.memory_space<hbm>>
      tpu.wait_indirect_dma semaphore(%arg11 : memref<!tpu.dma_semaphore, #tpu.memory_space<semaphore_mem>>) src(%dma_wait3A_259 : memref<10000x128xf32, #tpu.memory_space<hbm>>) dst(%arg7 : memref<80x128xf32, #tpu.memory_space<vmem>>)
      %mul3A_260 = arith.constant 80 : i32
      %mul3A_261 = arith.muli %add3A_253, %mul3A_260 : i32
      %dma_start3A_262 = tpu.memref_slice %arg6[%mul3A_261] : memref<2000xi32, #tpu.memory_space<vmem>> -> memref<80xi32, #tpu.memory_space<vmem>>
      %dma_start3A_263 = arith.constant 0 : i32
      %dma_start3A_264 = arith.constant 0 : i32
      %dma_start3A_265 = tpu.memref_slice %arg10[%dma_start3A_263, %dma_start3A_264] : memref<10240x128xf32, #tpu.memory_space<vmem_shared>> -> memref<10240x128xf32, #tpu.memory_space<vmem_shared>>
      tpu.enqueue_indirect_dma source(%arg7 : memref<80x128xf32, #tpu.memory_space<vmem>>) target(%dma_start3A_265 : memref<10240x128xf32, #tpu.memory_space<vmem_shared>>) offsets(%dma_start3A_262 : memref<80xi32, #tpu.memory_space<vmem>>) semaphore(%arg14 : memref<!tpu.dma_semaphore, #tpu.memory_space<semaphore_mem>>) {add = true}
      %gt3A = arith.constant 0 : i32
      %gt3A_266 = arith.cmpi sgt, %scan3A_248, %gt3A : i32
      %convert_element_type3A = arith.extui %gt3A_266 : i1 to i32
      %cond3A = arith.constant 0 : i32
      %cond3A_267 = arith.cmpi ne, %convert_element_type3A, %cond3A : i32
      scf.if %cond3A_267 {
        %mul3A_335 = arith.constant 80 : i32
        %mul3A_336 = arith.muli %add3A_253, %mul3A_335 : i32
        %dma_wait3A_337 = tpu.memref_slice %arg6[%mul3A_336] : memref<2000xi32, #tpu.memory_space<vmem>> -> memref<80xi32, #tpu.memory_space<vmem>>
        %dma_wait3A_338 = arith.constant 0 : i32
        %dma_wait3A_339 = arith.constant 0 : i32
        %dma_wait3A_340 = tpu.memref_slice %arg10[%dma_wait3A_338, %dma_wait3A_339] : memref<10240x128xf32, #tpu.memory_space<vmem_shared>> -> memref<10240x128xf32, #tpu.memory_space<vmem_shared>>
        tpu.wait_indirect_dma semaphore(%arg16 : memref<!tpu.dma_semaphore, #tpu.memory_space<semaphore_mem>>) src(%arg9 : memref<80x128xf32, #tpu.memory_space<vmem>>) dst(%dma_wait3A_340 : memref<10240x128xf32, #tpu.memory_space<vmem_shared>>)
      } else {
      }
      %add3A_268 = arith.constant 2 : i32
      %add3A_269 = arith.addi %add3A_253, %add3A_268 : i32
      %mul3A_270 = arith.constant 80 : i32
      %mul3A_271 = arith.muli %add3A_269, %mul3A_270 : i32
      %dma_start3A_272 = tpu.memref_slice %arg5[%mul3A_271] : memref<2000xi32, #tpu.memory_space<vmem>> -> memref<80xi32, #tpu.memory_space<vmem>>
      %dma_start3A_273 = arith.constant 0 : i32
      %dma_start3A_274 = arith.constant 0 : i32
      %dma_start3A_275 = tpu.memref_slice %arg2[%dma_start3A_273, %dma_start3A_274] : memref<10000x128xf32, #tpu.memory_space<hbm>> -> memref<10000x128xf32, #tpu.memory_space<hbm>>
      tpu.enqueue_indirect_dma source(%dma_start3A_275 : memref<10000x128xf32, #tpu.memory_space<hbm>>) target(%arg9 : memref<80x128xf32, #tpu.memory_space<vmem>>) offsets(%dma_start3A_272 : memref<80xi32, #tpu.memory_space<vmem>>) semaphore(%arg13 : memref<!tpu.dma_semaphore, #tpu.memory_space<semaphore_mem>>)
      %mul3A_276 = arith.constant 3 : i32
      %mul3A_277 = arith.muli %mul3A_276, %scan3A_248 : i32
      %add3A_278 = arith.constant 1 : i32
      %add3A_279 = arith.addi %mul3A_277, %add3A_278 : i32
      %mul3A_280 = arith.constant 80 : i32
      %mul3A_281 = arith.muli %add3A_279, %mul3A_280 : i32
      %dma_wait3A_282 = tpu.memref_slice %arg5[%mul3A_281] : memref<2000xi32, #tpu.memory_space<vmem>> -> memref<80xi32, #tpu.memory_space<vmem>>
      %dma_wait3A_283 = arith.constant 0 : i32
      %dma_wait3A_284 = arith.constant 0 : i32
      %dma_wait3A_285 = tpu.memref_slice %arg2[%dma_wait3A_283, %dma_wait3A_284] : memref<10000x128xf32, #tpu.memory_space<hbm>> -> memref<10000x128xf32, #tpu.memory_space<hbm>>
      tpu.wait_indirect_dma semaphore(%arg12 : memref<!tpu.dma_semaphore, #tpu.memory_space<semaphore_mem>>) src(%dma_wait3A_285 : memref<10000x128xf32, #tpu.memory_space<hbm>>) dst(%arg8 : memref<80x128xf32, #tpu.memory_space<vmem>>)
      %mul3A_286 = arith.constant 80 : i32
      %mul3A_287 = arith.muli %add3A_279, %mul3A_286 : i32
      %dma_start3A_288 = tpu.memref_slice %arg6[%mul3A_287] : memref<2000xi32, #tpu.memory_space<vmem>> -> memref<80xi32, #tpu.memory_space<vmem>>
      %dma_start3A_289 = arith.constant 0 : i32
      %dma_start3A_290 = arith.constant 0 : i32
      %dma_start3A_291 = tpu.memref_slice %arg10[%dma_start3A_289, %dma_start3A_290] : memref<10240x128xf32, #tpu.memory_space<vmem_shared>> -> memref<10240x128xf32, #tpu.memory_space<vmem_shared>>
      tpu.enqueue_indirect_dma source(%arg8 : memref<80x128xf32, #tpu.memory_space<vmem>>) target(%dma_start3A_291 : memref<10240x128xf32, #tpu.memory_space<vmem_shared>>) offsets(%dma_start3A_288 : memref<80xi32, #tpu.memory_space<vmem>>) semaphore(%arg15 : memref<!tpu.dma_semaphore, #tpu.memory_space<semaphore_mem>>) {add = true}
      %mul3A_292 = arith.constant 80 : i32
      %mul3A_293 = arith.muli %add3A_279, %mul3A_292 : i32
      %dma_wait3A_294 = tpu.memref_slice %arg6[%mul3A_293] : memref<2000xi32, #tpu.memory_space<vmem>> -> memref<80xi32, #tpu.memory_space<vmem>>
      %dma_wait3A_295 = arith.constant 0 : i32
      %dma_wait3A_296 = arith.constant 0 : i32
      %dma_wait3A_297 = tpu.memref_slice %arg10[%dma_wait3A_295, %dma_wait3A_296] : memref<10240x128xf32, #tpu.memory_space<vmem_shared>> -> memref<10240x128xf32, #tpu.memory_space<vmem_shared>>
      tpu.wait_indirect_dma semaphore(%arg14 : memref<!tpu.dma_semaphore, #tpu.memory_space<semaphore_mem>>) src(%arg7 : memref<80x128xf32, #tpu.memory_space<vmem>>) dst(%dma_wait3A_297 : memref<10240x128xf32, #tpu.memory_space<vmem_shared>>)
      %add3A_298 = arith.constant 2 : i32
      %add3A_299 = arith.addi %add3A_279, %add3A_298 : i32
      %mul3A_300 = arith.constant 80 : i32
      %mul3A_301 = arith.muli %add3A_299, %mul3A_300 : i32
      %dma_start3A_302 = tpu.memref_slice %arg5[%mul3A_301] : memref<2000xi32, #tpu.memory_space<vmem>> -> memref<80xi32, #tpu.memory_space<vmem>>
      %dma_start3A_303 = arith.constant 0 : i32
      %dma_start3A_304 = arith.constant 0 : i32
      %dma_start3A_305 = tpu.memref_slice %arg2[%dma_start3A_303, %dma_start3A_304] : memref<10000x128xf32, #tpu.memory_space<hbm>> -> memref<10000x128xf32, #tpu.memory_space<hbm>>
      tpu.enqueue_indirect_dma source(%dma_start3A_305 : memref<10000x128xf32, #tpu.memory_space<hbm>>) target(%arg7 : memref<80x128xf32, #tpu.memory_space<vmem>>) offsets(%dma_start3A_302 : memref<80xi32, #tpu.memory_space<vmem>>) semaphore(%arg11 : memref<!tpu.dma_semaphore, #tpu.memory_space<semaphore_mem>>)
      %mul3A_306 = arith.constant 3 : i32
      %mul3A_307 = arith.muli %mul3A_306, %scan3A_248 : i32
      %add3A_308 = arith.constant 2 : i32
      %add3A_309 = arith.addi %mul3A_307, %add3A_308 : i32
      %mul3A_310 = arith.constant 80 : i32
      %mul3A_311 = arith.muli %add3A_309, %mul3A_310 : i32
      %dma_wait3A_312 = tpu.memref_slice %arg5[%mul3A_311] : memref<2000xi32, #tpu.memory_space<vmem>> -> memref<80xi32, #tpu.memory_space<vmem>>
      %dma_wait3A_313 = arith.constant 0 : i32
      %dma_wait3A_314 = arith.constant 0 : i32
      %dma_wait3A_315 = tpu.memref_slice %arg2[%dma_wait3A_313, %dma_wait3A_314] : memref<10000x128xf32, #tpu.memory_space<hbm>> -> memref<10000x128xf32, #tpu.memory_space<hbm>>
      tpu.wait_indirect_dma semaphore(%arg13 : memref<!tpu.dma_semaphore, #tpu.memory_space<semaphore_mem>>) src(%dma_wait3A_315 : memref<10000x128xf32, #tpu.memory_space<hbm>>) dst(%arg9 : memref<80x128xf32, #tpu.memory_space<vmem>>)
      %mul3A_316 = arith.constant 80 : i32
      %mul3A_317 = arith.muli %add3A_309, %mul3A_316 : i32
      %dma_start3A_318 = tpu.memref_slice %arg6[%mul3A_317] : memref<2000xi32, #tpu.memory_space<vmem>> -> memref<80xi32, #tpu.memory_space<vmem>>
      %dma_start3A_319 = arith.constant 0 : i32
      %dma_start3A_320 = arith.constant 0 : i32
      %dma_start3A_321 = tpu.memref_slice %arg10[%dma_start3A_319, %dma_start3A_320] : memref<10240x128xf32, #tpu.memory_space<vmem_shared>> -> memref<10240x128xf32, #tpu.memory_space<vmem_shared>>
      tpu.enqueue_indirect_dma source(%arg9 : memref<80x128xf32, #tpu.memory_space<vmem>>) target(%dma_start3A_321 : memref<10240x128xf32, #tpu.memory_space<vmem_shared>>) offsets(%dma_start3A_318 : memref<80xi32, #tpu.memory_space<vmem>>) semaphore(%arg16 : memref<!tpu.dma_semaphore, #tpu.memory_space<semaphore_mem>>) {add = true}
      %mul3A_322 = arith.constant 80 : i32
      %mul3A_323 = arith.muli %add3A_309, %mul3A_322 : i32
      %dma_wait3A_324 = tpu.memref_slice %arg6[%mul3A_323] : memref<2000xi32, #tpu.memory_space<vmem>> -> memref<80xi32, #tpu.memory_space<vmem>>
      %dma_wait3A_325 = arith.constant 0 : i32
      %dma_wait3A_326 = arith.constant 0 : i32
      %dma_wait3A_327 = tpu.memref_slice %arg10[%dma_wait3A_325, %dma_wait3A_326] : memref<10240x128xf32, #tpu.memory_space<vmem_shared>> -> memref<10240x128xf32, #tpu.memory_space<vmem_shared>>
      tpu.wait_indirect_dma semaphore(%arg15 : memref<!tpu.dma_semaphore, #tpu.memory_space<semaphore_mem>>) src(%arg8 : memref<80x128xf32, #tpu.memory_space<vmem>>) dst(%dma_wait3A_327 : memref<10240x128xf32, #tpu.memory_space<vmem_shared>>)
      %add3A_328 = arith.constant 1 : i32
      %add3A_329 = arith.addi %scan3A_248, %add3A_328 : i32
      %lt3A = arith.constant 8 : i32
      %lt3A_330 = arith.cmpi slt, %add3A_329, %lt3A : i32
      %convert_element_type3A_331 = arith.extui %lt3A_330 : i1 to i32
      %cond3A_332 = arith.constant 0 : i32
      %cond3A_333 = arith.cmpi ne, %convert_element_type3A_331, %cond3A_332 : i32
      scf.if %cond3A_333 {
        %add3A_335 = arith.constant 2 : i32
        %add3A_336 = arith.addi %add3A_309, %add3A_335 : i32
        %mul3A_337 = arith.constant 80 : i32
        %mul3A_338 = arith.muli %add3A_336, %mul3A_337 : i32
        %dma_start3A_339 = tpu.memref_slice %arg5[%mul3A_338] : memref<2000xi32, #tpu.memory_space<vmem>> -> memref<80xi32, #tpu.memory_space<vmem>>
        %dma_start3A_340 = arith.constant 0 : i32
        %dma_start3A_341 = arith.constant 0 : i32
        %dma_start3A_342 = tpu.memref_slice %arg2[%dma_start3A_340, %dma_start3A_341] : memref<10000x128xf32, #tpu.memory_space<hbm>> -> memref<10000x128xf32, #tpu.memory_space<hbm>>
        tpu.enqueue_indirect_dma source(%dma_start3A_342 : memref<10000x128xf32, #tpu.memory_space<hbm>>) target(%arg8 : memref<80x128xf32, #tpu.memory_space<vmem>>) offsets(%dma_start3A_339 : memref<80xi32, #tpu.memory_space<vmem>>) semaphore(%arg12 : memref<!tpu.dma_semaphore, #tpu.memory_space<semaphore_mem>>)
      } else {
      }
      %scan3A_334 = arith.constant 0 : i32
      scf.yield %scan3A_334 : i32
    }
    %scan3A_35 = arith.constant 8 : i32
    %dma_wait3A = arith.constant 1920 : i32
    %dma_wait3A_36 = tpu.memref_slice %arg5[%dma_wait3A] : memref<2000xi32, #tpu.memory_space<vmem>> -> memref<80xi32, #tpu.memory_space<vmem>>
    %dma_wait3A_37 = arith.constant 0 : i32
    %dma_wait3A_38 = arith.constant 0 : i32
    %dma_wait3A_39 = tpu.memref_slice %arg2[%dma_wait3A_37, %dma_wait3A_38] : memref<10000x128xf32, #tpu.memory_space<hbm>> -> memref<10000x128xf32, #tpu.memory_space<hbm>>
    tpu.wait_indirect_dma semaphore(%arg11 : memref<!tpu.dma_semaphore, #tpu.memory_space<semaphore_mem>>) src(%dma_wait3A_39 : memref<10000x128xf32, #tpu.memory_space<hbm>>) dst(%arg7 : memref<80x128xf32, #tpu.memory_space<vmem>>)
    %dma_start3A_40 = arith.constant 1920 : i32
    %dma_start3A_41 = tpu.memref_slice %arg6[%dma_start3A_40] : memref<2000xi32, #tpu.memory_space<vmem>> -> memref<80xi32, #tpu.memory_space<vmem>>
    %dma_start3A_42 = arith.constant 0 : i32
    %dma_start3A_43 = arith.constant 0 : i32
    %dma_start3A_44 = tpu.memref_slice %arg10[%dma_start3A_42, %dma_start3A_43] : memref<10240x128xf32, #tpu.memory_space<vmem_shared>> -> memref<10240x128xf32, #tpu.memory_space<vmem_shared>>
    tpu.enqueue_indirect_dma source(%arg7 : memref<80x128xf32, #tpu.memory_space<vmem>>) target(%dma_start3A_44 : memref<10240x128xf32, #tpu.memory_space<vmem_shared>>) offsets(%dma_start3A_41 : memref<80xi32, #tpu.memory_space<vmem>>) semaphore(%arg14 : memref<!tpu.dma_semaphore, #tpu.memory_space<semaphore_mem>>) {add = true}
    %mul3A_45 = arith.constant 10000 : i32
    %mul3A_46 = arith.muli %add3A, %mul3A_45 : i32
    %add3A_47 = arith.constant 2000 : i32
    %add3A_48 = arith.addi %mul3A_46, %add3A_47 : i32
    "tpu.region"() ({
      %run_scoped3A = tpu.sem_alloc : memref<!tpu.dma_semaphore, #tpu.memory_space<semaphore_mem>>
      %dma_start3A_248 = tpu.memref_slice %arg3[%add3A_48] : memref<640000xi32, #tpu.memory_space<hbm>> -> memref<2000xi32, #tpu.memory_space<hbm>>
      %dma_start3A_249 = tpu.memref_slice %arg3[%add3A_48] : memref<640000xi32, #tpu.memory_space<hbm>> -> memref<2000xi32, #tpu.memory_space<hbm>>
      tpu.enqueue_dma source(%dma_start3A_249 : memref<2000xi32, #tpu.memory_space<hbm>>) target(%arg5 : memref<2000xi32, #tpu.memory_space<vmem>>) target_semaphore(%run_scoped3A : memref<!tpu.dma_semaphore, #tpu.memory_space<semaphore_mem>>)
      %dma_wait3A_250 = tpu.memref_slice %arg3[%add3A_48] : memref<640000xi32, #tpu.memory_space<hbm>> -> memref<2000xi32, #tpu.memory_space<hbm>>
      %dma_wait3A_251 = tpu.memref_slice %arg3[%add3A_48] : memref<640000xi32, #tpu.memory_space<hbm>> -> memref<2000xi32, #tpu.memory_space<hbm>>
      tpu.wait_dma2 semaphore(%run_scoped3A : memref<!tpu.dma_semaphore, #tpu.memory_space<semaphore_mem>>) src(%dma_wait3A_251 : memref<2000xi32, #tpu.memory_space<hbm>>) dst(%arg5 : memref<2000xi32, #tpu.memory_space<vmem>>)
      tpu.yield
    }) : () -> ()
    %dma_start3A_49 = arith.constant 80 : i32
    %dma_start3A_50 = tpu.memref_slice %arg5[%dma_start3A_49] : memref<2000xi32, #tpu.memory_space<vmem>> -> memref<80xi32, #tpu.memory_space<vmem>>
    %dma_start3A_51 = arith.constant 0 : i32
    %dma_start3A_52 = arith.constant 0 : i32
    %dma_start3A_53 = tpu.memref_slice %arg2[%dma_start3A_51, %dma_start3A_52] : memref<10000x128xf32, #tpu.memory_space<hbm>> -> memref<10000x128xf32, #tpu.memory_space<hbm>>
    tpu.enqueue_indirect_dma source(%dma_start3A_53 : memref<10000x128xf32, #tpu.memory_space<hbm>>) target(%arg8 : memref<80x128xf32, #tpu.memory_space<vmem>>) offsets(%dma_start3A_50 : memref<80xi32, #tpu.memory_space<vmem>>) semaphore(%arg12 : memref<!tpu.dma_semaphore, #tpu.memory_space<semaphore_mem>>)
    %dma_wait3A_54 = arith.constant 1840 : i32
    %dma_wait3A_55 = tpu.memref_slice %arg6[%dma_wait3A_54] : memref<2000xi32, #tpu.memory_space<vmem>> -> memref<80xi32, #tpu.memory_space<vmem>>
    %dma_wait3A_56 = arith.constant 0 : i32
    %dma_wait3A_57 = arith.constant 0 : i32
    %dma_wait3A_58 = tpu.memref_slice %arg10[%dma_wait3A_56, %dma_wait3A_57] : memref<10240x128xf32, #tpu.memory_space<vmem_shared>> -> memref<10240x128xf32, #tpu.memory_space<vmem_shared>>
    tpu.wait_indirect_dma semaphore(%arg16 : memref<!tpu.dma_semaphore, #tpu.memory_space<semaphore_mem>>) src(%arg9 : memref<80x128xf32, #tpu.memory_space<vmem>>) dst(%dma_wait3A_58 : memref<10240x128xf32, #tpu.memory_space<vmem_shared>>)
    %dma_wait3A_59 = arith.constant 1920 : i32
    %dma_wait3A_60 = tpu.memref_slice %arg6[%dma_wait3A_59] : memref<2000xi32, #tpu.memory_space<vmem>> -> memref<80xi32, #tpu.memory_space<vmem>>
    %dma_wait3A_61 = arith.constant 0 : i32
    %dma_wait3A_62 = arith.constant 0 : i32
    %dma_wait3A_63 = tpu.memref_slice %arg10[%dma_wait3A_61, %dma_wait3A_62] : memref<10240x128xf32, #tpu.memory_space<vmem_shared>> -> memref<10240x128xf32, #tpu.memory_space<vmem_shared>>
    tpu.wait_indirect_dma semaphore(%arg14 : memref<!tpu.dma_semaphore, #tpu.memory_space<semaphore_mem>>) src(%arg7 : memref<80x128xf32, #tpu.memory_space<vmem>>) dst(%dma_wait3A_63 : memref<10240x128xf32, #tpu.memory_space<vmem_shared>>)
    %mul3A_64 = arith.constant 10000 : i32
    %mul3A_65 = arith.muli %add3A, %mul3A_64 : i32
    %add3A_66 = arith.constant 320000 : i32
    %add3A_67 = arith.addi %add3A_66, %mul3A_65 : i32
    %add3A_68 = arith.constant 2000 : i32
    %add3A_69 = arith.addi %add3A_67, %add3A_68 : i32
    "tpu.region"() ({
      %run_scoped3A = tpu.sem_alloc : memref<!tpu.dma_semaphore, #tpu.memory_space<semaphore_mem>>
      %dma_start3A_248 = tpu.memref_slice %arg3[%add3A_69] : memref<640000xi32, #tpu.memory_space<hbm>> -> memref<2000xi32, #tpu.memory_space<hbm>>
      %dma_start3A_249 = tpu.memref_slice %arg3[%add3A_69] : memref<640000xi32, #tpu.memory_space<hbm>> -> memref<2000xi32, #tpu.memory_space<hbm>>
      tpu.enqueue_dma source(%dma_start3A_249 : memref<2000xi32, #tpu.memory_space<hbm>>) target(%arg6 : memref<2000xi32, #tpu.memory_space<vmem>>) target_semaphore(%run_scoped3A : memref<!tpu.dma_semaphore, #tpu.memory_space<semaphore_mem>>)
      %dma_wait3A_250 = tpu.memref_slice %arg3[%add3A_69] : memref<640000xi32, #tpu.memory_space<hbm>> -> memref<2000xi32, #tpu.memory_space<hbm>>
      %dma_wait3A_251 = tpu.memref_slice %arg3[%add3A_69] : memref<640000xi32, #tpu.memory_space<hbm>> -> memref<2000xi32, #tpu.memory_space<hbm>>
      tpu.wait_dma2 semaphore(%run_scoped3A : memref<!tpu.dma_semaphore, #tpu.memory_space<semaphore_mem>>) src(%dma_wait3A_251 : memref<2000xi32, #tpu.memory_space<hbm>>) dst(%arg6 : memref<2000xi32, #tpu.memory_space<vmem>>)
      tpu.yield
    }) : () -> ()
    %dma_start3A_70 = arith.constant 0 : i32
    %dma_start3A_71 = tpu.memref_slice %arg5[%dma_start3A_70] : memref<2000xi32, #tpu.memory_space<vmem>> -> memref<80xi32, #tpu.memory_space<vmem>>
    %dma_start3A_72 = arith.constant 0 : i32
    %dma_start3A_73 = arith.constant 0 : i32
    %dma_start3A_74 = tpu.memref_slice %arg2[%dma_start3A_72, %dma_start3A_73] : memref<10000x128xf32, #tpu.memory_space<hbm>> -> memref<10000x128xf32, #tpu.memory_space<hbm>>
    tpu.enqueue_indirect_dma source(%dma_start3A_74 : memref<10000x128xf32, #tpu.memory_space<hbm>>) target(%arg7 : memref<80x128xf32, #tpu.memory_space<vmem>>) offsets(%dma_start3A_71 : memref<80xi32, #tpu.memory_space<vmem>>) semaphore(%arg11 : memref<!tpu.dma_semaphore, #tpu.memory_space<semaphore_mem>>)
    %scan3A_75 = arith.constant 0 : i32
    %scan3A_76 = arith.constant 0 : i32
    %scan3A_77 = arith.constant 8 : i32
    %scan3A_78 = arith.addi %scan3A_76, %scan3A_77 : i32
    %scan3A_79 = arith.constant 1 : i32
    %scan3A_80 = scf.for %scan3A_248 = %scan3A_76 to %scan3A_78 step %scan3A_79 iter_args(%scan3A_249 = %scan3A_75) -> (i32)  : i32 {
      %mul3A_250 = arith.constant 3 : i32
      %mul3A_251 = arith.muli %mul3A_250, %scan3A_248 : i32
      %add3A_252 = arith.constant 0 : i32
      %add3A_253 = arith.addi %mul3A_251, %add3A_252 : i32
      %mul3A_254 = arith.constant 80 : i32
      %mul3A_255 = arith.muli %add3A_253, %mul3A_254 : i32
      %dma_wait3A_256 = tpu.memref_slice %arg5[%mul3A_255] : memref<2000xi32, #tpu.memory_space<vmem>> -> memref<80xi32, #tpu.memory_space<vmem>>
      %dma_wait3A_257 = arith.constant 0 : i32
      %dma_wait3A_258 = arith.constant 0 : i32
      %dma_wait3A_259 = tpu.memref_slice %arg2[%dma_wait3A_257, %dma_wait3A_258] : memref<10000x128xf32, #tpu.memory_space<hbm>> -> memref<10000x128xf32, #tpu.memory_space<hbm>>
      tpu.wait_indirect_dma semaphore(%arg11 : memref<!tpu.dma_semaphore, #tpu.memory_space<semaphore_mem>>) src(%dma_wait3A_259 : memref<10000x128xf32, #tpu.memory_space<hbm>>) dst(%arg7 : memref<80x128xf32, #tpu.memory_space<vmem>>)
      %mul3A_260 = arith.constant 80 : i32
      %mul3A_261 = arith.muli %add3A_253, %mul3A_260 : i32
      %dma_start3A_262 = tpu.memref_slice %arg6[%mul3A_261] : memref<2000xi32, #tpu.memory_space<vmem>> -> memref<80xi32, #tpu.memory_space<vmem>>
      %dma_start3A_263 = arith.constant 0 : i32
      %dma_start3A_264 = arith.constant 0 : i32
      %dma_start3A_265 = tpu.memref_slice %arg10[%dma_start3A_263, %dma_start3A_264] : memref<10240x128xf32, #tpu.memory_space<vmem_shared>> -> memref<10240x128xf32, #tpu.memory_space<vmem_shared>>
      tpu.enqueue_indirect_dma source(%arg7 : memref<80x128xf32, #tpu.memory_space<vmem>>) target(%dma_start3A_265 : memref<10240x128xf32, #tpu.memory_space<vmem_shared>>) offsets(%dma_start3A_262 : memref<80xi32, #tpu.memory_space<vmem>>) semaphore(%arg14 : memref<!tpu.dma_semaphore, #tpu.memory_space<semaphore_mem>>) {add = true}
      %gt3A = arith.constant 0 : i32
      %gt3A_266 = arith.cmpi sgt, %scan3A_248, %gt3A : i32
      %convert_element_type3A = arith.extui %gt3A_266 : i1 to i32
      %cond3A = arith.constant 0 : i32
      %cond3A_267 = arith.cmpi ne, %convert_element_type3A, %cond3A : i32
      scf.if %cond3A_267 {
        %mul3A_335 = arith.constant 80 : i32
        %mul3A_336 = arith.muli %add3A_253, %mul3A_335 : i32
        %dma_wait3A_337 = tpu.memref_slice %arg6[%mul3A_336] : memref<2000xi32, #tpu.memory_space<vmem>> -> memref<80xi32, #tpu.memory_space<vmem>>
        %dma_wait3A_338 = arith.constant 0 : i32
        %dma_wait3A_339 = arith.constant 0 : i32
        %dma_wait3A_340 = tpu.memref_slice %arg10[%dma_wait3A_338, %dma_wait3A_339] : memref<10240x128xf32, #tpu.memory_space<vmem_shared>> -> memref<10240x128xf32, #tpu.memory_space<vmem_shared>>
        tpu.wait_indirect_dma semaphore(%arg16 : memref<!tpu.dma_semaphore, #tpu.memory_space<semaphore_mem>>) src(%arg9 : memref<80x128xf32, #tpu.memory_space<vmem>>) dst(%dma_wait3A_340 : memref<10240x128xf32, #tpu.memory_space<vmem_shared>>)
      } else {
      }
      %add3A_268 = arith.constant 2 : i32
      %add3A_269 = arith.addi %add3A_253, %add3A_268 : i32
      %mul3A_270 = arith.constant 80 : i32
      %mul3A_271 = arith.muli %add3A_269, %mul3A_270 : i32
      %dma_start3A_272 = tpu.memref_slice %arg5[%mul3A_271] : memref<2000xi32, #tpu.memory_space<vmem>> -> memref<80xi32, #tpu.memory_space<vmem>>
      %dma_start3A_273 = arith.constant 0 : i32
      %dma_start3A_274 = arith.constant 0 : i32
      %dma_start3A_275 = tpu.memref_slice %arg2[%dma_start3A_273, %dma_start3A_274] : memref<10000x128xf32, #tpu.memory_space<hbm>> -> memref<10000x128xf32, #tpu.memory_space<hbm>>
      tpu.enqueue_indirect_dma source(%dma_start3A_275 : memref<10000x128xf32, #tpu.memory_space<hbm>>) target(%arg9 : memref<80x128xf32, #tpu.memory_space<vmem>>) offsets(%dma_start3A_272 : memref<80xi32, #tpu.memory_space<vmem>>) semaphore(%arg13 : memref<!tpu.dma_semaphore, #tpu.memory_space<semaphore_mem>>)
      %mul3A_276 = arith.constant 3 : i32
      %mul3A_277 = arith.muli %mul3A_276, %scan3A_248 : i32
      %add3A_278 = arith.constant 1 : i32
      %add3A_279 = arith.addi %mul3A_277, %add3A_278 : i32
      %mul3A_280 = arith.constant 80 : i32
      %mul3A_281 = arith.muli %add3A_279, %mul3A_280 : i32
      %dma_wait3A_282 = tpu.memref_slice %arg5[%mul3A_281] : memref<2000xi32, #tpu.memory_space<vmem>> -> memref<80xi32, #tpu.memory_space<vmem>>
      %dma_wait3A_283 = arith.constant 0 : i32
      %dma_wait3A_284 = arith.constant 0 : i32
      %dma_wait3A_285 = tpu.memref_slice %arg2[%dma_wait3A_283, %dma_wait3A_284] : memref<10000x128xf32, #tpu.memory_space<hbm>> -> memref<10000x128xf32, #tpu.memory_space<hbm>>
      tpu.wait_indirect_dma semaphore(%arg12 : memref<!tpu.dma_semaphore, #tpu.memory_space<semaphore_mem>>) src(%dma_wait3A_285 : memref<10000x128xf32, #tpu.memory_space<hbm>>) dst(%arg8 : memref<80x128xf32, #tpu.memory_space<vmem>>)
      %mul3A_286 = arith.constant 80 : i32
      %mul3A_287 = arith.muli %add3A_279, %mul3A_286 : i32
      %dma_start3A_288 = tpu.memref_slice %arg6[%mul3A_287] : memref<2000xi32, #tpu.memory_space<vmem>> -> memref<80xi32, #tpu.memory_space<vmem>>
      %dma_start3A_289 = arith.constant 0 : i32
      %dma_start3A_290 = arith.constant 0 : i32
      %dma_start3A_291 = tpu.memref_slice %arg10[%dma_start3A_289, %dma_start3A_290] : memref<10240x128xf32, #tpu.memory_space<vmem_shared>> -> memref<10240x128xf32, #tpu.memory_space<vmem_shared>>
      tpu.enqueue_indirect_dma source(%arg8 : memref<80x128xf32, #tpu.memory_space<vmem>>) target(%dma_start3A_291 : memref<10240x128xf32, #tpu.memory_space<vmem_shared>>) offsets(%dma_start3A_288 : memref<80xi32, #tpu.memory_space<vmem>>) semaphore(%arg15 : memref<!tpu.dma_semaphore, #tpu.memory_space<semaphore_mem>>) {add = true}
      %mul3A_292 = arith.constant 80 : i32
      %mul3A_293 = arith.muli %add3A_279, %mul3A_292 : i32
      %dma_wait3A_294 = tpu.memref_slice %arg6[%mul3A_293] : memref<2000xi32, #tpu.memory_space<vmem>> -> memref<80xi32, #tpu.memory_space<vmem>>
      %dma_wait3A_295 = arith.constant 0 : i32
      %dma_wait3A_296 = arith.constant 0 : i32
      %dma_wait3A_297 = tpu.memref_slice %arg10[%dma_wait3A_295, %dma_wait3A_296] : memref<10240x128xf32, #tpu.memory_space<vmem_shared>> -> memref<10240x128xf32, #tpu.memory_space<vmem_shared>>
      tpu.wait_indirect_dma semaphore(%arg14 : memref<!tpu.dma_semaphore, #tpu.memory_space<semaphore_mem>>) src(%arg7 : memref<80x128xf32, #tpu.memory_space<vmem>>) dst(%dma_wait3A_297 : memref<10240x128xf32, #tpu.memory_space<vmem_shared>>)
      %add3A_298 = arith.constant 2 : i32
      %add3A_299 = arith.addi %add3A_279, %add3A_298 : i32
      %mul3A_300 = arith.constant 80 : i32
      %mul3A_301 = arith.muli %add3A_299, %mul3A_300 : i32
      %dma_start3A_302 = tpu.memref_slice %arg5[%mul3A_301] : memref<2000xi32, #tpu.memory_space<vmem>> -> memref<80xi32, #tpu.memory_space<vmem>>
      %dma_start3A_303 = arith.constant 0 : i32
      %dma_start3A_304 = arith.constant 0 : i32
      %dma_start3A_305 = tpu.memref_slice %arg2[%dma_start3A_303, %dma_start3A_304] : memref<10000x128xf32, #tpu.memory_space<hbm>> -> memref<10000x128xf32, #tpu.memory_space<hbm>>
      tpu.enqueue_indirect_dma source(%dma_start3A_305 : memref<10000x128xf32, #tpu.memory_space<hbm>>) target(%arg7 : memref<80x128xf32, #tpu.memory_space<vmem>>) offsets(%dma_start3A_302 : memref<80xi32, #tpu.memory_space<vmem>>) semaphore(%arg11 : memref<!tpu.dma_semaphore, #tpu.memory_space<semaphore_mem>>)
      %mul3A_306 = arith.constant 3 : i32
      %mul3A_307 = arith.muli %mul3A_306, %scan3A_248 : i32
      %add3A_308 = arith.constant 2 : i32
      %add3A_309 = arith.addi %mul3A_307, %add3A_308 : i32
      %mul3A_310 = arith.constant 80 : i32
      %mul3A_311 = arith.muli %add3A_309, %mul3A_310 : i32
      %dma_wait3A_312 = tpu.memref_slice %arg5[%mul3A_311] : memref<2000xi32, #tpu.memory_space<vmem>> -> memref<80xi32, #tpu.memory_space<vmem>>
      %dma_wait3A_313 = arith.constant 0 : i32
      %dma_wait3A_314 = arith.constant 0 : i32
      %dma_wait3A_315 = tpu.memref_slice %arg2[%dma_wait3A_313, %dma_wait3A_314] : memref<10000x128xf32, #tpu.memory_space<hbm>> -> memref<10000x128xf32, #tpu.memory_space<hbm>>
      tpu.wait_indirect_dma semaphore(%arg13 : memref<!tpu.dma_semaphore, #tpu.memory_space<semaphore_mem>>) src(%dma_wait3A_315 : memref<10000x128xf32, #tpu.memory_space<hbm>>) dst(%arg9 : memref<80x128xf32, #tpu.memory_space<vmem>>)
      %mul3A_316 = arith.constant 80 : i32
      %mul3A_317 = arith.muli %add3A_309, %mul3A_316 : i32
      %dma_start3A_318 = tpu.memref_slice %arg6[%mul3A_317] : memref<2000xi32, #tpu.memory_space<vmem>> -> memref<80xi32, #tpu.memory_space<vmem>>
      %dma_start3A_319 = arith.constant 0 : i32
      %dma_start3A_320 = arith.constant 0 : i32
      %dma_start3A_321 = tpu.memref_slice %arg10[%dma_start3A_319, %dma_start3A_320] : memref<10240x128xf32, #tpu.memory_space<vmem_shared>> -> memref<10240x128xf32, #tpu.memory_space<vmem_shared>>
      tpu.enqueue_indirect_dma source(%arg9 : memref<80x128xf32, #tpu.memory_space<vmem>>) target(%dma_start3A_321 : memref<10240x128xf32, #tpu.memory_space<vmem_shared>>) offsets(%dma_start3A_318 : memref<80xi32, #tpu.memory_space<vmem>>) semaphore(%arg16 : memref<!tpu.dma_semaphore, #tpu.memory_space<semaphore_mem>>) {add = true}
      %mul3A_322 = arith.constant 80 : i32
      %mul3A_323 = arith.muli %add3A_309, %mul3A_322 : i32
      %dma_wait3A_324 = tpu.memref_slice %arg6[%mul3A_323] : memref<2000xi32, #tpu.memory_space<vmem>> -> memref<80xi32, #tpu.memory_space<vmem>>
      %dma_wait3A_325 = arith.constant 0 : i32
      %dma_wait3A_326 = arith.constant 0 : i32
      %dma_wait3A_327 = tpu.memref_slice %arg10[%dma_wait3A_325, %dma_wait3A_326] : memref<10240x128xf32, #tpu.memory_space<vmem_shared>> -> memref<10240x128xf32, #tpu.memory_space<vmem_shared>>
      tpu.wait_indirect_dma semaphore(%arg15 : memref<!tpu.dma_semaphore, #tpu.memory_space<semaphore_mem>>) src(%arg8 : memref<80x128xf32, #tpu.memory_space<vmem>>) dst(%dma_wait3A_327 : memref<10240x128xf32, #tpu.memory_space<vmem_shared>>)
      %add3A_328 = arith.constant 1 : i32
      %add3A_329 = arith.addi %scan3A_248, %add3A_328 : i32
      %lt3A = arith.constant 8 : i32
      %lt3A_330 = arith.cmpi slt, %add3A_329, %lt3A : i32
      %convert_element_type3A_331 = arith.extui %lt3A_330 : i1 to i32
      %cond3A_332 = arith.constant 0 : i32
      %cond3A_333 = arith.cmpi ne, %convert_element_type3A_331, %cond3A_332 : i32
      scf.if %cond3A_333 {
        %add3A_335 = arith.constant 2 : i32
        %add3A_336 = arith.addi %add3A_309, %add3A_335 : i32
        %mul3A_337 = arith.constant 80 : i32
        %mul3A_338 = arith.muli %add3A_336, %mul3A_337 : i32
        %dma_start3A_339 = tpu.memref_slice %arg5[%mul3A_338] : memref<2000xi32, #tpu.memory_space<vmem>> -> memref<80xi32, #tpu.memory_space<vmem>>
        %dma_start3A_340 = arith.constant 0 : i32
        %dma_start3A_341 = arith.constant 0 : i32
        %dma_start3A_342 = tpu.memref_slice %arg2[%dma_start3A_340, %dma_start3A_341] : memref<10000x128xf32, #tpu.memory_space<hbm>> -> memref<10000x128xf32, #tpu.memory_space<hbm>>
        tpu.enqueue_indirect_dma source(%dma_start3A_342 : memref<10000x128xf32, #tpu.memory_space<hbm>>) target(%arg8 : memref<80x128xf32, #tpu.memory_space<vmem>>) offsets(%dma_start3A_339 : memref<80xi32, #tpu.memory_space<vmem>>) semaphore(%arg12 : memref<!tpu.dma_semaphore, #tpu.memory_space<semaphore_mem>>)
      } else {
      }
      %scan3A_334 = arith.constant 0 : i32
      scf.yield %scan3A_334 : i32
    }
    %scan3A_81 = arith.constant 8 : i32
    %dma_wait3A_82 = arith.constant 1920 : i32
    %dma_wait3A_83 = tpu.memref_slice %arg5[%dma_wait3A_82] : memref<2000xi32, #tpu.memory_space<vmem>> -> memref<80xi32, #tpu.memory_space<vmem>>
    %dma_wait3A_84 = arith.constant 0 : i32
    %dma_wait3A_85 = arith.constant 0 : i32
    %dma_wait3A_86 = tpu.memref_slice %arg2[%dma_wait3A_84, %dma_wait3A_85] : memref<10000x128xf32, #tpu.memory_space<hbm>> -> memref<10000x128xf32, #tpu.memory_space<hbm>>
    tpu.wait_indirect_dma semaphore(%arg11 : memref<!tpu.dma_semaphore, #tpu.memory_space<semaphore_mem>>) src(%dma_wait3A_86 : memref<10000x128xf32, #tpu.memory_space<hbm>>) dst(%arg7 : memref<80x128xf32, #tpu.memory_space<vmem>>)
    %dma_start3A_87 = arith.constant 1920 : i32
    %dma_start3A_88 = tpu.memref_slice %arg6[%dma_start3A_87] : memref<2000xi32, #tpu.memory_space<vmem>> -> memref<80xi32, #tpu.memory_space<vmem>>
    %dma_start3A_89 = arith.constant 0 : i32
    %dma_start3A_90 = arith.constant 0 : i32
    %dma_start3A_91 = tpu.memref_slice %arg10[%dma_start3A_89, %dma_start3A_90] : memref<10240x128xf32, #tpu.memory_space<vmem_shared>> -> memref<10240x128xf32, #tpu.memory_space<vmem_shared>>
    tpu.enqueue_indirect_dma source(%arg7 : memref<80x128xf32, #tpu.memory_space<vmem>>) target(%dma_start3A_91 : memref<10240x128xf32, #tpu.memory_space<vmem_shared>>) offsets(%dma_start3A_88 : memref<80xi32, #tpu.memory_space<vmem>>) semaphore(%arg14 : memref<!tpu.dma_semaphore, #tpu.memory_space<semaphore_mem>>) {add = true}
    %mul3A_92 = arith.constant 10000 : i32
    %mul3A_93 = arith.muli %add3A, %mul3A_92 : i32
    %add3A_94 = arith.constant 4000 : i32
    %add3A_95 = arith.addi %mul3A_93, %add3A_94 : i32
    "tpu.region"() ({
      %run_scoped3A = tpu.sem_alloc : memref<!tpu.dma_semaphore, #tpu.memory_space<semaphore_mem>>
      %dma_start3A_248 = tpu.memref_slice %arg3[%add3A_95] : memref<640000xi32, #tpu.memory_space<hbm>> -> memref<2000xi32, #tpu.memory_space<hbm>>
      %dma_start3A_249 = tpu.memref_slice %arg3[%add3A_95] : memref<640000xi32, #tpu.memory_space<hbm>> -> memref<2000xi32, #tpu.memory_space<hbm>>
      tpu.enqueue_dma source(%dma_start3A_249 : memref<2000xi32, #tpu.memory_space<hbm>>) target(%arg5 : memref<2000xi32, #tpu.memory_space<vmem>>) target_semaphore(%run_scoped3A : memref<!tpu.dma_semaphore, #tpu.memory_space<semaphore_mem>>)
      %dma_wait3A_250 = tpu.memref_slice %arg3[%add3A_95] : memref<640000xi32, #tpu.memory_space<hbm>> -> memref<2000xi32, #tpu.memory_space<hbm>>
      %dma_wait3A_251 = tpu.memref_slice %arg3[%add3A_95] : memref<640000xi32, #tpu.memory_space<hbm>> -> memref<2000xi32, #tpu.memory_space<hbm>>
      tpu.wait_dma2 semaphore(%run_scoped3A : memref<!tpu.dma_semaphore, #tpu.memory_space<semaphore_mem>>) src(%dma_wait3A_251 : memref<2000xi32, #tpu.memory_space<hbm>>) dst(%arg5 : memref<2000xi32, #tpu.memory_space<vmem>>)
      tpu.yield
    }) : () -> ()
    %dma_start3A_96 = arith.constant 80 : i32
    %dma_start3A_97 = tpu.memref_slice %arg5[%dma_start3A_96] : memref<2000xi32, #tpu.memory_space<vmem>> -> memref<80xi32, #tpu.memory_space<vmem>>
    %dma_start3A_98 = arith.constant 0 : i32
    %dma_start3A_99 = arith.constant 0 : i32
    %dma_start3A_100 = tpu.memref_slice %arg2[%dma_start3A_98, %dma_start3A_99] : memref<10000x128xf32, #tpu.memory_space<hbm>> -> memref<10000x128xf32, #tpu.memory_space<hbm>>
    tpu.enqueue_indirect_dma source(%dma_start3A_100 : memref<10000x128xf32, #tpu.memory_space<hbm>>) target(%arg8 : memref<80x128xf32, #tpu.memory_space<vmem>>) offsets(%dma_start3A_97 : memref<80xi32, #tpu.memory_space<vmem>>) semaphore(%arg12 : memref<!tpu.dma_semaphore, #tpu.memory_space<semaphore_mem>>)
    %dma_wait3A_101 = arith.constant 1840 : i32
    %dma_wait3A_102 = tpu.memref_slice %arg6[%dma_wait3A_101] : memref<2000xi32, #tpu.memory_space<vmem>> -> memref<80xi32, #tpu.memory_space<vmem>>
    %dma_wait3A_103 = arith.constant 0 : i32
    %dma_wait3A_104 = arith.constant 0 : i32
    %dma_wait3A_105 = tpu.memref_slice %arg10[%dma_wait3A_103, %dma_wait3A_104] : memref<10240x128xf32, #tpu.memory_space<vmem_shared>> -> memref<10240x128xf32, #tpu.memory_space<vmem_shared>>
    tpu.wait_indirect_dma semaphore(%arg16 : memref<!tpu.dma_semaphore, #tpu.memory_space<semaphore_mem>>) src(%arg9 : memref<80x128xf32, #tpu.memory_space<vmem>>) dst(%dma_wait3A_105 : memref<10240x128xf32, #tpu.memory_space<vmem_shared>>)
    %dma_wait3A_106 = arith.constant 1920 : i32
    %dma_wait3A_107 = tpu.memref_slice %arg6[%dma_wait3A_106] : memref<2000xi32, #tpu.memory_space<vmem>> -> memref<80xi32, #tpu.memory_space<vmem>>
    %dma_wait3A_108 = arith.constant 0 : i32
    %dma_wait3A_109 = arith.constant 0 : i32
    %dma_wait3A_110 = tpu.memref_slice %arg10[%dma_wait3A_108, %dma_wait3A_109] : memref<10240x128xf32, #tpu.memory_space<vmem_shared>> -> memref<10240x128xf32, #tpu.memory_space<vmem_shared>>
    tpu.wait_indirect_dma semaphore(%arg14 : memref<!tpu.dma_semaphore, #tpu.memory_space<semaphore_mem>>) src(%arg7 : memref<80x128xf32, #tpu.memory_space<vmem>>) dst(%dma_wait3A_110 : memref<10240x128xf32, #tpu.memory_space<vmem_shared>>)
    %mul3A_111 = arith.constant 10000 : i32
    %mul3A_112 = arith.muli %add3A, %mul3A_111 : i32
    %add3A_113 = arith.constant 320000 : i32
    %add3A_114 = arith.addi %add3A_113, %mul3A_112 : i32
    %add3A_115 = arith.constant 4000 : i32
    %add3A_116 = arith.addi %add3A_114, %add3A_115 : i32
    "tpu.region"() ({
      %run_scoped3A = tpu.sem_alloc : memref<!tpu.dma_semaphore, #tpu.memory_space<semaphore_mem>>
      %dma_start3A_248 = tpu.memref_slice %arg3[%add3A_116] : memref<640000xi32, #tpu.memory_space<hbm>> -> memref<2000xi32, #tpu.memory_space<hbm>>
      %dma_start3A_249 = tpu.memref_slice %arg3[%add3A_116] : memref<640000xi32, #tpu.memory_space<hbm>> -> memref<2000xi32, #tpu.memory_space<hbm>>
      tpu.enqueue_dma source(%dma_start3A_249 : memref<2000xi32, #tpu.memory_space<hbm>>) target(%arg6 : memref<2000xi32, #tpu.memory_space<vmem>>) target_semaphore(%run_scoped3A : memref<!tpu.dma_semaphore, #tpu.memory_space<semaphore_mem>>)
      %dma_wait3A_250 = tpu.memref_slice %arg3[%add3A_116] : memref<640000xi32, #tpu.memory_space<hbm>> -> memref<2000xi32, #tpu.memory_space<hbm>>
      %dma_wait3A_251 = tpu.memref_slice %arg3[%add3A_116] : memref<640000xi32, #tpu.memory_space<hbm>> -> memref<2000xi32, #tpu.memory_space<hbm>>
      tpu.wait_dma2 semaphore(%run_scoped3A : memref<!tpu.dma_semaphore, #tpu.memory_space<semaphore_mem>>) src(%dma_wait3A_251 : memref<2000xi32, #tpu.memory_space<hbm>>) dst(%arg6 : memref<2000xi32, #tpu.memory_space<vmem>>)
      tpu.yield
    }) : () -> ()
    %dma_start3A_117 = arith.constant 0 : i32
    %dma_start3A_118 = tpu.memref_slice %arg5[%dma_start3A_117] : memref<2000xi32, #tpu.memory_space<vmem>> -> memref<80xi32, #tpu.memory_space<vmem>>
    %dma_start3A_119 = arith.constant 0 : i32
    %dma_start3A_120 = arith.constant 0 : i32
    %dma_start3A_121 = tpu.memref_slice %arg2[%dma_start3A_119, %dma_start3A_120] : memref<10000x128xf32, #tpu.memory_space<hbm>> -> memref<10000x128xf32, #tpu.memory_space<hbm>>
    tpu.enqueue_indirect_dma source(%dma_start3A_121 : memref<10000x128xf32, #tpu.memory_space<hbm>>) target(%arg7 : memref<80x128xf32, #tpu.memory_space<vmem>>) offsets(%dma_start3A_118 : memref<80xi32, #tpu.memory_space<vmem>>) semaphore(%arg11 : memref<!tpu.dma_semaphore, #tpu.memory_space<semaphore_mem>>)
    %scan3A_122 = arith.constant 0 : i32
    %scan3A_123 = arith.constant 0 : i32
    %scan3A_124 = arith.constant 8 : i32
    %scan3A_125 = arith.addi %scan3A_123, %scan3A_124 : i32
    %scan3A_126 = arith.constant 1 : i32
    %scan3A_127 = scf.for %scan3A_248 = %scan3A_123 to %scan3A_125 step %scan3A_126 iter_args(%scan3A_249 = %scan3A_122) -> (i32)  : i32 {
      %mul3A_250 = arith.constant 3 : i32
      %mul3A_251 = arith.muli %mul3A_250, %scan3A_248 : i32
      %add3A_252 = arith.constant 0 : i32
      %add3A_253 = arith.addi %mul3A_251, %add3A_252 : i32
      %mul3A_254 = arith.constant 80 : i32
      %mul3A_255 = arith.muli %add3A_253, %mul3A_254 : i32
      %dma_wait3A_256 = tpu.memref_slice %arg5[%mul3A_255] : memref<2000xi32, #tpu.memory_space<vmem>> -> memref<80xi32, #tpu.memory_space<vmem>>
      %dma_wait3A_257 = arith.constant 0 : i32
      %dma_wait3A_258 = arith.constant 0 : i32
      %dma_wait3A_259 = tpu.memref_slice %arg2[%dma_wait3A_257, %dma_wait3A_258] : memref<10000x128xf32, #tpu.memory_space<hbm>> -> memref<10000x128xf32, #tpu.memory_space<hbm>>
      tpu.wait_indirect_dma semaphore(%arg11 : memref<!tpu.dma_semaphore, #tpu.memory_space<semaphore_mem>>) src(%dma_wait3A_259 : memref<10000x128xf32, #tpu.memory_space<hbm>>) dst(%arg7 : memref<80x128xf32, #tpu.memory_space<vmem>>)
      %mul3A_260 = arith.constant 80 : i32
      %mul3A_261 = arith.muli %add3A_253, %mul3A_260 : i32
      %dma_start3A_262 = tpu.memref_slice %arg6[%mul3A_261] : memref<2000xi32, #tpu.memory_space<vmem>> -> memref<80xi32, #tpu.memory_space<vmem>>
      %dma_start3A_263 = arith.constant 0 : i32
      %dma_start3A_264 = arith.constant 0 : i32
      %dma_start3A_265 = tpu.memref_slice %arg10[%dma_start3A_263, %dma_start3A_264] : memref<10240x128xf32, #tpu.memory_space<vmem_shared>> -> memref<10240x128xf32, #tpu.memory_space<vmem_shared>>
      tpu.enqueue_indirect_dma source(%arg7 : memref<80x128xf32, #tpu.memory_space<vmem>>) target(%dma_start3A_265 : memref<10240x128xf32, #tpu.memory_space<vmem_shared>>) offsets(%dma_start3A_262 : memref<80xi32, #tpu.memory_space<vmem>>) semaphore(%arg14 : memref<!tpu.dma_semaphore, #tpu.memory_space<semaphore_mem>>) {add = true}
      %gt3A = arith.constant 0 : i32
      %gt3A_266 = arith.cmpi sgt, %scan3A_248, %gt3A : i32
      %convert_element_type3A = arith.extui %gt3A_266 : i1 to i32
      %cond3A = arith.constant 0 : i32
      %cond3A_267 = arith.cmpi ne, %convert_element_type3A, %cond3A : i32
      scf.if %cond3A_267 {
        %mul3A_335 = arith.constant 80 : i32
        %mul3A_336 = arith.muli %add3A_253, %mul3A_335 : i32
        %dma_wait3A_337 = tpu.memref_slice %arg6[%mul3A_336] : memref<2000xi32, #tpu.memory_space<vmem>> -> memref<80xi32, #tpu.memory_space<vmem>>
        %dma_wait3A_338 = arith.constant 0 : i32
        %dma_wait3A_339 = arith.constant 0 : i32
        %dma_wait3A_340 = tpu.memref_slice %arg10[%dma_wait3A_338, %dma_wait3A_339] : memref<10240x128xf32, #tpu.memory_space<vmem_shared>> -> memref<10240x128xf32, #tpu.memory_space<vmem_shared>>
        tpu.wait_indirect_dma semaphore(%arg16 : memref<!tpu.dma_semaphore, #tpu.memory_space<semaphore_mem>>) src(%arg9 : memref<80x128xf32, #tpu.memory_space<vmem>>) dst(%dma_wait3A_340 : memref<10240x128xf32, #tpu.memory_space<vmem_shared>>)
      } else {
      }
      %add3A_268 = arith.constant 2 : i32
      %add3A_269 = arith.addi %add3A_253, %add3A_268 : i32
      %mul3A_270 = arith.constant 80 : i32
      %mul3A_271 = arith.muli %add3A_269, %mul3A_270 : i32
      %dma_start3A_272 = tpu.memref_slice %arg5[%mul3A_271] : memref<2000xi32, #tpu.memory_space<vmem>> -> memref<80xi32, #tpu.memory_space<vmem>>
      %dma_start3A_273 = arith.constant 0 : i32
      %dma_start3A_274 = arith.constant 0 : i32
      %dma_start3A_275 = tpu.memref_slice %arg2[%dma_start3A_273, %dma_start3A_274] : memref<10000x128xf32, #tpu.memory_space<hbm>> -> memref<10000x128xf32, #tpu.memory_space<hbm>>
      tpu.enqueue_indirect_dma source(%dma_start3A_275 : memref<10000x128xf32, #tpu.memory_space<hbm>>) target(%arg9 : memref<80x128xf32, #tpu.memory_space<vmem>>) offsets(%dma_start3A_272 : memref<80xi32, #tpu.memory_space<vmem>>) semaphore(%arg13 : memref<!tpu.dma_semaphore, #tpu.memory_space<semaphore_mem>>)
      %mul3A_276 = arith.constant 3 : i32
      %mul3A_277 = arith.muli %mul3A_276, %scan3A_248 : i32
      %add3A_278 = arith.constant 1 : i32
      %add3A_279 = arith.addi %mul3A_277, %add3A_278 : i32
      %mul3A_280 = arith.constant 80 : i32
      %mul3A_281 = arith.muli %add3A_279, %mul3A_280 : i32
      %dma_wait3A_282 = tpu.memref_slice %arg5[%mul3A_281] : memref<2000xi32, #tpu.memory_space<vmem>> -> memref<80xi32, #tpu.memory_space<vmem>>
      %dma_wait3A_283 = arith.constant 0 : i32
      %dma_wait3A_284 = arith.constant 0 : i32
      %dma_wait3A_285 = tpu.memref_slice %arg2[%dma_wait3A_283, %dma_wait3A_284] : memref<10000x128xf32, #tpu.memory_space<hbm>> -> memref<10000x128xf32, #tpu.memory_space<hbm>>
      tpu.wait_indirect_dma semaphore(%arg12 : memref<!tpu.dma_semaphore, #tpu.memory_space<semaphore_mem>>) src(%dma_wait3A_285 : memref<10000x128xf32, #tpu.memory_space<hbm>>) dst(%arg8 : memref<80x128xf32, #tpu.memory_space<vmem>>)
      %mul3A_286 = arith.constant 80 : i32
      %mul3A_287 = arith.muli %add3A_279, %mul3A_286 : i32
      %dma_start3A_288 = tpu.memref_slice %arg6[%mul3A_287] : memref<2000xi32, #tpu.memory_space<vmem>> -> memref<80xi32, #tpu.memory_space<vmem>>
      %dma_start3A_289 = arith.constant 0 : i32
      %dma_start3A_290 = arith.constant 0 : i32
      %dma_start3A_291 = tpu.memref_slice %arg10[%dma_start3A_289, %dma_start3A_290] : memref<10240x128xf32, #tpu.memory_space<vmem_shared>> -> memref<10240x128xf32, #tpu.memory_space<vmem_shared>>
      tpu.enqueue_indirect_dma source(%arg8 : memref<80x128xf32, #tpu.memory_space<vmem>>) target(%dma_start3A_291 : memref<10240x128xf32, #tpu.memory_space<vmem_shared>>) offsets(%dma_start3A_288 : memref<80xi32, #tpu.memory_space<vmem>>) semaphore(%arg15 : memref<!tpu.dma_semaphore, #tpu.memory_space<semaphore_mem>>) {add = true}
      %mul3A_292 = arith.constant 80 : i32
      %mul3A_293 = arith.muli %add3A_279, %mul3A_292 : i32
      %dma_wait3A_294 = tpu.memref_slice %arg6[%mul3A_293] : memref<2000xi32, #tpu.memory_space<vmem>> -> memref<80xi32, #tpu.memory_space<vmem>>
      %dma_wait3A_295 = arith.constant 0 : i32
      %dma_wait3A_296 = arith.constant 0 : i32
      %dma_wait3A_297 = tpu.memref_slice %arg10[%dma_wait3A_295, %dma_wait3A_296] : memref<10240x128xf32, #tpu.memory_space<vmem_shared>> -> memref<10240x128xf32, #tpu.memory_space<vmem_shared>>
      tpu.wait_indirect_dma semaphore(%arg14 : memref<!tpu.dma_semaphore, #tpu.memory_space<semaphore_mem>>) src(%arg7 : memref<80x128xf32, #tpu.memory_space<vmem>>) dst(%dma_wait3A_297 : memref<10240x128xf32, #tpu.memory_space<vmem_shared>>)
      %add3A_298 = arith.constant 2 : i32
      %add3A_299 = arith.addi %add3A_279, %add3A_298 : i32
      %mul3A_300 = arith.constant 80 : i32
      %mul3A_301 = arith.muli %add3A_299, %mul3A_300 : i32
      %dma_start3A_302 = tpu.memref_slice %arg5[%mul3A_301] : memref<2000xi32, #tpu.memory_space<vmem>> -> memref<80xi32, #tpu.memory_space<vmem>>
      %dma_start3A_303 = arith.constant 0 : i32
      %dma_start3A_304 = arith.constant 0 : i32
      %dma_start3A_305 = tpu.memref_slice %arg2[%dma_start3A_303, %dma_start3A_304] : memref<10000x128xf32, #tpu.memory_space<hbm>> -> memref<10000x128xf32, #tpu.memory_space<hbm>>
      tpu.enqueue_indirect_dma source(%dma_start3A_305 : memref<10000x128xf32, #tpu.memory_space<hbm>>) target(%arg7 : memref<80x128xf32, #tpu.memory_space<vmem>>) offsets(%dma_start3A_302 : memref<80xi32, #tpu.memory_space<vmem>>) semaphore(%arg11 : memref<!tpu.dma_semaphore, #tpu.memory_space<semaphore_mem>>)
      %mul3A_306 = arith.constant 3 : i32
      %mul3A_307 = arith.muli %mul3A_306, %scan3A_248 : i32
      %add3A_308 = arith.constant 2 : i32
      %add3A_309 = arith.addi %mul3A_307, %add3A_308 : i32
      %mul3A_310 = arith.constant 80 : i32
      %mul3A_311 = arith.muli %add3A_309, %mul3A_310 : i32
      %dma_wait3A_312 = tpu.memref_slice %arg5[%mul3A_311] : memref<2000xi32, #tpu.memory_space<vmem>> -> memref<80xi32, #tpu.memory_space<vmem>>
      %dma_wait3A_313 = arith.constant 0 : i32
      %dma_wait3A_314 = arith.constant 0 : i32
      %dma_wait3A_315 = tpu.memref_slice %arg2[%dma_wait3A_313, %dma_wait3A_314] : memref<10000x128xf32, #tpu.memory_space<hbm>> -> memref<10000x128xf32, #tpu.memory_space<hbm>>
      tpu.wait_indirect_dma semaphore(%arg13 : memref<!tpu.dma_semaphore, #tpu.memory_space<semaphore_mem>>) src(%dma_wait3A_315 : memref<10000x128xf32, #tpu.memory_space<hbm>>) dst(%arg9 : memref<80x128xf32, #tpu.memory_space<vmem>>)
      %mul3A_316 = arith.constant 80 : i32
      %mul3A_317 = arith.muli %add3A_309, %mul3A_316 : i32
      %dma_start3A_318 = tpu.memref_slice %arg6[%mul3A_317] : memref<2000xi32, #tpu.memory_space<vmem>> -> memref<80xi32, #tpu.memory_space<vmem>>
      %dma_start3A_319 = arith.constant 0 : i32
      %dma_start3A_320 = arith.constant 0 : i32
      %dma_start3A_321 = tpu.memref_slice %arg10[%dma_start3A_319, %dma_start3A_320] : memref<10240x128xf32, #tpu.memory_space<vmem_shared>> -> memref<10240x128xf32, #tpu.memory_space<vmem_shared>>
      tpu.enqueue_indirect_dma source(%arg9 : memref<80x128xf32, #tpu.memory_space<vmem>>) target(%dma_start3A_321 : memref<10240x128xf32, #tpu.memory_space<vmem_shared>>) offsets(%dma_start3A_318 : memref<80xi32, #tpu.memory_space<vmem>>) semaphore(%arg16 : memref<!tpu.dma_semaphore, #tpu.memory_space<semaphore_mem>>) {add = true}
      %mul3A_322 = arith.constant 80 : i32
      %mul3A_323 = arith.muli %add3A_309, %mul3A_322 : i32
      %dma_wait3A_324 = tpu.memref_slice %arg6[%mul3A_323] : memref<2000xi32, #tpu.memory_space<vmem>> -> memref<80xi32, #tpu.memory_space<vmem>>
      %dma_wait3A_325 = arith.constant 0 : i32
      %dma_wait3A_326 = arith.constant 0 : i32
      %dma_wait3A_327 = tpu.memref_slice %arg10[%dma_wait3A_325, %dma_wait3A_326] : memref<10240x128xf32, #tpu.memory_space<vmem_shared>> -> memref<10240x128xf32, #tpu.memory_space<vmem_shared>>
      tpu.wait_indirect_dma semaphore(%arg15 : memref<!tpu.dma_semaphore, #tpu.memory_space<semaphore_mem>>) src(%arg8 : memref<80x128xf32, #tpu.memory_space<vmem>>) dst(%dma_wait3A_327 : memref<10240x128xf32, #tpu.memory_space<vmem_shared>>)
      %add3A_328 = arith.constant 1 : i32
      %add3A_329 = arith.addi %scan3A_248, %add3A_328 : i32
      %lt3A = arith.constant 8 : i32
      %lt3A_330 = arith.cmpi slt, %add3A_329, %lt3A : i32
      %convert_element_type3A_331 = arith.extui %lt3A_330 : i1 to i32
      %cond3A_332 = arith.constant 0 : i32
      %cond3A_333 = arith.cmpi ne, %convert_element_type3A_331, %cond3A_332 : i32
      scf.if %cond3A_333 {
        %add3A_335 = arith.constant 2 : i32
        %add3A_336 = arith.addi %add3A_309, %add3A_335 : i32
        %mul3A_337 = arith.constant 80 : i32
        %mul3A_338 = arith.muli %add3A_336, %mul3A_337 : i32
        %dma_start3A_339 = tpu.memref_slice %arg5[%mul3A_338] : memref<2000xi32, #tpu.memory_space<vmem>> -> memref<80xi32, #tpu.memory_space<vmem>>
        %dma_start3A_340 = arith.constant 0 : i32
        %dma_start3A_341 = arith.constant 0 : i32
        %dma_start3A_342 = tpu.memref_slice %arg2[%dma_start3A_340, %dma_start3A_341] : memref<10000x128xf32, #tpu.memory_space<hbm>> -> memref<10000x128xf32, #tpu.memory_space<hbm>>
        tpu.enqueue_indirect_dma source(%dma_start3A_342 : memref<10000x128xf32, #tpu.memory_space<hbm>>) target(%arg8 : memref<80x128xf32, #tpu.memory_space<vmem>>) offsets(%dma_start3A_339 : memref<80xi32, #tpu.memory_space<vmem>>) semaphore(%arg12 : memref<!tpu.dma_semaphore, #tpu.memory_space<semaphore_mem>>)
      } else {
      }
      %scan3A_334 = arith.constant 0 : i32
      scf.yield %scan3A_334 : i32
    }
    %scan3A_128 = arith.constant 8 : i32
    %dma_wait3A_129 = arith.constant 1920 : i32
    %dma_wait3A_130 = tpu.memref_slice %arg5[%dma_wait3A_129] : memref<2000xi32, #tpu.memory_space<vmem>> -> memref<80xi32, #tpu.memory_space<vmem>>
    %dma_wait3A_131 = arith.constant 0 : i32
    %dma_wait3A_132 = arith.constant 0 : i32
    %dma_wait3A_133 = tpu.memref_slice %arg2[%dma_wait3A_131, %dma_wait3A_132] : memref<10000x128xf32, #tpu.memory_space<hbm>> -> memref<10000x128xf32, #tpu.memory_space<hbm>>
    tpu.wait_indirect_dma semaphore(%arg11 : memref<!tpu.dma_semaphore, #tpu.memory_space<semaphore_mem>>) src(%dma_wait3A_133 : memref<10000x128xf32, #tpu.memory_space<hbm>>) dst(%arg7 : memref<80x128xf32, #tpu.memory_space<vmem>>)
    %dma_start3A_134 = arith.constant 1920 : i32
    %dma_start3A_135 = tpu.memref_slice %arg6[%dma_start3A_134] : memref<2000xi32, #tpu.memory_space<vmem>> -> memref<80xi32, #tpu.memory_space<vmem>>
    %dma_start3A_136 = arith.constant 0 : i32
    %dma_start3A_137 = arith.constant 0 : i32
    %dma_start3A_138 = tpu.memref_slice %arg10[%dma_start3A_136, %dma_start3A_137] : memref<10240x128xf32, #tpu.memory_space<vmem_shared>> -> memref<10240x128xf32, #tpu.memory_space<vmem_shared>>
    tpu.enqueue_indirect_dma source(%arg7 : memref<80x128xf32, #tpu.memory_space<vmem>>) target(%dma_start3A_138 : memref<10240x128xf32, #tpu.memory_space<vmem_shared>>) offsets(%dma_start3A_135 : memref<80xi32, #tpu.memory_space<vmem>>) semaphore(%arg14 : memref<!tpu.dma_semaphore, #tpu.memory_space<semaphore_mem>>) {add = true}
    %mul3A_139 = arith.constant 10000 : i32
    %mul3A_140 = arith.muli %add3A, %mul3A_139 : i32
    %add3A_141 = arith.constant 6000 : i32
    %add3A_142 = arith.addi %mul3A_140, %add3A_141 : i32
    "tpu.region"() ({
      %run_scoped3A = tpu.sem_alloc : memref<!tpu.dma_semaphore, #tpu.memory_space<semaphore_mem>>
      %dma_start3A_248 = tpu.memref_slice %arg3[%add3A_142] : memref<640000xi32, #tpu.memory_space<hbm>> -> memref<2000xi32, #tpu.memory_space<hbm>>
      %dma_start3A_249 = tpu.memref_slice %arg3[%add3A_142] : memref<640000xi32, #tpu.memory_space<hbm>> -> memref<2000xi32, #tpu.memory_space<hbm>>
      tpu.enqueue_dma source(%dma_start3A_249 : memref<2000xi32, #tpu.memory_space<hbm>>) target(%arg5 : memref<2000xi32, #tpu.memory_space<vmem>>) target_semaphore(%run_scoped3A : memref<!tpu.dma_semaphore, #tpu.memory_space<semaphore_mem>>)
      %dma_wait3A_250 = tpu.memref_slice %arg3[%add3A_142] : memref<640000xi32, #tpu.memory_space<hbm>> -> memref<2000xi32, #tpu.memory_space<hbm>>
      %dma_wait3A_251 = tpu.memref_slice %arg3[%add3A_142] : memref<640000xi32, #tpu.memory_space<hbm>> -> memref<2000xi32, #tpu.memory_space<hbm>>
      tpu.wait_dma2 semaphore(%run_scoped3A : memref<!tpu.dma_semaphore, #tpu.memory_space<semaphore_mem>>) src(%dma_wait3A_251 : memref<2000xi32, #tpu.memory_space<hbm>>) dst(%arg5 : memref<2000xi32, #tpu.memory_space<vmem>>)
      tpu.yield
    }) : () -> ()
    %dma_start3A_143 = arith.constant 80 : i32
    %dma_start3A_144 = tpu.memref_slice %arg5[%dma_start3A_143] : memref<2000xi32, #tpu.memory_space<vmem>> -> memref<80xi32, #tpu.memory_space<vmem>>
    %dma_start3A_145 = arith.constant 0 : i32
    %dma_start3A_146 = arith.constant 0 : i32
    %dma_start3A_147 = tpu.memref_slice %arg2[%dma_start3A_145, %dma_start3A_146] : memref<10000x128xf32, #tpu.memory_space<hbm>> -> memref<10000x128xf32, #tpu.memory_space<hbm>>
    tpu.enqueue_indirect_dma source(%dma_start3A_147 : memref<10000x128xf32, #tpu.memory_space<hbm>>) target(%arg8 : memref<80x128xf32, #tpu.memory_space<vmem>>) offsets(%dma_start3A_144 : memref<80xi32, #tpu.memory_space<vmem>>) semaphore(%arg12 : memref<!tpu.dma_semaphore, #tpu.memory_space<semaphore_mem>>)
    %dma_wait3A_148 = arith.constant 1840 : i32
    %dma_wait3A_149 = tpu.memref_slice %arg6[%dma_wait3A_148] : memref<2000xi32, #tpu.memory_space<vmem>> -> memref<80xi32, #tpu.memory_space<vmem>>
    %dma_wait3A_150 = arith.constant 0 : i32
    %dma_wait3A_151 = arith.constant 0 : i32
    %dma_wait3A_152 = tpu.memref_slice %arg10[%dma_wait3A_150, %dma_wait3A_151] : memref<10240x128xf32, #tpu.memory_space<vmem_shared>> -> memref<10240x128xf32, #tpu.memory_space<vmem_shared>>
    tpu.wait_indirect_dma semaphore(%arg16 : memref<!tpu.dma_semaphore, #tpu.memory_space<semaphore_mem>>) src(%arg9 : memref<80x128xf32, #tpu.memory_space<vmem>>) dst(%dma_wait3A_152 : memref<10240x128xf32, #tpu.memory_space<vmem_shared>>)
    %dma_wait3A_153 = arith.constant 1920 : i32
    %dma_wait3A_154 = tpu.memref_slice %arg6[%dma_wait3A_153] : memref<2000xi32, #tpu.memory_space<vmem>> -> memref<80xi32, #tpu.memory_space<vmem>>
    %dma_wait3A_155 = arith.constant 0 : i32
    %dma_wait3A_156 = arith.constant 0 : i32
    %dma_wait3A_157 = tpu.memref_slice %arg10[%dma_wait3A_155, %dma_wait3A_156] : memref<10240x128xf32, #tpu.memory_space<vmem_shared>> -> memref<10240x128xf32, #tpu.memory_space<vmem_shared>>
    tpu.wait_indirect_dma semaphore(%arg14 : memref<!tpu.dma_semaphore, #tpu.memory_space<semaphore_mem>>) src(%arg7 : memref<80x128xf32, #tpu.memory_space<vmem>>) dst(%dma_wait3A_157 : memref<10240x128xf32, #tpu.memory_space<vmem_shared>>)
    %mul3A_158 = arith.constant 10000 : i32
    %mul3A_159 = arith.muli %add3A, %mul3A_158 : i32
    %add3A_160 = arith.constant 320000 : i32
    %add3A_161 = arith.addi %add3A_160, %mul3A_159 : i32
    %add3A_162 = arith.constant 6000 : i32
    %add3A_163 = arith.addi %add3A_161, %add3A_162 : i32
    "tpu.region"() ({
      %run_scoped3A = tpu.sem_alloc : memref<!tpu.dma_semaphore, #tpu.memory_space<semaphore_mem>>
      %dma_start3A_248 = tpu.memref_slice %arg3[%add3A_163] : memref<640000xi32, #tpu.memory_space<hbm>> -> memref<2000xi32, #tpu.memory_space<hbm>>
      %dma_start3A_249 = tpu.memref_slice %arg3[%add3A_163] : memref<640000xi32, #tpu.memory_space<hbm>> -> memref<2000xi32, #tpu.memory_space<hbm>>
      tpu.enqueue_dma source(%dma_start3A_249 : memref<2000xi32, #tpu.memory_space<hbm>>) target(%arg6 : memref<2000xi32, #tpu.memory_space<vmem>>) target_semaphore(%run_scoped3A : memref<!tpu.dma_semaphore, #tpu.memory_space<semaphore_mem>>)
      %dma_wait3A_250 = tpu.memref_slice %arg3[%add3A_163] : memref<640000xi32, #tpu.memory_space<hbm>> -> memref<2000xi32, #tpu.memory_space<hbm>>
      %dma_wait3A_251 = tpu.memref_slice %arg3[%add3A_163] : memref<640000xi32, #tpu.memory_space<hbm>> -> memref<2000xi32, #tpu.memory_space<hbm>>
      tpu.wait_dma2 semaphore(%run_scoped3A : memref<!tpu.dma_semaphore, #tpu.memory_space<semaphore_mem>>) src(%dma_wait3A_251 : memref<2000xi32, #tpu.memory_space<hbm>>) dst(%arg6 : memref<2000xi32, #tpu.memory_space<vmem>>)
      tpu.yield
    }) : () -> ()
    %dma_start3A_164 = arith.constant 0 : i32
    %dma_start3A_165 = tpu.memref_slice %arg5[%dma_start3A_164] : memref<2000xi32, #tpu.memory_space<vmem>> -> memref<80xi32, #tpu.memory_space<vmem>>
    %dma_start3A_166 = arith.constant 0 : i32
    %dma_start3A_167 = arith.constant 0 : i32
    %dma_start3A_168 = tpu.memref_slice %arg2[%dma_start3A_166, %dma_start3A_167] : memref<10000x128xf32, #tpu.memory_space<hbm>> -> memref<10000x128xf32, #tpu.memory_space<hbm>>
    tpu.enqueue_indirect_dma source(%dma_start3A_168 : memref<10000x128xf32, #tpu.memory_space<hbm>>) target(%arg7 : memref<80x128xf32, #tpu.memory_space<vmem>>) offsets(%dma_start3A_165 : memref<80xi32, #tpu.memory_space<vmem>>) semaphore(%arg11 : memref<!tpu.dma_semaphore, #tpu.memory_space<semaphore_mem>>)
    %scan3A_169 = arith.constant 0 : i32
    %scan3A_170 = arith.constant 0 : i32
    %scan3A_171 = arith.constant 8 : i32
    %scan3A_172 = arith.addi %scan3A_170, %scan3A_171 : i32
    %scan3A_173 = arith.constant 1 : i32
    %scan3A_174 = scf.for %scan3A_248 = %scan3A_170 to %scan3A_172 step %scan3A_173 iter_args(%scan3A_249 = %scan3A_169) -> (i32)  : i32 {
      %mul3A_250 = arith.constant 3 : i32
      %mul3A_251 = arith.muli %mul3A_250, %scan3A_248 : i32
      %add3A_252 = arith.constant 0 : i32
      %add3A_253 = arith.addi %mul3A_251, %add3A_252 : i32
      %mul3A_254 = arith.constant 80 : i32
      %mul3A_255 = arith.muli %add3A_253, %mul3A_254 : i32
      %dma_wait3A_256 = tpu.memref_slice %arg5[%mul3A_255] : memref<2000xi32, #tpu.memory_space<vmem>> -> memref<80xi32, #tpu.memory_space<vmem>>
      %dma_wait3A_257 = arith.constant 0 : i32
      %dma_wait3A_258 = arith.constant 0 : i32
      %dma_wait3A_259 = tpu.memref_slice %arg2[%dma_wait3A_257, %dma_wait3A_258] : memref<10000x128xf32, #tpu.memory_space<hbm>> -> memref<10000x128xf32, #tpu.memory_space<hbm>>
      tpu.wait_indirect_dma semaphore(%arg11 : memref<!tpu.dma_semaphore, #tpu.memory_space<semaphore_mem>>) src(%dma_wait3A_259 : memref<10000x128xf32, #tpu.memory_space<hbm>>) dst(%arg7 : memref<80x128xf32, #tpu.memory_space<vmem>>)
      %mul3A_260 = arith.constant 80 : i32
      %mul3A_261 = arith.muli %add3A_253, %mul3A_260 : i32
      %dma_start3A_262 = tpu.memref_slice %arg6[%mul3A_261] : memref<2000xi32, #tpu.memory_space<vmem>> -> memref<80xi32, #tpu.memory_space<vmem>>
      %dma_start3A_263 = arith.constant 0 : i32
      %dma_start3A_264 = arith.constant 0 : i32
      %dma_start3A_265 = tpu.memref_slice %arg10[%dma_start3A_263, %dma_start3A_264] : memref<10240x128xf32, #tpu.memory_space<vmem_shared>> -> memref<10240x128xf32, #tpu.memory_space<vmem_shared>>
      tpu.enqueue_indirect_dma source(%arg7 : memref<80x128xf32, #tpu.memory_space<vmem>>) target(%dma_start3A_265 : memref<10240x128xf32, #tpu.memory_space<vmem_shared>>) offsets(%dma_start3A_262 : memref<80xi32, #tpu.memory_space<vmem>>) semaphore(%arg14 : memref<!tpu.dma_semaphore, #tpu.memory_space<semaphore_mem>>) {add = true}
      %gt3A = arith.constant 0 : i32
      %gt3A_266 = arith.cmpi sgt, %scan3A_248, %gt3A : i32
      %convert_element_type3A = arith.extui %gt3A_266 : i1 to i32
      %cond3A = arith.constant 0 : i32
      %cond3A_267 = arith.cmpi ne, %convert_element_type3A, %cond3A : i32
      scf.if %cond3A_267 {
        %mul3A_335 = arith.constant 80 : i32
        %mul3A_336 = arith.muli %add3A_253, %mul3A_335 : i32
        %dma_wait3A_337 = tpu.memref_slice %arg6[%mul3A_336] : memref<2000xi32, #tpu.memory_space<vmem>> -> memref<80xi32, #tpu.memory_space<vmem>>
        %dma_wait3A_338 = arith.constant 0 : i32
        %dma_wait3A_339 = arith.constant 0 : i32
        %dma_wait3A_340 = tpu.memref_slice %arg10[%dma_wait3A_338, %dma_wait3A_339] : memref<10240x128xf32, #tpu.memory_space<vmem_shared>> -> memref<10240x128xf32, #tpu.memory_space<vmem_shared>>
        tpu.wait_indirect_dma semaphore(%arg16 : memref<!tpu.dma_semaphore, #tpu.memory_space<semaphore_mem>>) src(%arg9 : memref<80x128xf32, #tpu.memory_space<vmem>>) dst(%dma_wait3A_340 : memref<10240x128xf32, #tpu.memory_space<vmem_shared>>)
      } else {
      }
      %add3A_268 = arith.constant 2 : i32
      %add3A_269 = arith.addi %add3A_253, %add3A_268 : i32
      %mul3A_270 = arith.constant 80 : i32
      %mul3A_271 = arith.muli %add3A_269, %mul3A_270 : i32
      %dma_start3A_272 = tpu.memref_slice %arg5[%mul3A_271] : memref<2000xi32, #tpu.memory_space<vmem>> -> memref<80xi32, #tpu.memory_space<vmem>>
      %dma_start3A_273 = arith.constant 0 : i32
      %dma_start3A_274 = arith.constant 0 : i32
      %dma_start3A_275 = tpu.memref_slice %arg2[%dma_start3A_273, %dma_start3A_274] : memref<10000x128xf32, #tpu.memory_space<hbm>> -> memref<10000x128xf32, #tpu.memory_space<hbm>>
      tpu.enqueue_indirect_dma source(%dma_start3A_275 : memref<10000x128xf32, #tpu.memory_space<hbm>>) target(%arg9 : memref<80x128xf32, #tpu.memory_space<vmem>>) offsets(%dma_start3A_272 : memref<80xi32, #tpu.memory_space<vmem>>) semaphore(%arg13 : memref<!tpu.dma_semaphore, #tpu.memory_space<semaphore_mem>>)
      %mul3A_276 = arith.constant 3 : i32
      %mul3A_277 = arith.muli %mul3A_276, %scan3A_248 : i32
      %add3A_278 = arith.constant 1 : i32
      %add3A_279 = arith.addi %mul3A_277, %add3A_278 : i32
      %mul3A_280 = arith.constant 80 : i32
      %mul3A_281 = arith.muli %add3A_279, %mul3A_280 : i32
      %dma_wait3A_282 = tpu.memref_slice %arg5[%mul3A_281] : memref<2000xi32, #tpu.memory_space<vmem>> -> memref<80xi32, #tpu.memory_space<vmem>>
      %dma_wait3A_283 = arith.constant 0 : i32
      %dma_wait3A_284 = arith.constant 0 : i32
      %dma_wait3A_285 = tpu.memref_slice %arg2[%dma_wait3A_283, %dma_wait3A_284] : memref<10000x128xf32, #tpu.memory_space<hbm>> -> memref<10000x128xf32, #tpu.memory_space<hbm>>
      tpu.wait_indirect_dma semaphore(%arg12 : memref<!tpu.dma_semaphore, #tpu.memory_space<semaphore_mem>>) src(%dma_wait3A_285 : memref<10000x128xf32, #tpu.memory_space<hbm>>) dst(%arg8 : memref<80x128xf32, #tpu.memory_space<vmem>>)
      %mul3A_286 = arith.constant 80 : i32
      %mul3A_287 = arith.muli %add3A_279, %mul3A_286 : i32
      %dma_start3A_288 = tpu.memref_slice %arg6[%mul3A_287] : memref<2000xi32, #tpu.memory_space<vmem>> -> memref<80xi32, #tpu.memory_space<vmem>>
      %dma_start3A_289 = arith.constant 0 : i32
      %dma_start3A_290 = arith.constant 0 : i32
      %dma_start3A_291 = tpu.memref_slice %arg10[%dma_start3A_289, %dma_start3A_290] : memref<10240x128xf32, #tpu.memory_space<vmem_shared>> -> memref<10240x128xf32, #tpu.memory_space<vmem_shared>>
      tpu.enqueue_indirect_dma source(%arg8 : memref<80x128xf32, #tpu.memory_space<vmem>>) target(%dma_start3A_291 : memref<10240x128xf32, #tpu.memory_space<vmem_shared>>) offsets(%dma_start3A_288 : memref<80xi32, #tpu.memory_space<vmem>>) semaphore(%arg15 : memref<!tpu.dma_semaphore, #tpu.memory_space<semaphore_mem>>) {add = true}
      %mul3A_292 = arith.constant 80 : i32
      %mul3A_293 = arith.muli %add3A_279, %mul3A_292 : i32
      %dma_wait3A_294 = tpu.memref_slice %arg6[%mul3A_293] : memref<2000xi32, #tpu.memory_space<vmem>> -> memref<80xi32, #tpu.memory_space<vmem>>
      %dma_wait3A_295 = arith.constant 0 : i32
      %dma_wait3A_296 = arith.constant 0 : i32
      %dma_wait3A_297 = tpu.memref_slice %arg10[%dma_wait3A_295, %dma_wait3A_296] : memref<10240x128xf32, #tpu.memory_space<vmem_shared>> -> memref<10240x128xf32, #tpu.memory_space<vmem_shared>>
      tpu.wait_indirect_dma semaphore(%arg14 : memref<!tpu.dma_semaphore, #tpu.memory_space<semaphore_mem>>) src(%arg7 : memref<80x128xf32, #tpu.memory_space<vmem>>) dst(%dma_wait3A_297 : memref<10240x128xf32, #tpu.memory_space<vmem_shared>>)
      %add3A_298 = arith.constant 2 : i32
      %add3A_299 = arith.addi %add3A_279, %add3A_298 : i32
      %mul3A_300 = arith.constant 80 : i32
      %mul3A_301 = arith.muli %add3A_299, %mul3A_300 : i32
      %dma_start3A_302 = tpu.memref_slice %arg5[%mul3A_301] : memref<2000xi32, #tpu.memory_space<vmem>> -> memref<80xi32, #tpu.memory_space<vmem>>
      %dma_start3A_303 = arith.constant 0 : i32
      %dma_start3A_304 = arith.constant 0 : i32
      %dma_start3A_305 = tpu.memref_slice %arg2[%dma_start3A_303, %dma_start3A_304] : memref<10000x128xf32, #tpu.memory_space<hbm>> -> memref<10000x128xf32, #tpu.memory_space<hbm>>
      tpu.enqueue_indirect_dma source(%dma_start3A_305 : memref<10000x128xf32, #tpu.memory_space<hbm>>) target(%arg7 : memref<80x128xf32, #tpu.memory_space<vmem>>) offsets(%dma_start3A_302 : memref<80xi32, #tpu.memory_space<vmem>>) semaphore(%arg11 : memref<!tpu.dma_semaphore, #tpu.memory_space<semaphore_mem>>)
      %mul3A_306 = arith.constant 3 : i32
      %mul3A_307 = arith.muli %mul3A_306, %scan3A_248 : i32
      %add3A_308 = arith.constant 2 : i32
      %add3A_309 = arith.addi %mul3A_307, %add3A_308 : i32
      %mul3A_310 = arith.constant 80 : i32
      %mul3A_311 = arith.muli %add3A_309, %mul3A_310 : i32
      %dma_wait3A_312 = tpu.memref_slice %arg5[%mul3A_311] : memref<2000xi32, #tpu.memory_space<vmem>> -> memref<80xi32, #tpu.memory_space<vmem>>
      %dma_wait3A_313 = arith.constant 0 : i32
      %dma_wait3A_314 = arith.constant 0 : i32
      %dma_wait3A_315 = tpu.memref_slice %arg2[%dma_wait3A_313, %dma_wait3A_314] : memref<10000x128xf32, #tpu.memory_space<hbm>> -> memref<10000x128xf32, #tpu.memory_space<hbm>>
      tpu.wait_indirect_dma semaphore(%arg13 : memref<!tpu.dma_semaphore, #tpu.memory_space<semaphore_mem>>) src(%dma_wait3A_315 : memref<10000x128xf32, #tpu.memory_space<hbm>>) dst(%arg9 : memref<80x128xf32, #tpu.memory_space<vmem>>)
      %mul3A_316 = arith.constant 80 : i32
      %mul3A_317 = arith.muli %add3A_309, %mul3A_316 : i32
      %dma_start3A_318 = tpu.memref_slice %arg6[%mul3A_317] : memref<2000xi32, #tpu.memory_space<vmem>> -> memref<80xi32, #tpu.memory_space<vmem>>
      %dma_start3A_319 = arith.constant 0 : i32
      %dma_start3A_320 = arith.constant 0 : i32
      %dma_start3A_321 = tpu.memref_slice %arg10[%dma_start3A_319, %dma_start3A_320] : memref<10240x128xf32, #tpu.memory_space<vmem_shared>> -> memref<10240x128xf32, #tpu.memory_space<vmem_shared>>
      tpu.enqueue_indirect_dma source(%arg9 : memref<80x128xf32, #tpu.memory_space<vmem>>) target(%dma_start3A_321 : memref<10240x128xf32, #tpu.memory_space<vmem_shared>>) offsets(%dma_start3A_318 : memref<80xi32, #tpu.memory_space<vmem>>) semaphore(%arg16 : memref<!tpu.dma_semaphore, #tpu.memory_space<semaphore_mem>>) {add = true}
      %mul3A_322 = arith.constant 80 : i32
      %mul3A_323 = arith.muli %add3A_309, %mul3A_322 : i32
      %dma_wait3A_324 = tpu.memref_slice %arg6[%mul3A_323] : memref<2000xi32, #tpu.memory_space<vmem>> -> memref<80xi32, #tpu.memory_space<vmem>>
      %dma_wait3A_325 = arith.constant 0 : i32
      %dma_wait3A_326 = arith.constant 0 : i32
      %dma_wait3A_327 = tpu.memref_slice %arg10[%dma_wait3A_325, %dma_wait3A_326] : memref<10240x128xf32, #tpu.memory_space<vmem_shared>> -> memref<10240x128xf32, #tpu.memory_space<vmem_shared>>
      tpu.wait_indirect_dma semaphore(%arg15 : memref<!tpu.dma_semaphore, #tpu.memory_space<semaphore_mem>>) src(%arg8 : memref<80x128xf32, #tpu.memory_space<vmem>>) dst(%dma_wait3A_327 : memref<10240x128xf32, #tpu.memory_space<vmem_shared>>)
      %add3A_328 = arith.constant 1 : i32
      %add3A_329 = arith.addi %scan3A_248, %add3A_328 : i32
      %lt3A = arith.constant 8 : i32
      %lt3A_330 = arith.cmpi slt, %add3A_329, %lt3A : i32
      %convert_element_type3A_331 = arith.extui %lt3A_330 : i1 to i32
      %cond3A_332 = arith.constant 0 : i32
      %cond3A_333 = arith.cmpi ne, %convert_element_type3A_331, %cond3A_332 : i32
      scf.if %cond3A_333 {
        %add3A_335 = arith.constant 2 : i32
        %add3A_336 = arith.addi %add3A_309, %add3A_335 : i32
        %mul3A_337 = arith.constant 80 : i32
        %mul3A_338 = arith.muli %add3A_336, %mul3A_337 : i32
        %dma_start3A_339 = tpu.memref_slice %arg5[%mul3A_338] : memref<2000xi32, #tpu.memory_space<vmem>> -> memref<80xi32, #tpu.memory_space<vmem>>
        %dma_start3A_340 = arith.constant 0 : i32
        %dma_start3A_341 = arith.constant 0 : i32
        %dma_start3A_342 = tpu.memref_slice %arg2[%dma_start3A_340, %dma_start3A_341] : memref<10000x128xf32, #tpu.memory_space<hbm>> -> memref<10000x128xf32, #tpu.memory_space<hbm>>
        tpu.enqueue_indirect_dma source(%dma_start3A_342 : memref<10000x128xf32, #tpu.memory_space<hbm>>) target(%arg8 : memref<80x128xf32, #tpu.memory_space<vmem>>) offsets(%dma_start3A_339 : memref<80xi32, #tpu.memory_space<vmem>>) semaphore(%arg12 : memref<!tpu.dma_semaphore, #tpu.memory_space<semaphore_mem>>)
      } else {
      }
      %scan3A_334 = arith.constant 0 : i32
      scf.yield %scan3A_334 : i32
    }
    %scan3A_175 = arith.constant 8 : i32
    %dma_wait3A_176 = arith.constant 1920 : i32
    %dma_wait3A_177 = tpu.memref_slice %arg5[%dma_wait3A_176] : memref<2000xi32, #tpu.memory_space<vmem>> -> memref<80xi32, #tpu.memory_space<vmem>>
    %dma_wait3A_178 = arith.constant 0 : i32
    %dma_wait3A_179 = arith.constant 0 : i32
    %dma_wait3A_180 = tpu.memref_slice %arg2[%dma_wait3A_178, %dma_wait3A_179] : memref<10000x128xf32, #tpu.memory_space<hbm>> -> memref<10000x128xf32, #tpu.memory_space<hbm>>
    tpu.wait_indirect_dma semaphore(%arg11 : memref<!tpu.dma_semaphore, #tpu.memory_space<semaphore_mem>>) src(%dma_wait3A_180 : memref<10000x128xf32, #tpu.memory_space<hbm>>) dst(%arg7 : memref<80x128xf32, #tpu.memory_space<vmem>>)
    %dma_start3A_181 = arith.constant 1920 : i32
    %dma_start3A_182 = tpu.memref_slice %arg6[%dma_start3A_181] : memref<2000xi32, #tpu.memory_space<vmem>> -> memref<80xi32, #tpu.memory_space<vmem>>
    %dma_start3A_183 = arith.constant 0 : i32
    %dma_start3A_184 = arith.constant 0 : i32
    %dma_start3A_185 = tpu.memref_slice %arg10[%dma_start3A_183, %dma_start3A_184] : memref<10240x128xf32, #tpu.memory_space<vmem_shared>> -> memref<10240x128xf32, #tpu.memory_space<vmem_shared>>
    tpu.enqueue_indirect_dma source(%arg7 : memref<80x128xf32, #tpu.memory_space<vmem>>) target(%dma_start3A_185 : memref<10240x128xf32, #tpu.memory_space<vmem_shared>>) offsets(%dma_start3A_182 : memref<80xi32, #tpu.memory_space<vmem>>) semaphore(%arg14 : memref<!tpu.dma_semaphore, #tpu.memory_space<semaphore_mem>>) {add = true}
    %mul3A_186 = arith.constant 10000 : i32
    %mul3A_187 = arith.muli %add3A, %mul3A_186 : i32
    %add3A_188 = arith.constant 8000 : i32
    %add3A_189 = arith.addi %mul3A_187, %add3A_188 : i32
    "tpu.region"() ({
      %run_scoped3A = tpu.sem_alloc : memref<!tpu.dma_semaphore, #tpu.memory_space<semaphore_mem>>
      %dma_start3A_248 = tpu.memref_slice %arg3[%add3A_189] : memref<640000xi32, #tpu.memory_space<hbm>> -> memref<2000xi32, #tpu.memory_space<hbm>>
      %dma_start3A_249 = tpu.memref_slice %arg3[%add3A_189] : memref<640000xi32, #tpu.memory_space<hbm>> -> memref<2000xi32, #tpu.memory_space<hbm>>
      tpu.enqueue_dma source(%dma_start3A_249 : memref<2000xi32, #tpu.memory_space<hbm>>) target(%arg5 : memref<2000xi32, #tpu.memory_space<vmem>>) target_semaphore(%run_scoped3A : memref<!tpu.dma_semaphore, #tpu.memory_space<semaphore_mem>>)
      %dma_wait3A_250 = tpu.memref_slice %arg3[%add3A_189] : memref<640000xi32, #tpu.memory_space<hbm>> -> memref<2000xi32, #tpu.memory_space<hbm>>
      %dma_wait3A_251 = tpu.memref_slice %arg3[%add3A_189] : memref<640000xi32, #tpu.memory_space<hbm>> -> memref<2000xi32, #tpu.memory_space<hbm>>
      tpu.wait_dma2 semaphore(%run_scoped3A : memref<!tpu.dma_semaphore, #tpu.memory_space<semaphore_mem>>) src(%dma_wait3A_251 : memref<2000xi32, #tpu.memory_space<hbm>>) dst(%arg5 : memref<2000xi32, #tpu.memory_space<vmem>>)
      tpu.yield
    }) : () -> ()
    %dma_start3A_190 = arith.constant 80 : i32
    %dma_start3A_191 = tpu.memref_slice %arg5[%dma_start3A_190] : memref<2000xi32, #tpu.memory_space<vmem>> -> memref<80xi32, #tpu.memory_space<vmem>>
    %dma_start3A_192 = arith.constant 0 : i32
    %dma_start3A_193 = arith.constant 0 : i32
    %dma_start3A_194 = tpu.memref_slice %arg2[%dma_start3A_192, %dma_start3A_193] : memref<10000x128xf32, #tpu.memory_space<hbm>> -> memref<10000x128xf32, #tpu.memory_space<hbm>>
    tpu.enqueue_indirect_dma source(%dma_start3A_194 : memref<10000x128xf32, #tpu.memory_space<hbm>>) target(%arg8 : memref<80x128xf32, #tpu.memory_space<vmem>>) offsets(%dma_start3A_191 : memref<80xi32, #tpu.memory_space<vmem>>) semaphore(%arg12 : memref<!tpu.dma_semaphore, #tpu.memory_space<semaphore_mem>>)
    %dma_wait3A_195 = arith.constant 1840 : i32
    %dma_wait3A_196 = tpu.memref_slice %arg6[%dma_wait3A_195] : memref<2000xi32, #tpu.memory_space<vmem>> -> memref<80xi32, #tpu.memory_space<vmem>>
    %dma_wait3A_197 = arith.constant 0 : i32
    %dma_wait3A_198 = arith.constant 0 : i32
    %dma_wait3A_199 = tpu.memref_slice %arg10[%dma_wait3A_197, %dma_wait3A_198] : memref<10240x128xf32, #tpu.memory_space<vmem_shared>> -> memref<10240x128xf32, #tpu.memory_space<vmem_shared>>
    tpu.wait_indirect_dma semaphore(%arg16 : memref<!tpu.dma_semaphore, #tpu.memory_space<semaphore_mem>>) src(%arg9 : memref<80x128xf32, #tpu.memory_space<vmem>>) dst(%dma_wait3A_199 : memref<10240x128xf32, #tpu.memory_space<vmem_shared>>)
    %dma_wait3A_200 = arith.constant 1920 : i32
    %dma_wait3A_201 = tpu.memref_slice %arg6[%dma_wait3A_200] : memref<2000xi32, #tpu.memory_space<vmem>> -> memref<80xi32, #tpu.memory_space<vmem>>
    %dma_wait3A_202 = arith.constant 0 : i32
    %dma_wait3A_203 = arith.constant 0 : i32
    %dma_wait3A_204 = tpu.memref_slice %arg10[%dma_wait3A_202, %dma_wait3A_203] : memref<10240x128xf32, #tpu.memory_space<vmem_shared>> -> memref<10240x128xf32, #tpu.memory_space<vmem_shared>>
    tpu.wait_indirect_dma semaphore(%arg14 : memref<!tpu.dma_semaphore, #tpu.memory_space<semaphore_mem>>) src(%arg7 : memref<80x128xf32, #tpu.memory_space<vmem>>) dst(%dma_wait3A_204 : memref<10240x128xf32, #tpu.memory_space<vmem_shared>>)
    %mul3A_205 = arith.constant 10000 : i32
    %mul3A_206 = arith.muli %add3A, %mul3A_205 : i32
    %add3A_207 = arith.constant 320000 : i32
    %add3A_208 = arith.addi %add3A_207, %mul3A_206 : i32
    %add3A_209 = arith.constant 8000 : i32
    %add3A_210 = arith.addi %add3A_208, %add3A_209 : i32
    "tpu.region"() ({
      %run_scoped3A = tpu.sem_alloc : memref<!tpu.dma_semaphore, #tpu.memory_space<semaphore_mem>>
      %dma_start3A_248 = tpu.memref_slice %arg3[%add3A_210] : memref<640000xi32, #tpu.memory_space<hbm>> -> memref<2000xi32, #tpu.memory_space<hbm>>
      %dma_start3A_249 = tpu.memref_slice %arg3[%add3A_210] : memref<640000xi32, #tpu.memory_space<hbm>> -> memref<2000xi32, #tpu.memory_space<hbm>>
      tpu.enqueue_dma source(%dma_start3A_249 : memref<2000xi32, #tpu.memory_space<hbm>>) target(%arg6 : memref<2000xi32, #tpu.memory_space<vmem>>) target_semaphore(%run_scoped3A : memref<!tpu.dma_semaphore, #tpu.memory_space<semaphore_mem>>)
      %dma_wait3A_250 = tpu.memref_slice %arg3[%add3A_210] : memref<640000xi32, #tpu.memory_space<hbm>> -> memref<2000xi32, #tpu.memory_space<hbm>>
      %dma_wait3A_251 = tpu.memref_slice %arg3[%add3A_210] : memref<640000xi32, #tpu.memory_space<hbm>> -> memref<2000xi32, #tpu.memory_space<hbm>>
      tpu.wait_dma2 semaphore(%run_scoped3A : memref<!tpu.dma_semaphore, #tpu.memory_space<semaphore_mem>>) src(%dma_wait3A_251 : memref<2000xi32, #tpu.memory_space<hbm>>) dst(%arg6 : memref<2000xi32, #tpu.memory_space<vmem>>)
      tpu.yield
    }) : () -> ()
    %dma_start3A_211 = arith.constant 0 : i32
    %dma_start3A_212 = tpu.memref_slice %arg5[%dma_start3A_211] : memref<2000xi32, #tpu.memory_space<vmem>> -> memref<80xi32, #tpu.memory_space<vmem>>
    %dma_start3A_213 = arith.constant 0 : i32
    %dma_start3A_214 = arith.constant 0 : i32
    %dma_start3A_215 = tpu.memref_slice %arg2[%dma_start3A_213, %dma_start3A_214] : memref<10000x128xf32, #tpu.memory_space<hbm>> -> memref<10000x128xf32, #tpu.memory_space<hbm>>
    tpu.enqueue_indirect_dma source(%dma_start3A_215 : memref<10000x128xf32, #tpu.memory_space<hbm>>) target(%arg7 : memref<80x128xf32, #tpu.memory_space<vmem>>) offsets(%dma_start3A_212 : memref<80xi32, #tpu.memory_space<vmem>>) semaphore(%arg11 : memref<!tpu.dma_semaphore, #tpu.memory_space<semaphore_mem>>)
    %scan3A_216 = arith.constant 0 : i32
    %scan3A_217 = arith.constant 0 : i32
    %scan3A_218 = arith.constant 8 : i32
    %scan3A_219 = arith.addi %scan3A_217, %scan3A_218 : i32
    %scan3A_220 = arith.constant 1 : i32
    %scan3A_221 = scf.for %scan3A_248 = %scan3A_217 to %scan3A_219 step %scan3A_220 iter_args(%scan3A_249 = %scan3A_216) -> (i32)  : i32 {
      %mul3A_250 = arith.constant 3 : i32
      %mul3A_251 = arith.muli %mul3A_250, %scan3A_248 : i32
      %add3A_252 = arith.constant 0 : i32
      %add3A_253 = arith.addi %mul3A_251, %add3A_252 : i32
      %mul3A_254 = arith.constant 80 : i32
      %mul3A_255 = arith.muli %add3A_253, %mul3A_254 : i32
      %dma_wait3A_256 = tpu.memref_slice %arg5[%mul3A_255] : memref<2000xi32, #tpu.memory_space<vmem>> -> memref<80xi32, #tpu.memory_space<vmem>>
      %dma_wait3A_257 = arith.constant 0 : i32
      %dma_wait3A_258 = arith.constant 0 : i32
      %dma_wait3A_259 = tpu.memref_slice %arg2[%dma_wait3A_257, %dma_wait3A_258] : memref<10000x128xf32, #tpu.memory_space<hbm>> -> memref<10000x128xf32, #tpu.memory_space<hbm>>
      tpu.wait_indirect_dma semaphore(%arg11 : memref<!tpu.dma_semaphore, #tpu.memory_space<semaphore_mem>>) src(%dma_wait3A_259 : memref<10000x128xf32, #tpu.memory_space<hbm>>) dst(%arg7 : memref<80x128xf32, #tpu.memory_space<vmem>>)
      %mul3A_260 = arith.constant 80 : i32
      %mul3A_261 = arith.muli %add3A_253, %mul3A_260 : i32
      %dma_start3A_262 = tpu.memref_slice %arg6[%mul3A_261] : memref<2000xi32, #tpu.memory_space<vmem>> -> memref<80xi32, #tpu.memory_space<vmem>>
      %dma_start3A_263 = arith.constant 0 : i32
      %dma_start3A_264 = arith.constant 0 : i32
      %dma_start3A_265 = tpu.memref_slice %arg10[%dma_start3A_263, %dma_start3A_264] : memref<10240x128xf32, #tpu.memory_space<vmem_shared>> -> memref<10240x128xf32, #tpu.memory_space<vmem_shared>>
      tpu.enqueue_indirect_dma source(%arg7 : memref<80x128xf32, #tpu.memory_space<vmem>>) target(%dma_start3A_265 : memref<10240x128xf32, #tpu.memory_space<vmem_shared>>) offsets(%dma_start3A_262 : memref<80xi32, #tpu.memory_space<vmem>>) semaphore(%arg14 : memref<!tpu.dma_semaphore, #tpu.memory_space<semaphore_mem>>) {add = true}
      %gt3A = arith.constant 0 : i32
      %gt3A_266 = arith.cmpi sgt, %scan3A_248, %gt3A : i32
      %convert_element_type3A = arith.extui %gt3A_266 : i1 to i32
      %cond3A = arith.constant 0 : i32
      %cond3A_267 = arith.cmpi ne, %convert_element_type3A, %cond3A : i32
      scf.if %cond3A_267 {
        %mul3A_335 = arith.constant 80 : i32
        %mul3A_336 = arith.muli %add3A_253, %mul3A_335 : i32
        %dma_wait3A_337 = tpu.memref_slice %arg6[%mul3A_336] : memref<2000xi32, #tpu.memory_space<vmem>> -> memref<80xi32, #tpu.memory_space<vmem>>
        %dma_wait3A_338 = arith.constant 0 : i32
        %dma_wait3A_339 = arith.constant 0 : i32
        %dma_wait3A_340 = tpu.memref_slice %arg10[%dma_wait3A_338, %dma_wait3A_339] : memref<10240x128xf32, #tpu.memory_space<vmem_shared>> -> memref<10240x128xf32, #tpu.memory_space<vmem_shared>>
        tpu.wait_indirect_dma semaphore(%arg16 : memref<!tpu.dma_semaphore, #tpu.memory_space<semaphore_mem>>) src(%arg9 : memref<80x128xf32, #tpu.memory_space<vmem>>) dst(%dma_wait3A_340 : memref<10240x128xf32, #tpu.memory_space<vmem_shared>>)
      } else {
      }
      %add3A_268 = arith.constant 2 : i32
      %add3A_269 = arith.addi %add3A_253, %add3A_268 : i32
      %mul3A_270 = arith.constant 80 : i32
      %mul3A_271 = arith.muli %add3A_269, %mul3A_270 : i32
      %dma_start3A_272 = tpu.memref_slice %arg5[%mul3A_271] : memref<2000xi32, #tpu.memory_space<vmem>> -> memref<80xi32, #tpu.memory_space<vmem>>
      %dma_start3A_273 = arith.constant 0 : i32
      %dma_start3A_274 = arith.constant 0 : i32
      %dma_start3A_275 = tpu.memref_slice %arg2[%dma_start3A_273, %dma_start3A_274] : memref<10000x128xf32, #tpu.memory_space<hbm>> -> memref<10000x128xf32, #tpu.memory_space<hbm>>
      tpu.enqueue_indirect_dma source(%dma_start3A_275 : memref<10000x128xf32, #tpu.memory_space<hbm>>) target(%arg9 : memref<80x128xf32, #tpu.memory_space<vmem>>) offsets(%dma_start3A_272 : memref<80xi32, #tpu.memory_space<vmem>>) semaphore(%arg13 : memref<!tpu.dma_semaphore, #tpu.memory_space<semaphore_mem>>)
      %mul3A_276 = arith.constant 3 : i32
      %mul3A_277 = arith.muli %mul3A_276, %scan3A_248 : i32
      %add3A_278 = arith.constant 1 : i32
      %add3A_279 = arith.addi %mul3A_277, %add3A_278 : i32
      %mul3A_280 = arith.constant 80 : i32
      %mul3A_281 = arith.muli %add3A_279, %mul3A_280 : i32
      %dma_wait3A_282 = tpu.memref_slice %arg5[%mul3A_281] : memref<2000xi32, #tpu.memory_space<vmem>> -> memref<80xi32, #tpu.memory_space<vmem>>
      %dma_wait3A_283 = arith.constant 0 : i32
      %dma_wait3A_284 = arith.constant 0 : i32
      %dma_wait3A_285 = tpu.memref_slice %arg2[%dma_wait3A_283, %dma_wait3A_284] : memref<10000x128xf32, #tpu.memory_space<hbm>> -> memref<10000x128xf32, #tpu.memory_space<hbm>>
      tpu.wait_indirect_dma semaphore(%arg12 : memref<!tpu.dma_semaphore, #tpu.memory_space<semaphore_mem>>) src(%dma_wait3A_285 : memref<10000x128xf32, #tpu.memory_space<hbm>>) dst(%arg8 : memref<80x128xf32, #tpu.memory_space<vmem>>)
      %mul3A_286 = arith.constant 80 : i32
      %mul3A_287 = arith.muli %add3A_279, %mul3A_286 : i32
      %dma_start3A_288 = tpu.memref_slice %arg6[%mul3A_287] : memref<2000xi32, #tpu.memory_space<vmem>> -> memref<80xi32, #tpu.memory_space<vmem>>
      %dma_start3A_289 = arith.constant 0 : i32
      %dma_start3A_290 = arith.constant 0 : i32
      %dma_start3A_291 = tpu.memref_slice %arg10[%dma_start3A_289, %dma_start3A_290] : memref<10240x128xf32, #tpu.memory_space<vmem_shared>> -> memref<10240x128xf32, #tpu.memory_space<vmem_shared>>
      tpu.enqueue_indirect_dma source(%arg8 : memref<80x128xf32, #tpu.memory_space<vmem>>) target(%dma_start3A_291 : memref<10240x128xf32, #tpu.memory_space<vmem_shared>>) offsets(%dma_start3A_288 : memref<80xi32, #tpu.memory_space<vmem>>) semaphore(%arg15 : memref<!tpu.dma_semaphore, #tpu.memory_space<semaphore_mem>>) {add = true}
      %mul3A_292 = arith.constant 80 : i32
      %mul3A_293 = arith.muli %add3A_279, %mul3A_292 : i32
      %dma_wait3A_294 = tpu.memref_slice %arg6[%mul3A_293] : memref<2000xi32, #tpu.memory_space<vmem>> -> memref<80xi32, #tpu.memory_space<vmem>>
      %dma_wait3A_295 = arith.constant 0 : i32
      %dma_wait3A_296 = arith.constant 0 : i32
      %dma_wait3A_297 = tpu.memref_slice %arg10[%dma_wait3A_295, %dma_wait3A_296] : memref<10240x128xf32, #tpu.memory_space<vmem_shared>> -> memref<10240x128xf32, #tpu.memory_space<vmem_shared>>
      tpu.wait_indirect_dma semaphore(%arg14 : memref<!tpu.dma_semaphore, #tpu.memory_space<semaphore_mem>>) src(%arg7 : memref<80x128xf32, #tpu.memory_space<vmem>>) dst(%dma_wait3A_297 : memref<10240x128xf32, #tpu.memory_space<vmem_shared>>)
      %add3A_298 = arith.constant 2 : i32
      %add3A_299 = arith.addi %add3A_279, %add3A_298 : i32
      %mul3A_300 = arith.constant 80 : i32
      %mul3A_301 = arith.muli %add3A_299, %mul3A_300 : i32
      %dma_start3A_302 = tpu.memref_slice %arg5[%mul3A_301] : memref<2000xi32, #tpu.memory_space<vmem>> -> memref<80xi32, #tpu.memory_space<vmem>>
      %dma_start3A_303 = arith.constant 0 : i32
      %dma_start3A_304 = arith.constant 0 : i32
      %dma_start3A_305 = tpu.memref_slice %arg2[%dma_start3A_303, %dma_start3A_304] : memref<10000x128xf32, #tpu.memory_space<hbm>> -> memref<10000x128xf32, #tpu.memory_space<hbm>>
      tpu.enqueue_indirect_dma source(%dma_start3A_305 : memref<10000x128xf32, #tpu.memory_space<hbm>>) target(%arg7 : memref<80x128xf32, #tpu.memory_space<vmem>>) offsets(%dma_start3A_302 : memref<80xi32, #tpu.memory_space<vmem>>) semaphore(%arg11 : memref<!tpu.dma_semaphore, #tpu.memory_space<semaphore_mem>>)
      %mul3A_306 = arith.constant 3 : i32
      %mul3A_307 = arith.muli %mul3A_306, %scan3A_248 : i32
      %add3A_308 = arith.constant 2 : i32
      %add3A_309 = arith.addi %mul3A_307, %add3A_308 : i32
      %mul3A_310 = arith.constant 80 : i32
      %mul3A_311 = arith.muli %add3A_309, %mul3A_310 : i32
      %dma_wait3A_312 = tpu.memref_slice %arg5[%mul3A_311] : memref<2000xi32, #tpu.memory_space<vmem>> -> memref<80xi32, #tpu.memory_space<vmem>>
      %dma_wait3A_313 = arith.constant 0 : i32
      %dma_wait3A_314 = arith.constant 0 : i32
      %dma_wait3A_315 = tpu.memref_slice %arg2[%dma_wait3A_313, %dma_wait3A_314] : memref<10000x128xf32, #tpu.memory_space<hbm>> -> memref<10000x128xf32, #tpu.memory_space<hbm>>
      tpu.wait_indirect_dma semaphore(%arg13 : memref<!tpu.dma_semaphore, #tpu.memory_space<semaphore_mem>>) src(%dma_wait3A_315 : memref<10000x128xf32, #tpu.memory_space<hbm>>) dst(%arg9 : memref<80x128xf32, #tpu.memory_space<vmem>>)
      %mul3A_316 = arith.constant 80 : i32
      %mul3A_317 = arith.muli %add3A_309, %mul3A_316 : i32
      %dma_start3A_318 = tpu.memref_slice %arg6[%mul3A_317] : memref<2000xi32, #tpu.memory_space<vmem>> -> memref<80xi32, #tpu.memory_space<vmem>>
      %dma_start3A_319 = arith.constant 0 : i32
      %dma_start3A_320 = arith.constant 0 : i32
      %dma_start3A_321 = tpu.memref_slice %arg10[%dma_start3A_319, %dma_start3A_320] : memref<10240x128xf32, #tpu.memory_space<vmem_shared>> -> memref<10240x128xf32, #tpu.memory_space<vmem_shared>>
      tpu.enqueue_indirect_dma source(%arg9 : memref<80x128xf32, #tpu.memory_space<vmem>>) target(%dma_start3A_321 : memref<10240x128xf32, #tpu.memory_space<vmem_shared>>) offsets(%dma_start3A_318 : memref<80xi32, #tpu.memory_space<vmem>>) semaphore(%arg16 : memref<!tpu.dma_semaphore, #tpu.memory_space<semaphore_mem>>) {add = true}
      %mul3A_322 = arith.constant 80 : i32
      %mul3A_323 = arith.muli %add3A_309, %mul3A_322 : i32
      %dma_wait3A_324 = tpu.memref_slice %arg6[%mul3A_323] : memref<2000xi32, #tpu.memory_space<vmem>> -> memref<80xi32, #tpu.memory_space<vmem>>
      %dma_wait3A_325 = arith.constant 0 : i32
      %dma_wait3A_326 = arith.constant 0 : i32
      %dma_wait3A_327 = tpu.memref_slice %arg10[%dma_wait3A_325, %dma_wait3A_326] : memref<10240x128xf32, #tpu.memory_space<vmem_shared>> -> memref<10240x128xf32, #tpu.memory_space<vmem_shared>>
      tpu.wait_indirect_dma semaphore(%arg15 : memref<!tpu.dma_semaphore, #tpu.memory_space<semaphore_mem>>) src(%arg8 : memref<80x128xf32, #tpu.memory_space<vmem>>) dst(%dma_wait3A_327 : memref<10240x128xf32, #tpu.memory_space<vmem_shared>>)
      %add3A_328 = arith.constant 1 : i32
      %add3A_329 = arith.addi %scan3A_248, %add3A_328 : i32
      %lt3A = arith.constant 8 : i32
      %lt3A_330 = arith.cmpi slt, %add3A_329, %lt3A : i32
      %convert_element_type3A_331 = arith.extui %lt3A_330 : i1 to i32
      %cond3A_332 = arith.constant 0 : i32
      %cond3A_333 = arith.cmpi ne, %convert_element_type3A_331, %cond3A_332 : i32
      scf.if %cond3A_333 {
        %add3A_335 = arith.constant 2 : i32
        %add3A_336 = arith.addi %add3A_309, %add3A_335 : i32
        %mul3A_337 = arith.constant 80 : i32
        %mul3A_338 = arith.muli %add3A_336, %mul3A_337 : i32
        %dma_start3A_339 = tpu.memref_slice %arg5[%mul3A_338] : memref<2000xi32, #tpu.memory_space<vmem>> -> memref<80xi32, #tpu.memory_space<vmem>>
        %dma_start3A_340 = arith.constant 0 : i32
        %dma_start3A_341 = arith.constant 0 : i32
        %dma_start3A_342 = tpu.memref_slice %arg2[%dma_start3A_340, %dma_start3A_341] : memref<10000x128xf32, #tpu.memory_space<hbm>> -> memref<10000x128xf32, #tpu.memory_space<hbm>>
        tpu.enqueue_indirect_dma source(%dma_start3A_342 : memref<10000x128xf32, #tpu.memory_space<hbm>>) target(%arg8 : memref<80x128xf32, #tpu.memory_space<vmem>>) offsets(%dma_start3A_339 : memref<80xi32, #tpu.memory_space<vmem>>) semaphore(%arg12 : memref<!tpu.dma_semaphore, #tpu.memory_space<semaphore_mem>>)
      } else {
      }
      %scan3A_334 = arith.constant 0 : i32
      scf.yield %scan3A_334 : i32
    }
    %scan3A_222 = arith.constant 8 : i32
    %dma_wait3A_223 = arith.constant 1920 : i32
    %dma_wait3A_224 = tpu.memref_slice %arg5[%dma_wait3A_223] : memref<2000xi32, #tpu.memory_space<vmem>> -> memref<80xi32, #tpu.memory_space<vmem>>
    %dma_wait3A_225 = arith.constant 0 : i32
    %dma_wait3A_226 = arith.constant 0 : i32
    %dma_wait3A_227 = tpu.memref_slice %arg2[%dma_wait3A_225, %dma_wait3A_226] : memref<10000x128xf32, #tpu.memory_space<hbm>> -> memref<10000x128xf32, #tpu.memory_space<hbm>>
    tpu.wait_indirect_dma semaphore(%arg11 : memref<!tpu.dma_semaphore, #tpu.memory_space<semaphore_mem>>) src(%dma_wait3A_227 : memref<10000x128xf32, #tpu.memory_space<hbm>>) dst(%arg7 : memref<80x128xf32, #tpu.memory_space<vmem>>)
    %dma_start3A_228 = arith.constant 1920 : i32
    %dma_start3A_229 = tpu.memref_slice %arg6[%dma_start3A_228] : memref<2000xi32, #tpu.memory_space<vmem>> -> memref<80xi32, #tpu.memory_space<vmem>>
    %dma_start3A_230 = arith.constant 0 : i32
    %dma_start3A_231 = arith.constant 0 : i32
    %dma_start3A_232 = tpu.memref_slice %arg10[%dma_start3A_230, %dma_start3A_231] : memref<10240x128xf32, #tpu.memory_space<vmem_shared>> -> memref<10240x128xf32, #tpu.memory_space<vmem_shared>>
    tpu.enqueue_indirect_dma source(%arg7 : memref<80x128xf32, #tpu.memory_space<vmem>>) target(%dma_start3A_232 : memref<10240x128xf32, #tpu.memory_space<vmem_shared>>) offsets(%dma_start3A_229 : memref<80xi32, #tpu.memory_space<vmem>>) semaphore(%arg14 : memref<!tpu.dma_semaphore, #tpu.memory_space<semaphore_mem>>) {add = true}
    %dma_wait3A_233 = arith.constant 1840 : i32
    %dma_wait3A_234 = tpu.memref_slice %arg6[%dma_wait3A_233] : memref<2000xi32, #tpu.memory_space<vmem>> -> memref<80xi32, #tpu.memory_space<vmem>>
    %dma_wait3A_235 = arith.constant 0 : i32
    %dma_wait3A_236 = arith.constant 0 : i32
    %dma_wait3A_237 = tpu.memref_slice %arg10[%dma_wait3A_235, %dma_wait3A_236] : memref<10240x128xf32, #tpu.memory_space<vmem_shared>> -> memref<10240x128xf32, #tpu.memory_space<vmem_shared>>
    tpu.wait_indirect_dma semaphore(%arg16 : memref<!tpu.dma_semaphore, #tpu.memory_space<semaphore_mem>>) src(%arg9 : memref<80x128xf32, #tpu.memory_space<vmem>>) dst(%dma_wait3A_237 : memref<10240x128xf32, #tpu.memory_space<vmem_shared>>)
    %dma_wait3A_238 = arith.constant 1920 : i32
    %dma_wait3A_239 = tpu.memref_slice %arg6[%dma_wait3A_238] : memref<2000xi32, #tpu.memory_space<vmem>> -> memref<80xi32, #tpu.memory_space<vmem>>
    %dma_wait3A_240 = arith.constant 0 : i32
    %dma_wait3A_241 = arith.constant 0 : i32
    %dma_wait3A_242 = tpu.memref_slice %arg10[%dma_wait3A_240, %dma_wait3A_241] : memref<10240x128xf32, #tpu.memory_space<vmem_shared>> -> memref<10240x128xf32, #tpu.memory_space<vmem_shared>>
    tpu.wait_indirect_dma semaphore(%arg14 : memref<!tpu.dma_semaphore, #tpu.memory_space<semaphore_mem>>) src(%arg7 : memref<80x128xf32, #tpu.memory_space<vmem>>) dst(%dma_wait3A_242 : memref<10240x128xf32, #tpu.memory_space<vmem_shared>>)
    %barrier3A_243 = arith.constant 0 : index
    tpu.barrier barrier_id(%barrier3A_243)
    %mul3A_244 = arith.constant 640 : i32
    %mul3A_245 = arith.muli %arg1, %mul3A_244 : i32
    %mul3A_246 = arith.constant 640 : i32
    %mul3A_247 = arith.muli %arg1, %mul3A_246 : i32
    "tpu.region"() ({
      %run_scoped3A = tpu.sem_alloc : memref<!tpu.dma_semaphore, #tpu.memory_space<semaphore_mem>>
      %dma_start3A_248 = arith.constant 0 : i32
      %dma_start3A_249 = tpu.memref_slice %arg4[%arg0, %mul3A_247, %dma_start3A_248] : memref<2x10240x128xf32, #tpu.memory_space<hbm>> -> memref<1x640x128xf32, #tpu.memory_space<hbm>>
      %dma_start3A_250 = tpu.memref_squeeze %dma_start3A_249 : memref<1x640x128xf32, #tpu.memory_space<hbm>> -> memref<640x128xf32, #tpu.memory_space<hbm>>
      %dma_start3A_251 = arith.constant 0 : i32
      %dma_start3A_252 = tpu.memref_slice %arg10[%mul3A_245, %dma_start3A_251] : memref<10240x128xf32, #tpu.memory_space<vmem_shared>> -> memref<640x128xf32, #tpu.memory_space<vmem_shared>>
      tpu.enqueue_dma source(%dma_start3A_252 : memref<640x128xf32, #tpu.memory_space<vmem_shared>>) target(%dma_start3A_250 : memref<640x128xf32, #tpu.memory_space<hbm>>) target_semaphore(%run_scoped3A : memref<!tpu.dma_semaphore, #tpu.memory_space<semaphore_mem>>)
      %dma_wait3A_253 = arith.constant 0 : i32
      %dma_wait3A_254 = tpu.memref_slice %arg4[%arg0, %mul3A_247, %dma_wait3A_253] : memref<2x10240x128xf32, #tpu.memory_space<hbm>> -> memref<1x640x128xf32, #tpu.memory_space<hbm>>
      %dma_wait3A_255 = tpu.memref_squeeze %dma_wait3A_254 : memref<1x640x128xf32, #tpu.memory_space<hbm>> -> memref<640x128xf32, #tpu.memory_space<hbm>>
      %dma_wait3A_256 = arith.constant 0 : i32
      %dma_wait3A_257 = tpu.memref_slice %arg10[%mul3A_245, %dma_wait3A_256] : memref<10240x128xf32, #tpu.memory_space<vmem_shared>> -> memref<640x128xf32, #tpu.memory_space<vmem_shared>>
      tpu.wait_dma2 semaphore(%run_scoped3A : memref<!tpu.dma_semaphore, #tpu.memory_space<semaphore_mem>>) src(%dma_wait3A_257 : memref<640x128xf32, #tpu.memory_space<vmem_shared>>) dst(%dma_wait3A_255 : memref<640x128xf32, #tpu.memory_space<hbm>>)
      tpu.yield
    }) : () -> ()
    return
  }
}

#map = affine_map<(d0, d1) -> (0, 0)>
#map1 = affine_map<(d0, d1) -> (0)>
#map2 = affine_map<(d0, d1) -> (0, 0, 0)>
module attributes {stable_mosaic.version = 14 : i64} {
  func.func @seg_sum(%arg0: i32, %arg1: i32, %arg2: memref<10000x128xf32, #tpu.memory_space<hbm>>, %arg3: memref<640000xi32, #tpu.memory_space<hbm>>, %arg4: memref<2x10240x128xf32, #tpu.memory_space<hbm>>, %arg5: memref<2000xi32, #tpu.memory_space<vmem>>, %arg6: memref<2000xi32, #tpu.memory_space<vmem>>, %arg7: memref<80x128xf32, #tpu.memory_space<vmem>>, %arg8: memref<80x128xf32, #tpu.memory_space<vmem>>, %arg9: memref<80x128xf32, #tpu.memory_space<vmem>>, %arg10: memref<10240x128xf32, #tpu.memory_space<vmem_shared>>, %arg11: memref<!tpu.dma_semaphore, #tpu.memory_space<semaphore_mem>>, %arg12: memref<!tpu.dma_semaphore, #tpu.memory_space<semaphore_mem>>, %arg13: memref<!tpu.dma_semaphore, #tpu.memory_space<semaphore_mem>>, %arg14: memref<!tpu.dma_semaphore, #tpu.memory_space<semaphore_mem>>, %arg15: memref<!tpu.dma_semaphore, #tpu.memory_space<semaphore_mem>>, %arg16: memref<!tpu.dma_semaphore, #tpu.memory_space<semaphore_mem>>) attributes {dimension_semantics = [#tpu.dimension_semantics<core_parallel>, #tpu.dimension_semantics<subcore_parallel>], iteration_bounds = array<i64: 2, 16>, scalar_prefetch = 0 : i64, scratch_operands = 12 : i64, tpu.core_type = #tpu.core_type<sc_vector_subcore>, window_params = [{transform_indices = #map}, {transform_indices = #map1}, {transform_indices = #map2}]} {
    %mul3A = arith.constant 2 : i32
    %mul3A_0 = arith.muli %arg1, %mul3A : i32
    %add3A = arith.addi %mul3A_0, %arg0 : i32
    %mul3A_1 = arith.constant 10000 : i32
    %mul3A_2 = arith.muli %add3A, %mul3A_1 : i32
    "tpu.region"() ({
      %run_scoped3A = tpu.sem_alloc : memref<!tpu.dma_semaphore, #tpu.memory_space<semaphore_mem>>
      %dma_start3A_248 = tpu.memref_slice %arg3[%mul3A_2] : memref<640000xi32, #tpu.memory_space<hbm>> -> memref<2000xi32, #tpu.memory_space<hbm>>
      %dma_start3A_249 = tpu.memref_slice %arg3[%mul3A_2] : memref<640000xi32, #tpu.memory_space<hbm>> -> memref<2000xi32, #tpu.memory_space<hbm>>
      tpu.enqueue_dma source(%dma_start3A_249 : memref<2000xi32, #tpu.memory_space<hbm>>) target(%arg5 : memref<2000xi32, #tpu.memory_space<vmem>>) target_semaphore(%run_scoped3A : memref<!tpu.dma_semaphore, #tpu.memory_space<semaphore_mem>>)
      %dma_wait3A_250 = tpu.memref_slice %arg3[%mul3A_2] : memref<640000xi32, #tpu.memory_space<hbm>> -> memref<2000xi32, #tpu.memory_space<hbm>>
      %dma_wait3A_251 = tpu.memref_slice %arg3[%mul3A_2] : memref<640000xi32, #tpu.memory_space<hbm>> -> memref<2000xi32, #tpu.memory_space<hbm>>
      tpu.wait_dma2 semaphore(%run_scoped3A : memref<!tpu.dma_semaphore, #tpu.memory_space<semaphore_mem>>) src(%dma_wait3A_251 : memref<2000xi32, #tpu.memory_space<hbm>>) dst(%arg5 : memref<2000xi32, #tpu.memory_space<vmem>>)
      tpu.yield
    }) : () -> ()
    %mul3A_3 = arith.constant 10000 : i32
    %mul3A_4 = arith.muli %add3A, %mul3A_3 : i32
    %add3A_5 = arith.constant 320000 : i32
    %add3A_6 = arith.addi %add3A_5, %mul3A_4 : i32
    "tpu.region"() ({
      %run_scoped3A = tpu.sem_alloc : memref<!tpu.dma_semaphore, #tpu.memory_space<semaphore_mem>>
      %dma_start3A_248 = tpu.memref_slice %arg3[%add3A_6] : memref<640000xi32, #tpu.memory_space<hbm>> -> memref<2000xi32, #tpu.memory_space<hbm>>
      %dma_start3A_249 = tpu.memref_slice %arg3[%add3A_6] : memref<640000xi32, #tpu.memory_space<hbm>> -> memref<2000xi32, #tpu.memory_space<hbm>>
      tpu.enqueue_dma source(%dma_start3A_249 : memref<2000xi32, #tpu.memory_space<hbm>>) target(%arg6 : memref<2000xi32, #tpu.memory_space<vmem>>) target_semaphore(%run_scoped3A : memref<!tpu.dma_semaphore, #tpu.memory_space<semaphore_mem>>)
      %dma_wait3A_250 = tpu.memref_slice %arg3[%add3A_6] : memref<640000xi32, #tpu.memory_space<hbm>> -> memref<2000xi32, #tpu.memory_space<hbm>>
      %dma_wait3A_251 = tpu.memref_slice %arg3[%add3A_6] : memref<640000xi32, #tpu.memory_space<hbm>> -> memref<2000xi32, #tpu.memory_space<hbm>>
      tpu.wait_dma2 semaphore(%run_scoped3A : memref<!tpu.dma_semaphore, #tpu.memory_space<semaphore_mem>>) src(%dma_wait3A_251 : memref<2000xi32, #tpu.memory_space<hbm>>) dst(%arg6 : memref<2000xi32, #tpu.memory_space<vmem>>)
      tpu.yield
    }) : () -> ()
    %dma_start3A = arith.constant 0 : i32
    %dma_start3A_7 = tpu.memref_slice %arg5[%dma_start3A] : memref<2000xi32, #tpu.memory_space<vmem>> -> memref<80xi32, #tpu.memory_space<vmem>>
    %dma_start3A_8 = arith.constant 0 : i32
    %dma_start3A_9 = arith.constant 0 : i32
    %dma_start3A_10 = tpu.memref_slice %arg2[%dma_start3A_8, %dma_start3A_9] : memref<10000x128xf32, #tpu.memory_space<hbm>> -> memref<10000x128xf32, #tpu.memory_space<hbm>>
    tpu.enqueue_indirect_dma source(%dma_start3A_10 : memref<10000x128xf32, #tpu.memory_space<hbm>>) target(%arg7 : memref<80x128xf32, #tpu.memory_space<vmem>>) offsets(%dma_start3A_7 : memref<80xi32, #tpu.memory_space<vmem>>) semaphore(%arg11 : memref<!tpu.dma_semaphore, #tpu.memory_space<semaphore_mem>>)
    %dma_start3A_11 = arith.constant 80 : i32
    %dma_start3A_12 = tpu.memref_slice %arg5[%dma_start3A_11] : memref<2000xi32, #tpu.memory_space<vmem>> -> memref<80xi32, #tpu.memory_space<vmem>>
    %dma_start3A_13 = arith.constant 0 : i32
    %dma_start3A_14 = arith.constant 0 : i32
    %dma_start3A_15 = tpu.memref_slice %arg2[%dma_start3A_13, %dma_start3A_14] : memref<10000x128xf32, #tpu.memory_space<hbm>> -> memref<10000x128xf32, #tpu.memory_space<hbm>>
    tpu.enqueue_indirect_dma source(%dma_start3A_15 : memref<10000x128xf32, #tpu.memory_space<hbm>>) target(%arg8 : memref<80x128xf32, #tpu.memory_space<vmem>>) offsets(%dma_start3A_12 : memref<80xi32, #tpu.memory_space<vmem>>) semaphore(%arg12 : memref<!tpu.dma_semaphore, #tpu.memory_space<semaphore_mem>>)
    %scan3A = arith.constant 0 : i32
    %scan3A_16 = arith.constant 0 : i32
    %scan3A_17 = arith.constant 640 : i32
    %scan3A_18 = arith.addi %scan3A_16, %scan3A_17 : i32
    %scan3A_19 = arith.constant 1 : i32
    %scan3A_20 = scf.for %scan3A_248 = %scan3A_16 to %scan3A_18 step %scan3A_19 iter_args(%scan3A_249 = %scan3A) -> (i32)  : i32 {
      %jit3A = arith.constant 8 : i32
      %div3A = arith.divsi %scan3A_248, %jit3A : i32
      %sign3A = arith.constant 0 : i32
      %sign3A_250 = arith.cmpi sgt, %scan3A_248, %sign3A : i32
      %sign3A_251 = arith.extui %sign3A_250 : i1 to i32
      %sign3A_252 = arith.constant 0 : i32
      %sign3A_253 = arith.cmpi slt, %scan3A_248, %sign3A_252 : i32
      %sign3A_254 = arith.extui %sign3A_253 : i1 to i32
      %sign3A_255 = arith.subi %sign3A_251, %sign3A_254 : i32
      %sign3A_256 = arith.constant 0 : i32
      %sign3A_257 = arith.cmpi sgt, %jit3A, %sign3A_256 : i32
      %sign3A_258 = arith.extui %sign3A_257 : i1 to i32
      %sign3A_259 = arith.constant 0 : i32
      %sign3A_260 = arith.cmpi slt, %jit3A, %sign3A_259 : i32
      %sign3A_261 = arith.extui %sign3A_260 : i1 to i32
      %sign3A_262 = arith.subi %sign3A_258, %sign3A_261 : i32
      %ne3A = arith.cmpi ne, %sign3A_255, %sign3A_262 : i32
      %rem3A = arith.remsi %scan3A_248, %jit3A : i32
      %ne3A_263 = arith.constant 0 : i32
      %ne3A_264 = arith.cmpi ne, %rem3A, %ne3A_263 : i32
      %and3A = arith.andi %ne3A, %ne3A_264 : i1
      %sub3A = arith.constant 1 : i32
      %sub3A_265 = arith.subi %div3A, %sub3A : i32
      %select_n3A = arith.select %and3A, %sub3A_265, %div3A : i32
      %jit3A_266 = arith.constant 8 : i32
      %eq3A = arith.constant 0 : i32
      %eq3A_267 = arith.cmpi eq, %jit3A_266, %eq3A : i32
      %jit3A_268 = arith.constant 1 : i32
      %select_n3A_269 = arith.select %eq3A_267, %jit3A_268, %jit3A_266 : i32
      %rem3A_270 = arith.remsi %scan3A_248, %select_n3A_269 : i32
      %ne3A_271 = arith.constant 0 : i32
      %ne3A_272 = arith.cmpi ne, %rem3A_270, %ne3A_271 : i32
      %lt3A = arith.constant 0 : i32
      %lt3A_273 = arith.cmpi slt, %rem3A_270, %lt3A : i32
      %lt3A_274 = arith.constant 0 : i32
      %lt3A_275 = arith.cmpi slt, %select_n3A_269, %lt3A_274 : i32
      %ne3A_276 = arith.xori %lt3A_273, %lt3A_275 : i1
      %and3A_277 = arith.andi %ne3A_276, %ne3A_272 : i1
      %add3A_278 = arith.addi %rem3A_270, %select_n3A_269 : i32
      %select_n3A_279 = arith.select %and3A_277, %add3A_278, %rem3A_270 : i32
      %mul3A_280 = arith.constant 16 : i32
      %mul3A_281 = arith.muli %select_n3A_279, %mul3A_280 : i32
      %broadcast_in_dim3A = arith.constant 0.000000e+00 : f32
      %broadcast_in_dim3A_282 = vector.broadcast %broadcast_in_dim3A : f32 to vector<16xf32>
      %swap3A = arith.index_cast %select_n3A : i32 to index
      %swap3A_283 = arith.index_cast %mul3A_281 : i32 to index
      %swap3A_284 = tpu.vector_load %arg9[%swap3A, %swap3A_283] {strides = array<i32>} : memref<80x128xf32, #tpu.memory_space<vmem>>, vector<1x16xf32>,
      %swap3A_285 = vector.shape_cast %swap3A_284 : vector<1x16xf32> to vector<16xf32>
      %swap3A_286 = vector.shape_cast %broadcast_in_dim3A_282 : vector<16xf32> to vector<1x16xf32>
      tpu.vector_store %arg9[%swap3A, %swap3A_283], %swap3A_286 {strides = array<i32>} : memref<80x128xf32, #tpu.memory_space<vmem>>, vector<1x16xf32>,
      %scan3A_287 = arith.constant 0 : i32
      scf.yield %scan3A_287 : i32
    }
    %scan3A_21 = arith.constant 640 : i32
    %scan3A_22 = arith.constant 0 : i32
    %scan3A_23 = arith.constant 0 : i32
    %scan3A_24 = arith.constant 8 : i32
    %scan3A_25 = arith.addi %scan3A_23, %scan3A_24 : i32
    %scan3A_26 = arith.constant 1 : i32
    %scan3A_27 = scf.for %scan3A_248 = %scan3A_23 to %scan3A_25 step %scan3A_26 iter_args(%scan3A_249 = %scan3A_22) -> (i32)  : i32 {
      %mul3A_250 = arith.constant 640 : i32
      %mul3A_251 = arith.muli %arg1, %mul3A_250 : i32
      %mul3A_252 = arith.constant 80 : i32
      %mul3A_253 = arith.muli %scan3A_248, %mul3A_252 : i32
      %add3A_254 = arith.addi %mul3A_251, %mul3A_253 : i32
      "tpu.region"() ({
        %run_scoped3A = tpu.sem_alloc : memref<!tpu.dma_semaphore, #tpu.memory_space<semaphore_mem>>
        %dma_start3A_256 = arith.constant 0 : i32
        %dma_start3A_257 = tpu.memref_slice %arg10[%add3A_254, %dma_start3A_256] : memref<10240x128xf32, #tpu.memory_space<vmem_shared>> -> memref<80x128xf32, #tpu.memory_space<vmem_shared>>
        %dma_start3A_258 = arith.constant 0 : i32
        %dma_start3A_259 = tpu.memref_slice %arg10[%add3A_254, %dma_start3A_258] : memref<10240x128xf32, #tpu.memory_space<vmem_shared>> -> memref<80x128xf32, #tpu.memory_space<vmem_shared>>
        tpu.enqueue_dma source(%arg9 : memref<80x128xf32, #tpu.memory_space<vmem>>) target(%dma_start3A_259 : memref<80x128xf32, #tpu.memory_space<vmem_shared>>) target_semaphore(%run_scoped3A : memref<!tpu.dma_semaphore, #tpu.memory_space<semaphore_mem>>)
        %dma_wait3A_260 = arith.constant 0 : i32
        %dma_wait3A_261 = tpu.memref_slice %arg10[%add3A_254, %dma_wait3A_260] : memref<10240x128xf32, #tpu.memory_space<vmem_shared>> -> memref<80x128xf32, #tpu.memory_space<vmem_shared>>
        %dma_wait3A_262 = arith.constant 0 : i32
        %dma_wait3A_263 = tpu.memref_slice %arg10[%add3A_254, %dma_wait3A_262] : memref<10240x128xf32, #tpu.memory_space<vmem_shared>> -> memref<80x128xf32, #tpu.memory_space<vmem_shared>>
        tpu.wait_dma2 semaphore(%run_scoped3A : memref<!tpu.dma_semaphore, #tpu.memory_space<semaphore_mem>>) src(%arg9 : memref<80x128xf32, #tpu.memory_space<vmem>>) dst(%dma_wait3A_263 : memref<80x128xf32, #tpu.memory_space<vmem_shared>>)
        tpu.yield
      }) : () -> ()
      %scan3A_255 = arith.constant 0 : i32
      scf.yield %scan3A_255 : i32
    }
    %scan3A_28 = arith.constant 8 : i32
    %barrier3A = arith.constant 0 : index
    tpu.barrier barrier_id(%barrier3A)
    %scan3A_29 = arith.constant 0 : i32
    %scan3A_30 = arith.constant 0 : i32
    %scan3A_31 = arith.constant 8 : i32
    %scan3A_32 = arith.addi %scan3A_30, %scan3A_31 : i32
    %scan3A_33 = arith.constant 1 : i32
    %scan3A_34 = scf.for %scan3A_248 = %scan3A_30 to %scan3A_32 step %scan3A_33 iter_args(%scan3A_249 = %scan3A_29) -> (i32)  : i32 {
      %mul3A_250 = arith.constant 3 : i32
      %mul3A_251 = arith.muli %mul3A_250, %scan3A_248 : i32
      %add3A_252 = arith.constant 0 : i32
      %add3A_253 = arith.addi %mul3A_251, %add3A_252 : i32
      %mul3A_254 = arith.constant 80 : i32
      %mul3A_255 = arith.muli %add3A_253, %mul3A_254 : i32
      %dma_wait3A_256 = tpu.memref_slice %arg5[%mul3A_255] : memref<2000xi32, #tpu.memory_space<vmem>> -> memref<80xi32, #tpu.memory_space<vmem>>
      %dma_wait3A_257 = arith.constant 0 : i32
      %dma_wait3A_258 = arith.constant 0 : i32
      %dma_wait3A_259 = tpu.memref_slice %arg2[%dma_wait3A_257, %dma_wait3A_258] : memref<10000x128xf32, #tpu.memory_space<hbm>> -> memref<10000x128xf32, #tpu.memory_space<hbm>>
      tpu.wait_indirect_dma semaphore(%arg11 : memref<!tpu.dma_semaphore, #tpu.memory_space<semaphore_mem>>) src(%dma_wait3A_259 : memref<10000x128xf32, #tpu.memory_space<hbm>>) dst(%arg7 : memref<80x128xf32, #tpu.memory_space<vmem>>)
      %mul3A_260 = arith.constant 80 : i32
      %mul3A_261 = arith.muli %add3A_253, %mul3A_260 : i32
      %dma_start3A_262 = tpu.memref_slice %arg6[%mul3A_261] : memref<2000xi32, #tpu.memory_space<vmem>> -> memref<80xi32, #tpu.memory_space<vmem>>
      %dma_start3A_263 = arith.constant 0 : i32
      %dma_start3A_264 = arith.constant 0 : i32
      %dma_start3A_265 = tpu.memref_slice %arg10[%dma_start3A_263, %dma_start3A_264] : memref<10240x128xf32, #tpu.memory_space<vmem_shared>> -> memref<10240x128xf32, #tpu.memory_space<vmem_shared>>
      tpu.enqueue_indirect_dma source(%arg7 : memref<80x128xf32, #tpu.memory_space<vmem>>) target(%dma_start3A_265 : memref<10240x128xf32, #tpu.memory_space<vmem_shared>>) offsets(%dma_start3A_262 : memref<80xi32, #tpu.memory_space<vmem>>) semaphore(%arg14 : memref<!tpu.dma_semaphore, #tpu.memory_space<semaphore_mem>>) {add = true}
      %gt3A = arith.constant 0 : i32
      %gt3A_266 = arith.cmpi sgt, %scan3A_248, %gt3A : i32
      %convert_element_type3A = arith.extui %gt3A_266 : i1 to i32
      %cond3A = arith.constant 0 : i32
      %cond3A_267 = arith.cmpi ne, %convert_element_type3A, %cond3A : i32
      scf.if %cond3A_267 {
        %mul3A_335 = arith.constant 80 : i32
        %mul3A_336 = arith.muli %add3A_253, %mul3A_335 : i32
        %dma_wait3A_337 = tpu.memref_slice %arg6[%mul3A_336] : memref<2000xi32, #tpu.memory_space<vmem>> -> memref<80xi32, #tpu.memory_space<vmem>>
        %dma_wait3A_338 = arith.constant 0 : i32
        %dma_wait3A_339 = arith.constant 0 : i32
        %dma_wait3A_340 = tpu.memref_slice %arg10[%dma_wait3A_338, %dma_wait3A_339] : memref<10240x128xf32, #tpu.memory_space<vmem_shared>> -> memref<10240x128xf32, #tpu.memory_space<vmem_shared>>
        tpu.wait_indirect_dma semaphore(%arg16 : memref<!tpu.dma_semaphore, #tpu.memory_space<semaphore_mem>>) src(%arg9 : memref<80x128xf32, #tpu.memory_space<vmem>>) dst(%dma_wait3A_340 : memref<10240x128xf32, #tpu.memory_space<vmem_shared>>)
      } else {
      }
      %add3A_268 = arith.constant 2 : i32
      %add3A_269 = arith.addi %add3A_253, %add3A_268 : i32
      %mul3A_270 = arith.constant 80 : i32
      %mul3A_271 = arith.muli %add3A_269, %mul3A_270 : i32
      %dma_start3A_272 = tpu.memref_slice %arg5[%mul3A_271] : memref<2000xi32, #tpu.memory_space<vmem>> -> memref<80xi32, #tpu.memory_space<vmem>>
      %dma_start3A_273 = arith.constant 0 : i32
      %dma_start3A_274 = arith.constant 0 : i32
      %dma_start3A_275 = tpu.memref_slice %arg2[%dma_start3A_273, %dma_start3A_274] : memref<10000x128xf32, #tpu.memory_space<hbm>> -> memref<10000x128xf32, #tpu.memory_space<hbm>>
      tpu.enqueue_indirect_dma source(%dma_start3A_275 : memref<10000x128xf32, #tpu.memory_space<hbm>>) target(%arg9 : memref<80x128xf32, #tpu.memory_space<vmem>>) offsets(%dma_start3A_272 : memref<80xi32, #tpu.memory_space<vmem>>) semaphore(%arg13 : memref<!tpu.dma_semaphore, #tpu.memory_space<semaphore_mem>>)
      %mul3A_276 = arith.constant 3 : i32
      %mul3A_277 = arith.muli %mul3A_276, %scan3A_248 : i32
      %add3A_278 = arith.constant 1 : i32
      %add3A_279 = arith.addi %mul3A_277, %add3A_278 : i32
      %mul3A_280 = arith.constant 80 : i32
      %mul3A_281 = arith.muli %add3A_279, %mul3A_280 : i32
      %dma_wait3A_282 = tpu.memref_slice %arg5[%mul3A_281] : memref<2000xi32, #tpu.memory_space<vmem>> -> memref<80xi32, #tpu.memory_space<vmem>>
      %dma_wait3A_283 = arith.constant 0 : i32
      %dma_wait3A_284 = arith.constant 0 : i32
      %dma_wait3A_285 = tpu.memref_slice %arg2[%dma_wait3A_283, %dma_wait3A_284] : memref<10000x128xf32, #tpu.memory_space<hbm>> -> memref<10000x128xf32, #tpu.memory_space<hbm>>
      tpu.wait_indirect_dma semaphore(%arg12 : memref<!tpu.dma_semaphore, #tpu.memory_space<semaphore_mem>>) src(%dma_wait3A_285 : memref<10000x128xf32, #tpu.memory_space<hbm>>) dst(%arg8 : memref<80x128xf32, #tpu.memory_space<vmem>>)
      %mul3A_286 = arith.constant 80 : i32
      %mul3A_287 = arith.muli %add3A_279, %mul3A_286 : i32
      %dma_start3A_288 = tpu.memref_slice %arg6[%mul3A_287] : memref<2000xi32, #tpu.memory_space<vmem>> -> memref<80xi32, #tpu.memory_space<vmem>>
      %dma_start3A_289 = arith.constant 0 : i32
      %dma_start3A_290 = arith.constant 0 : i32
      %dma_start3A_291 = tpu.memref_slice %arg10[%dma_start3A_289, %dma_start3A_290] : memref<10240x128xf32, #tpu.memory_space<vmem_shared>> -> memref<10240x128xf32, #tpu.memory_space<vmem_shared>>
      tpu.enqueue_indirect_dma source(%arg8 : memref<80x128xf32, #tpu.memory_space<vmem>>) target(%dma_start3A_291 : memref<10240x128xf32, #tpu.memory_space<vmem_shared>>) offsets(%dma_start3A_288 : memref<80xi32, #tpu.memory_space<vmem>>) semaphore(%arg15 : memref<!tpu.dma_semaphore, #tpu.memory_space<semaphore_mem>>) {add = true}
      %mul3A_292 = arith.constant 80 : i32
      %mul3A_293 = arith.muli %add3A_279, %mul3A_292 : i32
      %dma_wait3A_294 = tpu.memref_slice %arg6[%mul3A_293] : memref<2000xi32, #tpu.memory_space<vmem>> -> memref<80xi32, #tpu.memory_space<vmem>>
      %dma_wait3A_295 = arith.constant 0 : i32
      %dma_wait3A_296 = arith.constant 0 : i32
      %dma_wait3A_297 = tpu.memref_slice %arg10[%dma_wait3A_295, %dma_wait3A_296] : memref<10240x128xf32, #tpu.memory_space<vmem_shared>> -> memref<10240x128xf32, #tpu.memory_space<vmem_shared>>
      tpu.wait_indirect_dma semaphore(%arg14 : memref<!tpu.dma_semaphore, #tpu.memory_space<semaphore_mem>>) src(%arg7 : memref<80x128xf32, #tpu.memory_space<vmem>>) dst(%dma_wait3A_297 : memref<10240x128xf32, #tpu.memory_space<vmem_shared>>)
      %add3A_298 = arith.constant 2 : i32
      %add3A_299 = arith.addi %add3A_279, %add3A_298 : i32
      %mul3A_300 = arith.constant 80 : i32
      %mul3A_301 = arith.muli %add3A_299, %mul3A_300 : i32
      %dma_start3A_302 = tpu.memref_slice %arg5[%mul3A_301] : memref<2000xi32, #tpu.memory_space<vmem>> -> memref<80xi32, #tpu.memory_space<vmem>>
      %dma_start3A_303 = arith.constant 0 : i32
      %dma_start3A_304 = arith.constant 0 : i32
      %dma_start3A_305 = tpu.memref_slice %arg2[%dma_start3A_303, %dma_start3A_304] : memref<10000x128xf32, #tpu.memory_space<hbm>> -> memref<10000x128xf32, #tpu.memory_space<hbm>>
      tpu.enqueue_indirect_dma source(%dma_start3A_305 : memref<10000x128xf32, #tpu.memory_space<hbm>>) target(%arg7 : memref<80x128xf32, #tpu.memory_space<vmem>>) offsets(%dma_start3A_302 : memref<80xi32, #tpu.memory_space<vmem>>) semaphore(%arg11 : memref<!tpu.dma_semaphore, #tpu.memory_space<semaphore_mem>>)
      %mul3A_306 = arith.constant 3 : i32
      %mul3A_307 = arith.muli %mul3A_306, %scan3A_248 : i32
      %add3A_308 = arith.constant 2 : i32
      %add3A_309 = arith.addi %mul3A_307, %add3A_308 : i32
      %mul3A_310 = arith.constant 80 : i32
      %mul3A_311 = arith.muli %add3A_309, %mul3A_310 : i32
      %dma_wait3A_312 = tpu.memref_slice %arg5[%mul3A_311] : memref<2000xi32, #tpu.memory_space<vmem>> -> memref<80xi32, #tpu.memory_space<vmem>>
      %dma_wait3A_313 = arith.constant 0 : i32
      %dma_wait3A_314 = arith.constant 0 : i32
      %dma_wait3A_315 = tpu.memref_slice %arg2[%dma_wait3A_313, %dma_wait3A_314] : memref<10000x128xf32, #tpu.memory_space<hbm>> -> memref<10000x128xf32, #tpu.memory_space<hbm>>
      tpu.wait_indirect_dma semaphore(%arg13 : memref<!tpu.dma_semaphore, #tpu.memory_space<semaphore_mem>>) src(%dma_wait3A_315 : memref<10000x128xf32, #tpu.memory_space<hbm>>) dst(%arg9 : memref<80x128xf32, #tpu.memory_space<vmem>>)
      %mul3A_316 = arith.constant 80 : i32
      %mul3A_317 = arith.muli %add3A_309, %mul3A_316 : i32
      %dma_start3A_318 = tpu.memref_slice %arg6[%mul3A_317] : memref<2000xi32, #tpu.memory_space<vmem>> -> memref<80xi32, #tpu.memory_space<vmem>>
      %dma_start3A_319 = arith.constant 0 : i32
      %dma_start3A_320 = arith.constant 0 : i32
      %dma_start3A_321 = tpu.memref_slice %arg10[%dma_start3A_319, %dma_start3A_320] : memref<10240x128xf32, #tpu.memory_space<vmem_shared>> -> memref<10240x128xf32, #tpu.memory_space<vmem_shared>>
      tpu.enqueue_indirect_dma source(%arg9 : memref<80x128xf32, #tpu.memory_space<vmem>>) target(%dma_start3A_321 : memref<10240x128xf32, #tpu.memory_space<vmem_shared>>) offsets(%dma_start3A_318 : memref<80xi32, #tpu.memory_space<vmem>>) semaphore(%arg16 : memref<!tpu.dma_semaphore, #tpu.memory_space<semaphore_mem>>) {add = true}
      %mul3A_322 = arith.constant 80 : i32
      %mul3A_323 = arith.muli %add3A_309, %mul3A_322 : i32
      %dma_wait3A_324 = tpu.memref_slice %arg6[%mul3A_323] : memref<2000xi32, #tpu.memory_space<vmem>> -> memref<80xi32, #tpu.memory_space<vmem>>
      %dma_wait3A_325 = arith.constant 0 : i32
      %dma_wait3A_326 = arith.constant 0 : i32
      %dma_wait3A_327 = tpu.memref_slice %arg10[%dma_wait3A_325, %dma_wait3A_326] : memref<10240x128xf32, #tpu.memory_space<vmem_shared>> -> memref<10240x128xf32, #tpu.memory_space<vmem_shared>>
      tpu.wait_indirect_dma semaphore(%arg15 : memref<!tpu.dma_semaphore, #tpu.memory_space<semaphore_mem>>) src(%arg8 : memref<80x128xf32, #tpu.memory_space<vmem>>) dst(%dma_wait3A_327 : memref<10240x128xf32, #tpu.memory_space<vmem_shared>>)
      %add3A_328 = arith.constant 1 : i32
      %add3A_329 = arith.addi %scan3A_248, %add3A_328 : i32
      %lt3A = arith.constant 8 : i32
      %lt3A_330 = arith.cmpi slt, %add3A_329, %lt3A : i32
      %convert_element_type3A_331 = arith.extui %lt3A_330 : i1 to i32
      %cond3A_332 = arith.constant 0 : i32
      %cond3A_333 = arith.cmpi ne, %convert_element_type3A_331, %cond3A_332 : i32
      scf.if %cond3A_333 {
        %add3A_335 = arith.constant 2 : i32
        %add3A_336 = arith.addi %add3A_309, %add3A_335 : i32
        %mul3A_337 = arith.constant 80 : i32
        %mul3A_338 = arith.muli %add3A_336, %mul3A_337 : i32
        %dma_start3A_339 = tpu.memref_slice %arg5[%mul3A_338] : memref<2000xi32, #tpu.memory_space<vmem>> -> memref<80xi32, #tpu.memory_space<vmem>>
        %dma_start3A_340 = arith.constant 0 : i32
        %dma_start3A_341 = arith.constant 0 : i32
        %dma_start3A_342 = tpu.memref_slice %arg2[%dma_start3A_340, %dma_start3A_341] : memref<10000x128xf32, #tpu.memory_space<hbm>> -> memref<10000x128xf32, #tpu.memory_space<hbm>>
        tpu.enqueue_indirect_dma source(%dma_start3A_342 : memref<10000x128xf32, #tpu.memory_space<hbm>>) target(%arg8 : memref<80x128xf32, #tpu.memory_space<vmem>>) offsets(%dma_start3A_339 : memref<80xi32, #tpu.memory_space<vmem>>) semaphore(%arg12 : memref<!tpu.dma_semaphore, #tpu.memory_space<semaphore_mem>>)
      } else {
      }
      %scan3A_334 = arith.constant 0 : i32
      scf.yield %scan3A_334 : i32
    }
    %scan3A_35 = arith.constant 8 : i32
    %dma_wait3A = arith.constant 1920 : i32
    %dma_wait3A_36 = tpu.memref_slice %arg5[%dma_wait3A] : memref<2000xi32, #tpu.memory_space<vmem>> -> memref<80xi32, #tpu.memory_space<vmem>>
    %dma_wait3A_37 = arith.constant 0 : i32
    %dma_wait3A_38 = arith.constant 0 : i32
    %dma_wait3A_39 = tpu.memref_slice %arg2[%dma_wait3A_37, %dma_wait3A_38] : memref<10000x128xf32, #tpu.memory_space<hbm>> -> memref<10000x128xf32, #tpu.memory_space<hbm>>
    tpu.wait_indirect_dma semaphore(%arg11 : memref<!tpu.dma_semaphore, #tpu.memory_space<semaphore_mem>>) src(%dma_wait3A_39 : memref<10000x128xf32, #tpu.memory_space<hbm>>) dst(%arg7 : memref<80x128xf32, #tpu.memory_space<vmem>>)
    %dma_start3A_40 = arith.constant 1920 : i32
    %dma_start3A_41 = tpu.memref_slice %arg6[%dma_start3A_40] : memref<2000xi32, #tpu.memory_space<vmem>> -> memref<80xi32, #tpu.memory_space<vmem>>
    %dma_start3A_42 = arith.constant 0 : i32
    %dma_start3A_43 = arith.constant 0 : i32
    %dma_start3A_44 = tpu.memref_slice %arg10[%dma_start3A_42, %dma_start3A_43] : memref<10240x128xf32, #tpu.memory_space<vmem_shared>> -> memref<10240x128xf32, #tpu.memory_space<vmem_shared>>
    tpu.enqueue_indirect_dma source(%arg7 : memref<80x128xf32, #tpu.memory_space<vmem>>) target(%dma_start3A_44 : memref<10240x128xf32, #tpu.memory_space<vmem_shared>>) offsets(%dma_start3A_41 : memref<80xi32, #tpu.memory_space<vmem>>) semaphore(%arg14 : memref<!tpu.dma_semaphore, #tpu.memory_space<semaphore_mem>>) {add = true}
    %mul3A_45 = arith.constant 10000 : i32
    %mul3A_46 = arith.muli %add3A, %mul3A_45 : i32
    %add3A_47 = arith.constant 2000 : i32
    %add3A_48 = arith.addi %mul3A_46, %add3A_47 : i32
    "tpu.region"() ({
      %run_scoped3A = tpu.sem_alloc : memref<!tpu.dma_semaphore, #tpu.memory_space<semaphore_mem>>
      %dma_start3A_248 = tpu.memref_slice %arg3[%add3A_48] : memref<640000xi32, #tpu.memory_space<hbm>> -> memref<2000xi32, #tpu.memory_space<hbm>>
      %dma_start3A_249 = tpu.memref_slice %arg3[%add3A_48] : memref<640000xi32, #tpu.memory_space<hbm>> -> memref<2000xi32, #tpu.memory_space<hbm>>
      tpu.enqueue_dma source(%dma_start3A_249 : memref<2000xi32, #tpu.memory_space<hbm>>) target(%arg5 : memref<2000xi32, #tpu.memory_space<vmem>>) target_semaphore(%run_scoped3A : memref<!tpu.dma_semaphore, #tpu.memory_space<semaphore_mem>>)
      %dma_wait3A_250 = tpu.memref_slice %arg3[%add3A_48] : memref<640000xi32, #tpu.memory_space<hbm>> -> memref<2000xi32, #tpu.memory_space<hbm>>
      %dma_wait3A_251 = tpu.memref_slice %arg3[%add3A_48] : memref<640000xi32, #tpu.memory_space<hbm>> -> memref<2000xi32, #tpu.memory_space<hbm>>
      tpu.wait_dma2 semaphore(%run_scoped3A : memref<!tpu.dma_semaphore, #tpu.memory_space<semaphore_mem>>) src(%dma_wait3A_251 : memref<2000xi32, #tpu.memory_space<hbm>>) dst(%arg5 : memref<2000xi32, #tpu.memory_space<vmem>>)
      tpu.yield
    }) : () -> ()
    %dma_start3A_49 = arith.constant 80 : i32
    %dma_start3A_50 = tpu.memref_slice %arg5[%dma_start3A_49] : memref<2000xi32, #tpu.memory_space<vmem>> -> memref<80xi32, #tpu.memory_space<vmem>>
    %dma_start3A_51 = arith.constant 0 : i32
    %dma_start3A_52 = arith.constant 0 : i32
    %dma_start3A_53 = tpu.memref_slice %arg2[%dma_start3A_51, %dma_start3A_52] : memref<10000x128xf32, #tpu.memory_space<hbm>> -> memref<10000x128xf32, #tpu.memory_space<hbm>>
    tpu.enqueue_indirect_dma source(%dma_start3A_53 : memref<10000x128xf32, #tpu.memory_space<hbm>>) target(%arg8 : memref<80x128xf32, #tpu.memory_space<vmem>>) offsets(%dma_start3A_50 : memref<80xi32, #tpu.memory_space<vmem>>) semaphore(%arg12 : memref<!tpu.dma_semaphore, #tpu.memory_space<semaphore_mem>>)
    %dma_wait3A_54 = arith.constant 1840 : i32
    %dma_wait3A_55 = tpu.memref_slice %arg6[%dma_wait3A_54] : memref<2000xi32, #tpu.memory_space<vmem>> -> memref<80xi32, #tpu.memory_space<vmem>>
    %dma_wait3A_56 = arith.constant 0 : i32
    %dma_wait3A_57 = arith.constant 0 : i32
    %dma_wait3A_58 = tpu.memref_slice %arg10[%dma_wait3A_56, %dma_wait3A_57] : memref<10240x128xf32, #tpu.memory_space<vmem_shared>> -> memref<10240x128xf32, #tpu.memory_space<vmem_shared>>
    tpu.wait_indirect_dma semaphore(%arg16 : memref<!tpu.dma_semaphore, #tpu.memory_space<semaphore_mem>>) src(%arg9 : memref<80x128xf32, #tpu.memory_space<vmem>>) dst(%dma_wait3A_58 : memref<10240x128xf32, #tpu.memory_space<vmem_shared>>)
    %dma_wait3A_59 = arith.constant 1920 : i32
    %dma_wait3A_60 = tpu.memref_slice %arg6[%dma_wait3A_59] : memref<2000xi32, #tpu.memory_space<vmem>> -> memref<80xi32, #tpu.memory_space<vmem>>
    %dma_wait3A_61 = arith.constant 0 : i32
    %dma_wait3A_62 = arith.constant 0 : i32
    %dma_wait3A_63 = tpu.memref_slice %arg10[%dma_wait3A_61, %dma_wait3A_62] : memref<10240x128xf32, #tpu.memory_space<vmem_shared>> -> memref<10240x128xf32, #tpu.memory_space<vmem_shared>>
    tpu.wait_indirect_dma semaphore(%arg14 : memref<!tpu.dma_semaphore, #tpu.memory_space<semaphore_mem>>) src(%arg7 : memref<80x128xf32, #tpu.memory_space<vmem>>) dst(%dma_wait3A_63 : memref<10240x128xf32, #tpu.memory_space<vmem_shared>>)
    %mul3A_64 = arith.constant 10000 : i32
    %mul3A_65 = arith.muli %add3A, %mul3A_64 : i32
    %add3A_66 = arith.constant 320000 : i32
    %add3A_67 = arith.addi %add3A_66, %mul3A_65 : i32
    %add3A_68 = arith.constant 2000 : i32
    %add3A_69 = arith.addi %add3A_67, %add3A_68 : i32
    "tpu.region"() ({
      %run_scoped3A = tpu.sem_alloc : memref<!tpu.dma_semaphore, #tpu.memory_space<semaphore_mem>>
      %dma_start3A_248 = tpu.memref_slice %arg3[%add3A_69] : memref<640000xi32, #tpu.memory_space<hbm>> -> memref<2000xi32, #tpu.memory_space<hbm>>
      %dma_start3A_249 = tpu.memref_slice %arg3[%add3A_69] : memref<640000xi32, #tpu.memory_space<hbm>> -> memref<2000xi32, #tpu.memory_space<hbm>>
      tpu.enqueue_dma source(%dma_start3A_249 : memref<2000xi32, #tpu.memory_space<hbm>>) target(%arg6 : memref<2000xi32, #tpu.memory_space<vmem>>) target_semaphore(%run_scoped3A : memref<!tpu.dma_semaphore, #tpu.memory_space<semaphore_mem>>)
      %dma_wait3A_250 = tpu.memref_slice %arg3[%add3A_69] : memref<640000xi32, #tpu.memory_space<hbm>> -> memref<2000xi32, #tpu.memory_space<hbm>>
      %dma_wait3A_251 = tpu.memref_slice %arg3[%add3A_69] : memref<640000xi32, #tpu.memory_space<hbm>> -> memref<2000xi32, #tpu.memory_space<hbm>>
      tpu.wait_dma2 semaphore(%run_scoped3A : memref<!tpu.dma_semaphore, #tpu.memory_space<semaphore_mem>>) src(%dma_wait3A_251 : memref<2000xi32, #tpu.memory_space<hbm>>) dst(%arg6 : memref<2000xi32, #tpu.memory_space<vmem>>)
      tpu.yield
    }) : () -> ()
    %dma_start3A_70 = arith.constant 0 : i32
    %dma_start3A_71 = tpu.memref_slice %arg5[%dma_start3A_70] : memref<2000xi32, #tpu.memory_space<vmem>> -> memref<80xi32, #tpu.memory_space<vmem>>
    %dma_start3A_72 = arith.constant 0 : i32
    %dma_start3A_73 = arith.constant 0 : i32
    %dma_start3A_74 = tpu.memref_slice %arg2[%dma_start3A_72, %dma_start3A_73] : memref<10000x128xf32, #tpu.memory_space<hbm>> -> memref<10000x128xf32, #tpu.memory_space<hbm>>
    tpu.enqueue_indirect_dma source(%dma_start3A_74 : memref<10000x128xf32, #tpu.memory_space<hbm>>) target(%arg7 : memref<80x128xf32, #tpu.memory_space<vmem>>) offsets(%dma_start3A_71 : memref<80xi32, #tpu.memory_space<vmem>>) semaphore(%arg11 : memref<!tpu.dma_semaphore, #tpu.memory_space<semaphore_mem>>)
    %scan3A_75 = arith.constant 0 : i32
    %scan3A_76 = arith.constant 0 : i32
    %scan3A_77 = arith.constant 8 : i32
    %scan3A_78 = arith.addi %scan3A_76, %scan3A_77 : i32
    %scan3A_79 = arith.constant 1 : i32
    %scan3A_80 = scf.for %scan3A_248 = %scan3A_76 to %scan3A_78 step %scan3A_79 iter_args(%scan3A_249 = %scan3A_75) -> (i32)  : i32 {
      %mul3A_250 = arith.constant 3 : i32
      %mul3A_251 = arith.muli %mul3A_250, %scan3A_248 : i32
      %add3A_252 = arith.constant 0 : i32
      %add3A_253 = arith.addi %mul3A_251, %add3A_252 : i32
      %mul3A_254 = arith.constant 80 : i32
      %mul3A_255 = arith.muli %add3A_253, %mul3A_254 : i32
      %dma_wait3A_256 = tpu.memref_slice %arg5[%mul3A_255] : memref<2000xi32, #tpu.memory_space<vmem>> -> memref<80xi32, #tpu.memory_space<vmem>>
      %dma_wait3A_257 = arith.constant 0 : i32
      %dma_wait3A_258 = arith.constant 0 : i32
      %dma_wait3A_259 = tpu.memref_slice %arg2[%dma_wait3A_257, %dma_wait3A_258] : memref<10000x128xf32, #tpu.memory_space<hbm>> -> memref<10000x128xf32, #tpu.memory_space<hbm>>
      tpu.wait_indirect_dma semaphore(%arg11 : memref<!tpu.dma_semaphore, #tpu.memory_space<semaphore_mem>>) src(%dma_wait3A_259 : memref<10000x128xf32, #tpu.memory_space<hbm>>) dst(%arg7 : memref<80x128xf32, #tpu.memory_space<vmem>>)
      %mul3A_260 = arith.constant 80 : i32
      %mul3A_261 = arith.muli %add3A_253, %mul3A_260 : i32
      %dma_start3A_262 = tpu.memref_slice %arg6[%mul3A_261] : memref<2000xi32, #tpu.memory_space<vmem>> -> memref<80xi32, #tpu.memory_space<vmem>>
      %dma_start3A_263 = arith.constant 0 : i32
      %dma_start3A_264 = arith.constant 0 : i32
      %dma_start3A_265 = tpu.memref_slice %arg10[%dma_start3A_263, %dma_start3A_264] : memref<10240x128xf32, #tpu.memory_space<vmem_shared>> -> memref<10240x128xf32, #tpu.memory_space<vmem_shared>>
      tpu.enqueue_indirect_dma source(%arg7 : memref<80x128xf32, #tpu.memory_space<vmem>>) target(%dma_start3A_265 : memref<10240x128xf32, #tpu.memory_space<vmem_shared>>) offsets(%dma_start3A_262 : memref<80xi32, #tpu.memory_space<vmem>>) semaphore(%arg14 : memref<!tpu.dma_semaphore, #tpu.memory_space<semaphore_mem>>) {add = true}
      %gt3A = arith.constant 0 : i32
      %gt3A_266 = arith.cmpi sgt, %scan3A_248, %gt3A : i32
      %convert_element_type3A = arith.extui %gt3A_266 : i1 to i32
      %cond3A = arith.constant 0 : i32
      %cond3A_267 = arith.cmpi ne, %convert_element_type3A, %cond3A : i32
      scf.if %cond3A_267 {
        %mul3A_335 = arith.constant 80 : i32
        %mul3A_336 = arith.muli %add3A_253, %mul3A_335 : i32
        %dma_wait3A_337 = tpu.memref_slice %arg6[%mul3A_336] : memref<2000xi32, #tpu.memory_space<vmem>> -> memref<80xi32, #tpu.memory_space<vmem>>
        %dma_wait3A_338 = arith.constant 0 : i32
        %dma_wait3A_339 = arith.constant 0 : i32
        %dma_wait3A_340 = tpu.memref_slice %arg10[%dma_wait3A_338, %dma_wait3A_339] : memref<10240x128xf32, #tpu.memory_space<vmem_shared>> -> memref<10240x128xf32, #tpu.memory_space<vmem_shared>>
        tpu.wait_indirect_dma semaphore(%arg16 : memref<!tpu.dma_semaphore, #tpu.memory_space<semaphore_mem>>) src(%arg9 : memref<80x128xf32, #tpu.memory_space<vmem>>) dst(%dma_wait3A_340 : memref<10240x128xf32, #tpu.memory_space<vmem_shared>>)
      } else {
      }
      %add3A_268 = arith.constant 2 : i32
      %add3A_269 = arith.addi %add3A_253, %add3A_268 : i32
      %mul3A_270 = arith.constant 80 : i32
      %mul3A_271 = arith.muli %add3A_269, %mul3A_270 : i32
      %dma_start3A_272 = tpu.memref_slice %arg5[%mul3A_271] : memref<2000xi32, #tpu.memory_space<vmem>> -> memref<80xi32, #tpu.memory_space<vmem>>
      %dma_start3A_273 = arith.constant 0 : i32
      %dma_start3A_274 = arith.constant 0 : i32
      %dma_start3A_275 = tpu.memref_slice %arg2[%dma_start3A_273, %dma_start3A_274] : memref<10000x128xf32, #tpu.memory_space<hbm>> -> memref<10000x128xf32, #tpu.memory_space<hbm>>
      tpu.enqueue_indirect_dma source(%dma_start3A_275 : memref<10000x128xf32, #tpu.memory_space<hbm>>) target(%arg9 : memref<80x128xf32, #tpu.memory_space<vmem>>) offsets(%dma_start3A_272 : memref<80xi32, #tpu.memory_space<vmem>>) semaphore(%arg13 : memref<!tpu.dma_semaphore, #tpu.memory_space<semaphore_mem>>)
      %mul3A_276 = arith.constant 3 : i32
      %mul3A_277 = arith.muli %mul3A_276, %scan3A_248 : i32
      %add3A_278 = arith.constant 1 : i32
      %add3A_279 = arith.addi %mul3A_277, %add3A_278 : i32
      %mul3A_280 = arith.constant 80 : i32
      %mul3A_281 = arith.muli %add3A_279, %mul3A_280 : i32
      %dma_wait3A_282 = tpu.memref_slice %arg5[%mul3A_281] : memref<2000xi32, #tpu.memory_space<vmem>> -> memref<80xi32, #tpu.memory_space<vmem>>
      %dma_wait3A_283 = arith.constant 0 : i32
      %dma_wait3A_284 = arith.constant 0 : i32
      %dma_wait3A_285 = tpu.memref_slice %arg2[%dma_wait3A_283, %dma_wait3A_284] : memref<10000x128xf32, #tpu.memory_space<hbm>> -> memref<10000x128xf32, #tpu.memory_space<hbm>>
      tpu.wait_indirect_dma semaphore(%arg12 : memref<!tpu.dma_semaphore, #tpu.memory_space<semaphore_mem>>) src(%dma_wait3A_285 : memref<10000x128xf32, #tpu.memory_space<hbm>>) dst(%arg8 : memref<80x128xf32, #tpu.memory_space<vmem>>)
      %mul3A_286 = arith.constant 80 : i32
      %mul3A_287 = arith.muli %add3A_279, %mul3A_286 : i32
      %dma_start3A_288 = tpu.memref_slice %arg6[%mul3A_287] : memref<2000xi32, #tpu.memory_space<vmem>> -> memref<80xi32, #tpu.memory_space<vmem>>
      %dma_start3A_289 = arith.constant 0 : i32
      %dma_start3A_290 = arith.constant 0 : i32
      %dma_start3A_291 = tpu.memref_slice %arg10[%dma_start3A_289, %dma_start3A_290] : memref<10240x128xf32, #tpu.memory_space<vmem_shared>> -> memref<10240x128xf32, #tpu.memory_space<vmem_shared>>
      tpu.enqueue_indirect_dma source(%arg8 : memref<80x128xf32, #tpu.memory_space<vmem>>) target(%dma_start3A_291 : memref<10240x128xf32, #tpu.memory_space<vmem_shared>>) offsets(%dma_start3A_288 : memref<80xi32, #tpu.memory_space<vmem>>) semaphore(%arg15 : memref<!tpu.dma_semaphore, #tpu.memory_space<semaphore_mem>>) {add = true}
      %mul3A_292 = arith.constant 80 : i32
      %mul3A_293 = arith.muli %add3A_279, %mul3A_292 : i32
      %dma_wait3A_294 = tpu.memref_slice %arg6[%mul3A_293] : memref<2000xi32, #tpu.memory_space<vmem>> -> memref<80xi32, #tpu.memory_space<vmem>>
      %dma_wait3A_295 = arith.constant 0 : i32
      %dma_wait3A_296 = arith.constant 0 : i32
      %dma_wait3A_297 = tpu.memref_slice %arg10[%dma_wait3A_295, %dma_wait3A_296] : memref<10240x128xf32, #tpu.memory_space<vmem_shared>> -> memref<10240x128xf32, #tpu.memory_space<vmem_shared>>
      tpu.wait_indirect_dma semaphore(%arg14 : memref<!tpu.dma_semaphore, #tpu.memory_space<semaphore_mem>>) src(%arg7 : memref<80x128xf32, #tpu.memory_space<vmem>>) dst(%dma_wait3A_297 : memref<10240x128xf32, #tpu.memory_space<vmem_shared>>)
      %add3A_298 = arith.constant 2 : i32
      %add3A_299 = arith.addi %add3A_279, %add3A_298 : i32
      %mul3A_300 = arith.constant 80 : i32
      %mul3A_301 = arith.muli %add3A_299, %mul3A_300 : i32
      %dma_start3A_302 = tpu.memref_slice %arg5[%mul3A_301] : memref<2000xi32, #tpu.memory_space<vmem>> -> memref<80xi32, #tpu.memory_space<vmem>>
      %dma_start3A_303 = arith.constant 0 : i32
      %dma_start3A_304 = arith.constant 0 : i32
      %dma_start3A_305 = tpu.memref_slice %arg2[%dma_start3A_303, %dma_start3A_304] : memref<10000x128xf32, #tpu.memory_space<hbm>> -> memref<10000x128xf32, #tpu.memory_space<hbm>>
      tpu.enqueue_indirect_dma source(%dma_start3A_305 : memref<10000x128xf32, #tpu.memory_space<hbm>>) target(%arg7 : memref<80x128xf32, #tpu.memory_space<vmem>>) offsets(%dma_start3A_302 : memref<80xi32, #tpu.memory_space<vmem>>) semaphore(%arg11 : memref<!tpu.dma_semaphore, #tpu.memory_space<semaphore_mem>>)
      %mul3A_306 = arith.constant 3 : i32
      %mul3A_307 = arith.muli %mul3A_306, %scan3A_248 : i32
      %add3A_308 = arith.constant 2 : i32
      %add3A_309 = arith.addi %mul3A_307, %add3A_308 : i32
      %mul3A_310 = arith.constant 80 : i32
      %mul3A_311 = arith.muli %add3A_309, %mul3A_310 : i32
      %dma_wait3A_312 = tpu.memref_slice %arg5[%mul3A_311] : memref<2000xi32, #tpu.memory_space<vmem>> -> memref<80xi32, #tpu.memory_space<vmem>>
      %dma_wait3A_313 = arith.constant 0 : i32
      %dma_wait3A_314 = arith.constant 0 : i32
      %dma_wait3A_315 = tpu.memref_slice %arg2[%dma_wait3A_313, %dma_wait3A_314] : memref<10000x128xf32, #tpu.memory_space<hbm>> -> memref<10000x128xf32, #tpu.memory_space<hbm>>
      tpu.wait_indirect_dma semaphore(%arg13 : memref<!tpu.dma_semaphore, #tpu.memory_space<semaphore_mem>>) src(%dma_wait3A_315 : memref<10000x128xf32, #tpu.memory_space<hbm>>) dst(%arg9 : memref<80x128xf32, #tpu.memory_space<vmem>>)
      %mul3A_316 = arith.constant 80 : i32
      %mul3A_317 = arith.muli %add3A_309, %mul3A_316 : i32
      %dma_start3A_318 = tpu.memref_slice %arg6[%mul3A_317] : memref<2000xi32, #tpu.memory_space<vmem>> -> memref<80xi32, #tpu.memory_space<vmem>>
      %dma_start3A_319 = arith.constant 0 : i32
      %dma_start3A_320 = arith.constant 0 : i32
      %dma_start3A_321 = tpu.memref_slice %arg10[%dma_start3A_319, %dma_start3A_320] : memref<10240x128xf32, #tpu.memory_space<vmem_shared>> -> memref<10240x128xf32, #tpu.memory_space<vmem_shared>>
      tpu.enqueue_indirect_dma source(%arg9 : memref<80x128xf32, #tpu.memory_space<vmem>>) target(%dma_start3A_321 : memref<10240x128xf32, #tpu.memory_space<vmem_shared>>) offsets(%dma_start3A_318 : memref<80xi32, #tpu.memory_space<vmem>>) semaphore(%arg16 : memref<!tpu.dma_semaphore, #tpu.memory_space<semaphore_mem>>) {add = true}
      %mul3A_322 = arith.constant 80 : i32
      %mul3A_323 = arith.muli %add3A_309, %mul3A_322 : i32
      %dma_wait3A_324 = tpu.memref_slice %arg6[%mul3A_323] : memref<2000xi32, #tpu.memory_space<vmem>> -> memref<80xi32, #tpu.memory_space<vmem>>
      %dma_wait3A_325 = arith.constant 0 : i32
      %dma_wait3A_326 = arith.constant 0 : i32
      %dma_wait3A_327 = tpu.memref_slice %arg10[%dma_wait3A_325, %dma_wait3A_326] : memref<10240x128xf32, #tpu.memory_space<vmem_shared>> -> memref<10240x128xf32, #tpu.memory_space<vmem_shared>>
      tpu.wait_indirect_dma semaphore(%arg15 : memref<!tpu.dma_semaphore, #tpu.memory_space<semaphore_mem>>) src(%arg8 : memref<80x128xf32, #tpu.memory_space<vmem>>) dst(%dma_wait3A_327 : memref<10240x128xf32, #tpu.memory_space<vmem_shared>>)
      %add3A_328 = arith.constant 1 : i32
      %add3A_329 = arith.addi %scan3A_248, %add3A_328 : i32
      %lt3A = arith.constant 8 : i32
      %lt3A_330 = arith.cmpi slt, %add3A_329, %lt3A : i32
      %convert_element_type3A_331 = arith.extui %lt3A_330 : i1 to i32
      %cond3A_332 = arith.constant 0 : i32
      %cond3A_333 = arith.cmpi ne, %convert_element_type3A_331, %cond3A_332 : i32
      scf.if %cond3A_333 {
        %add3A_335 = arith.constant 2 : i32
        %add3A_336 = arith.addi %add3A_309, %add3A_335 : i32
        %mul3A_337 = arith.constant 80 : i32
        %mul3A_338 = arith.muli %add3A_336, %mul3A_337 : i32
        %dma_start3A_339 = tpu.memref_slice %arg5[%mul3A_338] : memref<2000xi32, #tpu.memory_space<vmem>> -> memref<80xi32, #tpu.memory_space<vmem>>
        %dma_start3A_340 = arith.constant 0 : i32
        %dma_start3A_341 = arith.constant 0 : i32
        %dma_start3A_342 = tpu.memref_slice %arg2[%dma_start3A_340, %dma_start3A_341] : memref<10000x128xf32, #tpu.memory_space<hbm>> -> memref<10000x128xf32, #tpu.memory_space<hbm>>
        tpu.enqueue_indirect_dma source(%dma_start3A_342 : memref<10000x128xf32, #tpu.memory_space<hbm>>) target(%arg8 : memref<80x128xf32, #tpu.memory_space<vmem>>) offsets(%dma_start3A_339 : memref<80xi32, #tpu.memory_space<vmem>>) semaphore(%arg12 : memref<!tpu.dma_semaphore, #tpu.memory_space<semaphore_mem>>)
      } else {
      }
      %scan3A_334 = arith.constant 0 : i32
      scf.yield %scan3A_334 : i32
    }
    %scan3A_81 = arith.constant 8 : i32
    %dma_wait3A_82 = arith.constant 1920 : i32
    %dma_wait3A_83 = tpu.memref_slice %arg5[%dma_wait3A_82] : memref<2000xi32, #tpu.memory_space<vmem>> -> memref<80xi32, #tpu.memory_space<vmem>>
    %dma_wait3A_84 = arith.constant 0 : i32
    %dma_wait3A_85 = arith.constant 0 : i32
    %dma_wait3A_86 = tpu.memref_slice %arg2[%dma_wait3A_84, %dma_wait3A_85] : memref<10000x128xf32, #tpu.memory_space<hbm>> -> memref<10000x128xf32, #tpu.memory_space<hbm>>
    tpu.wait_indirect_dma semaphore(%arg11 : memref<!tpu.dma_semaphore, #tpu.memory_space<semaphore_mem>>) src(%dma_wait3A_86 : memref<10000x128xf32, #tpu.memory_space<hbm>>) dst(%arg7 : memref<80x128xf32, #tpu.memory_space<vmem>>)
    %dma_start3A_87 = arith.constant 1920 : i32
    %dma_start3A_88 = tpu.memref_slice %arg6[%dma_start3A_87] : memref<2000xi32, #tpu.memory_space<vmem>> -> memref<80xi32, #tpu.memory_space<vmem>>
    %dma_start3A_89 = arith.constant 0 : i32
    %dma_start3A_90 = arith.constant 0 : i32
    %dma_start3A_91 = tpu.memref_slice %arg10[%dma_start3A_89, %dma_start3A_90] : memref<10240x128xf32, #tpu.memory_space<vmem_shared>> -> memref<10240x128xf32, #tpu.memory_space<vmem_shared>>
    tpu.enqueue_indirect_dma source(%arg7 : memref<80x128xf32, #tpu.memory_space<vmem>>) target(%dma_start3A_91 : memref<10240x128xf32, #tpu.memory_space<vmem_shared>>) offsets(%dma_start3A_88 : memref<80xi32, #tpu.memory_space<vmem>>) semaphore(%arg14 : memref<!tpu.dma_semaphore, #tpu.memory_space<semaphore_mem>>) {add = true}
    %mul3A_92 = arith.constant 10000 : i32
    %mul3A_93 = arith.muli %add3A, %mul3A_92 : i32
    %add3A_94 = arith.constant 4000 : i32
    %add3A_95 = arith.addi %mul3A_93, %add3A_94 : i32
    "tpu.region"() ({
      %run_scoped3A = tpu.sem_alloc : memref<!tpu.dma_semaphore, #tpu.memory_space<semaphore_mem>>
      %dma_start3A_248 = tpu.memref_slice %arg3[%add3A_95] : memref<640000xi32, #tpu.memory_space<hbm>> -> memref<2000xi32, #tpu.memory_space<hbm>>
      %dma_start3A_249 = tpu.memref_slice %arg3[%add3A_95] : memref<640000xi32, #tpu.memory_space<hbm>> -> memref<2000xi32, #tpu.memory_space<hbm>>
      tpu.enqueue_dma source(%dma_start3A_249 : memref<2000xi32, #tpu.memory_space<hbm>>) target(%arg5 : memref<2000xi32, #tpu.memory_space<vmem>>) target_semaphore(%run_scoped3A : memref<!tpu.dma_semaphore, #tpu.memory_space<semaphore_mem>>)
      %dma_wait3A_250 = tpu.memref_slice %arg3[%add3A_95] : memref<640000xi32, #tpu.memory_space<hbm>> -> memref<2000xi32, #tpu.memory_space<hbm>>
      %dma_wait3A_251 = tpu.memref_slice %arg3[%add3A_95] : memref<640000xi32, #tpu.memory_space<hbm>> -> memref<2000xi32, #tpu.memory_space<hbm>>
      tpu.wait_dma2 semaphore(%run_scoped3A : memref<!tpu.dma_semaphore, #tpu.memory_space<semaphore_mem>>) src(%dma_wait3A_251 : memref<2000xi32, #tpu.memory_space<hbm>>) dst(%arg5 : memref<2000xi32, #tpu.memory_space<vmem>>)
      tpu.yield
    }) : () -> ()
    %dma_start3A_96 = arith.constant 80 : i32
    %dma_start3A_97 = tpu.memref_slice %arg5[%dma_start3A_96] : memref<2000xi32, #tpu.memory_space<vmem>> -> memref<80xi32, #tpu.memory_space<vmem>>
    %dma_start3A_98 = arith.constant 0 : i32
    %dma_start3A_99 = arith.constant 0 : i32
    %dma_start3A_100 = tpu.memref_slice %arg2[%dma_start3A_98, %dma_start3A_99] : memref<10000x128xf32, #tpu.memory_space<hbm>> -> memref<10000x128xf32, #tpu.memory_space<hbm>>
    tpu.enqueue_indirect_dma source(%dma_start3A_100 : memref<10000x128xf32, #tpu.memory_space<hbm>>) target(%arg8 : memref<80x128xf32, #tpu.memory_space<vmem>>) offsets(%dma_start3A_97 : memref<80xi32, #tpu.memory_space<vmem>>) semaphore(%arg12 : memref<!tpu.dma_semaphore, #tpu.memory_space<semaphore_mem>>)
    %dma_wait3A_101 = arith.constant 1840 : i32
    %dma_wait3A_102 = tpu.memref_slice %arg6[%dma_wait3A_101] : memref<2000xi32, #tpu.memory_space<vmem>> -> memref<80xi32, #tpu.memory_space<vmem>>
    %dma_wait3A_103 = arith.constant 0 : i32
    %dma_wait3A_104 = arith.constant 0 : i32
    %dma_wait3A_105 = tpu.memref_slice %arg10[%dma_wait3A_103, %dma_wait3A_104] : memref<10240x128xf32, #tpu.memory_space<vmem_shared>> -> memref<10240x128xf32, #tpu.memory_space<vmem_shared>>
    tpu.wait_indirect_dma semaphore(%arg16 : memref<!tpu.dma_semaphore, #tpu.memory_space<semaphore_mem>>) src(%arg9 : memref<80x128xf32, #tpu.memory_space<vmem>>) dst(%dma_wait3A_105 : memref<10240x128xf32, #tpu.memory_space<vmem_shared>>)
    %dma_wait3A_106 = arith.constant 1920 : i32
    %dma_wait3A_107 = tpu.memref_slice %arg6[%dma_wait3A_106] : memref<2000xi32, #tpu.memory_space<vmem>> -> memref<80xi32, #tpu.memory_space<vmem>>
    %dma_wait3A_108 = arith.constant 0 : i32
    %dma_wait3A_109 = arith.constant 0 : i32
    %dma_wait3A_110 = tpu.memref_slice %arg10[%dma_wait3A_108, %dma_wait3A_109] : memref<10240x128xf32, #tpu.memory_space<vmem_shared>> -> memref<10240x128xf32, #tpu.memory_space<vmem_shared>>
    tpu.wait_indirect_dma semaphore(%arg14 : memref<!tpu.dma_semaphore, #tpu.memory_space<semaphore_mem>>) src(%arg7 : memref<80x128xf32, #tpu.memory_space<vmem>>) dst(%dma_wait3A_110 : memref<10240x128xf32, #tpu.memory_space<vmem_shared>>)
    %mul3A_111 = arith.constant 10000 : i32
    %mul3A_112 = arith.muli %add3A, %mul3A_111 : i32
    %add3A_113 = arith.constant 320000 : i32
    %add3A_114 = arith.addi %add3A_113, %mul3A_112 : i32
    %add3A_115 = arith.constant 4000 : i32
    %add3A_116 = arith.addi %add3A_114, %add3A_115 : i32
    "tpu.region"() ({
      %run_scoped3A = tpu.sem_alloc : memref<!tpu.dma_semaphore, #tpu.memory_space<semaphore_mem>>
      %dma_start3A_248 = tpu.memref_slice %arg3[%add3A_116] : memref<640000xi32, #tpu.memory_space<hbm>> -> memref<2000xi32, #tpu.memory_space<hbm>>
      %dma_start3A_249 = tpu.memref_slice %arg3[%add3A_116] : memref<640000xi32, #tpu.memory_space<hbm>> -> memref<2000xi32, #tpu.memory_space<hbm>>
      tpu.enqueue_dma source(%dma_start3A_249 : memref<2000xi32, #tpu.memory_space<hbm>>) target(%arg6 : memref<2000xi32, #tpu.memory_space<vmem>>) target_semaphore(%run_scoped3A : memref<!tpu.dma_semaphore, #tpu.memory_space<semaphore_mem>>)
      %dma_wait3A_250 = tpu.memref_slice %arg3[%add3A_116] : memref<640000xi32, #tpu.memory_space<hbm>> -> memref<2000xi32, #tpu.memory_space<hbm>>
      %dma_wait3A_251 = tpu.memref_slice %arg3[%add3A_116] : memref<640000xi32, #tpu.memory_space<hbm>> -> memref<2000xi32, #tpu.memory_space<hbm>>
      tpu.wait_dma2 semaphore(%run_scoped3A : memref<!tpu.dma_semaphore, #tpu.memory_space<semaphore_mem>>) src(%dma_wait3A_251 : memref<2000xi32, #tpu.memory_space<hbm>>) dst(%arg6 : memref<2000xi32, #tpu.memory_space<vmem>>)
      tpu.yield
    }) : () -> ()
    %dma_start3A_117 = arith.constant 0 : i32
    %dma_start3A_118 = tpu.memref_slice %arg5[%dma_start3A_117] : memref<2000xi32, #tpu.memory_space<vmem>> -> memref<80xi32, #tpu.memory_space<vmem>>
    %dma_start3A_119 = arith.constant 0 : i32
    %dma_start3A_120 = arith.constant 0 : i32
    %dma_start3A_121 = tpu.memref_slice %arg2[%dma_start3A_119, %dma_start3A_120] : memref<10000x128xf32, #tpu.memory_space<hbm>> -> memref<10000x128xf32, #tpu.memory_space<hbm>>
    tpu.enqueue_indirect_dma source(%dma_start3A_121 : memref<10000x128xf32, #tpu.memory_space<hbm>>) target(%arg7 : memref<80x128xf32, #tpu.memory_space<vmem>>) offsets(%dma_start3A_118 : memref<80xi32, #tpu.memory_space<vmem>>) semaphore(%arg11 : memref<!tpu.dma_semaphore, #tpu.memory_space<semaphore_mem>>)
    %scan3A_122 = arith.constant 0 : i32
    %scan3A_123 = arith.constant 0 : i32
    %scan3A_124 = arith.constant 8 : i32
    %scan3A_125 = arith.addi %scan3A_123, %scan3A_124 : i32
    %scan3A_126 = arith.constant 1 : i32
    %scan3A_127 = scf.for %scan3A_248 = %scan3A_123 to %scan3A_125 step %scan3A_126 iter_args(%scan3A_249 = %scan3A_122) -> (i32)  : i32 {
      %mul3A_250 = arith.constant 3 : i32
      %mul3A_251 = arith.muli %mul3A_250, %scan3A_248 : i32
      %add3A_252 = arith.constant 0 : i32
      %add3A_253 = arith.addi %mul3A_251, %add3A_252 : i32
      %mul3A_254 = arith.constant 80 : i32
      %mul3A_255 = arith.muli %add3A_253, %mul3A_254 : i32
      %dma_wait3A_256 = tpu.memref_slice %arg5[%mul3A_255] : memref<2000xi32, #tpu.memory_space<vmem>> -> memref<80xi32, #tpu.memory_space<vmem>>
      %dma_wait3A_257 = arith.constant 0 : i32
      %dma_wait3A_258 = arith.constant 0 : i32
      %dma_wait3A_259 = tpu.memref_slice %arg2[%dma_wait3A_257, %dma_wait3A_258] : memref<10000x128xf32, #tpu.memory_space<hbm>> -> memref<10000x128xf32, #tpu.memory_space<hbm>>
      tpu.wait_indirect_dma semaphore(%arg11 : memref<!tpu.dma_semaphore, #tpu.memory_space<semaphore_mem>>) src(%dma_wait3A_259 : memref<10000x128xf32, #tpu.memory_space<hbm>>) dst(%arg7 : memref<80x128xf32, #tpu.memory_space<vmem>>)
      %mul3A_260 = arith.constant 80 : i32
      %mul3A_261 = arith.muli %add3A_253, %mul3A_260 : i32
      %dma_start3A_262 = tpu.memref_slice %arg6[%mul3A_261] : memref<2000xi32, #tpu.memory_space<vmem>> -> memref<80xi32, #tpu.memory_space<vmem>>
      %dma_start3A_263 = arith.constant 0 : i32
      %dma_start3A_264 = arith.constant 0 : i32
      %dma_start3A_265 = tpu.memref_slice %arg10[%dma_start3A_263, %dma_start3A_264] : memref<10240x128xf32, #tpu.memory_space<vmem_shared>> -> memref<10240x128xf32, #tpu.memory_space<vmem_shared>>
      tpu.enqueue_indirect_dma source(%arg7 : memref<80x128xf32, #tpu.memory_space<vmem>>) target(%dma_start3A_265 : memref<10240x128xf32, #tpu.memory_space<vmem_shared>>) offsets(%dma_start3A_262 : memref<80xi32, #tpu.memory_space<vmem>>) semaphore(%arg14 : memref<!tpu.dma_semaphore, #tpu.memory_space<semaphore_mem>>) {add = true}
      %gt3A = arith.constant 0 : i32
      %gt3A_266 = arith.cmpi sgt, %scan3A_248, %gt3A : i32
      %convert_element_type3A = arith.extui %gt3A_266 : i1 to i32
      %cond3A = arith.constant 0 : i32
      %cond3A_267 = arith.cmpi ne, %convert_element_type3A, %cond3A : i32
      scf.if %cond3A_267 {
        %mul3A_335 = arith.constant 80 : i32
        %mul3A_336 = arith.muli %add3A_253, %mul3A_335 : i32
        %dma_wait3A_337 = tpu.memref_slice %arg6[%mul3A_336] : memref<2000xi32, #tpu.memory_space<vmem>> -> memref<80xi32, #tpu.memory_space<vmem>>
        %dma_wait3A_338 = arith.constant 0 : i32
        %dma_wait3A_339 = arith.constant 0 : i32
        %dma_wait3A_340 = tpu.memref_slice %arg10[%dma_wait3A_338, %dma_wait3A_339] : memref<10240x128xf32, #tpu.memory_space<vmem_shared>> -> memref<10240x128xf32, #tpu.memory_space<vmem_shared>>
        tpu.wait_indirect_dma semaphore(%arg16 : memref<!tpu.dma_semaphore, #tpu.memory_space<semaphore_mem>>) src(%arg9 : memref<80x128xf32, #tpu.memory_space<vmem>>) dst(%dma_wait3A_340 : memref<10240x128xf32, #tpu.memory_space<vmem_shared>>)
      } else {
      }
      %add3A_268 = arith.constant 2 : i32
      %add3A_269 = arith.addi %add3A_253, %add3A_268 : i32
      %mul3A_270 = arith.constant 80 : i32
      %mul3A_271 = arith.muli %add3A_269, %mul3A_270 : i32
      %dma_start3A_272 = tpu.memref_slice %arg5[%mul3A_271] : memref<2000xi32, #tpu.memory_space<vmem>> -> memref<80xi32, #tpu.memory_space<vmem>>
      %dma_start3A_273 = arith.constant 0 : i32
      %dma_start3A_274 = arith.constant 0 : i32
      %dma_start3A_275 = tpu.memref_slice %arg2[%dma_start3A_273, %dma_start3A_274] : memref<10000x128xf32, #tpu.memory_space<hbm>> -> memref<10000x128xf32, #tpu.memory_space<hbm>>
      tpu.enqueue_indirect_dma source(%dma_start3A_275 : memref<10000x128xf32, #tpu.memory_space<hbm>>) target(%arg9 : memref<80x128xf32, #tpu.memory_space<vmem>>) offsets(%dma_start3A_272 : memref<80xi32, #tpu.memory_space<vmem>>) semaphore(%arg13 : memref<!tpu.dma_semaphore, #tpu.memory_space<semaphore_mem>>)
      %mul3A_276 = arith.constant 3 : i32
      %mul3A_277 = arith.muli %mul3A_276, %scan3A_248 : i32
      %add3A_278 = arith.constant 1 : i32
      %add3A_279 = arith.addi %mul3A_277, %add3A_278 : i32
      %mul3A_280 = arith.constant 80 : i32
      %mul3A_281 = arith.muli %add3A_279, %mul3A_280 : i32
      %dma_wait3A_282 = tpu.memref_slice %arg5[%mul3A_281] : memref<2000xi32, #tpu.memory_space<vmem>> -> memref<80xi32, #tpu.memory_space<vmem>>
      %dma_wait3A_283 = arith.constant 0 : i32
      %dma_wait3A_284 = arith.constant 0 : i32
      %dma_wait3A_285 = tpu.memref_slice %arg2[%dma_wait3A_283, %dma_wait3A_284] : memref<10000x128xf32, #tpu.memory_space<hbm>> -> memref<10000x128xf32, #tpu.memory_space<hbm>>
      tpu.wait_indirect_dma semaphore(%arg12 : memref<!tpu.dma_semaphore, #tpu.memory_space<semaphore_mem>>) src(%dma_wait3A_285 : memref<10000x128xf32, #tpu.memory_space<hbm>>) dst(%arg8 : memref<80x128xf32, #tpu.memory_space<vmem>>)
      %mul3A_286 = arith.constant 80 : i32
      %mul3A_287 = arith.muli %add3A_279, %mul3A_286 : i32
      %dma_start3A_288 = tpu.memref_slice %arg6[%mul3A_287] : memref<2000xi32, #tpu.memory_space<vmem>> -> memref<80xi32, #tpu.memory_space<vmem>>
      %dma_start3A_289 = arith.constant 0 : i32
      %dma_start3A_290 = arith.constant 0 : i32
      %dma_start3A_291 = tpu.memref_slice %arg10[%dma_start3A_289, %dma_start3A_290] : memref<10240x128xf32, #tpu.memory_space<vmem_shared>> -> memref<10240x128xf32, #tpu.memory_space<vmem_shared>>
      tpu.enqueue_indirect_dma source(%arg8 : memref<80x128xf32, #tpu.memory_space<vmem>>) target(%dma_start3A_291 : memref<10240x128xf32, #tpu.memory_space<vmem_shared>>) offsets(%dma_start3A_288 : memref<80xi32, #tpu.memory_space<vmem>>) semaphore(%arg15 : memref<!tpu.dma_semaphore, #tpu.memory_space<semaphore_mem>>) {add = true}
      %mul3A_292 = arith.constant 80 : i32
      %mul3A_293 = arith.muli %add3A_279, %mul3A_292 : i32
      %dma_wait3A_294 = tpu.memref_slice %arg6[%mul3A_293] : memref<2000xi32, #tpu.memory_space<vmem>> -> memref<80xi32, #tpu.memory_space<vmem>>
      %dma_wait3A_295 = arith.constant 0 : i32
      %dma_wait3A_296 = arith.constant 0 : i32
      %dma_wait3A_297 = tpu.memref_slice %arg10[%dma_wait3A_295, %dma_wait3A_296] : memref<10240x128xf32, #tpu.memory_space<vmem_shared>> -> memref<10240x128xf32, #tpu.memory_space<vmem_shared>>
      tpu.wait_indirect_dma semaphore(%arg14 : memref<!tpu.dma_semaphore, #tpu.memory_space<semaphore_mem>>) src(%arg7 : memref<80x128xf32, #tpu.memory_space<vmem>>) dst(%dma_wait3A_297 : memref<10240x128xf32, #tpu.memory_space<vmem_shared>>)
      %add3A_298 = arith.constant 2 : i32
      %add3A_299 = arith.addi %add3A_279, %add3A_298 : i32
      %mul3A_300 = arith.constant 80 : i32
      %mul3A_301 = arith.muli %add3A_299, %mul3A_300 : i32
      %dma_start3A_302 = tpu.memref_slice %arg5[%mul3A_301] : memref<2000xi32, #tpu.memory_space<vmem>> -> memref<80xi32, #tpu.memory_space<vmem>>
      %dma_start3A_303 = arith.constant 0 : i32
      %dma_start3A_304 = arith.constant 0 : i32
      %dma_start3A_305 = tpu.memref_slice %arg2[%dma_start3A_303, %dma_start3A_304] : memref<10000x128xf32, #tpu.memory_space<hbm>> -> memref<10000x128xf32, #tpu.memory_space<hbm>>
      tpu.enqueue_indirect_dma source(%dma_start3A_305 : memref<10000x128xf32, #tpu.memory_space<hbm>>) target(%arg7 : memref<80x128xf32, #tpu.memory_space<vmem>>) offsets(%dma_start3A_302 : memref<80xi32, #tpu.memory_space<vmem>>) semaphore(%arg11 : memref<!tpu.dma_semaphore, #tpu.memory_space<semaphore_mem>>)
      %mul3A_306 = arith.constant 3 : i32
      %mul3A_307 = arith.muli %mul3A_306, %scan3A_248 : i32
      %add3A_308 = arith.constant 2 : i32
      %add3A_309 = arith.addi %mul3A_307, %add3A_308 : i32
      %mul3A_310 = arith.constant 80 : i32
      %mul3A_311 = arith.muli %add3A_309, %mul3A_310 : i32
      %dma_wait3A_312 = tpu.memref_slice %arg5[%mul3A_311] : memref<2000xi32, #tpu.memory_space<vmem>> -> memref<80xi32, #tpu.memory_space<vmem>>
      %dma_wait3A_313 = arith.constant 0 : i32
      %dma_wait3A_314 = arith.constant 0 : i32
      %dma_wait3A_315 = tpu.memref_slice %arg2[%dma_wait3A_313, %dma_wait3A_314] : memref<10000x128xf32, #tpu.memory_space<hbm>> -> memref<10000x128xf32, #tpu.memory_space<hbm>>
      tpu.wait_indirect_dma semaphore(%arg13 : memref<!tpu.dma_semaphore, #tpu.memory_space<semaphore_mem>>) src(%dma_wait3A_315 : memref<10000x128xf32, #tpu.memory_space<hbm>>) dst(%arg9 : memref<80x128xf32, #tpu.memory_space<vmem>>)
      %mul3A_316 = arith.constant 80 : i32
      %mul3A_317 = arith.muli %add3A_309, %mul3A_316 : i32
      %dma_start3A_318 = tpu.memref_slice %arg6[%mul3A_317] : memref<2000xi32, #tpu.memory_space<vmem>> -> memref<80xi32, #tpu.memory_space<vmem>>
      %dma_start3A_319 = arith.constant 0 : i32
      %dma_start3A_320 = arith.constant 0 : i32
      %dma_start3A_321 = tpu.memref_slice %arg10[%dma_start3A_319, %dma_start3A_320] : memref<10240x128xf32, #tpu.memory_space<vmem_shared>> -> memref<10240x128xf32, #tpu.memory_space<vmem_shared>>
      tpu.enqueue_indirect_dma source(%arg9 : memref<80x128xf32, #tpu.memory_space<vmem>>) target(%dma_start3A_321 : memref<10240x128xf32, #tpu.memory_space<vmem_shared>>) offsets(%dma_start3A_318 : memref<80xi32, #tpu.memory_space<vmem>>) semaphore(%arg16 : memref<!tpu.dma_semaphore, #tpu.memory_space<semaphore_mem>>) {add = true}
      %mul3A_322 = arith.constant 80 : i32
      %mul3A_323 = arith.muli %add3A_309, %mul3A_322 : i32
      %dma_wait3A_324 = tpu.memref_slice %arg6[%mul3A_323] : memref<2000xi32, #tpu.memory_space<vmem>> -> memref<80xi32, #tpu.memory_space<vmem>>
      %dma_wait3A_325 = arith.constant 0 : i32
      %dma_wait3A_326 = arith.constant 0 : i32
      %dma_wait3A_327 = tpu.memref_slice %arg10[%dma_wait3A_325, %dma_wait3A_326] : memref<10240x128xf32, #tpu.memory_space<vmem_shared>> -> memref<10240x128xf32, #tpu.memory_space<vmem_shared>>
      tpu.wait_indirect_dma semaphore(%arg15 : memref<!tpu.dma_semaphore, #tpu.memory_space<semaphore_mem>>) src(%arg8 : memref<80x128xf32, #tpu.memory_space<vmem>>) dst(%dma_wait3A_327 : memref<10240x128xf32, #tpu.memory_space<vmem_shared>>)
      %add3A_328 = arith.constant 1 : i32
      %add3A_329 = arith.addi %scan3A_248, %add3A_328 : i32
      %lt3A = arith.constant 8 : i32
      %lt3A_330 = arith.cmpi slt, %add3A_329, %lt3A : i32
      %convert_element_type3A_331 = arith.extui %lt3A_330 : i1 to i32
      %cond3A_332 = arith.constant 0 : i32
      %cond3A_333 = arith.cmpi ne, %convert_element_type3A_331, %cond3A_332 : i32
      scf.if %cond3A_333 {
        %add3A_335 = arith.constant 2 : i32
        %add3A_336 = arith.addi %add3A_309, %add3A_335 : i32
        %mul3A_337 = arith.constant 80 : i32
        %mul3A_338 = arith.muli %add3A_336, %mul3A_337 : i32
        %dma_start3A_339 = tpu.memref_slice %arg5[%mul3A_338] : memref<2000xi32, #tpu.memory_space<vmem>> -> memref<80xi32, #tpu.memory_space<vmem>>
        %dma_start3A_340 = arith.constant 0 : i32
        %dma_start3A_341 = arith.constant 0 : i32
        %dma_start3A_342 = tpu.memref_slice %arg2[%dma_start3A_340, %dma_start3A_341] : memref<10000x128xf32, #tpu.memory_space<hbm>> -> memref<10000x128xf32, #tpu.memory_space<hbm>>
        tpu.enqueue_indirect_dma source(%dma_start3A_342 : memref<10000x128xf32, #tpu.memory_space<hbm>>) target(%arg8 : memref<80x128xf32, #tpu.memory_space<vmem>>) offsets(%dma_start3A_339 : memref<80xi32, #tpu.memory_space<vmem>>) semaphore(%arg12 : memref<!tpu.dma_semaphore, #tpu.memory_space<semaphore_mem>>)
      } else {
      }
      %scan3A_334 = arith.constant 0 : i32
      scf.yield %scan3A_334 : i32
    }
    %scan3A_128 = arith.constant 8 : i32
    %dma_wait3A_129 = arith.constant 1920 : i32
    %dma_wait3A_130 = tpu.memref_slice %arg5[%dma_wait3A_129] : memref<2000xi32, #tpu.memory_space<vmem>> -> memref<80xi32, #tpu.memory_space<vmem>>
    %dma_wait3A_131 = arith.constant 0 : i32
    %dma_wait3A_132 = arith.constant 0 : i32
    %dma_wait3A_133 = tpu.memref_slice %arg2[%dma_wait3A_131, %dma_wait3A_132] : memref<10000x128xf32, #tpu.memory_space<hbm>> -> memref<10000x128xf32, #tpu.memory_space<hbm>>
    tpu.wait_indirect_dma semaphore(%arg11 : memref<!tpu.dma_semaphore, #tpu.memory_space<semaphore_mem>>) src(%dma_wait3A_133 : memref<10000x128xf32, #tpu.memory_space<hbm>>) dst(%arg7 : memref<80x128xf32, #tpu.memory_space<vmem>>)
    %dma_start3A_134 = arith.constant 1920 : i32
    %dma_start3A_135 = tpu.memref_slice %arg6[%dma_start3A_134] : memref<2000xi32, #tpu.memory_space<vmem>> -> memref<80xi32, #tpu.memory_space<vmem>>
    %dma_start3A_136 = arith.constant 0 : i32
    %dma_start3A_137 = arith.constant 0 : i32
    %dma_start3A_138 = tpu.memref_slice %arg10[%dma_start3A_136, %dma_start3A_137] : memref<10240x128xf32, #tpu.memory_space<vmem_shared>> -> memref<10240x128xf32, #tpu.memory_space<vmem_shared>>
    tpu.enqueue_indirect_dma source(%arg7 : memref<80x128xf32, #tpu.memory_space<vmem>>) target(%dma_start3A_138 : memref<10240x128xf32, #tpu.memory_space<vmem_shared>>) offsets(%dma_start3A_135 : memref<80xi32, #tpu.memory_space<vmem>>) semaphore(%arg14 : memref<!tpu.dma_semaphore, #tpu.memory_space<semaphore_mem>>) {add = true}
    %mul3A_139 = arith.constant 10000 : i32
    %mul3A_140 = arith.muli %add3A, %mul3A_139 : i32
    %add3A_141 = arith.constant 6000 : i32
    %add3A_142 = arith.addi %mul3A_140, %add3A_141 : i32
    "tpu.region"() ({
      %run_scoped3A = tpu.sem_alloc : memref<!tpu.dma_semaphore, #tpu.memory_space<semaphore_mem>>
      %dma_start3A_248 = tpu.memref_slice %arg3[%add3A_142] : memref<640000xi32, #tpu.memory_space<hbm>> -> memref<2000xi32, #tpu.memory_space<hbm>>
      %dma_start3A_249 = tpu.memref_slice %arg3[%add3A_142] : memref<640000xi32, #tpu.memory_space<hbm>> -> memref<2000xi32, #tpu.memory_space<hbm>>
      tpu.enqueue_dma source(%dma_start3A_249 : memref<2000xi32, #tpu.memory_space<hbm>>) target(%arg5 : memref<2000xi32, #tpu.memory_space<vmem>>) target_semaphore(%run_scoped3A : memref<!tpu.dma_semaphore, #tpu.memory_space<semaphore_mem>>)
      %dma_wait3A_250 = tpu.memref_slice %arg3[%add3A_142] : memref<640000xi32, #tpu.memory_space<hbm>> -> memref<2000xi32, #tpu.memory_space<hbm>>
      %dma_wait3A_251 = tpu.memref_slice %arg3[%add3A_142] : memref<640000xi32, #tpu.memory_space<hbm>> -> memref<2000xi32, #tpu.memory_space<hbm>>
      tpu.wait_dma2 semaphore(%run_scoped3A : memref<!tpu.dma_semaphore, #tpu.memory_space<semaphore_mem>>) src(%dma_wait3A_251 : memref<2000xi32, #tpu.memory_space<hbm>>) dst(%arg5 : memref<2000xi32, #tpu.memory_space<vmem>>)
      tpu.yield
    }) : () -> ()
    %dma_start3A_143 = arith.constant 80 : i32
    %dma_start3A_144 = tpu.memref_slice %arg5[%dma_start3A_143] : memref<2000xi32, #tpu.memory_space<vmem>> -> memref<80xi32, #tpu.memory_space<vmem>>
    %dma_start3A_145 = arith.constant 0 : i32
    %dma_start3A_146 = arith.constant 0 : i32
    %dma_start3A_147 = tpu.memref_slice %arg2[%dma_start3A_145, %dma_start3A_146] : memref<10000x128xf32, #tpu.memory_space<hbm>> -> memref<10000x128xf32, #tpu.memory_space<hbm>>
    tpu.enqueue_indirect_dma source(%dma_start3A_147 : memref<10000x128xf32, #tpu.memory_space<hbm>>) target(%arg8 : memref<80x128xf32, #tpu.memory_space<vmem>>) offsets(%dma_start3A_144 : memref<80xi32, #tpu.memory_space<vmem>>) semaphore(%arg12 : memref<!tpu.dma_semaphore, #tpu.memory_space<semaphore_mem>>)
    %dma_wait3A_148 = arith.constant 1840 : i32
    %dma_wait3A_149 = tpu.memref_slice %arg6[%dma_wait3A_148] : memref<2000xi32, #tpu.memory_space<vmem>> -> memref<80xi32, #tpu.memory_space<vmem>>
    %dma_wait3A_150 = arith.constant 0 : i32
    %dma_wait3A_151 = arith.constant 0 : i32
    %dma_wait3A_152 = tpu.memref_slice %arg10[%dma_wait3A_150, %dma_wait3A_151] : memref<10240x128xf32, #tpu.memory_space<vmem_shared>> -> memref<10240x128xf32, #tpu.memory_space<vmem_shared>>
    tpu.wait_indirect_dma semaphore(%arg16 : memref<!tpu.dma_semaphore, #tpu.memory_space<semaphore_mem>>) src(%arg9 : memref<80x128xf32, #tpu.memory_space<vmem>>) dst(%dma_wait3A_152 : memref<10240x128xf32, #tpu.memory_space<vmem_shared>>)
    %dma_wait3A_153 = arith.constant 1920 : i32
    %dma_wait3A_154 = tpu.memref_slice %arg6[%dma_wait3A_153] : memref<2000xi32, #tpu.memory_space<vmem>> -> memref<80xi32, #tpu.memory_space<vmem>>
    %dma_wait3A_155 = arith.constant 0 : i32
    %dma_wait3A_156 = arith.constant 0 : i32
    %dma_wait3A_157 = tpu.memref_slice %arg10[%dma_wait3A_155, %dma_wait3A_156] : memref<10240x128xf32, #tpu.memory_space<vmem_shared>> -> memref<10240x128xf32, #tpu.memory_space<vmem_shared>>
    tpu.wait_indirect_dma semaphore(%arg14 : memref<!tpu.dma_semaphore, #tpu.memory_space<semaphore_mem>>) src(%arg7 : memref<80x128xf32, #tpu.memory_space<vmem>>) dst(%dma_wait3A_157 : memref<10240x128xf32, #tpu.memory_space<vmem_shared>>)
    %mul3A_158 = arith.constant 10000 : i32
    %mul3A_159 = arith.muli %add3A, %mul3A_158 : i32
    %add3A_160 = arith.constant 320000 : i32
    %add3A_161 = arith.addi %add3A_160, %mul3A_159 : i32
    %add3A_162 = arith.constant 6000 : i32
    %add3A_163 = arith.addi %add3A_161, %add3A_162 : i32
    "tpu.region"() ({
      %run_scoped3A = tpu.sem_alloc : memref<!tpu.dma_semaphore, #tpu.memory_space<semaphore_mem>>
      %dma_start3A_248 = tpu.memref_slice %arg3[%add3A_163] : memref<640000xi32, #tpu.memory_space<hbm>> -> memref<2000xi32, #tpu.memory_space<hbm>>
      %dma_start3A_249 = tpu.memref_slice %arg3[%add3A_163] : memref<640000xi32, #tpu.memory_space<hbm>> -> memref<2000xi32, #tpu.memory_space<hbm>>
      tpu.enqueue_dma source(%dma_start3A_249 : memref<2000xi32, #tpu.memory_space<hbm>>) target(%arg6 : memref<2000xi32, #tpu.memory_space<vmem>>) target_semaphore(%run_scoped3A : memref<!tpu.dma_semaphore, #tpu.memory_space<semaphore_mem>>)
      %dma_wait3A_250 = tpu.memref_slice %arg3[%add3A_163] : memref<640000xi32, #tpu.memory_space<hbm>> -> memref<2000xi32, #tpu.memory_space<hbm>>
      %dma_wait3A_251 = tpu.memref_slice %arg3[%add3A_163] : memref<640000xi32, #tpu.memory_space<hbm>> -> memref<2000xi32, #tpu.memory_space<hbm>>
      tpu.wait_dma2 semaphore(%run_scoped3A : memref<!tpu.dma_semaphore, #tpu.memory_space<semaphore_mem>>) src(%dma_wait3A_251 : memref<2000xi32, #tpu.memory_space<hbm>>) dst(%arg6 : memref<2000xi32, #tpu.memory_space<vmem>>)
      tpu.yield
    }) : () -> ()
    %dma_start3A_164 = arith.constant 0 : i32
    %dma_start3A_165 = tpu.memref_slice %arg5[%dma_start3A_164] : memref<2000xi32, #tpu.memory_space<vmem>> -> memref<80xi32, #tpu.memory_space<vmem>>
    %dma_start3A_166 = arith.constant 0 : i32
    %dma_start3A_167 = arith.constant 0 : i32
    %dma_start3A_168 = tpu.memref_slice %arg2[%dma_start3A_166, %dma_start3A_167] : memref<10000x128xf32, #tpu.memory_space<hbm>> -> memref<10000x128xf32, #tpu.memory_space<hbm>>
    tpu.enqueue_indirect_dma source(%dma_start3A_168 : memref<10000x128xf32, #tpu.memory_space<hbm>>) target(%arg7 : memref<80x128xf32, #tpu.memory_space<vmem>>) offsets(%dma_start3A_165 : memref<80xi32, #tpu.memory_space<vmem>>) semaphore(%arg11 : memref<!tpu.dma_semaphore, #tpu.memory_space<semaphore_mem>>)
    %scan3A_169 = arith.constant 0 : i32
    %scan3A_170 = arith.constant 0 : i32
    %scan3A_171 = arith.constant 8 : i32
    %scan3A_172 = arith.addi %scan3A_170, %scan3A_171 : i32
    %scan3A_173 = arith.constant 1 : i32
    %scan3A_174 = scf.for %scan3A_248 = %scan3A_170 to %scan3A_172 step %scan3A_173 iter_args(%scan3A_249 = %scan3A_169) -> (i32)  : i32 {
      %mul3A_250 = arith.constant 3 : i32
      %mul3A_251 = arith.muli %mul3A_250, %scan3A_248 : i32
      %add3A_252 = arith.constant 0 : i32
      %add3A_253 = arith.addi %mul3A_251, %add3A_252 : i32
      %mul3A_254 = arith.constant 80 : i32
      %mul3A_255 = arith.muli %add3A_253, %mul3A_254 : i32
      %dma_wait3A_256 = tpu.memref_slice %arg5[%mul3A_255] : memref<2000xi32, #tpu.memory_space<vmem>> -> memref<80xi32, #tpu.memory_space<vmem>>
      %dma_wait3A_257 = arith.constant 0 : i32
      %dma_wait3A_258 = arith.constant 0 : i32
      %dma_wait3A_259 = tpu.memref_slice %arg2[%dma_wait3A_257, %dma_wait3A_258] : memref<10000x128xf32, #tpu.memory_space<hbm>> -> memref<10000x128xf32, #tpu.memory_space<hbm>>
      tpu.wait_indirect_dma semaphore(%arg11 : memref<!tpu.dma_semaphore, #tpu.memory_space<semaphore_mem>>) src(%dma_wait3A_259 : memref<10000x128xf32, #tpu.memory_space<hbm>>) dst(%arg7 : memref<80x128xf32, #tpu.memory_space<vmem>>)
      %mul3A_260 = arith.constant 80 : i32
      %mul3A_261 = arith.muli %add3A_253, %mul3A_260 : i32
      %dma_start3A_262 = tpu.memref_slice %arg6[%mul3A_261] : memref<2000xi32, #tpu.memory_space<vmem>> -> memref<80xi32, #tpu.memory_space<vmem>>
      %dma_start3A_263 = arith.constant 0 : i32
      %dma_start3A_264 = arith.constant 0 : i32
      %dma_start3A_265 = tpu.memref_slice %arg10[%dma_start3A_263, %dma_start3A_264] : memref<10240x128xf32, #tpu.memory_space<vmem_shared>> -> memref<10240x128xf32, #tpu.memory_space<vmem_shared>>
      tpu.enqueue_indirect_dma source(%arg7 : memref<80x128xf32, #tpu.memory_space<vmem>>) target(%dma_start3A_265 : memref<10240x128xf32, #tpu.memory_space<vmem_shared>>) offsets(%dma_start3A_262 : memref<80xi32, #tpu.memory_space<vmem>>) semaphore(%arg14 : memref<!tpu.dma_semaphore, #tpu.memory_space<semaphore_mem>>) {add = true}
      %gt3A = arith.constant 0 : i32
      %gt3A_266 = arith.cmpi sgt, %scan3A_248, %gt3A : i32
      %convert_element_type3A = arith.extui %gt3A_266 : i1 to i32
      %cond3A = arith.constant 0 : i32
      %cond3A_267 = arith.cmpi ne, %convert_element_type3A, %cond3A : i32
      scf.if %cond3A_267 {
        %mul3A_335 = arith.constant 80 : i32
        %mul3A_336 = arith.muli %add3A_253, %mul3A_335 : i32
        %dma_wait3A_337 = tpu.memref_slice %arg6[%mul3A_336] : memref<2000xi32, #tpu.memory_space<vmem>> -> memref<80xi32, #tpu.memory_space<vmem>>
        %dma_wait3A_338 = arith.constant 0 : i32
        %dma_wait3A_339 = arith.constant 0 : i32
        %dma_wait3A_340 = tpu.memref_slice %arg10[%dma_wait3A_338, %dma_wait3A_339] : memref<10240x128xf32, #tpu.memory_space<vmem_shared>> -> memref<10240x128xf32, #tpu.memory_space<vmem_shared>>
        tpu.wait_indirect_dma semaphore(%arg16 : memref<!tpu.dma_semaphore, #tpu.memory_space<semaphore_mem>>) src(%arg9 : memref<80x128xf32, #tpu.memory_space<vmem>>) dst(%dma_wait3A_340 : memref<10240x128xf32, #tpu.memory_space<vmem_shared>>)
      } else {
      }
      %add3A_268 = arith.constant 2 : i32
      %add3A_269 = arith.addi %add3A_253, %add3A_268 : i32
      %mul3A_270 = arith.constant 80 : i32
      %mul3A_271 = arith.muli %add3A_269, %mul3A_270 : i32
      %dma_start3A_272 = tpu.memref_slice %arg5[%mul3A_271] : memref<2000xi32, #tpu.memory_space<vmem>> -> memref<80xi32, #tpu.memory_space<vmem>>
      %dma_start3A_273 = arith.constant 0 : i32
      %dma_start3A_274 = arith.constant 0 : i32
      %dma_start3A_275 = tpu.memref_slice %arg2[%dma_start3A_273, %dma_start3A_274] : memref<10000x128xf32, #tpu.memory_space<hbm>> -> memref<10000x128xf32, #tpu.memory_space<hbm>>
      tpu.enqueue_indirect_dma source(%dma_start3A_275 : memref<10000x128xf32, #tpu.memory_space<hbm>>) target(%arg9 : memref<80x128xf32, #tpu.memory_space<vmem>>) offsets(%dma_start3A_272 : memref<80xi32, #tpu.memory_space<vmem>>) semaphore(%arg13 : memref<!tpu.dma_semaphore, #tpu.memory_space<semaphore_mem>>)
      %mul3A_276 = arith.constant 3 : i32
      %mul3A_277 = arith.muli %mul3A_276, %scan3A_248 : i32
      %add3A_278 = arith.constant 1 : i32
      %add3A_279 = arith.addi %mul3A_277, %add3A_278 : i32
      %mul3A_280 = arith.constant 80 : i32
      %mul3A_281 = arith.muli %add3A_279, %mul3A_280 : i32
      %dma_wait3A_282 = tpu.memref_slice %arg5[%mul3A_281] : memref<2000xi32, #tpu.memory_space<vmem>> -> memref<80xi32, #tpu.memory_space<vmem>>
      %dma_wait3A_283 = arith.constant 0 : i32
      %dma_wait3A_284 = arith.constant 0 : i32
      %dma_wait3A_285 = tpu.memref_slice %arg2[%dma_wait3A_283, %dma_wait3A_284] : memref<10000x128xf32, #tpu.memory_space<hbm>> -> memref<10000x128xf32, #tpu.memory_space<hbm>>
      tpu.wait_indirect_dma semaphore(%arg12 : memref<!tpu.dma_semaphore, #tpu.memory_space<semaphore_mem>>) src(%dma_wait3A_285 : memref<10000x128xf32, #tpu.memory_space<hbm>>) dst(%arg8 : memref<80x128xf32, #tpu.memory_space<vmem>>)
      %mul3A_286 = arith.constant 80 : i32
      %mul3A_287 = arith.muli %add3A_279, %mul3A_286 : i32
      %dma_start3A_288 = tpu.memref_slice %arg6[%mul3A_287] : memref<2000xi32, #tpu.memory_space<vmem>> -> memref<80xi32, #tpu.memory_space<vmem>>
      %dma_start3A_289 = arith.constant 0 : i32
      %dma_start3A_290 = arith.constant 0 : i32
      %dma_start3A_291 = tpu.memref_slice %arg10[%dma_start3A_289, %dma_start3A_290] : memref<10240x128xf32, #tpu.memory_space<vmem_shared>> -> memref<10240x128xf32, #tpu.memory_space<vmem_shared>>
      tpu.enqueue_indirect_dma source(%arg8 : memref<80x128xf32, #tpu.memory_space<vmem>>) target(%dma_start3A_291 : memref<10240x128xf32, #tpu.memory_space<vmem_shared>>) offsets(%dma_start3A_288 : memref<80xi32, #tpu.memory_space<vmem>>) semaphore(%arg15 : memref<!tpu.dma_semaphore, #tpu.memory_space<semaphore_mem>>) {add = true}
      %mul3A_292 = arith.constant 80 : i32
      %mul3A_293 = arith.muli %add3A_279, %mul3A_292 : i32
      %dma_wait3A_294 = tpu.memref_slice %arg6[%mul3A_293] : memref<2000xi32, #tpu.memory_space<vmem>> -> memref<80xi32, #tpu.memory_space<vmem>>
      %dma_wait3A_295 = arith.constant 0 : i32
      %dma_wait3A_296 = arith.constant 0 : i32
      %dma_wait3A_297 = tpu.memref_slice %arg10[%dma_wait3A_295, %dma_wait3A_296] : memref<10240x128xf32, #tpu.memory_space<vmem_shared>> -> memref<10240x128xf32, #tpu.memory_space<vmem_shared>>
      tpu.wait_indirect_dma semaphore(%arg14 : memref<!tpu.dma_semaphore, #tpu.memory_space<semaphore_mem>>) src(%arg7 : memref<80x128xf32, #tpu.memory_space<vmem>>) dst(%dma_wait3A_297 : memref<10240x128xf32, #tpu.memory_space<vmem_shared>>)
      %add3A_298 = arith.constant 2 : i32
      %add3A_299 = arith.addi %add3A_279, %add3A_298 : i32
      %mul3A_300 = arith.constant 80 : i32
      %mul3A_301 = arith.muli %add3A_299, %mul3A_300 : i32
      %dma_start3A_302 = tpu.memref_slice %arg5[%mul3A_301] : memref<2000xi32, #tpu.memory_space<vmem>> -> memref<80xi32, #tpu.memory_space<vmem>>
      %dma_start3A_303 = arith.constant 0 : i32
      %dma_start3A_304 = arith.constant 0 : i32
      %dma_start3A_305 = tpu.memref_slice %arg2[%dma_start3A_303, %dma_start3A_304] : memref<10000x128xf32, #tpu.memory_space<hbm>> -> memref<10000x128xf32, #tpu.memory_space<hbm>>
      tpu.enqueue_indirect_dma source(%dma_start3A_305 : memref<10000x128xf32, #tpu.memory_space<hbm>>) target(%arg7 : memref<80x128xf32, #tpu.memory_space<vmem>>) offsets(%dma_start3A_302 : memref<80xi32, #tpu.memory_space<vmem>>) semaphore(%arg11 : memref<!tpu.dma_semaphore, #tpu.memory_space<semaphore_mem>>)
      %mul3A_306 = arith.constant 3 : i32
      %mul3A_307 = arith.muli %mul3A_306, %scan3A_248 : i32
      %add3A_308 = arith.constant 2 : i32
      %add3A_309 = arith.addi %mul3A_307, %add3A_308 : i32
      %mul3A_310 = arith.constant 80 : i32
      %mul3A_311 = arith.muli %add3A_309, %mul3A_310 : i32
      %dma_wait3A_312 = tpu.memref_slice %arg5[%mul3A_311] : memref<2000xi32, #tpu.memory_space<vmem>> -> memref<80xi32, #tpu.memory_space<vmem>>
      %dma_wait3A_313 = arith.constant 0 : i32
      %dma_wait3A_314 = arith.constant 0 : i32
      %dma_wait3A_315 = tpu.memref_slice %arg2[%dma_wait3A_313, %dma_wait3A_314] : memref<10000x128xf32, #tpu.memory_space<hbm>> -> memref<10000x128xf32, #tpu.memory_space<hbm>>
      tpu.wait_indirect_dma semaphore(%arg13 : memref<!tpu.dma_semaphore, #tpu.memory_space<semaphore_mem>>) src(%dma_wait3A_315 : memref<10000x128xf32, #tpu.memory_space<hbm>>) dst(%arg9 : memref<80x128xf32, #tpu.memory_space<vmem>>)
      %mul3A_316 = arith.constant 80 : i32
      %mul3A_317 = arith.muli %add3A_309, %mul3A_316 : i32
      %dma_start3A_318 = tpu.memref_slice %arg6[%mul3A_317] : memref<2000xi32, #tpu.memory_space<vmem>> -> memref<80xi32, #tpu.memory_space<vmem>>
      %dma_start3A_319 = arith.constant 0 : i32
      %dma_start3A_320 = arith.constant 0 : i32
      %dma_start3A_321 = tpu.memref_slice %arg10[%dma_start3A_319, %dma_start3A_320] : memref<10240x128xf32, #tpu.memory_space<vmem_shared>> -> memref<10240x128xf32, #tpu.memory_space<vmem_shared>>
      tpu.enqueue_indirect_dma source(%arg9 : memref<80x128xf32, #tpu.memory_space<vmem>>) target(%dma_start3A_321 : memref<10240x128xf32, #tpu.memory_space<vmem_shared>>) offsets(%dma_start3A_318 : memref<80xi32, #tpu.memory_space<vmem>>) semaphore(%arg16 : memref<!tpu.dma_semaphore, #tpu.memory_space<semaphore_mem>>) {add = true}
      %mul3A_322 = arith.constant 80 : i32
      %mul3A_323 = arith.muli %add3A_309, %mul3A_322 : i32
      %dma_wait3A_324 = tpu.memref_slice %arg6[%mul3A_323] : memref<2000xi32, #tpu.memory_space<vmem>> -> memref<80xi32, #tpu.memory_space<vmem>>
      %dma_wait3A_325 = arith.constant 0 : i32
      %dma_wait3A_326 = arith.constant 0 : i32
      %dma_wait3A_327 = tpu.memref_slice %arg10[%dma_wait3A_325, %dma_wait3A_326] : memref<10240x128xf32, #tpu.memory_space<vmem_shared>> -> memref<10240x128xf32, #tpu.memory_space<vmem_shared>>
      tpu.wait_indirect_dma semaphore(%arg15 : memref<!tpu.dma_semaphore, #tpu.memory_space<semaphore_mem>>) src(%arg8 : memref<80x128xf32, #tpu.memory_space<vmem>>) dst(%dma_wait3A_327 : memref<10240x128xf32, #tpu.memory_space<vmem_shared>>)
      %add3A_328 = arith.constant 1 : i32
      %add3A_329 = arith.addi %scan3A_248, %add3A_328 : i32
      %lt3A = arith.constant 8 : i32
      %lt3A_330 = arith.cmpi slt, %add3A_329, %lt3A : i32
      %convert_element_type3A_331 = arith.extui %lt3A_330 : i1 to i32
      %cond3A_332 = arith.constant 0 : i32
      %cond3A_333 = arith.cmpi ne, %convert_element_type3A_331, %cond3A_332 : i32
      scf.if %cond3A_333 {
        %add3A_335 = arith.constant 2 : i32
        %add3A_336 = arith.addi %add3A_309, %add3A_335 : i32
        %mul3A_337 = arith.constant 80 : i32
        %mul3A_338 = arith.muli %add3A_336, %mul3A_337 : i32
        %dma_start3A_339 = tpu.memref_slice %arg5[%mul3A_338] : memref<2000xi32, #tpu.memory_space<vmem>> -> memref<80xi32, #tpu.memory_space<vmem>>
        %dma_start3A_340 = arith.constant 0 : i32
        %dma_start3A_341 = arith.constant 0 : i32
        %dma_start3A_342 = tpu.memref_slice %arg2[%dma_start3A_340, %dma_start3A_341] : memref<10000x128xf32, #tpu.memory_space<hbm>> -> memref<10000x128xf32, #tpu.memory_space<hbm>>
        tpu.enqueue_indirect_dma source(%dma_start3A_342 : memref<10000x128xf32, #tpu.memory_space<hbm>>) target(%arg8 : memref<80x128xf32, #tpu.memory_space<vmem>>) offsets(%dma_start3A_339 : memref<80xi32, #tpu.memory_space<vmem>>) semaphore(%arg12 : memref<!tpu.dma_semaphore, #tpu.memory_space<semaphore_mem>>)
      } else {
      }
      %scan3A_334 = arith.constant 0 : i32
      scf.yield %scan3A_334 : i32
    }
    %scan3A_175 = arith.constant 8 : i32
    %dma_wait3A_176 = arith.constant 1920 : i32
    %dma_wait3A_177 = tpu.memref_slice %arg5[%dma_wait3A_176] : memref<2000xi32, #tpu.memory_space<vmem>> -> memref<80xi32, #tpu.memory_space<vmem>>
    %dma_wait3A_178 = arith.constant 0 : i32
    %dma_wait3A_179 = arith.constant 0 : i32
    %dma_wait3A_180 = tpu.memref_slice %arg2[%dma_wait3A_178, %dma_wait3A_179] : memref<10000x128xf32, #tpu.memory_space<hbm>> -> memref<10000x128xf32, #tpu.memory_space<hbm>>
    tpu.wait_indirect_dma semaphore(%arg11 : memref<!tpu.dma_semaphore, #tpu.memory_space<semaphore_mem>>) src(%dma_wait3A_180 : memref<10000x128xf32, #tpu.memory_space<hbm>>) dst(%arg7 : memref<80x128xf32, #tpu.memory_space<vmem>>)
    %dma_start3A_181 = arith.constant 1920 : i32
    %dma_start3A_182 = tpu.memref_slice %arg6[%dma_start3A_181] : memref<2000xi32, #tpu.memory_space<vmem>> -> memref<80xi32, #tpu.memory_space<vmem>>
    %dma_start3A_183 = arith.constant 0 : i32
    %dma_start3A_184 = arith.constant 0 : i32
    %dma_start3A_185 = tpu.memref_slice %arg10[%dma_start3A_183, %dma_start3A_184] : memref<10240x128xf32, #tpu.memory_space<vmem_shared>> -> memref<10240x128xf32, #tpu.memory_space<vmem_shared>>
    tpu.enqueue_indirect_dma source(%arg7 : memref<80x128xf32, #tpu.memory_space<vmem>>) target(%dma_start3A_185 : memref<10240x128xf32, #tpu.memory_space<vmem_shared>>) offsets(%dma_start3A_182 : memref<80xi32, #tpu.memory_space<vmem>>) semaphore(%arg14 : memref<!tpu.dma_semaphore, #tpu.memory_space<semaphore_mem>>) {add = true}
    %mul3A_186 = arith.constant 10000 : i32
    %mul3A_187 = arith.muli %add3A, %mul3A_186 : i32
    %add3A_188 = arith.constant 8000 : i32
    %add3A_189 = arith.addi %mul3A_187, %add3A_188 : i32
    "tpu.region"() ({
      %run_scoped3A = tpu.sem_alloc : memref<!tpu.dma_semaphore, #tpu.memory_space<semaphore_mem>>
      %dma_start3A_248 = tpu.memref_slice %arg3[%add3A_189] : memref<640000xi32, #tpu.memory_space<hbm>> -> memref<2000xi32, #tpu.memory_space<hbm>>
      %dma_start3A_249 = tpu.memref_slice %arg3[%add3A_189] : memref<640000xi32, #tpu.memory_space<hbm>> -> memref<2000xi32, #tpu.memory_space<hbm>>
      tpu.enqueue_dma source(%dma_start3A_249 : memref<2000xi32, #tpu.memory_space<hbm>>) target(%arg5 : memref<2000xi32, #tpu.memory_space<vmem>>) target_semaphore(%run_scoped3A : memref<!tpu.dma_semaphore, #tpu.memory_space<semaphore_mem>>)
      %dma_wait3A_250 = tpu.memref_slice %arg3[%add3A_189] : memref<640000xi32, #tpu.memory_space<hbm>> -> memref<2000xi32, #tpu.memory_space<hbm>>
      %dma_wait3A_251 = tpu.memref_slice %arg3[%add3A_189] : memref<640000xi32, #tpu.memory_space<hbm>> -> memref<2000xi32, #tpu.memory_space<hbm>>
      tpu.wait_dma2 semaphore(%run_scoped3A : memref<!tpu.dma_semaphore, #tpu.memory_space<semaphore_mem>>) src(%dma_wait3A_251 : memref<2000xi32, #tpu.memory_space<hbm>>) dst(%arg5 : memref<2000xi32, #tpu.memory_space<vmem>>)
      tpu.yield
    }) : () -> ()
    %dma_start3A_190 = arith.constant 80 : i32
    %dma_start3A_191 = tpu.memref_slice %arg5[%dma_start3A_190] : memref<2000xi32, #tpu.memory_space<vmem>> -> memref<80xi32, #tpu.memory_space<vmem>>
    %dma_start3A_192 = arith.constant 0 : i32
    %dma_start3A_193 = arith.constant 0 : i32
    %dma_start3A_194 = tpu.memref_slice %arg2[%dma_start3A_192, %dma_start3A_193] : memref<10000x128xf32, #tpu.memory_space<hbm>> -> memref<10000x128xf32, #tpu.memory_space<hbm>>
    tpu.enqueue_indirect_dma source(%dma_start3A_194 : memref<10000x128xf32, #tpu.memory_space<hbm>>) target(%arg8 : memref<80x128xf32, #tpu.memory_space<vmem>>) offsets(%dma_start3A_191 : memref<80xi32, #tpu.memory_space<vmem>>) semaphore(%arg12 : memref<!tpu.dma_semaphore, #tpu.memory_space<semaphore_mem>>)
    %dma_wait3A_195 = arith.constant 1840 : i32
    %dma_wait3A_196 = tpu.memref_slice %arg6[%dma_wait3A_195] : memref<2000xi32, #tpu.memory_space<vmem>> -> memref<80xi32, #tpu.memory_space<vmem>>
    %dma_wait3A_197 = arith.constant 0 : i32
    %dma_wait3A_198 = arith.constant 0 : i32
    %dma_wait3A_199 = tpu.memref_slice %arg10[%dma_wait3A_197, %dma_wait3A_198] : memref<10240x128xf32, #tpu.memory_space<vmem_shared>> -> memref<10240x128xf32, #tpu.memory_space<vmem_shared>>
    tpu.wait_indirect_dma semaphore(%arg16 : memref<!tpu.dma_semaphore, #tpu.memory_space<semaphore_mem>>) src(%arg9 : memref<80x128xf32, #tpu.memory_space<vmem>>) dst(%dma_wait3A_199 : memref<10240x128xf32, #tpu.memory_space<vmem_shared>>)
    %dma_wait3A_200 = arith.constant 1920 : i32
    %dma_wait3A_201 = tpu.memref_slice %arg6[%dma_wait3A_200] : memref<2000xi32, #tpu.memory_space<vmem>> -> memref<80xi32, #tpu.memory_space<vmem>>
    %dma_wait3A_202 = arith.constant 0 : i32
    %dma_wait3A_203 = arith.constant 0 : i32
    %dma_wait3A_204 = tpu.memref_slice %arg10[%dma_wait3A_202, %dma_wait3A_203] : memref<10240x128xf32, #tpu.memory_space<vmem_shared>> -> memref<10240x128xf32, #tpu.memory_space<vmem_shared>>
    tpu.wait_indirect_dma semaphore(%arg14 : memref<!tpu.dma_semaphore, #tpu.memory_space<semaphore_mem>>) src(%arg7 : memref<80x128xf32, #tpu.memory_space<vmem>>) dst(%dma_wait3A_204 : memref<10240x128xf32, #tpu.memory_space<vmem_shared>>)
    %mul3A_205 = arith.constant 10000 : i32
    %mul3A_206 = arith.muli %add3A, %mul3A_205 : i32
    %add3A_207 = arith.constant 320000 : i32
    %add3A_208 = arith.addi %add3A_207, %mul3A_206 : i32
    %add3A_209 = arith.constant 8000 : i32
    %add3A_210 = arith.addi %add3A_208, %add3A_209 : i32
    "tpu.region"() ({
      %run_scoped3A = tpu.sem_alloc : memref<!tpu.dma_semaphore, #tpu.memory_space<semaphore_mem>>
      %dma_start3A_248 = tpu.memref_slice %arg3[%add3A_210] : memref<640000xi32, #tpu.memory_space<hbm>> -> memref<2000xi32, #tpu.memory_space<hbm>>
      %dma_start3A_249 = tpu.memref_slice %arg3[%add3A_210] : memref<640000xi32, #tpu.memory_space<hbm>> -> memref<2000xi32, #tpu.memory_space<hbm>>
      tpu.enqueue_dma source(%dma_start3A_249 : memref<2000xi32, #tpu.memory_space<hbm>>) target(%arg6 : memref<2000xi32, #tpu.memory_space<vmem>>) target_semaphore(%run_scoped3A : memref<!tpu.dma_semaphore, #tpu.memory_space<semaphore_mem>>)
      %dma_wait3A_250 = tpu.memref_slice %arg3[%add3A_210] : memref<640000xi32, #tpu.memory_space<hbm>> -> memref<2000xi32, #tpu.memory_space<hbm>>
      %dma_wait3A_251 = tpu.memref_slice %arg3[%add3A_210] : memref<640000xi32, #tpu.memory_space<hbm>> -> memref<2000xi32, #tpu.memory_space<hbm>>
      tpu.wait_dma2 semaphore(%run_scoped3A : memref<!tpu.dma_semaphore, #tpu.memory_space<semaphore_mem>>) src(%dma_wait3A_251 : memref<2000xi32, #tpu.memory_space<hbm>>) dst(%arg6 : memref<2000xi32, #tpu.memory_space<vmem>>)
      tpu.yield
    }) : () -> ()
    %dma_start3A_211 = arith.constant 0 : i32
    %dma_start3A_212 = tpu.memref_slice %arg5[%dma_start3A_211] : memref<2000xi32, #tpu.memory_space<vmem>> -> memref<80xi32, #tpu.memory_space<vmem>>
    %dma_start3A_213 = arith.constant 0 : i32
    %dma_start3A_214 = arith.constant 0 : i32
    %dma_start3A_215 = tpu.memref_slice %arg2[%dma_start3A_213, %dma_start3A_214] : memref<10000x128xf32, #tpu.memory_space<hbm>> -> memref<10000x128xf32, #tpu.memory_space<hbm>>
    tpu.enqueue_indirect_dma source(%dma_start3A_215 : memref<10000x128xf32, #tpu.memory_space<hbm>>) target(%arg7 : memref<80x128xf32, #tpu.memory_space<vmem>>) offsets(%dma_start3A_212 : memref<80xi32, #tpu.memory_space<vmem>>) semaphore(%arg11 : memref<!tpu.dma_semaphore, #tpu.memory_space<semaphore_mem>>)
    %scan3A_216 = arith.constant 0 : i32
    %scan3A_217 = arith.constant 0 : i32
    %scan3A_218 = arith.constant 8 : i32
    %scan3A_219 = arith.addi %scan3A_217, %scan3A_218 : i32
    %scan3A_220 = arith.constant 1 : i32
    %scan3A_221 = scf.for %scan3A_248 = %scan3A_217 to %scan3A_219 step %scan3A_220 iter_args(%scan3A_249 = %scan3A_216) -> (i32)  : i32 {
      %mul3A_250 = arith.constant 3 : i32
      %mul3A_251 = arith.muli %mul3A_250, %scan3A_248 : i32
      %add3A_252 = arith.constant 0 : i32
      %add3A_253 = arith.addi %mul3A_251, %add3A_252 : i32
      %mul3A_254 = arith.constant 80 : i32
      %mul3A_255 = arith.muli %add3A_253, %mul3A_254 : i32
      %dma_wait3A_256 = tpu.memref_slice %arg5[%mul3A_255] : memref<2000xi32, #tpu.memory_space<vmem>> -> memref<80xi32, #tpu.memory_space<vmem>>
      %dma_wait3A_257 = arith.constant 0 : i32
      %dma_wait3A_258 = arith.constant 0 : i32
      %dma_wait3A_259 = tpu.memref_slice %arg2[%dma_wait3A_257, %dma_wait3A_258] : memref<10000x128xf32, #tpu.memory_space<hbm>> -> memref<10000x128xf32, #tpu.memory_space<hbm>>
      tpu.wait_indirect_dma semaphore(%arg11 : memref<!tpu.dma_semaphore, #tpu.memory_space<semaphore_mem>>) src(%dma_wait3A_259 : memref<10000x128xf32, #tpu.memory_space<hbm>>) dst(%arg7 : memref<80x128xf32, #tpu.memory_space<vmem>>)
      %mul3A_260 = arith.constant 80 : i32
      %mul3A_261 = arith.muli %add3A_253, %mul3A_260 : i32
      %dma_start3A_262 = tpu.memref_slice %arg6[%mul3A_261] : memref<2000xi32, #tpu.memory_space<vmem>> -> memref<80xi32, #tpu.memory_space<vmem>>
      %dma_start3A_263 = arith.constant 0 : i32
      %dma_start3A_264 = arith.constant 0 : i32
      %dma_start3A_265 = tpu.memref_slice %arg10[%dma_start3A_263, %dma_start3A_264] : memref<10240x128xf32, #tpu.memory_space<vmem_shared>> -> memref<10240x128xf32, #tpu.memory_space<vmem_shared>>
      tpu.enqueue_indirect_dma source(%arg7 : memref<80x128xf32, #tpu.memory_space<vmem>>) target(%dma_start3A_265 : memref<10240x128xf32, #tpu.memory_space<vmem_shared>>) offsets(%dma_start3A_262 : memref<80xi32, #tpu.memory_space<vmem>>) semaphore(%arg14 : memref<!tpu.dma_semaphore, #tpu.memory_space<semaphore_mem>>) {add = true}
      %gt3A = arith.constant 0 : i32
      %gt3A_266 = arith.cmpi sgt, %scan3A_248, %gt3A : i32
      %convert_element_type3A = arith.extui %gt3A_266 : i1 to i32
      %cond3A = arith.constant 0 : i32
      %cond3A_267 = arith.cmpi ne, %convert_element_type3A, %cond3A : i32
      scf.if %cond3A_267 {
        %mul3A_335 = arith.constant 80 : i32
        %mul3A_336 = arith.muli %add3A_253, %mul3A_335 : i32
        %dma_wait3A_337 = tpu.memref_slice %arg6[%mul3A_336] : memref<2000xi32, #tpu.memory_space<vmem>> -> memref<80xi32, #tpu.memory_space<vmem>>
        %dma_wait3A_338 = arith.constant 0 : i32
        %dma_wait3A_339 = arith.constant 0 : i32
        %dma_wait3A_340 = tpu.memref_slice %arg10[%dma_wait3A_338, %dma_wait3A_339] : memref<10240x128xf32, #tpu.memory_space<vmem_shared>> -> memref<10240x128xf32, #tpu.memory_space<vmem_shared>>
        tpu.wait_indirect_dma semaphore(%arg16 : memref<!tpu.dma_semaphore, #tpu.memory_space<semaphore_mem>>) src(%arg9 : memref<80x128xf32, #tpu.memory_space<vmem>>) dst(%dma_wait3A_340 : memref<10240x128xf32, #tpu.memory_space<vmem_shared>>)
      } else {
      }
      %add3A_268 = arith.constant 2 : i32
      %add3A_269 = arith.addi %add3A_253, %add3A_268 : i32
      %mul3A_270 = arith.constant 80 : i32
      %mul3A_271 = arith.muli %add3A_269, %mul3A_270 : i32
      %dma_start3A_272 = tpu.memref_slice %arg5[%mul3A_271] : memref<2000xi32, #tpu.memory_space<vmem>> -> memref<80xi32, #tpu.memory_space<vmem>>
      %dma_start3A_273 = arith.constant 0 : i32
      %dma_start3A_274 = arith.constant 0 : i32
      %dma_start3A_275 = tpu.memref_slice %arg2[%dma_start3A_273, %dma_start3A_274] : memref<10000x128xf32, #tpu.memory_space<hbm>> -> memref<10000x128xf32, #tpu.memory_space<hbm>>
      tpu.enqueue_indirect_dma source(%dma_start3A_275 : memref<10000x128xf32, #tpu.memory_space<hbm>>) target(%arg9 : memref<80x128xf32, #tpu.memory_space<vmem>>) offsets(%dma_start3A_272 : memref<80xi32, #tpu.memory_space<vmem>>) semaphore(%arg13 : memref<!tpu.dma_semaphore, #tpu.memory_space<semaphore_mem>>)
      %mul3A_276 = arith.constant 3 : i32
      %mul3A_277 = arith.muli %mul3A_276, %scan3A_248 : i32
      %add3A_278 = arith.constant 1 : i32
      %add3A_279 = arith.addi %mul3A_277, %add3A_278 : i32
      %mul3A_280 = arith.constant 80 : i32
      %mul3A_281 = arith.muli %add3A_279, %mul3A_280 : i32
      %dma_wait3A_282 = tpu.memref_slice %arg5[%mul3A_281] : memref<2000xi32, #tpu.memory_space<vmem>> -> memref<80xi32, #tpu.memory_space<vmem>>
      %dma_wait3A_283 = arith.constant 0 : i32
      %dma_wait3A_284 = arith.constant 0 : i32
      %dma_wait3A_285 = tpu.memref_slice %arg2[%dma_wait3A_283, %dma_wait3A_284] : memref<10000x128xf32, #tpu.memory_space<hbm>> -> memref<10000x128xf32, #tpu.memory_space<hbm>>
      tpu.wait_indirect_dma semaphore(%arg12 : memref<!tpu.dma_semaphore, #tpu.memory_space<semaphore_mem>>) src(%dma_wait3A_285 : memref<10000x128xf32, #tpu.memory_space<hbm>>) dst(%arg8 : memref<80x128xf32, #tpu.memory_space<vmem>>)
      %mul3A_286 = arith.constant 80 : i32
      %mul3A_287 = arith.muli %add3A_279, %mul3A_286 : i32
      %dma_start3A_288 = tpu.memref_slice %arg6[%mul3A_287] : memref<2000xi32, #tpu.memory_space<vmem>> -> memref<80xi32, #tpu.memory_space<vmem>>
      %dma_start3A_289 = arith.constant 0 : i32
      %dma_start3A_290 = arith.constant 0 : i32
      %dma_start3A_291 = tpu.memref_slice %arg10[%dma_start3A_289, %dma_start3A_290] : memref<10240x128xf32, #tpu.memory_space<vmem_shared>> -> memref<10240x128xf32, #tpu.memory_space<vmem_shared>>
      tpu.enqueue_indirect_dma source(%arg8 : memref<80x128xf32, #tpu.memory_space<vmem>>) target(%dma_start3A_291 : memref<10240x128xf32, #tpu.memory_space<vmem_shared>>) offsets(%dma_start3A_288 : memref<80xi32, #tpu.memory_space<vmem>>) semaphore(%arg15 : memref<!tpu.dma_semaphore, #tpu.memory_space<semaphore_mem>>) {add = true}
      %mul3A_292 = arith.constant 80 : i32
      %mul3A_293 = arith.muli %add3A_279, %mul3A_292 : i32
      %dma_wait3A_294 = tpu.memref_slice %arg6[%mul3A_293] : memref<2000xi32, #tpu.memory_space<vmem>> -> memref<80xi32, #tpu.memory_space<vmem>>
      %dma_wait3A_295 = arith.constant 0 : i32
      %dma_wait3A_296 = arith.constant 0 : i32
      %dma_wait3A_297 = tpu.memref_slice %arg10[%dma_wait3A_295, %dma_wait3A_296] : memref<10240x128xf32, #tpu.memory_space<vmem_shared>> -> memref<10240x128xf32, #tpu.memory_space<vmem_shared>>
      tpu.wait_indirect_dma semaphore(%arg14 : memref<!tpu.dma_semaphore, #tpu.memory_space<semaphore_mem>>) src(%arg7 : memref<80x128xf32, #tpu.memory_space<vmem>>) dst(%dma_wait3A_297 : memref<10240x128xf32, #tpu.memory_space<vmem_shared>>)
      %add3A_298 = arith.constant 2 : i32
      %add3A_299 = arith.addi %add3A_279, %add3A_298 : i32
      %mul3A_300 = arith.constant 80 : i32
      %mul3A_301 = arith.muli %add3A_299, %mul3A_300 : i32
      %dma_start3A_302 = tpu.memref_slice %arg5[%mul3A_301] : memref<2000xi32, #tpu.memory_space<vmem>> -> memref<80xi32, #tpu.memory_space<vmem>>
      %dma_start3A_303 = arith.constant 0 : i32
      %dma_start3A_304 = arith.constant 0 : i32
      %dma_start3A_305 = tpu.memref_slice %arg2[%dma_start3A_303, %dma_start3A_304] : memref<10000x128xf32, #tpu.memory_space<hbm>> -> memref<10000x128xf32, #tpu.memory_space<hbm>>
      tpu.enqueue_indirect_dma source(%dma_start3A_305 : memref<10000x128xf32, #tpu.memory_space<hbm>>) target(%arg7 : memref<80x128xf32, #tpu.memory_space<vmem>>) offsets(%dma_start3A_302 : memref<80xi32, #tpu.memory_space<vmem>>) semaphore(%arg11 : memref<!tpu.dma_semaphore, #tpu.memory_space<semaphore_mem>>)
      %mul3A_306 = arith.constant 3 : i32
      %mul3A_307 = arith.muli %mul3A_306, %scan3A_248 : i32
      %add3A_308 = arith.constant 2 : i32
      %add3A_309 = arith.addi %mul3A_307, %add3A_308 : i32
      %mul3A_310 = arith.constant 80 : i32
      %mul3A_311 = arith.muli %add3A_309, %mul3A_310 : i32
      %dma_wait3A_312 = tpu.memref_slice %arg5[%mul3A_311] : memref<2000xi32, #tpu.memory_space<vmem>> -> memref<80xi32, #tpu.memory_space<vmem>>
      %dma_wait3A_313 = arith.constant 0 : i32
      %dma_wait3A_314 = arith.constant 0 : i32
      %dma_wait3A_315 = tpu.memref_slice %arg2[%dma_wait3A_313, %dma_wait3A_314] : memref<10000x128xf32, #tpu.memory_space<hbm>> -> memref<10000x128xf32, #tpu.memory_space<hbm>>
      tpu.wait_indirect_dma semaphore(%arg13 : memref<!tpu.dma_semaphore, #tpu.memory_space<semaphore_mem>>) src(%dma_wait3A_315 : memref<10000x128xf32, #tpu.memory_space<hbm>>) dst(%arg9 : memref<80x128xf32, #tpu.memory_space<vmem>>)
      %mul3A_316 = arith.constant 80 : i32
      %mul3A_317 = arith.muli %add3A_309, %mul3A_316 : i32
      %dma_start3A_318 = tpu.memref_slice %arg6[%mul3A_317] : memref<2000xi32, #tpu.memory_space<vmem>> -> memref<80xi32, #tpu.memory_space<vmem>>
      %dma_start3A_319 = arith.constant 0 : i32
      %dma_start3A_320 = arith.constant 0 : i32
      %dma_start3A_321 = tpu.memref_slice %arg10[%dma_start3A_319, %dma_start3A_320] : memref<10240x128xf32, #tpu.memory_space<vmem_shared>> -> memref<10240x128xf32, #tpu.memory_space<vmem_shared>>
      tpu.enqueue_indirect_dma source(%arg9 : memref<80x128xf32, #tpu.memory_space<vmem>>) target(%dma_start3A_321 : memref<10240x128xf32, #tpu.memory_space<vmem_shared>>) offsets(%dma_start3A_318 : memref<80xi32, #tpu.memory_space<vmem>>) semaphore(%arg16 : memref<!tpu.dma_semaphore, #tpu.memory_space<semaphore_mem>>) {add = true}
      %mul3A_322 = arith.constant 80 : i32
      %mul3A_323 = arith.muli %add3A_309, %mul3A_322 : i32
      %dma_wait3A_324 = tpu.memref_slice %arg6[%mul3A_323] : memref<2000xi32, #tpu.memory_space<vmem>> -> memref<80xi32, #tpu.memory_space<vmem>>
      %dma_wait3A_325 = arith.constant 0 : i32
      %dma_wait3A_326 = arith.constant 0 : i32
      %dma_wait3A_327 = tpu.memref_slice %arg10[%dma_wait3A_325, %dma_wait3A_326] : memref<10240x128xf32, #tpu.memory_space<vmem_shared>> -> memref<10240x128xf32, #tpu.memory_space<vmem_shared>>
      tpu.wait_indirect_dma semaphore(%arg15 : memref<!tpu.dma_semaphore, #tpu.memory_space<semaphore_mem>>) src(%arg8 : memref<80x128xf32, #tpu.memory_space<vmem>>) dst(%dma_wait3A_327 : memref<10240x128xf32, #tpu.memory_space<vmem_shared>>)
      %add3A_328 = arith.constant 1 : i32
      %add3A_329 = arith.addi %scan3A_248, %add3A_328 : i32
      %lt3A = arith.constant 8 : i32
      %lt3A_330 = arith.cmpi slt, %add3A_329, %lt3A : i32
      %convert_element_type3A_331 = arith.extui %lt3A_330 : i1 to i32
      %cond3A_332 = arith.constant 0 : i32
      %cond3A_333 = arith.cmpi ne, %convert_element_type3A_331, %cond3A_332 : i32
      scf.if %cond3A_333 {
        %add3A_335 = arith.constant 2 : i32
        %add3A_336 = arith.addi %add3A_309, %add3A_335 : i32
        %mul3A_337 = arith.constant 80 : i32
        %mul3A_338 = arith.muli %add3A_336, %mul3A_337 : i32
        %dma_start3A_339 = tpu.memref_slice %arg5[%mul3A_338] : memref<2000xi32, #tpu.memory_space<vmem>> -> memref<80xi32, #tpu.memory_space<vmem>>
        %dma_start3A_340 = arith.constant 0 : i32
        %dma_start3A_341 = arith.constant 0 : i32
        %dma_start3A_342 = tpu.memref_slice %arg2[%dma_start3A_340, %dma_start3A_341] : memref<10000x128xf32, #tpu.memory_space<hbm>> -> memref<10000x128xf32, #tpu.memory_space<hbm>>
        tpu.enqueue_indirect_dma source(%dma_start3A_342 : memref<10000x128xf32, #tpu.memory_space<hbm>>) target(%arg8 : memref<80x128xf32, #tpu.memory_space<vmem>>) offsets(%dma_start3A_339 : memref<80xi32, #tpu.memory_space<vmem>>) semaphore(%arg12 : memref<!tpu.dma_semaphore, #tpu.memory_space<semaphore_mem>>)
      } else {
      }
      %scan3A_334 = arith.constant 0 : i32
      scf.yield %scan3A_334 : i32
    }
    %scan3A_222 = arith.constant 8 : i32
    %dma_wait3A_223 = arith.constant 1920 : i32
    %dma_wait3A_224 = tpu.memref_slice %arg5[%dma_wait3A_223] : memref<2000xi32, #tpu.memory_space<vmem>> -> memref<80xi32, #tpu.memory_space<vmem>>
    %dma_wait3A_225 = arith.constant 0 : i32
    %dma_wait3A_226 = arith.constant 0 : i32
    %dma_wait3A_227 = tpu.memref_slice %arg2[%dma_wait3A_225, %dma_wait3A_226] : memref<10000x128xf32, #tpu.memory_space<hbm>> -> memref<10000x128xf32, #tpu.memory_space<hbm>>
    tpu.wait_indirect_dma semaphore(%arg11 : memref<!tpu.dma_semaphore, #tpu.memory_space<semaphore_mem>>) src(%dma_wait3A_227 : memref<10000x128xf32, #tpu.memory_space<hbm>>) dst(%arg7 : memref<80x128xf32, #tpu.memory_space<vmem>>)
    %dma_start3A_228 = arith.constant 1920 : i32
    %dma_start3A_229 = tpu.memref_slice %arg6[%dma_start3A_228] : memref<2000xi32, #tpu.memory_space<vmem>> -> memref<80xi32, #tpu.memory_space<vmem>>
    %dma_start3A_230 = arith.constant 0 : i32
    %dma_start3A_231 = arith.constant 0 : i32
    %dma_start3A_232 = tpu.memref_slice %arg10[%dma_start3A_230, %dma_start3A_231] : memref<10240x128xf32, #tpu.memory_space<vmem_shared>> -> memref<10240x128xf32, #tpu.memory_space<vmem_shared>>
    tpu.enqueue_indirect_dma source(%arg7 : memref<80x128xf32, #tpu.memory_space<vmem>>) target(%dma_start3A_232 : memref<10240x128xf32, #tpu.memory_space<vmem_shared>>) offsets(%dma_start3A_229 : memref<80xi32, #tpu.memory_space<vmem>>) semaphore(%arg14 : memref<!tpu.dma_semaphore, #tpu.memory_space<semaphore_mem>>) {add = true}
    %dma_wait3A_233 = arith.constant 1840 : i32
    %dma_wait3A_234 = tpu.memref_slice %arg6[%dma_wait3A_233] : memref<2000xi32, #tpu.memory_space<vmem>> -> memref<80xi32, #tpu.memory_space<vmem>>
    %dma_wait3A_235 = arith.constant 0 : i32
    %dma_wait3A_236 = arith.constant 0 : i32
    %dma_wait3A_237 = tpu.memref_slice %arg10[%dma_wait3A_235, %dma_wait3A_236] : memref<10240x128xf32, #tpu.memory_space<vmem_shared>> -> memref<10240x128xf32, #tpu.memory_space<vmem_shared>>
    tpu.wait_indirect_dma semaphore(%arg16 : memref<!tpu.dma_semaphore, #tpu.memory_space<semaphore_mem>>) src(%arg9 : memref<80x128xf32, #tpu.memory_space<vmem>>) dst(%dma_wait3A_237 : memref<10240x128xf32, #tpu.memory_space<vmem_shared>>)
    %dma_wait3A_238 = arith.constant 1920 : i32
    %dma_wait3A_239 = tpu.memref_slice %arg6[%dma_wait3A_238] : memref<2000xi32, #tpu.memory_space<vmem>> -> memref<80xi32, #tpu.memory_space<vmem>>
    %dma_wait3A_240 = arith.constant 0 : i32
    %dma_wait3A_241 = arith.constant 0 : i32
    %dma_wait3A_242 = tpu.memref_slice %arg10[%dma_wait3A_240, %dma_wait3A_241] : memref<10240x128xf32, #tpu.memory_space<vmem_shared>> -> memref<10240x128xf32, #tpu.memory_space<vmem_shared>>
    tpu.wait_indirect_dma semaphore(%arg14 : memref<!tpu.dma_semaphore, #tpu.memory_space<semaphore_mem>>) src(%arg7 : memref<80x128xf32, #tpu.memory_space<vmem>>) dst(%dma_wait3A_242 : memref<10240x128xf32, #tpu.memory_space<vmem_shared>>)
    %barrier3A_243 = arith.constant 0 : index
    tpu.barrier barrier_id(%barrier3A_243)
    %mul3A_244 = arith.constant 640 : i32
    %mul3A_245 = arith.muli %arg1, %mul3A_244 : i32
    %mul3A_246 = arith.constant 640 : i32
    %mul3A_247 = arith.muli %arg1, %mul3A_246 : i32
    "tpu.region"() ({
      %run_scoped3A = tpu.sem_alloc : memref<!tpu.dma_semaphore, #tpu.memory_space<semaphore_mem>>
      %dma_start3A_248 = arith.constant 0 : i32
      %dma_start3A_249 = tpu.memref_slice %arg4[%arg0, %mul3A_247, %dma_start3A_248] : memref<2x10240x128xf32, #tpu.memory_space<hbm>> -> memref<1x640x128xf32, #tpu.memory_space<hbm>>
      %dma_start3A_250 = tpu.memref_squeeze %dma_start3A_249 : memref<1x640x128xf32, #tpu.memory_space<hbm>> -> memref<640x128xf32, #tpu.memory_space<hbm>>
      %dma_start3A_251 = arith.constant 0 : i32
      %dma_start3A_252 = tpu.memref_slice %arg10[%mul3A_245, %dma_start3A_251] : memref<10240x128xf32, #tpu.memory_space<vmem_shared>> -> memref<640x128xf32, #tpu.memory_space<vmem_shared>>
      tpu.enqueue_dma source(%dma_start3A_252 : memref<640x128xf32, #tpu.memory_space<vmem_shared>>) target(%dma_start3A_250 : memref<640x128xf32, #tpu.memory_space<hbm>>) target_semaphore(%run_scoped3A : memref<!tpu.dma_semaphore, #tpu.memory_space<semaphore_mem>>)
      %dma_wait3A_253 = arith.constant 0 : i32
      %dma_wait3A_254 = tpu.memref_slice %arg4[%arg0, %mul3A_247, %dma_wait3A_253] : memref<2x10240x128xf32, #tpu.memory_space<hbm>> -> memref<1x640x128xf32, #tpu.memory_space<hbm>>
      %dma_wait3A_255 = tpu.memref_squeeze %dma_wait3A_254 : memref<1x640x128xf32, #tpu.memory_space<hbm>> -> memref<640x128xf32, #tpu.memory_space<hbm>>
      %dma_wait3A_256 = arith.constant 0 : i32
      %dma_wait3A_257 = tpu.memref_slice %arg10[%mul3A_245, %dma_wait3A_256] : memref<10240x128xf32, #tpu.memory_space<vmem_shared>> -> memref<640x128xf32, #tpu.memory_space<vmem_shared>>
      tpu.wait_dma2 semaphore(%run_scoped3A : memref<!tpu.dma_semaphore, #tpu.memory_space<semaphore_mem>>) src(%dma_wait3A_257 : memref<640x128xf32, #tpu.memory_space<vmem_shared>>) dst(%dma_wait3A_255 : memref<640x128xf32, #tpu.memory_space<hbm>>)
      tpu.yield
    }) : () -> ()
    return
  }
}

module attributes {stable_mosaic.version = 14 : i64} {
  func.func @body(%arg0: i32, %arg1: memref<2000x128xf32, #tpu.memory_space<vmem>>, %arg2: memref<128x128xf32, #tpu.memory_space<vmem>>, %arg3: memref<1x128xf32, #tpu.memory_space<vmem>>, %arg4: memref<2000x128xf32, #tpu.memory_space<vmem>>) attributes {dimension_semantics = [#tpu.dimension_semantics<arbitrary>], iteration_bounds = array<i64: 5>, scalar_prefetch = 0 : i64, scratch_operands = 0 : i64, tpu.core_type = #tpu.core_type<tc>, window_params = [{transform_indices = @transform_0, window_bounds = array<i64: 2000, 128>}, {pipeline_mode = #tpu.pipeline_mode<synchronous>, transform_indices = @transform_1, window_bounds = array<i64: 128, 128>}, {pipeline_mode = #tpu.pipeline_mode<synchronous>, transform_indices = @transform_2, window_bounds = array<i64: 1, 128>}, {transform_indices = @transform_3, window_bounds = array<i64: 2000, 128>}]} {
    %get3A = arith.constant 0 : index
    %get3A_0 = arith.constant 0 : index
    %get3A_1 = vector.load %arg1[%get3A, %get3A_0] : memref<2000x128xf32, #tpu.memory_space<vmem>>, vector<2000x128xf32>
    %get3A_2 = arith.constant 0 : index
    %get3A_3 = arith.constant 0 : index
    %get3A_4 = vector.load %arg2[%get3A_2, %get3A_3] : memref<128x128xf32, #tpu.memory_space<vmem>>, vector<128x128xf32>
    %dot_general3A = arith.constant dense<0.000000e+00> : vector<2000x128xf32>
    %dot_general3A_5 = tpu.matmul %get3A_1, %get3A_4, %dot_general3A {dimension_numbers = #tpu.dot_dimension_numbers<[1], [0], [0], [1], [0, 0, 1, 1], [], []>, transpose_lhs_hint = false} : vector<2000x128xf32>, vector<128x128xf32>, vector<2000x128xf32> -> vector<2000x128xf32>
    %get3A_6 = arith.constant 0 : index
    %get3A_7 = arith.constant 0 : index
    %get3A_8 = vector.load %arg3[%get3A_6, %get3A_7] : memref<1x128xf32, #tpu.memory_space<vmem>>, vector<1x128xf32>
    %add3A = vector.broadcast %get3A_8 : vector<1x128xf32> to vector<2000x128xf32>
    %add3A_9 = arith.addf %dot_general3A_5, %add3A : vector<2000x128xf32>
    %max3A = arith.constant 0.000000e+00 : f32
    %max3A_10 = vector.broadcast %max3A : f32 to vector<2000x128xf32>
    %max3A_11 = arith.maximumf %add3A_9, %max3A_10 : vector<2000x128xf32>
    %swap3A = arith.constant 0 : index
    %swap3A_12 = arith.constant 0 : index
    %swap3A_13 = vector.load %arg4[%swap3A, %swap3A_12] : memref<2000x128xf32, #tpu.memory_space<vmem>>, vector<2000x128xf32>
    tpu.vector_store %arg4[%swap3A, %swap3A_12], %max3A_11 {strides = array<i32>} : memref<2000x128xf32, #tpu.memory_space<vmem>>, vector<2000x128xf32>,
    return
  }
  func.func @transform_0(%arg0: i32) -> (i32, i32) {
    %c0_i32 = arith.constant 0 : i32
    %c0_i32_0 = arith.constant 0 : i32
    return %arg0, %c0_i32 : i32, i32
  }
  func.func @transform_1(%arg0: i32) -> (i32, i32) {
    %c0_i32 = arith.constant 0 : i32
    %c0_i32_0 = arith.constant 0 : i32
    %c0_i32_1 = arith.constant 0 : i32
    return %c0_i32, %c0_i32_0 : i32, i32
  }
  func.func @transform_2(%arg0: i32) -> (i32, i32) {
    %c0_i32 = arith.constant 0 : i32
    %c0_i32_0 = arith.constant 0 : i32
    %c0_i32_1 = arith.constant 0 : i32
    return %c0_i32, %c0_i32_0 : i32, i32
  }
  func.func @transform_3(%arg0: i32) -> (i32, i32) {
    %c0_i32 = arith.constant 0 : i32
    %c0_i32_0 = arith.constant 0 : i32
    return %arg0, %c0_i32 : i32, i32
  }
}

module attributes {stable_mosaic.version = 14 : i64} {
  func.func @body(%arg0: i32, %arg1: memref<2000x128xf32, #tpu.memory_space<vmem>>, %arg2: memref<1x2000x128xf32, #tpu.memory_space<vmem>>, %arg3: memref<1x2000x128xf32, #tpu.memory_space<vmem>>, %arg4: memref<128x128xf32, #tpu.memory_space<vmem>>, %arg5: memref<128x128xf32, #tpu.memory_space<vmem>>, %arg6: memref<1x128xf32, #tpu.memory_space<vmem>>, %arg7: memref<1x128xf32, #tpu.memory_space<vmem>>, %arg8: memref<1x128xf32, #tpu.memory_space<vmem>>, %arg9: memref<128x128xf32, #tpu.memory_space<vmem>>, %arg10: memref<1x128xf32, #tpu.memory_space<vmem>>, %arg11: memref<2000x128xf32, #tpu.memory_space<vmem>>, %arg12: memref<2000x128xf32, #tpu.memory_space<vmem>>) attributes {dimension_semantics = [#tpu.dimension_semantics<arbitrary>], iteration_bounds = array<i64: 5>, scalar_prefetch = 0 : i64, scratch_operands = 0 : i64, tpu.core_type = #tpu.core_type<tc>, window_params = [{transform_indices = @transform_0, window_bounds = array<i64: 2000, 128>}, {transform_indices = @transform_1, window_bounds = array<i64: 1, 2000, 128>}, {transform_indices = @transform_2, window_bounds = array<i64: 1, 2000, 128>}, {transform_indices = @transform_3, window_bounds = array<i64: 128, 128>}, {transform_indices = @transform_4, window_bounds = array<i64: 128, 128>}, {pipeline_mode = #tpu.pipeline_mode<synchronous>, transform_indices = @transform_5, window_bounds = array<i64: 1, 128>}, {pipeline_mode = #tpu.pipeline_mode<synchronous>, transform_indices = @transform_6, window_bounds = array<i64: 1, 128>}, {pipeline_mode = #tpu.pipeline_mode<synchronous>, transform_indices = @transform_7, window_bounds = array<i64: 1, 128>}, {pipeline_mode = #tpu.pipeline_mode<synchronous>, transform_indices = @transform_8, window_bounds = array<i64: 128, 128>}, {pipeline_mode = #tpu.pipeline_mode<synchronous>, transform_indices = @transform_9, window_bounds = array<i64: 1, 128>}, {transform_indices = @transform_10, window_bounds = array<i64: 2000, 128>}, {transform_indices = @transform_11, window_bounds = array<i64: 2000, 128>}]} {
    %get3A = arith.constant 0 : index
    %get3A_0 = arith.constant 0 : index
    %get3A_1 = vector.load %arg1[%get3A, %get3A_0] : memref<2000x128xf32, #tpu.memory_space<vmem>>, vector<2000x128xf32>
    %get3A_2 = arith.constant 0 : index
    %get3A_3 = arith.constant 0 : index
    %get3A_4 = arith.constant 0 : index
    %get3A_5 = vector.load %arg2[%get3A_2, %get3A_3, %get3A_4] : memref<1x2000x128xf32, #tpu.memory_space<vmem>>, vector<1x2000x128xf32>
    %get3A_6 = vector.shape_cast %get3A_5 : vector<1x2000x128xf32> to vector<2000x128xf32>
    %get3A_7 = arith.constant 0 : index
    %get3A_8 = arith.constant 0 : index
    %get3A_9 = arith.constant 0 : index
    %get3A_10 = vector.load %arg3[%get3A_7, %get3A_8, %get3A_9] : memref<1x2000x128xf32, #tpu.memory_space<vmem>>, vector<1x2000x128xf32>
    %get3A_11 = vector.shape_cast %get3A_10 : vector<1x2000x128xf32> to vector<2000x128xf32>
    %get3A_12 = arith.constant 0 : index
    %get3A_13 = arith.constant 0 : index
    %get3A_14 = vector.load %arg4[%get3A_12, %get3A_13] : memref<128x128xf32, #tpu.memory_space<vmem>>, vector<128x128xf32>
    %get3A_15 = arith.constant 0 : index
    %get3A_16 = arith.constant 0 : index
    %get3A_17 = vector.load %arg5[%get3A_15, %get3A_16] : memref<128x128xf32, #tpu.memory_space<vmem>>, vector<128x128xf32>
    %get3A_18 = arith.constant 0 : index
    %get3A_19 = arith.constant 0 : index
    %get3A_20 = vector.load %arg6[%get3A_18, %get3A_19] : memref<1x128xf32, #tpu.memory_space<vmem>>, vector<1x128xf32>
    %get3A_21 = arith.constant 0 : index
    %get3A_22 = arith.constant 0 : index
    %get3A_23 = vector.load %arg7[%get3A_21, %get3A_22] : memref<1x128xf32, #tpu.memory_space<vmem>>, vector<1x128xf32>
    %get3A_24 = arith.constant 0 : index
    %get3A_25 = arith.constant 0 : index
    %get3A_26 = vector.load %arg8[%get3A_24, %get3A_25] : memref<1x128xf32, #tpu.memory_space<vmem>>, vector<1x128xf32>
    %dot_general3A = arith.constant dense<0.000000e+00> : vector<2000x128xf32>
    %dot_general3A_27 = tpu.matmul %get3A_1, %get3A_14, %dot_general3A {dimension_numbers = #tpu.dot_dimension_numbers<[1], [0], [0], [1], [0, 0, 1, 1], [], []>, transpose_lhs_hint = false} : vector<2000x128xf32>, vector<128x128xf32>, vector<2000x128xf32> -> vector<2000x128xf32>
    %add3A = arith.addf %get3A_6, %get3A_11 : vector<2000x128xf32>
    %dot_general3A_28 = arith.constant dense<0.000000e+00> : vector<2000x128xf32>
    %dot_general3A_29 = tpu.matmul %add3A, %get3A_17, %dot_general3A_28 {dimension_numbers = #tpu.dot_dimension_numbers<[1], [0], [0], [1], [0, 0, 1, 1], [], []>, transpose_lhs_hint = false} : vector<2000x128xf32>, vector<128x128xf32>, vector<2000x128xf32> -> vector<2000x128xf32>
    %add3A_30 = arith.addf %dot_general3A_27, %dot_general3A_29 : vector<2000x128xf32>
    %add3A_31 = vector.broadcast %get3A_20 : vector<1x128xf32> to vector<2000x128xf32>
    %add3A_32 = arith.addf %add3A_30, %add3A_31 : vector<2000x128xf32>
    %max3A = arith.constant 0.000000e+00 : f32
    %max3A_33 = vector.broadcast %max3A : f32 to vector<2000x128xf32>
    %max3A_34 = arith.maximumf %add3A_32, %max3A_33 : vector<2000x128xf32>
    %add3A_35 = arith.addf %get3A_1, %max3A_34 : vector<2000x128xf32>
    %max3A_36 = arith.constant 0.000000e+00 : f32
    %max3A_37 = vector.broadcast %max3A_36 : f32 to vector<2000x128xf32>
    %max3A_38 = arith.maximumf %add3A_35, %max3A_37 : vector<2000x128xf32>
    %reduce_sum3A = arith.constant dense<0.000000e+00> : vector<2000xf32>
    %reduce_sum3A_39 = vector.multi_reduction <add>, %max3A_38, %reduce_sum3A [1] : vector<2000x128xf32> to vector<2000xf32>
    %broadcast_in_dim3A = vector.shape_cast %reduce_sum3A_39 : vector<2000xf32> to vector<2000x1xf32>
    %div3A = arith.constant 1.280000e+02 : f32
    %div3A_40 = vector.broadcast %div3A : f32 to vector<2000x1xf32>
    %div3A_41 = arith.divf %broadcast_in_dim3A, %div3A_40 : vector<2000x1xf32>
    %sub3A = vector.broadcast %div3A_41 : vector<2000x1xf32> to vector<2000x128xf32>
    %sub3A_42 = arith.subf %max3A_38, %sub3A : vector<2000x128xf32>
    %integer_pow3A = arith.mulf %sub3A_42, %sub3A_42 : vector<2000x128xf32>
    %reduce_sum3A_43 = arith.constant dense<0.000000e+00> : vector<2000xf32>
    %reduce_sum3A_44 = vector.multi_reduction <add>, %integer_pow3A, %reduce_sum3A_43 [1] : vector<2000x128xf32> to vector<2000xf32>
    %broadcast_in_dim3A_45 = vector.shape_cast %reduce_sum3A_44 : vector<2000xf32> to vector<2000x1xf32>
    %div3A_46 = arith.constant 1.280000e+02 : f32
    %div3A_47 = vector.broadcast %div3A_46 : f32 to vector<2000x1xf32>
    %div3A_48 = arith.divf %broadcast_in_dim3A_45, %div3A_47 : vector<2000x1xf32>
    %sub3A_49 = vector.broadcast %div3A_41 : vector<2000x1xf32> to vector<2000x128xf32>
    %sub3A_50 = arith.subf %max3A_38, %sub3A_49 : vector<2000x128xf32>
    %add3A_51 = arith.constant 1.000000e-03 : f32
    %add3A_52 = vector.broadcast %add3A_51 : f32 to vector<2000x1xf32>
    %add3A_53 = arith.addf %div3A_48, %add3A_52 : vector<2000x1xf32>
    %rsqrt3A = math.rsqrt %add3A_53 : vector<2000x1xf32>
    %mul3A = vector.broadcast %rsqrt3A : vector<2000x1xf32> to vector<2000x128xf32>
    %mul3A_54 = arith.mulf %sub3A_50, %mul3A : vector<2000x128xf32>
    %mul3A_55 = vector.broadcast %get3A_23 : vector<1x128xf32> to vector<2000x128xf32>
    %mul3A_56 = arith.mulf %mul3A_54, %mul3A_55 : vector<2000x128xf32>
    %add3A_57 = vector.broadcast %get3A_26 : vector<1x128xf32> to vector<2000x128xf32>
    %add3A_58 = arith.addf %mul3A_56, %add3A_57 : vector<2000x128xf32>
    %swap3A = arith.constant 0 : index
    %swap3A_59 = arith.constant 0 : index
    %swap3A_60 = vector.load %arg11[%swap3A, %swap3A_59] : memref<2000x128xf32, #tpu.memory_space<vmem>>, vector<2000x128xf32>
    tpu.vector_store %arg11[%swap3A, %swap3A_59], %add3A_58 {strides = array<i32>} : memref<2000x128xf32, #tpu.memory_space<vmem>>, vector<2000x128xf32>,
    %get3A_61 = arith.constant 0 : index
    %get3A_62 = arith.constant 0 : index
    %get3A_63 = vector.load %arg9[%get3A_61, %get3A_62] : memref<128x128xf32, #tpu.memory_space<vmem>>, vector<128x128xf32>
    %dot_general3A_64 = arith.constant dense<0.000000e+00> : vector<2000x128xf32>
    %dot_general3A_65 = tpu.matmul %add3A_58, %get3A_63, %dot_general3A_64 {dimension_numbers = #tpu.dot_dimension_numbers<[1], [0], [0], [1], [0, 0, 1, 1], [], []>, transpose_lhs_hint = false} : vector<2000x128xf32>, vector<128x128xf32>, vector<2000x128xf32> -> vector<2000x128xf32>
    %get3A_66 = arith.constant 0 : index
    %get3A_67 = arith.constant 0 : index
    %get3A_68 = vector.load %arg10[%get3A_66, %get3A_67] : memref<1x128xf32, #tpu.memory_space<vmem>>, vector<1x128xf32>
    %add3A_69 = vector.broadcast %get3A_68 : vector<1x128xf32> to vector<2000x128xf32>
    %add3A_70 = arith.addf %dot_general3A_65, %add3A_69 : vector<2000x128xf32>
    %max3A_71 = arith.constant 0.000000e+00 : f32
    %max3A_72 = vector.broadcast %max3A_71 : f32 to vector<2000x128xf32>
    %max3A_73 = arith.maximumf %add3A_70, %max3A_72 : vector<2000x128xf32>
    %swap3A_74 = arith.constant 0 : index
    %swap3A_75 = arith.constant 0 : index
    %swap3A_76 = vector.load %arg12[%swap3A_74, %swap3A_75] : memref<2000x128xf32, #tpu.memory_space<vmem>>, vector<2000x128xf32>
    tpu.vector_store %arg12[%swap3A_74, %swap3A_75], %max3A_73 {strides = array<i32>} : memref<2000x128xf32, #tpu.memory_space<vmem>>, vector<2000x128xf32>,
    return
  }
  func.func @transform_0(%arg0: i32) -> (i32, i32) {
    %c0_i32 = arith.constant 0 : i32
    %c0_i32_0 = arith.constant 0 : i32
    return %arg0, %c0_i32 : i32, i32
  }
  func.func @transform_1(%arg0: i32) -> (i32, i32, i32) {
    %c0_i32 = arith.constant 0 : i32
    %c0_i32_0 = arith.constant 0 : i32
    %c0_i32_1 = arith.constant 0 : i32
    return %c0_i32, %arg0, %c0_i32_0 : i32, i32, i32
  }
  func.func @transform_2(%arg0: i32) -> (i32, i32, i32) {
    %c1_i32 = arith.constant 1 : i32
    %c0_i32 = arith.constant 0 : i32
    %c0_i32_0 = arith.constant 0 : i32
    return %c1_i32, %arg0, %c0_i32 : i32, i32, i32
  }
  func.func @transform_3(%arg0: i32) -> (i32, i32) {
    %c0_i32 = arith.constant 0 : i32
    %c0_i32_0 = arith.constant 0 : i32
    %c0_i32_1 = arith.constant 0 : i32
    return %c0_i32, %c0_i32_0 : i32, i32
  }
  func.func @transform_4(%arg0: i32) -> (i32, i32) {
    %c1_i32 = arith.constant 1 : i32
    %c0_i32 = arith.constant 0 : i32
    %c0_i32_0 = arith.constant 0 : i32
    return %c1_i32, %c0_i32 : i32, i32
  }
  func.func @transform_5(%arg0: i32) -> (i32, i32) {
    %c0_i32 = arith.constant 0 : i32
    %c0_i32_0 = arith.constant 0 : i32
    %c0_i32_1 = arith.constant 0 : i32
    return %c0_i32, %c0_i32_0 : i32, i32
  }
  func.func @transform_6(%arg0: i32) -> (i32, i32) {
    %c0_i32 = arith.constant 0 : i32
    %c0_i32_0 = arith.constant 0 : i32
    %c0_i32_1 = arith.constant 0 : i32
    return %c0_i32, %c0_i32_0 : i32, i32
  }
  func.func @transform_7(%arg0: i32) -> (i32, i32) {
    %c0_i32 = arith.constant 0 : i32
    %c0_i32_0 = arith.constant 0 : i32
    %c0_i32_1 = arith.constant 0 : i32
    return %c0_i32, %c0_i32_0 : i32, i32
  }
  func.func @transform_8(%arg0: i32) -> (i32, i32) {
    %c0_i32 = arith.constant 0 : i32
    %c0_i32_0 = arith.constant 0 : i32
    %c0_i32_1 = arith.constant 0 : i32
    return %c0_i32, %c0_i32_0 : i32, i32
  }
  func.func @transform_9(%arg0: i32) -> (i32, i32) {
    %c0_i32 = arith.constant 0 : i32
    %c0_i32_0 = arith.constant 0 : i32
    %c0_i32_1 = arith.constant 0 : i32
    return %c0_i32, %c0_i32_0 : i32, i32
  }
  func.func @transform_10(%arg0: i32) -> (i32, i32) {
    %c0_i32 = arith.constant 0 : i32
    %c0_i32_0 = arith.constant 0 : i32
    return %arg0, %c0_i32 : i32, i32
  }
  func.func @transform_11(%arg0: i32) -> (i32, i32) {
    %c0_i32 = arith.constant 0 : i32
    %c0_i32_0 = arith.constant 0 : i32
    return %arg0, %c0_i32 : i32, i32
  }
}

module attributes {stable_mosaic.version = 14 : i64} {
  func.func @body(%arg0: i32, %arg1: memref<2000x128xf32, #tpu.memory_space<vmem>>, %arg2: memref<1x2000x128xf32, #tpu.memory_space<vmem>>, %arg3: memref<1x2000x128xf32, #tpu.memory_space<vmem>>, %arg4: memref<128x128xf32, #tpu.memory_space<vmem>>, %arg5: memref<128x128xf32, #tpu.memory_space<vmem>>, %arg6: memref<1x128xf32, #tpu.memory_space<vmem>>, %arg7: memref<1x128xf32, #tpu.memory_space<vmem>>, %arg8: memref<1x128xf32, #tpu.memory_space<vmem>>, %arg9: memref<2000x128xf32, #tpu.memory_space<vmem>>, %arg10: memref<1x128xf32, #tpu.memory_space<vmem>>) attributes {dimension_semantics = [#tpu.dimension_semantics<arbitrary>], iteration_bounds = array<i64: 5>, scalar_prefetch = 0 : i64, scratch_operands = 0 : i64, tpu.core_type = #tpu.core_type<tc>, window_params = [{transform_indices = @transform_0, window_bounds = array<i64: 2000, 128>}, {transform_indices = @transform_1, window_bounds = array<i64: 1, 2000, 128>}, {transform_indices = @transform_2, window_bounds = array<i64: 1, 2000, 128>}, {transform_indices = @transform_3, window_bounds = array<i64: 128, 128>}, {transform_indices = @transform_4, window_bounds = array<i64: 128, 128>}, {pipeline_mode = #tpu.pipeline_mode<synchronous>, transform_indices = @transform_5, window_bounds = array<i64: 1, 128>}, {pipeline_mode = #tpu.pipeline_mode<synchronous>, transform_indices = @transform_6, window_bounds = array<i64: 1, 128>}, {pipeline_mode = #tpu.pipeline_mode<synchronous>, transform_indices = @transform_7, window_bounds = array<i64: 1, 128>}, {transform_indices = @transform_8, window_bounds = array<i64: 2000, 128>}, {pipeline_mode = #tpu.pipeline_mode<synchronous>, transform_indices = @transform_9, window_bounds = array<i64: 1, 128>}]} {
    %get3A = arith.constant 0 : index
    %get3A_0 = arith.constant 0 : index
    %get3A_1 = vector.load %arg1[%get3A, %get3A_0] : memref<2000x128xf32, #tpu.memory_space<vmem>>, vector<2000x128xf32>
    %get3A_2 = arith.constant 0 : index
    %get3A_3 = arith.constant 0 : index
    %get3A_4 = arith.constant 0 : index
    %get3A_5 = vector.load %arg2[%get3A_2, %get3A_3, %get3A_4] : memref<1x2000x128xf32, #tpu.memory_space<vmem>>, vector<1x2000x128xf32>
    %get3A_6 = vector.shape_cast %get3A_5 : vector<1x2000x128xf32> to vector<2000x128xf32>
    %get3A_7 = arith.constant 0 : index
    %get3A_8 = arith.constant 0 : index
    %get3A_9 = arith.constant 0 : index
    %get3A_10 = vector.load %arg3[%get3A_7, %get3A_8, %get3A_9] : memref<1x2000x128xf32, #tpu.memory_space<vmem>>, vector<1x2000x128xf32>
    %get3A_11 = vector.shape_cast %get3A_10 : vector<1x2000x128xf32> to vector<2000x128xf32>
    %get3A_12 = arith.constant 0 : index
    %get3A_13 = arith.constant 0 : index
    %get3A_14 = vector.load %arg4[%get3A_12, %get3A_13] : memref<128x128xf32, #tpu.memory_space<vmem>>, vector<128x128xf32>
    %get3A_15 = arith.constant 0 : index
    %get3A_16 = arith.constant 0 : index
    %get3A_17 = vector.load %arg5[%get3A_15, %get3A_16] : memref<128x128xf32, #tpu.memory_space<vmem>>, vector<128x128xf32>
    %get3A_18 = arith.constant 0 : index
    %get3A_19 = arith.constant 0 : index
    %get3A_20 = vector.load %arg6[%get3A_18, %get3A_19] : memref<1x128xf32, #tpu.memory_space<vmem>>, vector<1x128xf32>
    %get3A_21 = arith.constant 0 : index
    %get3A_22 = arith.constant 0 : index
    %get3A_23 = vector.load %arg7[%get3A_21, %get3A_22] : memref<1x128xf32, #tpu.memory_space<vmem>>, vector<1x128xf32>
    %get3A_24 = arith.constant 0 : index
    %get3A_25 = arith.constant 0 : index
    %get3A_26 = vector.load %arg8[%get3A_24, %get3A_25] : memref<1x128xf32, #tpu.memory_space<vmem>>, vector<1x128xf32>
    %dot_general3A = arith.constant dense<0.000000e+00> : vector<2000x128xf32>
    %dot_general3A_27 = tpu.matmul %get3A_1, %get3A_14, %dot_general3A {dimension_numbers = #tpu.dot_dimension_numbers<[1], [0], [0], [1], [0, 0, 1, 1], [], []>, transpose_lhs_hint = false} : vector<2000x128xf32>, vector<128x128xf32>, vector<2000x128xf32> -> vector<2000x128xf32>
    %add3A = arith.addf %get3A_6, %get3A_11 : vector<2000x128xf32>
    %dot_general3A_28 = arith.constant dense<0.000000e+00> : vector<2000x128xf32>
    %dot_general3A_29 = tpu.matmul %add3A, %get3A_17, %dot_general3A_28 {dimension_numbers = #tpu.dot_dimension_numbers<[1], [0], [0], [1], [0, 0, 1, 1], [], []>, transpose_lhs_hint = false} : vector<2000x128xf32>, vector<128x128xf32>, vector<2000x128xf32> -> vector<2000x128xf32>
    %add3A_30 = arith.addf %dot_general3A_27, %dot_general3A_29 : vector<2000x128xf32>
    %add3A_31 = vector.broadcast %get3A_20 : vector<1x128xf32> to vector<2000x128xf32>
    %add3A_32 = arith.addf %add3A_30, %add3A_31 : vector<2000x128xf32>
    %max3A = arith.constant 0.000000e+00 : f32
    %max3A_33 = vector.broadcast %max3A : f32 to vector<2000x128xf32>
    %max3A_34 = arith.maximumf %add3A_32, %max3A_33 : vector<2000x128xf32>
    %add3A_35 = arith.addf %get3A_1, %max3A_34 : vector<2000x128xf32>
    %max3A_36 = arith.constant 0.000000e+00 : f32
    %max3A_37 = vector.broadcast %max3A_36 : f32 to vector<2000x128xf32>
    %max3A_38 = arith.maximumf %add3A_35, %max3A_37 : vector<2000x128xf32>
    %reduce_sum3A = arith.constant dense<0.000000e+00> : vector<2000xf32>
    %reduce_sum3A_39 = vector.multi_reduction <add>, %max3A_38, %reduce_sum3A [1] : vector<2000x128xf32> to vector<2000xf32>
    %broadcast_in_dim3A = vector.shape_cast %reduce_sum3A_39 : vector<2000xf32> to vector<2000x1xf32>
    %div3A = arith.constant 1.280000e+02 : f32
    %div3A_40 = vector.broadcast %div3A : f32 to vector<2000x1xf32>
    %div3A_41 = arith.divf %broadcast_in_dim3A, %div3A_40 : vector<2000x1xf32>
    %sub3A = vector.broadcast %div3A_41 : vector<2000x1xf32> to vector<2000x128xf32>
    %sub3A_42 = arith.subf %max3A_38, %sub3A : vector<2000x128xf32>
    %integer_pow3A = arith.mulf %sub3A_42, %sub3A_42 : vector<2000x128xf32>
    %reduce_sum3A_43 = arith.constant dense<0.000000e+00> : vector<2000xf32>
    %reduce_sum3A_44 = vector.multi_reduction <add>, %integer_pow3A, %reduce_sum3A_43 [1] : vector<2000x128xf32> to vector<2000xf32>
    %broadcast_in_dim3A_45 = vector.shape_cast %reduce_sum3A_44 : vector<2000xf32> to vector<2000x1xf32>
    %div3A_46 = arith.constant 1.280000e+02 : f32
    %div3A_47 = vector.broadcast %div3A_46 : f32 to vector<2000x1xf32>
    %div3A_48 = arith.divf %broadcast_in_dim3A_45, %div3A_47 : vector<2000x1xf32>
    %sub3A_49 = vector.broadcast %div3A_41 : vector<2000x1xf32> to vector<2000x128xf32>
    %sub3A_50 = arith.subf %max3A_38, %sub3A_49 : vector<2000x128xf32>
    %add3A_51 = arith.constant 1.000000e-03 : f32
    %add3A_52 = vector.broadcast %add3A_51 : f32 to vector<2000x1xf32>
    %add3A_53 = arith.addf %div3A_48, %add3A_52 : vector<2000x1xf32>
    %rsqrt3A = math.rsqrt %add3A_53 : vector<2000x1xf32>
    %mul3A = vector.broadcast %rsqrt3A : vector<2000x1xf32> to vector<2000x128xf32>
    %mul3A_54 = arith.mulf %sub3A_50, %mul3A : vector<2000x128xf32>
    %mul3A_55 = vector.broadcast %get3A_23 : vector<1x128xf32> to vector<2000x128xf32>
    %mul3A_56 = arith.mulf %mul3A_54, %mul3A_55 : vector<2000x128xf32>
    %add3A_57 = vector.broadcast %get3A_26 : vector<1x128xf32> to vector<2000x128xf32>
    %add3A_58 = arith.addf %mul3A_56, %add3A_57 : vector<2000x128xf32>
    %swap3A = arith.constant 0 : index
    %swap3A_59 = arith.constant 0 : index
    %swap3A_60 = vector.load %arg9[%swap3A, %swap3A_59] : memref<2000x128xf32, #tpu.memory_space<vmem>>, vector<2000x128xf32>
    tpu.vector_store %arg9[%swap3A, %swap3A_59], %add3A_58 {strides = array<i32>} : memref<2000x128xf32, #tpu.memory_space<vmem>>, vector<2000x128xf32>,
    %eq3A = arith.constant 0 : i32
    %eq3A_61 = arith.cmpi eq, %arg0, %eq3A : i32
    %convert_element_type3A = arith.extui %eq3A_61 : i1 to i32
    %cond3A = arith.constant 0 : i32
    %cond3A_62 = arith.cmpi ne, %convert_element_type3A, %cond3A : i32
    scf.if %cond3A_62 {
      %broadcast_in_dim3A_78 = arith.constant 0.000000e+00 : f32
      %broadcast_in_dim3A_79 = vector.broadcast %broadcast_in_dim3A_78 : f32 to vector<1x128xf32>
      %swap3A_80 = arith.constant 0 : index
      %swap3A_81 = arith.constant 0 : index
      %swap3A_82 = vector.load %arg10[%swap3A_80, %swap3A_81] : memref<1x128xf32, #tpu.memory_space<vmem>>, vector<1x128xf32>
      tpu.vector_store %arg10[%swap3A_80, %swap3A_81], %broadcast_in_dim3A_79 {strides = array<i32>} : memref<1x128xf32, #tpu.memory_space<vmem>>, vector<1x128xf32>,
    } else {
    }
    %get3A_63 = arith.constant 0 : index
    %get3A_64 = arith.constant 0 : index
    %get3A_65 = vector.load %arg10[%get3A_63, %get3A_64] : memref<1x128xf32, #tpu.memory_space<vmem>>, vector<1x128xf32>
    %reduce_sum3A_66 = arith.constant dense<0.000000e+00> : vector<128xf32>
    %reduce_sum3A_67 = vector.multi_reduction <add>, %add3A_58, %reduce_sum3A_66 [0] : vector<2000x128xf32> to vector<128xf32>
    %broadcast_in_dim3A_68 = vector.shape_cast %reduce_sum3A_67 : vector<128xf32> to vector<1x128xf32>
    %add3A_69 = arith.addf %get3A_65, %broadcast_in_dim3A_68 : vector<1x128xf32>
    %swap3A_70 = arith.constant 0 : index
    %swap3A_71 = arith.constant 0 : index
    %swap3A_72 = vector.load %arg10[%swap3A_70, %swap3A_71] : memref<1x128xf32, #tpu.memory_space<vmem>>, vector<1x128xf32>
    tpu.vector_store %arg10[%swap3A_70, %swap3A_71], %add3A_69 {strides = array<i32>} : memref<1x128xf32, #tpu.memory_space<vmem>>, vector<1x128xf32>,
    %eq3A_73 = arith.constant 4 : i32
    %eq3A_74 = arith.cmpi eq, %arg0, %eq3A_73 : i32
    %convert_element_type3A_75 = arith.extui %eq3A_74 : i1 to i32
    %cond3A_76 = arith.constant 0 : i32
    %cond3A_77 = arith.cmpi ne, %convert_element_type3A_75, %cond3A_76 : i32
    scf.if %cond3A_77 {
      %get3A_78 = arith.constant 0 : index
      %get3A_79 = arith.constant 0 : index
      %get3A_80 = vector.load %arg10[%get3A_78, %get3A_79] : memref<1x128xf32, #tpu.memory_space<vmem>>, vector<1x128xf32>
      %mul3A_81 = arith.constant 9.99999974E-5 : f32
      %mul3A_82 = vector.broadcast %mul3A_81 : f32 to vector<1x128xf32>
      %mul3A_83 = arith.mulf %get3A_80, %mul3A_82 : vector<1x128xf32>
      %swap3A_84 = arith.constant 0 : index
      %swap3A_85 = arith.constant 0 : index
      %swap3A_86 = vector.load %arg10[%swap3A_84, %swap3A_85] : memref<1x128xf32, #tpu.memory_space<vmem>>, vector<1x128xf32>
      tpu.vector_store %arg10[%swap3A_84, %swap3A_85], %mul3A_83 {strides = array<i32>} : memref<1x128xf32, #tpu.memory_space<vmem>>, vector<1x128xf32>,
    } else {
    }
    return
  }
  func.func @transform_0(%arg0: i32) -> (i32, i32) {
    %c0_i32 = arith.constant 0 : i32
    %c0_i32_0 = arith.constant 0 : i32
    return %arg0, %c0_i32 : i32, i32
  }
  func.func @transform_1(%arg0: i32) -> (i32, i32, i32) {
    %c0_i32 = arith.constant 0 : i32
    %c0_i32_0 = arith.constant 0 : i32
    %c0_i32_1 = arith.constant 0 : i32
    return %c0_i32, %arg0, %c0_i32_0 : i32, i32, i32
  }
  func.func @transform_2(%arg0: i32) -> (i32, i32, i32) {
    %c1_i32 = arith.constant 1 : i32
    %c0_i32 = arith.constant 0 : i32
    %c0_i32_0 = arith.constant 0 : i32
    return %c1_i32, %arg0, %c0_i32 : i32, i32, i32
  }
  func.func @transform_3(%arg0: i32) -> (i32, i32) {
    %c0_i32 = arith.constant 0 : i32
    %c0_i32_0 = arith.constant 0 : i32
    %c0_i32_1 = arith.constant 0 : i32
    return %c0_i32, %c0_i32_0 : i32, i32
  }
  func.func @transform_4(%arg0: i32) -> (i32, i32) {
    %c1_i32 = arith.constant 1 : i32
    %c0_i32 = arith.constant 0 : i32
    %c0_i32_0 = arith.constant 0 : i32
    return %c1_i32, %c0_i32 : i32, i32
  }
  func.func @transform_5(%arg0: i32) -> (i32, i32) {
    %c0_i32 = arith.constant 0 : i32
    %c0_i32_0 = arith.constant 0 : i32
    %c0_i32_1 = arith.constant 0 : i32
    return %c0_i32, %c0_i32_0 : i32, i32
  }
  func.func @transform_6(%arg0: i32) -> (i32, i32) {
    %c0_i32 = arith.constant 0 : i32
    %c0_i32_0 = arith.constant 0 : i32
    %c0_i32_1 = arith.constant 0 : i32
    return %c0_i32, %c0_i32_0 : i32, i32
  }
  func.func @transform_7(%arg0: i32) -> (i32, i32) {
    %c0_i32 = arith.constant 0 : i32
    %c0_i32_0 = arith.constant 0 : i32
    %c0_i32_1 = arith.constant 0 : i32
    return %c0_i32, %c0_i32_0 : i32, i32
  }
  func.func @transform_8(%arg0: i32) -> (i32, i32) {
    %c0_i32 = arith.constant 0 : i32
    %c0_i32_0 = arith.constant 0 : i32
    return %arg0, %c0_i32 : i32, i32
  }
  func.func @transform_9(%arg0: i32) -> (i32, i32) {
    %c0_i32 = arith.constant 0 : i32
    %c0_i32_0 = arith.constant 0 : i32
    %c0_i32_1 = arith.constant 0 : i32
    return %c0_i32, %c0_i32_0 : i32, i32
  }
}

</mosaic_0001>

<sc_bundles>
// kernel: kernel.10.cloned.1.call-start
scs
__scs_entry_jumppad:
0x0: {  	(pc) =	sbr.rel $0x88, $3  }
0x1: {  	(tag) =	ssettag $0x0;
	lr =	simm.s32 $0x1  }
0x2: {  	[smem:$0x3F93] =	sst lr;
	_ =	strace $0xD0000000  }
0x3: {  	_ = 	snop  }
0x4: {  	_ = 	snop  }
0x5: {  	_ = 	snop  }
0x6: {  	_ = 	snop  }
0x7: {  	_ = 	snop  }
__scs_overlays_trampoline_lowered:
0x8: {  	[smem:$0x3FA2] =	sst s0  }
0x9: {  	[smem:$0x3FA3] =	sst s1  }
0xa: {  	[smem:$0x3FA4] =	sst s2  }
0xb: {  	[smem:$0x3FA5] =	sst s3  }
0xc: {  	[smem:$0x3FA6] =	sst s4  }
0xd: {  	[smem:$0x3FA7] =	sst s5  }
0xe: {  	[smem:$0x3FA8] =	sst s6  }
0xf: {  	[smem:$0x3FA9] =	sst s7  }
0x10: {  	[smem:$0x3FAA] =	sst s8  }
0x11: {  	[smem:$0x3FAB] =	sst s9;
	s0 =	simm.s32 @!p0 $0x0  }
0x12: {  	s1 =	sld [smem:$0x3F91];
	s0 =	simm.s32 @p0 $0x1  }
0x13: {  	[smem:$0x3FAC] =	sst s0;
	s0 =	simm.s32 @!p1 $0x0  }
0x14: {  	s2 =	sld [smem:$0x3F90];
	s0 =	simm.s32 @p1 $0x1  }
0x15: {  	[smem:$0x3FAD] =	sst s0;
	s0 =	simm.s32 @!p2 $0x0  }
0x16: {  	s3 =	sld [smem:$0x3FDB];
	s0 =	simm.s32 @p2 $0x1  }
0x17: {  	s4 =	simm.s32 $0x1BF5;
	[smem:$0x3FAF] =	sst s0  }
0x18: {  	s0 =	sld [smem:$0x3F92];
	_ =	swait.ge [sflag:s4], $0x0  }
0x19: {  	s7 =	sld [smem:$0x3F93]  }
0x1a: {  	s8 =	sadd.s32 $0xFFFFE003, lr  }
0x1b: {  	s9 =	sadd.s32 $0xFFFFFEF7, lr;
	s5 =	simm.s32 $0xFFFFFFFF;
	p2 =	slt.u32 s8, $0xFFFFF086  }
0x1c: {  	p1 =	slt.u32 s9, $0xF7A;
	s5 =	simm.s32 @!p2 $0x0  }
0x1d: {  	s5 =	simm.s32 @p1 $0x1;
	p0 =	seq.s32 s7, s2  }
0x1e: {  	s7 =	smul.u32 @!p0 $0xF7A, s2;
	p2 =	seq.s32 @!p0 s5, $0x0  }
0x1f: {  	s9 =	smul.u32 $0xF7A, s1;
	s8 =	simm.s32 @!p0 $0x1BF5;
	p2 =	por !p2, p0  }
0x20: {  	[sflag:s8] =	ssyncset.s32 @!p0 $0xFFFFF086;
	s6 =	sadd.s32 @!p0 s3, s7;
	s7 =	simm.s32 @!p0 $0x108  }
0x21: {  	s3 =	sadd.s32 s3, s9;
	s6 =	sadd.s32 @!p0 $0x88, s6;
	s7 =	simm.s32 @p2 $0x1082  }
0x22: {  	[simem:s7], [sflag:s8] =	dma.local @!p0 [hbm:s6], $0xF7A  }
0x23: {  	s9 =	sor.u32 $0xD0000000, s2;
	s6 =	simm.s32 $0x108;
	_ =	swait.ge @!p0 [sflag:s8], $0x0  }
0x24: {  	s3 =	sadd.s32 $0x88, s3;
	s6 =	simm.s32 @!p1 $0x1082;
	[sflag:s4] =	ssyncset.s32 $0xFFFFF086  }
0x25: {  	[simem:s6], [sflag:s4] =	dma.local [hbm:s3], $0xF7A  }
0x26: {  	[smem:$0x3F93] =	sst s1;
	(tag) =	ssettag s2;
	_ =	strace s9  }
0x27: {  	s1 =	sld [smem:$0x3FA3]  }
0x28: {  	s2 =	sld [smem:$0x3FA4]  }
0x29: {  	s4 =	sld [smem:$0x3FA6]  }
0x2a: {  	p0 =	seq.s32 s5, $0x0;
	s5 =	sld [smem:$0x3FA7]  }
0x2b: {  	s6 =	sld [smem:$0x3FA8]  }
0x2c: {  	s7 =	sld [smem:$0x3FA9]  }
0x2d: {  	s3 =	simm.s32 $0x108;
	s8 =	sld [smem:$0x3FAA]  }
0x2e: {  	s3 =	simm.s32 @!p0 $0x1082;
	s9 =	sld [smem:$0x3FAB]  }
0x2f: {  	lr =	sadd.s32 s0, s3;
	s0 =	sld [smem:$0x3FA2]  }
0x30: {  	s3 =	sld [smem:$0x3FA5]  }
0x31: {  	[smem:$0x3FAE] =	sst s10  }
0x32: {  	s10 =	sld [smem:$0x3FAC];
	_ =	sdelay $0x3  }
0x33: {  	p0 =	seq.s32 s10, $0x1;
	s10 =	sld [smem:$0x3FAE];
	_ =	sdelay $0x3  }
0x34: {  	[smem:$0x3FAE] =	sst s10  }
0x35: {  	s10 =	sld [smem:$0x3FAD];
	_ =	sdelay $0x3  }
0x36: {  	p1 =	seq.s32 s10, $0x1;
	s10 =	sld [smem:$0x3FAE];
	_ =	sdelay $0x3  }
0x37: {  	[smem:$0x3FAE] =	sst s10  }
0x38: {  	s10 =	sld [smem:$0x3FAF]  }
0x39: {  	_ = 	snop;
	(pc) =	sbr.ind lr, $3  }
0x3a: {  	_ = 	snop  }
0x3b: {  	_ = 	snop  }
0x3c: {  	p2 =	seq.s32 s10, $0x1;
	s10 =	sld [smem:$0x3FAE]  }
0x3d: {  	_ =	shalt  }
0x3e: {  	_ =	shalt  }
0x3f: {  	_ =	shalt  }
0x40: {  	_ =	shalt  }
0x41: {  	_ =	shalt  }
0x42: {  	_ =	shalt  }
0x43: {  	_ =	shalt  }
0x44: {  	_ =	shalt  }
0x45: {  	_ =	shalt  }
0x46: {  	_ =	shalt  }
0x47: {  	_ =	shalt  }
0x48: {  	_ =	shalt  }
0x49: {  	_ =	shalt  }
0x4a: {  	_ =	shalt  }
0x4b: {  	_ =	shalt  }
0x4c: {  	_ =	shalt  }
0x4d: {  	_ =	shalt  }
0x4e: {  	_ =	shalt  }
0x4f: {  	_ =	shalt  }
0x50: {  	_ =	shalt  }
0x51: {  	_ =	shalt  }
0x52: {  	_ =	shalt  }
0x53: {  	_ =	shalt  }
0x54: {  	_ =	shalt  }
0x55: {  	_ =	shalt  }
0x56: {  	_ =	shalt  }
0x57: {  	_ =	shalt  }
0x58: {  	_ =	shalt  }
0x59: {  	_ =	shalt  }
0x5a: {  	_ =	shalt  }
0x5b: {  	_ =	shalt  }
0x5c: {  	_ =	shalt  }
0x5d: {  	_ =	shalt  }
0x5e: {  	_ =	shalt  }
0x5f: {  	_ =	shalt  }
0x60: {  	_ =	shalt  }
0x61: {  	_ =	shalt  }
0x62: {  	_ =	shalt  }
0x63: {  	_ =	shalt  }
0x64: {  	_ =	shalt  }
0x65: {  	_ =	shalt  }
0x66: {  	_ =	shalt  }
0x67: {  	_ =	shalt  }
0x68: {  	_ =	shalt  }
0x69: {  	_ =	shalt  }
0x6a: {  	_ =	shalt  }
0x6b: {  	_ =	shalt  }
0x6c: {  	_ =	shalt  }
0x6d: {  	_ =	shalt  }
0x6e: {  	_ =	shalt  }
0x6f: {  	_ =	shalt  }
0x70: {  	_ =	shalt  }
0x71: {  	_ =	shalt  }
0x72: {  	_ =	shalt  }
0x73: {  	_ =	shalt  }
0x74: {  	_ =	shalt  }
0x75: {  	_ =	shalt  }
0x76: {  	_ =	shalt  }
0x77: {  	_ =	shalt  }
0x78: {  	_ =	shalt  }
0x79: {  	_ =	shalt  }
0x7a: {  	_ =	shalt  }
0x7b: {  	_ =	shalt  }
0x7c: {  	_ =	shalt  }
0x7d: {  	_ =	shalt  }
0x7e: {  	_ =	shalt  }
0x7f: {  	_ =	shalt  }
0x80: {  	_ =	shalt  }
0x81: {  	_ =	shalt  }
0x82: {  	_ =	shalt  }
0x83: {  	_ =	shalt  }
0x84: {  	_ =	shalt  }
0x85: {  	_ =	shalt  }
0x86: {  	_ =	shalt  }
0x87: {  	_ =	shalt  }
.Lfunc_end0:
.L_simem_size_0:
called_computation.1_lowered:
.L_overlay_start_0:
0x88: {  	s2 =	sld [smem:$0x3FD9]  }
0x89: {  	s3 =	sld [smem:$0x3FFE];
	_ =	sdelay $0x1  }
0x8a: {  	s1 =	srdreg.scid  }
0x8b: {  	s0 =	sand.u32 $0x1, s1  }
0x8c: {  	s14 =	sshll.u32 s0, $0xA;
	s2 =	sadd.s32 s3, s2  }
0x8d: {  	s2 =	sadd.s32 s2, s14  }
0x8e: {  	[smem:$0x3FBA] =	sst s2  }
0x8f: {  	_ = 	snop  }
0x90: {  	s2 =	sld [smem:$0x3FD0];
	_ =	sdelay $0x2  }
0x91: {  	s15 =	simm.s32 $0xA;
	s4 =	simm.s32 $0x10  }
0x92: {  	[smem:s4], [sflag:s15] =	dma.local [hbm:s2], $0x1  }
0x93: {  	_ =	swait.eq [sflag:s15], $0x1  }
0x94: {  	[sflag:s15] =	ssyncset.done $0x0  }
0x95: {  	[sflag:s15] =	ssyncadd.s32 $0xFFFFFFFF  }
0x96: {  	s16 =	sld [smem:$0x10];
	(tm) =	ssettm $0x1  }
0x97: {  	s17 =	sld [smem:$0x3FFB];
	_ =	sdelay $0x3  }
0x98: {  	_ =	strace s17  }
0x99: {  	s3 =	sld [smem:$0x3FFC];
	_ =	sdelay $0x3  }
0x9a: {  	_ =	strace s3  }
0x9b: {  	s3 =	sld [smem:$0x3FFD];
	_ =	sdelay $0x3  }
0x9c: {  	_ =	strace s3  }
0x9d: {  	_ =	strace $0x8FFFFFFF  }
0x9e: {  	s18 =	sld [smem:$0x3FDB];
	_ =	sdelay $0x1  }
0x9f: {  	s19 =	simm.s32 $_scs_section_size  }
0xa0: {  	s5 =	simm.s32 $_size__tile_overlayer_lowered;
	s6 =	simm.s32 $_tile_overlayer_lowered  }
0xa1: {  	s22 =	simm.s32 $0x1BFF;
	s21 =	sshll.u32 s6, $0x1;
	s3 =	sadd.s32 s19, s18  }
0xa2: {  	s7 =	simm.s32 $0x0;
	s20 =	sshll.u32 s5, $0x1;
	s5 =	sadd.s32 s21, s3  }
0xa3: {  	[timem:s7], [sflag:s22] =	dma.local [hbm:s5], s20  }
0xa4: {  	_ =	swait.ge [sflag:s22], s20  }
0xa5: {  	s4 =	ssub.s32 $0x0, s20;
	[sflag:s22] =	ssyncset.done $0x0  }
0xa6: {  	[sflag:s22] =	ssyncadd.s32 s4;
	_ =	sdelay $0x1  }
0xa7: {  	s23 =	simm.s32 $0x1B8B  }
0xa8: {  	_ =	swait.ge [sflag:s23], $0x1  }
0xa9: {  	[sflag:s23] =	ssyncset.done $0x0  }
0xaa: {  	s25 =	simm.s32 $0x1B8E;
	s24 =	sld [smem:$0x3FFE];
	[sflag:s23] =	ssyncadd.s32 $0xFFFFFFFF  }
0xab: {  	s26 =	simm.s32 $execute0_lowered;
	[smem:$0x3FD2] =	sst s25  }
0xac: {  	s5 =	sshll.u32 s26, $0x1;
	_ =	strace $0x80000049;
	[dreg:$0x1] =	wrdreg $0xFFFFFFFF  }
0xad: {  	s28 =	simm.s32 $_size_execute0_lowered;
	s3 =	sadd.s32 s3, s5;
	[dreg:$0x0] =	wrdreg $0x0  }
0xae: {  	s5 =	sshll.u32 s28, $0x1;
	[dreg:$0x2] =	wrdreg s3  }
0xaf: {  	[dreg:$0x3] =	wrdreg s5  }
0xb0: {  	[dreg:$0x4] =	wrdreg $0xC0  }
0xb1: {  	_ =	task [dreg:s7], $0x5FFFF  }
0xb2: {  	[dreg:$0x1] =	wrdreg $0xFFFFFFFF  }
0xb3: {  	[dreg:$0x0] =	wrdreg $0x60  }
0xb4: {  	[dreg:$0x2] =	wrdreg s16  }
0xb5: {  	[dreg:$0x3] =	wrdreg s24  }
0xb6: {  	[dreg:$0x4] =	wrdreg $0x88000  }
0xb7: {  	[dreg:$0x5] =	wrdreg $0x9  }
0xb8: {  	_ =	task.clear_ibuf [dreg:s7], $0x6FFFF;
	_ =	strace $0x90000049  }
0xb9: {  	s29 =	simm.s32 $0x9;
	_ =	strace $0x8000004B  }
0xba: {  	_ =	swait.ge [sflag:s29], $0x1  }
0xbb: {  	[sflag:s29] =	ssyncadd.s32 $0xFFFFFFFF  }
0xbc: {  	_ =	strace $0x9000004B  }
0xbd: {  	_ =	sfence  }
0xbe: {  	s30 =	sld [smem:$0x0];
	_ =	sdelay $0x2  }
0xbf: {  	s31 =	sshll.u32 s1, $0xD;
	s1 =	sshrl.u32 s1, $0x2  }
0xc0: {  	s3 =	sand.u32 $0x4000, s31;
	s1 =	sadd.s32 s1, s30  }
0xc1: {  	s0 =	sor.u32 s3, s0;
	s1 =	sshll.u32 s1, $0x11  }
0xc2: {  	s0 =	sor.u32 s1, s0  }
0xc3: {  	s0 =	sadd.s32 $0x8F2B, s0  }
0xc4: {  	[sflag:s0] =	ssyncadd.remote.s32 $0x1  }
0xc5: {  	_ =	sfence.sel $0xFFFF  }
0xc6: {  	[dreg:$0x0] =	wrdreg $0xFFFFFFFF;
	(pc) =	sbr.abs _section_cstart, $3  }
0xc7: {  	[dreg:$0x1] =	wrdreg $0xFFFFFFFF  }
0xc8: {  	_ =	task.clear_ibuf [dreg:s7], $0x2FFFF;
	_ =	strace $0x9FFFFFFF  }
0xc9: {  	(tm) =	ssettm $0x7FFFFFFF  }
tec
execute0_lowered:
.L_overlay_start_1:
0x0: {  	(tag) =	ssettag $0x1  }
0x1: {  	s0 =	srdreg.scid;
	s8 =	stileid.u32  }
0x2: {  	s0 =	sand.u32 $0x1, s0;
	s2 =	sshll.u32 s8, $0x1  }
0x3: {  	s1 =	rddreg [dreg:$0x0];
	s2 =	sor.u32 s0, s2;
	s6 =	smul.u32 $0x140000, s0  }
0x4: {  	s5 =	rddreg [dreg:$0x1];
	s0 =	ssub.s32 $0x2, s0;
	s2 =	smul.u32 $0x2710, s2  }
0x5: {  	s3 =	rddreg [dreg:$0x2];
	s26 =	sshrl.u32 s0, $0x1  }
0x6: {  	s4 =	simm.s32 $0x0;
	s0 =	ssub.s32 s0, s26;
	s2 =	sshrl.u32 s2, $0x3  }
0x7: {  	[smem:$0x7FF] =	sst s4;
	s0 =	smax.u32 s0, $0x1;
	s2 =	sadd.s32 s2, s5  }
0x8: {  	_ =	strace $0x8000004A;
	[dreg:$0x10] =	wrdreg s0;
	s9 =	sadd.s32 $0x2A00, s2  }
0x9: {  	s10 =	sadd.s32 $0xC640, s2;
	[dreg:$0x4] =	wrdreg s9  }
0xa: {  	s28 =	simm.s32 $0x50;
	s11 =	sadd.s32 $0x2AFA, s2;
	[dreg:$0x5] =	wrdreg s10  }
0xb: {  	s29 =	simm.s32 $0x1000;
	s13 =	sadd.s32 $0xC73A, s2;
	[dreg:$0x6] =	wrdreg s11  }
0xc: {  	s30 =	simm.s32 $0x3800;
	s14 =	sadd.s32 $0x2BF4, s2;
	[dreg:$0x7] =	wrdreg s13  }
0xd: {  	s7 =	smul.u32 $0x14000, s8;
	s15 =	sadd.s32 $0xC834, s2;
	[dreg:$0x8] =	wrdreg s14  }
0xe: {  	s12 =	smul.u32 $0x50000, s8;
	s16 =	sadd.s32 $0x2CEE, s2;
	[dreg:$0x9] =	wrdreg s15  }
0xf: {  	s6 =	sadd.s32 s7, s6;
	s17 =	sadd.s32 $0xC92E, s2;
	[dreg:$0xa] =	wrdreg s16  }
0x10: {  	s6 =	sshrl.u32 s6, $0x3;
	s18 =	sadd.s32 $0x2DE8, s2;
	[dreg:$0xb] =	wrdreg s17  }
0x11: {  	s5 =	sadd.s32 s6, s5;
	s2 =	sadd.s32 $0xCA28, s2;
	[dreg:$0xc] =	wrdreg s18  }
0x12: {  	s6 =	sshrl.u32 s12, $0x2;
	s5 =	sadd.s32 $0x16400, s5;
	[dreg:$0xd] =	wrdreg s2  }
0x13: {  	s31 =	simm.s32 $0x6000;
	s19 =	sadd.s32 s6, s3;
	[dreg:$0xf] =	wrdreg s5  }
0x14: {  	s7 =	simm.s32 $0x4;
	s20 =	sadd.s32 $0x2800, s19;
	[dreg:$0xe] =	wrdreg s19  }
0x15: {  	s6 =	simm.s32 $0x0;
	s21 =	sadd.s32 $0x5000, s19;
	[dreg:$0x11] =	wrdreg s20  }
0x16: {  	s22 =	sadd.s32 $0x7800, s19;
	s23 =	sadd.s32 $0xA000, s19;
	[dreg:$0x12] =	wrdreg s21  }
0x17: {  	s24 =	sadd.s32 $0xC800, s19;
	s25 =	sadd.s32 $0xF000, s19;
	[dreg:$0x13] =	wrdreg s22  }
0x18: {  	s26 =	sadd.s32 $0x11800, s19;
	s2 =	simm.s32 $0x1;
	[dreg:$0x14] =	wrdreg s23  }
0x19: {  	s5 =	simm.s32 $0x2;
	s9 =	simm.s32 $0x3;
	[dreg:$0x15] =	wrdreg s24  }
0x1a: {  	s11 =	simm.s32 $0x5;
	s14 =	simm.s32 $0x6;
	[dreg:$0x16] =	wrdreg s25  }
0x1b: {  	v0 =	vimm.f32 $0.0e+00;
	[dreg:$0x17] =	wrdreg s26;
	s25 =	simm.s32 $0x7;
	s24 =	simm.s32 $0x800  }
.LBB2_1:
0x1c: {  	[dreg:$0x18] =	wrdreg s6  }
0x1d: {  	s0 =	rddreg [dreg:$0x4]  }
0x1e: {  	[tilespmem:s4], [sflag:$0x7] =	stream.linear.gather [hbm4b:s0+s4], $0x7D0, $0x38;
	[tilespmem:$0x1C800] =	vst v63  }
0x1f: {  	_ =	swait.ge [sflag:s25], $0x7D0  }
0x20: {  	[sflag:s25] =	ssyncset.done $0x0  }
0x21: {  	s22 =	rddreg [dreg:$0x5];
	[sflag:s25] =	ssyncadd.s32 $0xFFFFF830  }
0x22: {  	[tilespmem:s24], [sflag:$0x7] =	stream.linear.gather [hbm4b:s22+s4], $0x7D0, $0x38;
	[tilespmem:$0x1C800] =	vst v63  }
0x23: {  	_ =	swait.ge [sflag:s25], $0x7D0  }
0x24: {  	s23 =	sand.u32 $0xFE00, s4;
	[sflag:s25] =	ssyncset.done $0x0  }
0x25: {  	s26 =	sand.u32 $0x70, s4;
	s8 =	sshrl.u32 s23, $0x2;
	[sflag:s25] =	ssyncadd.s32 $0xFFFFF830  }
0x26: {  	[tilespmem:s29], [sflag:$0x1] =	stream.indirect.gather [hbm4b:s1+s28], $0x80, s4, s28, $0xb8;
	[tilespmem:$0x1C800] =	vst v63  }
0x27: {  	s6 =	simm.s32 $0x0;
	s0 =	simm.s32 $0x40;
	s8 =	sor.u32 s26, s8  }
0x28: {  	[tilespmem:s30], [sflag:$0x2] =	stream.indirect.gather [hbm4b:s1+s28], $0x80, s28, s28, $0xb8;
	[tilespmem:$0x1C800] =	vst v63  }
.LBB2_2:
0x29: {  	p0 =	sne.s32 s0, $0x9FC0  }
0x2a: {  	[tilespmem:s8+$0x6000] =	vst v0;
	s6 =	sadd.s32 $0x10, s6;
	s8 =	smov.u32 s0;
	s0 =	sadd.s32 $0x40, s0  }
.Ltmp0:
0x2b: {  	(pc) =	sbr.rel @p0 .LBB2_2-.Ltmp0, $4  }
0x2c: {  	_ = 	snop  }
0x2d: {  	s8 =	sand.u32 $0xFE00, s8  }
0x2e: {  	s10 =	sand.u32 $0x70, s6;
	s8 =	sshrl.u32 s8, $0x2  }
0x2f: {  	s8 =	sor.u32 s10, s8  }
0x30: {  	[tilespmem:s8+$0x6000] =	vst v0;
	s0 =	rddreg [dreg:$0xe]  }
0x31: {  	[spmem:s0] =	stream.linear.scatter [tilespmem:s31], [sflag:$0x7], $0x2800, $0x38;
	[tilespmem:$0x1C800] =	vst v63  }
0x32: {  	_ =	swait.ge [sflag:s25], $0x2800  }
0x33: {  	[sflag:s25] =	ssyncset.done $0x0  }
0x34: {  	s20 =	rddreg [dreg:$0x11];
	[sflag:s25] =	ssyncadd.s32 $0xFFFFD800  }
0x35: {  	[spmem:s20] =	stream.linear.scatter [tilespmem:s31], [sflag:$0x7], $0x2800, $0x38;
	[tilespmem:$0x1C800] =	vst v63  }
0x36: {  	_ =	swait.ge [sflag:s25], $0x2800  }
0x37: {  	[sflag:s25] =	ssyncset.done $0x0  }
0x38: {  	s21 =	rddreg [dreg:$0x12];
	[sflag:s25] =	ssyncadd.s32 $0xFFFFD800  }
0x39: {  	[spmem:s21] =	stream.linear.scatter [tilespmem:s31], [sflag:$0x7], $0x2800, $0x38;
	[tilespmem:$0x1C800] =	vst v63  }
0x3a: {  	_ =	swait.ge [sflag:s25], $0x2800  }
0x3b: {  	[sflag:s25] =	ssyncset.done $0x0  }
0x3c: {  	s22 =	rddreg [dreg:$0x13];
	[sflag:s25] =	ssyncadd.s32 $0xFFFFD800  }
0x3d: {  	[spmem:s22] =	stream.linear.scatter [tilespmem:s31], [sflag:$0x7], $0x2800, $0x38;
	[tilespmem:$0x1C800] =	vst v63  }
0x3e: {  	_ =	swait.ge [sflag:s25], $0x2800  }
0x3f: {  	[sflag:s25] =	ssyncset.done $0x0  }
0x40: {  	s23 =	rddreg [dreg:$0x14];
	[sflag:s25] =	ssyncadd.s32 $0xFFFFD800  }
0x41: {  	[spmem:s23] =	stream.linear.scatter [tilespmem:s31], [sflag:$0x7], $0x2800, $0x38;
	[tilespmem:$0x1C800] =	vst v63  }
0x42: {  	_ =	swait.ge [sflag:s25], $0x2800  }
0x43: {  	[sflag:s25] =	ssyncset.done $0x0  }
0x44: {  	s26 =	rddreg [dreg:$0x15];
	[sflag:s25] =	ssyncadd.s32 $0xFFFFD800  }
0x45: {  	[spmem:s26] =	stream.linear.scatter [tilespmem:s31], [sflag:$0x7], $0x2800, $0x38;
	[tilespmem:$0x1C800] =	vst v63  }
0x46: {  	_ =	swait.ge [sflag:s25], $0x2800  }
0x47: {  	[sflag:s25] =	ssyncset.done $0x0  }
0x48: {  	s6 =	rddreg [dreg:$0x16];
	[sflag:s25] =	ssyncadd.s32 $0xFFFFD800  }
0x49: {  	[spmem:s6] =	stream.linear.scatter [tilespmem:s31], [sflag:$0x7], $0x2800, $0x38;
	[tilespmem:$0x1C800] =	vst v63  }
0x4a: {  	_ =	swait.ge [sflag:s25], $0x2800  }
0x4b: {  	[sflag:s25] =	ssyncset.done $0x0  }
0x4c: {  	s8 =	rddreg [dreg:$0x17];
	[sflag:s25] =	ssyncadd.s32 $0xFFFFD800  }
0x4d: {  	[spmem:s8] =	stream.linear.scatter [tilespmem:s31], [sflag:$0x7], $0x2800, $0x38;
	[tilespmem:$0x1C800] =	vst v63  }
0x4e: {  	_ =	swait.ge [sflag:s25], $0x2800  }
0x4f: {  	[sflag:s25] =	ssyncset.done $0x0  }
0x50: {  	[sflag:s25] =	ssyncadd.s32 $0xFFFFD800  }
0x51: {  	[bflag:$0x0] =	sbarrier.arrive $0xFFFF  }
0x52: {  	_ =	swait.ge [sflag:s2], $0x2800  }
0x53: {  	[sflag:s2] =	ssyncset.done $0x0  }
0x54: {  	[sflag:s2] =	ssyncadd.s32 $0xFFFFD800  }
0x55: {  	[spmem:s3] =	stream.indirect.scatter.add.f32 [tilespmem:s29], [sflag:$0x4], $0x80, s24, s28, $0xb8;
	[tilespmem:$0x1C800] =	vst v63  }
0x56: {  	s10 =	simm.s32 $0xA0  }
0x57: {  	[tilespmem:s31], [sflag:$0x3] =	stream.indirect.gather [hbm4b:s1+s28], $0x80, s10, s28, $0xb8;
	[tilespmem:$0x1C800] =	vst v63  }
0x58: {  	_ =	swait.ge [sflag:s5], $0x2800  }
0x59: {  	[sflag:s5] =	ssyncset.done $0x0  }
0x5a: {  	s12 =	simm.s32 $0x850;
	[sflag:s5] =	ssyncadd.s32 $0xFFFFD800  }
0x5b: {  	[spmem:s3] =	stream.indirect.scatter.add.f32 [tilespmem:s30], [sflag:$0x5], $0x80, s12, s28, $0xb8;
	[tilespmem:$0x1C800] =	vst v63  }
0x5c: {  	_ =	swait.ge [sflag:s7], $0x2800  }
0x5d: {  	[sflag:s7] =	ssyncset.done $0x0  }
0x5e: {  	s13 =	simm.s32 $0xF0;
	[sflag:s7] =	ssyncadd.s32 $0xFFFFD800  }
0x5f: {  	[tilespmem:s29], [sflag:$0x1] =	stream.indirect.gather [hbm4b:s1+s28], $0x80, s13, s28, $0xb8;
	[tilespmem:$0x1C800] =	vst v63  }
0x60: {  	_ =	swait.ge [sflag:s9], $0x2800  }
0x61: {  	[sflag:s9] =	ssyncset.done $0x0  }
0x62: {  	s15 =	simm.s32 $0x8A0;
	[sflag:s9] =	ssyncadd.s32 $0xFFFFD800  }
0x63: {  	[spmem:s3] =	stream.indirect.scatter.add.f32 [tilespmem:s31], [sflag:$0x6], $0x80, s15, s28, $0xb8;
	[tilespmem:$0x1C800] =	vst v63  }
0x64: {  	_ =	swait.ge [sflag:s11], $0x2800  }
0x65: {  	[sflag:s11] =	ssyncset.done $0x0  }
0x66: {  	s16 =	simm.s32 $0x140;
	[sflag:s11] =	ssyncadd.s32 $0xFFFFD800  }
0x67: {  	[tilespmem:s30], [sflag:$0x2] =	stream.indirect.gather [hbm4b:s1+s28], $0x80, s16, s28, $0xb8;
	[tilespmem:$0x1C800] =	vst v63  }
0x68: {  	_ =	swait.ge [sflag:s2], $0x2800  }
0x69: {  	[sflag:s2] =	ssyncset.done $0x0  }
0x6a: {  	s17 =	simm.s32 $0x8F0;
	[sflag:s2] =	ssyncadd.s32 $0xFFFFD800  }
0x6b: {  	[spmem:s3] =	stream.indirect.scatter.add.f32 [tilespmem:s29], [sflag:$0x4], $0x80, s17, s28, $0xb8;
	[tilespmem:$0x1C800] =	vst v63  }
0x6c: {  	_ =	swait.ge [sflag:s14], $0x2800  }
0x6d: {  	[sflag:s14] =	ssyncset.done $0x0  }
0x6e: {  	s18 =	simm.s32 $0x190;
	[sflag:s14] =	ssyncadd.s32 $0xFFFFD800  }
0x6f: {  	[tilespmem:s31], [sflag:$0x3] =	stream.indirect.gather [hbm4b:s1+s28], $0x80, s18, s28, $0xb8;
	[tilespmem:$0x1C800] =	vst v63  }
0x70: {  	_ =	swait.ge [sflag:s5], $0x2800  }
0x71: {  	[sflag:s5] =	ssyncset.done $0x0  }
0x72: {  	s19 =	simm.s32 $0x940;
	[sflag:s5] =	ssyncadd.s32 $0xFFFFD800  }
0x73: {  	[spmem:s3] =	stream.indirect.scatter.add.f32 [tilespmem:s30], [sflag:$0x5], $0x80, s19, s28, $0xb8;
	[tilespmem:$0x1C800] =	vst v63  }
0x74: {  	_ =	swait.ge [sflag:s7], $0x2800  }
0x75: {  	[sflag:s7] =	ssyncset.done $0x0  }
0x76: {  	s20 =	simm.s32 $0x1E0;
	[sflag:s7] =	ssyncadd.s32 $0xFFFFD800  }
0x77: {  	[tilespmem:s29], [sflag:$0x1] =	stream.indirect.gather [hbm4b:s1+s28], $0x80, s20, s28, $0xb8;
	[tilespmem:$0x1C800] =	vst v63  }
0x78: {  	_ =	swait.ge [sflag:s9], $0x2800  }
0x79: {  	[sflag:s9] =	ssyncset.done $0x0  }
0x7a: {  	s21 =	simm.s32 $0x990;
	[sflag:s9] =	ssyncadd.s32 $0xFFFFD800  }
0x7b: {  	[spmem:s3] =	stream.indirect.scatter.add.f32 [tilespmem:s31], [sflag:$0x6], $0x80, s21, s28, $0xb8;
	[tilespmem:$0x1C800] =	vst v63  }
0x7c: {  	_ =	swait.ge [sflag:s11], $0x2800  }
0x7d: {  	[sflag:s11] =	ssyncset.done $0x0  }
0x7e: {  	s22 =	simm.s32 $0x230;
	[sflag:s11] =	ssyncadd.s32 $0xFFFFD800  }
0x7f: {  	[tilespmem:s30], [sflag:$0x2] =	stream.indirect.gather [hbm4b:s1+s28], $0x80, s22, s28, $0xb8;
	[tilespmem:$0x1C800] =	vst v63  }
0x80: {  	_ =	swait.ge [sflag:s2], $0x2800  }
0x81: {  	[sflag:s2] =	ssyncset.done $0x0  }
0x82: {  	s23 =	simm.s32 $0x9E0;
	[sflag:s2] =	ssyncadd.s32 $0xFFFFD800  }
0x83: {  	[spmem:s3] =	stream.indirect.scatter.add.f32 [tilespmem:s29], [sflag:$0x4], $0x80, s23, s28, $0xb8;
	[tilespmem:$0x1C800] =	vst v63  }
0x84: {  	_ =	swait.ge [sflag:s14], $0x2800  }
0x85: {  	[sflag:s14] =	ssyncset.done $0x0  }
0x86: {  	s24 =	simm.s32 $0x280;
	[sflag:s14] =	ssyncadd.s32 $0xFFFFD800  }
0x87: {  	[tilespmem:s31], [sflag:$0x3] =	stream.indirect.gather [hbm4b:s1+s28], $0x80, s24, s28, $0xb8;
	[tilespmem:$0x1C800] =	vst v63  }
0x88: {  	_ =	swait.ge [sflag:s5], $0x2800  }
0x89: {  	[sflag:s5] =	ssyncset.done $0x0  }
0x8a: {  	s26 =	simm.s32 $0xA30;
	[sflag:s5] =	ssyncadd.s32 $0xFFFFD800  }
0x8b: {  	[spmem:s3] =	stream.indirect.scatter.add.f32 [tilespmem:s30], [sflag:$0x5], $0x80, s26, s28, $0xb8;
	[tilespmem:$0x1C800] =	vst v63  }
0x8c: {  	_ =	swait.ge [sflag:s7], $0x2800  }
0x8d: {  	[sflag:s7] =	ssyncset.done $0x0  }
0x8e: {  	s6 =	simm.s32 $0x2D0;
	[sflag:s7] =	ssyncadd.s32 $0xFFFFD800  }
0x8f: {  	[tilespmem:s29], [sflag:$0x1] =	stream.indirect.gather [hbm4b:s1+s28], $0x80, s6, s28, $0xb8;
	[tilespmem:$0x1C800] =	vst v63  }
0x90: {  	_ =	swait.ge [sflag:s9], $0x2800  }
0x91: {  	[sflag:s9] =	ssyncset.done $0x0  }
0x92: {  	s13 =	simm.s32 $0xA80;
	[sflag:s9] =	ssyncadd.s32 $0xFFFFD800  }
0x93: {  	[spmem:s3] =	stream.indirect.scatter.add.f32 [tilespmem:s31], [sflag:$0x6], $0x80, s13, s28, $0xb8;
	[tilespmem:$0x1C800] =	vst v63  }
0x94: {  	_ =	swait.ge [sflag:s11], $0x2800  }
0x95: {  	[sflag:s11] =	ssyncset.done $0x0  }
0x96: {  	s15 =	simm.s32 $0x320;
	[sflag:s11] =	ssyncadd.s32 $0xFFFFD800  }
0x97: {  	[tilespmem:s30], [sflag:$0x2] =	stream.indirect.gather [hbm4b:s1+s28], $0x80, s15, s28, $0xb8;
	[tilespmem:$0x1C800] =	vst v63  }
0x98: {  	_ =	swait.ge [sflag:s2], $0x2800  }
0x99: {  	[sflag:s2] =	ssyncset.done $0x0  }
0x9a: {  	s16 =	simm.s32 $0xAD0;
	[sflag:s2] =	ssyncadd.s32 $0xFFFFD800  }
0x9b: {  	[spmem:s3] =	stream.indirect.scatter.add.f32 [tilespmem:s29], [sflag:$0x4], $0x80, s16, s28, $0xb8;
	[tilespmem:$0x1C800] =	vst v63  }
0x9c: {  	_ =	swait.ge [sflag:s14], $0x2800  }
0x9d: {  	[sflag:s14] =	ssyncset.done $0x0  }
0x9e: {  	s17 =	simm.s32 $0x370;
	[sflag:s14] =	ssyncadd.s32 $0xFFFFD800  }
0x9f: {  	[tilespmem:s31], [sflag:$0x3] =	stream.indirect.gather [hbm4b:s1+s28], $0x80, s17, s28, $0xb8;
	[tilespmem:$0x1C800] =	vst v63  }
0xa0: {  	_ =	swait.ge [sflag:s5], $0x2800  }
0xa1: {  	[sflag:s5] =	ssyncset.done $0x0  }
0xa2: {  	s18 =	simm.s32 $0xB20;
	[sflag:s5] =	ssyncadd.s32 $0xFFFFD800  }
0xa3: {  	[spmem:s3] =	stream.indirect.scatter.add.f32 [tilespmem:s30], [sflag:$0x5], $0x80, s18, s28, $0xb8;
	[tilespmem:$0x1C800] =	vst v63  }
0xa4: {  	_ =	swait.ge [sflag:s7], $0x2800  }
0xa5: {  	[sflag:s7] =	ssyncset.done $0x0  }
0xa6: {  	s19 =	simm.s32 $0x3C0;
	[sflag:s7] =	ssyncadd.s32 $0xFFFFD800  }
0xa7: {  	[tilespmem:s29], [sflag:$0x1] =	stream.indirect.gather [hbm4b:s1+s28], $0x80, s19, s28, $0xb8;
	[tilespmem:$0x1C800] =	vst v63  }
0xa8: {  	_ =	swait.ge [sflag:s9], $0x2800  }
0xa9: {  	[sflag:s9] =	ssyncset.done $0x0  }
0xaa: {  	s20 =	simm.s32 $0xB70;
	[sflag:s9] =	ssyncadd.s32 $0xFFFFD800  }
0xab: {  	[spmem:s3] =	stream.indirect.scatter.add.f32 [tilespmem:s31], [sflag:$0x6], $0x80, s20, s28, $0xb8;
	[tilespmem:$0x1C800] =	vst v63  }
0xac: {  	_ =	swait.ge [sflag:s11], $0x2800  }
0xad: {  	[sflag:s11] =	ssyncset.done $0x0  }
0xae: {  	s21 =	simm.s32 $0x410;
	[sflag:s11] =	ssyncadd.s32 $0xFFFFD800  }
0xaf: {  	[tilespmem:s30], [sflag:$0x2] =	stream.indirect.gather [hbm4b:s1+s28], $0x80, s21, s28, $0xb8;
	[tilespmem:$0x1C800] =	vst v63  }
0xb0: {  	_ =	swait.ge [sflag:s2], $0x2800  }
0xb1: {  	[sflag:s2] =	ssyncset.done $0x0  }
0xb2: {  	s22 =	simm.s32 $0xBC0;
	[sflag:s2] =	ssyncadd.s32 $0xFFFFD800  }
0xb3: {  	[spmem:s3] =	stream.indirect.scatter.add.f32 [tilespmem:s29], [sflag:$0x4], $0x80, s22, s28, $0xb8;
	[tilespmem:$0x1C800] =	vst v63  }
0xb4: {  	_ =	swait.ge [sflag:s14], $0x2800  }
0xb5: {  	[sflag:s14] =	ssyncset.done $0x0  }
0xb6: {  	s23 =	simm.s32 $0x460;
	[sflag:s14] =	ssyncadd.s32 $0xFFFFD800  }
0xb7: {  	[tilespmem:s31], [sflag:$0x3] =	stream.indirect.gather [hbm4b:s1+s28], $0x80, s23, s28, $0xb8;
	[tilespmem:$0x1C800] =	vst v63  }
0xb8: {  	_ =	swait.ge [sflag:s5], $0x2800  }
0xb9: {  	[sflag:s5] =	ssyncset.done $0x0  }
0xba: {  	s24 =	simm.s32 $0xC10;
	[sflag:s5] =	ssyncadd.s32 $0xFFFFD800  }
0xbb: {  	[spmem:s3] =	stream.indirect.scatter.add.f32 [tilespmem:s30], [sflag:$0x5], $0x80, s24, s28, $0xb8;
	[tilespmem:$0x1C800] =	vst v63  }
0xbc: {  	_ =	swait.ge [sflag:s7], $0x2800  }
0xbd: {  	[sflag:s7] =	ssyncset.done $0x0  }
0xbe: {  	s0 =	simm.s32 $0x4B0;
	[sflag:s7] =	ssyncadd.s32 $0xFFFFD800  }
0xbf: {  	[tilespmem:s29], [sflag:$0x1] =	stream.indirect.gather [hbm4b:s1+s28], $0x80, s0, s28, $0xb8;
	[tilespmem:$0x1C800] =	vst v63  }
0xc0: {  	_ =	swait.ge [sflag:s9], $0x2800  }
0xc1: {  	[sflag:s9] =	ssyncset.done $0x0  }
0xc2: {  	s0 =	simm.s32 $0xC60;
	[sflag:s9] =	ssyncadd.s32 $0xFFFFD800  }
0xc3: {  	[spmem:s3] =	stream.indirect.scatter.add.f32 [tilespmem:s31], [sflag:$0x6], $0x80, s0, s28, $0xb8;
	[tilespmem:$0x1C800] =	vst v63  }
0xc4: {  	_ =	swait.ge [sflag:s11], $0x2800  }
0xc5: {  	[sflag:s11] =	ssyncset.done $0x0  }
0xc6: {  	s0 =	simm.s32 $0x500;
	[sflag:s11] =	ssyncadd.s32 $0xFFFFD800  }
0xc7: {  	[tilespmem:s30], [sflag:$0x2] =	stream.indirect.gather [hbm4b:s1+s28], $0x80, s0, s28, $0xb8;
	[tilespmem:$0x1C800] =	vst v63  }
0xc8: {  	_ =	swait.ge [sflag:s2], $0x2800  }
0xc9: {  	[sflag:s2] =	ssyncset.done $0x0  }
0xca: {  	s0 =	simm.s32 $0xCB0;
	[sflag:s2] =	ssyncadd.s32 $0xFFFFD800  }
0xcb: {  	[spmem:s3] =	stream.indirect.scatter.add.f32 [tilespmem:s29], [sflag:$0x4], $0x80, s0, s28, $0xb8;
	[tilespmem:$0x1C800] =	vst v63  }
0xcc: {  	_ =	swait.ge [sflag:s14], $0x2800  }
0xcd: {  	[sflag:s14] =	ssyncset.done $0x0  }
0xce: {  	s0 =	simm.s32 $0x550;
	[sflag:s14] =	ssyncadd.s32 $0xFFFFD800  }
0xcf: {  	[tilespmem:s31], [sflag:$0x3] =	stream.indirect.gather [hbm4b:s1+s28], $0x80, s0, s28, $0xb8;
	[tilespmem:$0x1C800] =	vst v63  }
0xd0: {  	_ =	swait.ge [sflag:s5], $0x2800  }
0xd1: {  	[sflag:s5] =	ssyncset.done $0x0  }
0xd2: {  	s0 =	simm.s32 $0xD00;
	[sflag:s5] =	ssyncadd.s32 $0xFFFFD800  }
0xd3: {  	[spmem:s3] =	stream.indirect.scatter.add.f32 [tilespmem:s30], [sflag:$0x5], $0x80, s0, s28, $0xb8;
	[tilespmem:$0x1C800] =	vst v63  }
0xd4: {  	_ =	swait.ge [sflag:s7], $0x2800  }
0xd5: {  	[sflag:s7] =	ssyncset.done $0x0  }
0xd6: {  	s0 =	simm.s32 $0x5A0;
	[sflag:s7] =	ssyncadd.s32 $0xFFFFD800  }
0xd7: {  	[tilespmem:s29], [sflag:$0x1] =	stream.indirect.gather [hbm4b:s1+s28], $0x80, s0, s28, $0xb8;
	[tilespmem:$0x1C800] =	vst v63  }
0xd8: {  	_ =	swait.ge [sflag:s9], $0x2800  }
0xd9: {  	[sflag:s9] =	ssyncset.done $0x0  }
0xda: {  	s0 =	simm.s32 $0xD50;
	[sflag:s9] =	ssyncadd.s32 $0xFFFFD800  }
0xdb: {  	[spmem:s3] =	stream.indirect.scatter.add.f32 [tilespmem:s31], [sflag:$0x6], $0x80, s0, s28, $0xb8;
	[tilespmem:$0x1C800] =	vst v63  }
0xdc: {  	_ =	swait.ge [sflag:s11], $0x2800  }
0xdd: {  	[sflag:s11] =	ssyncset.done $0x0  }
0xde: {  	s0 =	simm.s32 $0x5F0;
	[sflag:s11] =	ssyncadd.s32 $0xFFFFD800  }
0xdf: {  	[tilespmem:s30], [sflag:$0x2] =	stream.indirect.gather [hbm4b:s1+s28], $0x80, s0, s28, $0xb8;
	[tilespmem:$0x1C800] =	vst v63  }
0xe0: {  	_ =	swait.ge [sflag:s2], $0x2800  }
0xe1: {  	[sflag:s2] =	ssyncset.done $0x0  }
0xe2: {  	s0 =	simm.s32 $0xDA0;
	[sflag:s2] =	ssyncadd.s32 $0xFFFFD800  }
0xe3: {  	[spmem:s3] =	stream.indirect.scatter.add.f32 [tilespmem:s29], [sflag:$0x4], $0x80, s0, s28, $0xb8;
	[tilespmem:$0x1C800] =	vst v63  }
0xe4: {  	_ =	swait.ge [sflag:s14], $0x2800  }
0xe5: {  	[sflag:s14] =	ssyncset.done $0x0  }
0xe6: {  	s0 =	simm.s32 $0x640;
	[sflag:s14] =	ssyncadd.s32 $0xFFFFD800  }
0xe7: {  	[tilespmem:s31], [sflag:$0x3] =	stream.indirect.gather [hbm4b:s1+s28], $0x80, s0, s28, $0xb8;
	[tilespmem:$0x1C800] =	vst v63  }
0xe8: {  	_ =	swait.ge [sflag:s5], $0x2800  }
0xe9: {  	[sflag:s5] =	ssyncset.done $0x0  }
0xea: {  	s0 =	simm.s32 $0xDF0;
	[sflag:s5] =	ssyncadd.s32 $0xFFFFD800  }
0xeb: {  	[spmem:s3] =	stream.indirect.scatter.add.f32 [tilespmem:s30], [sflag:$0x5], $0x80, s0, s28, $0xb8;
	[tilespmem:$0x1C800] =	vst v63  }
0xec: {  	_ =	swait.ge [sflag:s7], $0x2800  }
0xed: {  	[sflag:s7] =	ssyncset.done $0x0  }
0xee: {  	s0 =	simm.s32 $0x690;
	[sflag:s7] =	ssyncadd.s32 $0xFFFFD800  }
0xef: {  	[tilespmem:s29], [sflag:$0x1] =	stream.indirect.gather [hbm4b:s1+s28], $0x80, s0, s28, $0xb8;
	[tilespmem:$0x1C800] =	vst v63  }
0xf0: {  	_ =	swait.ge [sflag:s9], $0x2800  }
0xf1: {  	[sflag:s9] =	ssyncset.done $0x0  }
0xf2: {  	s0 =	simm.s32 $0xE40;
	[sflag:s9] =	ssyncadd.s32 $0xFFFFD800  }
0xf3: {  	[spmem:s3] =	stream.indirect.scatter.add.f32 [tilespmem:s31], [sflag:$0x6], $0x80, s0, s28, $0xb8;
	[tilespmem:$0x1C800] =	vst v63  }
0xf4: {  	_ =	swait.ge [sflag:s11], $0x2800  }
0xf5: {  	[sflag:s11] =	ssyncset.done $0x0  }
0xf6: {  	s0 =	simm.s32 $0x6E0;
	[sflag:s11] =	ssyncadd.s32 $0xFFFFD800  }
0xf7: {  	[tilespmem:s30], [sflag:$0x2] =	stream.indirect.gather [hbm4b:s1+s28], $0x80, s0, s28, $0xb8;
	[tilespmem:$0x1C800] =	vst v63  }
0xf8: {  	_ =	swait.ge [sflag:s2], $0x2800  }
0xf9: {  	[sflag:s2] =	ssyncset.done $0x0  }
0xfa: {  	s0 =	simm.s32 $0xE90;
	[sflag:s2] =	ssyncadd.s32 $0xFFFFD800  }
0xfb: {  	[spmem:s3] =	stream.indirect.scatter.add.f32 [tilespmem:s29], [sflag:$0x4], $0x80, s0, s28, $0xb8;
	[tilespmem:$0x1C800] =	vst v63  }
0xfc: {  	_ =	swait.ge [sflag:s14], $0x2800  }
0xfd: {  	[sflag:s14] =	ssyncset.done $0x0  }
0xfe: {  	s0 =	simm.s32 $0x730;
	[sflag:s14] =	ssyncadd.s32 $0xFFFFD800  }
0xff: {  	[tilespmem:s31], [sflag:$0x3] =	stream.indirect.gather [hbm4b:s1+s28], $0x80, s0, s28, $0xb8;
	[tilespmem:$0x1C800] =	vst v63  }
0x100: {  	_ =	swait.ge [sflag:s5], $0x2800  }
0x101: {  	[sflag:s5] =	ssyncset.done $0x0  }
0x102: {  	s0 =	simm.s32 $0xEE0;
	[sflag:s5] =	ssyncadd.s32 $0xFFFFD800  }
0x103: {  	[spmem:s3] =	stream.indirect.scatter.add.f32 [tilespmem:s30], [sflag:$0x5], $0x80, s0, s28, $0xb8;
	[tilespmem:$0x1C800] =	vst v63  }
0x104: {  	_ =	swait.ge [sflag:s7], $0x2800  }
0x105: {  	[sflag:s7] =	ssyncset.done $0x0  }
0x106: {  	s0 =	simm.s32 $0x780;
	[sflag:s7] =	ssyncadd.s32 $0xFFFFD800  }
0x107: {  	[tilespmem:s29], [sflag:$0x1] =	stream.indirect.gather [hbm4b:s1+s28], $0x80, s0, s28, $0xb8;
	[tilespmem:$0x1C800] =	vst v63  }
0x108: {  	_ =	swait.ge [sflag:s9], $0x2800  }
0x109: {  	[sflag:s9] =	ssyncset.done $0x0  }
0x10a: {  	s0 =	simm.s32 $0xF30;
	[sflag:s9] =	ssyncadd.s32 $0xFFFFD800  }
0x10b: {  	[spmem:s3] =	stream.indirect.scatter.add.f32 [tilespmem:s31], [sflag:$0x6], $0x80, s0, s28, $0xb8;
	[tilespmem:$0x1C800] =	vst v63  }
0x10c: {  	_ =	swait.ge [sflag:s11], $0x2800  }
0x10d: {  	[sflag:s11] =	ssyncset.done $0x0  }
0x10e: {  	[sflag:s11] =	ssyncadd.s32 $0xFFFFD800  }
0x10f: {  	_ =	swait.ge [sflag:s2], $0x2800  }
0x110: {  	[sflag:s2] =	ssyncset.done $0x0  }
0x111: {  	s0 =	simm.s32 $0xF80;
	[sflag:s2] =	ssyncadd.s32 $0xFFFFD800  }
0x112: {  	[spmem:s3] =	stream.indirect.scatter.add.f32 [tilespmem:s29], [sflag:$0x4], $0x80, s0, s28, $0xb8;
	[tilespmem:$0x1C800] =	vst v63  }
0x113: {  	s0 =	rddreg [dreg:$0x6]  }
0x114: {  	[tilespmem:s4], [sflag:$0x7] =	stream.linear.gather [hbm4b:s0+s4], $0x7D0, $0x38;
	[tilespmem:$0x1C800] =	vst v63  }
0x115: {  	_ =	swait.ge [sflag:s25], $0x7D0  }
0x116: {  	[sflag:s25] =	ssyncset.done $0x0  }
0x117: {  	[sflag:s25] =	ssyncadd.s32 $0xFFFFF830  }
0x118: {  	[tilespmem:s30], [sflag:$0x2] =	stream.indirect.gather [hbm4b:s1+s28], $0x80, s28, s28, $0xb8;
	[tilespmem:$0x1C800] =	vst v63  }
0x119: {  	_ =	swait.ge [sflag:s14], $0x2800  }
0x11a: {  	[sflag:s14] =	ssyncset.done $0x0  }
0x11b: {  	[sflag:s14] =	ssyncadd.s32 $0xFFFFD800  }
0x11c: {  	_ =	swait.ge [sflag:s7], $0x2800  }
0x11d: {  	[sflag:s7] =	ssyncset.done $0x0  }
0x11e: {  	s15 =	simm.s32 $0x800;
	s0 =	rddreg [dreg:$0x7];
	[sflag:s7] =	ssyncadd.s32 $0xFFFFD800  }
0x11f: {  	[tilespmem:s15], [sflag:$0x7] =	stream.linear.gather [hbm4b:s0+s4], $0x7D0, $0x38;
	[tilespmem:$0x1C800] =	vst v63  }
0x120: {  	_ =	swait.ge [sflag:s25], $0x7D0  }
0x121: {  	[sflag:s25] =	ssyncset.done $0x0  }
0x122: {  	[sflag:s25] =	ssyncadd.s32 $0xFFFFF830  }
0x123: {  	[tilespmem:s29], [sflag:$0x1] =	stream.indirect.gather [hbm4b:s1+s28], $0x80, s4, s28, $0xb8;
	[tilespmem:$0x1C800] =	vst v63  }
0x124: {  	_ =	swait.ge [sflag:s2], $0x2800  }
0x125: {  	[sflag:s2] =	ssyncset.done $0x0  }
0x126: {  	[sflag:s2] =	ssyncadd.s32 $0xFFFFD800  }
0x127: {  	[spmem:s3] =	stream.indirect.scatter.add.f32 [tilespmem:s29], [sflag:$0x4], $0x80, s15, s28, $0xb8;
	[tilespmem:$0x1C800] =	vst v63  }
0x128: {  	s15 =	simm.s32 $0xA0  }
0x129: {  	[tilespmem:s31], [sflag:$0x3] =	stream.indirect.gather [hbm4b:s1+s28], $0x80, s15, s28, $0xb8;
	[tilespmem:$0x1C800] =	vst v63  }
0x12a: {  	_ =	swait.ge [sflag:s5], $0x2800  }
0x12b: {  	[sflag:s5] =	ssyncset.done $0x0  }
0x12c: {  	s15 =	simm.s32 $0x850;
	[sflag:s5] =	ssyncadd.s32 $0xFFFFD800  }
0x12d: {  	[spmem:s3] =	stream.indirect.scatter.add.f32 [tilespmem:s30], [sflag:$0x5], $0x80, s15, s28, $0xb8;
	[tilespmem:$0x1C800] =	vst v63  }
0x12e: {  	_ =	swait.ge [sflag:s7], $0x2800  }
0x12f: {  	[sflag:s7] =	ssyncset.done $0x0  }
0x130: {  	s10 =	simm.s32 $0xF0;
	[sflag:s7] =	ssyncadd.s32 $0xFFFFD800  }
0x131: {  	[tilespmem:s29], [sflag:$0x1] =	stream.indirect.gather [hbm4b:s1+s28], $0x80, s10, s28, $0xb8;
	[tilespmem:$0x1C800] =	vst v63  }
0x132: {  	_ =	swait.ge [sflag:s9], $0x2800  }
0x133: {  	[sflag:s9] =	ssyncset.done $0x0  }
0x134: {  	s12 =	simm.s32 $0x8A0;
	[sflag:s9] =	ssyncadd.s32 $0xFFFFD800  }
0x135: {  	[spmem:s3] =	stream.indirect.scatter.add.f32 [tilespmem:s31], [sflag:$0x6], $0x80, s12, s28, $0xb8;
	[tilespmem:$0x1C800] =	vst v63  }
0x136: {  	_ =	swait.ge [sflag:s11], $0x2800  }
0x137: {  	[sflag:s11] =	ssyncset.done $0x0  }
0x138: {  	s15 =	simm.s32 $0x140;
	[sflag:s11] =	ssyncadd.s32 $0xFFFFD800  }
0x139: {  	[tilespmem:s30], [sflag:$0x2] =	stream.indirect.gather [hbm4b:s1+s28], $0x80, s15, s28, $0xb8;
	[tilespmem:$0x1C800] =	vst v63  }
0x13a: {  	_ =	swait.ge [sflag:s2], $0x2800  }
0x13b: {  	[sflag:s2] =	ssyncset.done $0x0  }
0x13c: {  	s10 =	simm.s32 $0x8F0;
	[sflag:s2] =	ssyncadd.s32 $0xFFFFD800  }
0x13d: {  	[spmem:s3] =	stream.indirect.scatter.add.f32 [tilespmem:s29], [sflag:$0x4], $0x80, s10, s28, $0xb8;
	[tilespmem:$0x1C800] =	vst v63  }
0x13e: {  	_ =	swait.ge [sflag:s14], $0x2800  }
0x13f: {  	[sflag:s14] =	ssyncset.done $0x0  }
0x140: {  	s12 =	simm.s32 $0x190;
	[sflag:s14] =	ssyncadd.s32 $0xFFFFD800  }
0x141: {  	[tilespmem:s31], [sflag:$0x3] =	stream.indirect.gather [hbm4b:s1+s28], $0x80, s12, s28, $0xb8;
	[tilespmem:$0x1C800] =	vst v63  }
0x142: {  	_ =	swait.ge [sflag:s5], $0x2800  }
0x143: {  	[sflag:s5] =	ssyncset.done $0x0  }
0x144: {  	s15 =	simm.s32 $0x940;
	[sflag:s5] =	ssyncadd.s32 $0xFFFFD800  }
0x145: {  	[spmem:s3] =	stream.indirect.scatter.add.f32 [tilespmem:s30], [sflag:$0x5], $0x80, s15, s28, $0xb8;
	[tilespmem:$0x1C800] =	vst v63  }
0x146: {  	_ =	swait.ge [sflag:s7], $0x2800  }
0x147: {  	[sflag:s7] =	ssyncset.done $0x0  }
0x148: {  	s10 =	simm.s32 $0x1E0;
	[sflag:s7] =	ssyncadd.s32 $0xFFFFD800  }
0x149: {  	[tilespmem:s29], [sflag:$0x1] =	stream.indirect.gather [hbm4b:s1+s28], $0x80, s10, s28, $0xb8;
	[tilespmem:$0x1C800] =	vst v63  }
0x14a: {  	_ =	swait.ge [sflag:s9], $0x2800  }
0x14b: {  	[sflag:s9] =	ssyncset.done $0x0  }
0x14c: {  	s12 =	simm.s32 $0x990;
	[sflag:s9] =	ssyncadd.s32 $0xFFFFD800  }
0x14d: {  	[spmem:s3] =	stream.indirect.scatter.add.f32 [tilespmem:s31], [sflag:$0x6], $0x80, s12, s28, $0xb8;
	[tilespmem:$0x1C800] =	vst v63  }
0x14e: {  	_ =	swait.ge [sflag:s11], $0x2800  }
0x14f: {  	[sflag:s11] =	ssyncset.done $0x0  }
0x150: {  	s15 =	simm.s32 $0x230;
	[sflag:s11] =	ssyncadd.s32 $0xFFFFD800  }
0x151: {  	[tilespmem:s30], [sflag:$0x2] =	stream.indirect.gather [hbm4b:s1+s28], $0x80, s15, s28, $0xb8;
	[tilespmem:$0x1C800] =	vst v63  }
0x152: {  	_ =	swait.ge [sflag:s2], $0x2800  }
0x153: {  	[sflag:s2] =	ssyncset.done $0x0  }
0x154: {  	s10 =	simm.s32 $0x9E0;
	[sflag:s2] =	ssyncadd.s32 $0xFFFFD800  }
0x155: {  	[spmem:s3] =	stream.indirect.scatter.add.f32 [tilespmem:s29], [sflag:$0x4], $0x80, s10, s28, $0xb8;
	[tilespmem:$0x1C800] =	vst v63  }
0x156: {  	_ =	swait.ge [sflag:s14], $0x2800  }
0x157: {  	[sflag:s14] =	ssyncset.done $0x0  }
0x158: {  	s12 =	simm.s32 $0x280;
	[sflag:s14] =	ssyncadd.s32 $0xFFFFD800  }
0x159: {  	[tilespmem:s31], [sflag:$0x3] =	stream.indirect.gather [hbm4b:s1+s28], $0x80, s12, s28, $0xb8;
	[tilespmem:$0x1C800] =	vst v63  }
0x15a: {  	_ =	swait.ge [sflag:s5], $0x2800  }
0x15b: {  	[sflag:s5] =	ssyncset.done $0x0  }
0x15c: {  	s8 =	simm.s32 $0xA30;
	[sflag:s5] =	ssyncadd.s32 $0xFFFFD800  }
0x15d: {  	[spmem:s3] =	stream.indirect.scatter.add.f32 [tilespmem:s30], [sflag:$0x5], $0x80, s8, s28, $0xb8;
	[tilespmem:$0x1C800] =	vst v63  }
0x15e: {  	_ =	swait.ge [sflag:s7], $0x2800  }
0x15f: {  	[sflag:s7] =	ssyncset.done $0x0  }
0x160: {  	s26 =	simm.s32 $0x2D0;
	[sflag:s7] =	ssyncadd.s32 $0xFFFFD800  }
0x161: {  	[tilespmem:s29], [sflag:$0x1] =	stream.indirect.gather [hbm4b:s1+s28], $0x80, s26, s28, $0xb8;
	[tilespmem:$0x1C800] =	vst v63  }
0x162: {  	_ =	swait.ge [sflag:s9], $0x2800  }
0x163: {  	[sflag:s9] =	ssyncset.done $0x0  }
0x164: {  	s6 =	simm.s32 $0xA80;
	[sflag:s9] =	ssyncadd.s32 $0xFFFFD800  }
0x165: {  	[spmem:s3] =	stream.indirect.scatter.add.f32 [tilespmem:s31], [sflag:$0x6], $0x80, s6, s28, $0xb8;
	[tilespmem:$0x1C800] =	vst v63  }
0x166: {  	_ =	swait.ge [sflag:s11], $0x2800  }
0x167: {  	[sflag:s11] =	ssyncset.done $0x0  }
0x168: {  	s13 =	simm.s32 $0x320;
	[sflag:s11] =	ssyncadd.s32 $0xFFFFD800  }
0x169: {  	[tilespmem:s30], [sflag:$0x2] =	stream.indirect.gather [hbm4b:s1+s28], $0x80, s13, s28, $0xb8;
	[tilespmem:$0x1C800] =	vst v63  }
0x16a: {  	_ =	swait.ge [sflag:s2], $0x2800  }
0x16b: {  	[sflag:s2] =	ssyncset.done $0x0  }
0x16c: {  	s16 =	simm.s32 $0xAD0;
	[sflag:s2] =	ssyncadd.s32 $0xFFFFD800  }
0x16d: {  	[spmem:s3] =	stream.indirect.scatter.add.f32 [tilespmem:s29], [sflag:$0x4], $0x80, s16, s28, $0xb8;
	[tilespmem:$0x1C800] =	vst v63  }
0x16e: {  	_ =	swait.ge [sflag:s14], $0x2800  }
0x16f: {  	[sflag:s14] =	ssyncset.done $0x0  }
0x170: {  	s17 =	simm.s32 $0x370;
	[sflag:s14] =	ssyncadd.s32 $0xFFFFD800  }
0x171: {  	[tilespmem:s31], [sflag:$0x3] =	stream.indirect.gather [hbm4b:s1+s28], $0x80, s17, s28, $0xb8;
	[tilespmem:$0x1C800] =	vst v63  }
0x172: {  	_ =	swait.ge [sflag:s5], $0x2800  }
0x173: {  	[sflag:s5] =	ssyncset.done $0x0  }
0x174: {  	s18 =	simm.s32 $0xB20;
	[sflag:s5] =	ssyncadd.s32 $0xFFFFD800  }
0x175: {  	[spmem:s3] =	stream.indirect.scatter.add.f32 [tilespmem:s30], [sflag:$0x5], $0x80, s18, s28, $0xb8;
	[tilespmem:$0x1C800] =	vst v63  }
0x176: {  	_ =	swait.ge [sflag:s7], $0x2800  }
0x177: {  	[sflag:s7] =	ssyncset.done $0x0  }
0x178: {  	s19 =	simm.s32 $0x3C0;
	[sflag:s7] =	ssyncadd.s32 $0xFFFFD800  }
0x179: {  	[tilespmem:s29], [sflag:$0x1] =	stream.indirect.gather [hbm4b:s1+s28], $0x80, s19, s28, $0xb8;
	[tilespmem:$0x1C800] =	vst v63  }
0x17a: {  	_ =	swait.ge [sflag:s9], $0x2800  }
0x17b: {  	[sflag:s9] =	ssyncset.done $0x0  }
0x17c: {  	s20 =	simm.s32 $0xB70;
	[sflag:s9] =	ssyncadd.s32 $0xFFFFD800  }
0x17d: {  	[spmem:s3] =	stream.indirect.scatter.add.f32 [tilespmem:s31], [sflag:$0x6], $0x80, s20, s28, $0xb8;
	[tilespmem:$0x1C800] =	vst v63  }
0x17e: {  	_ =	swait.ge [sflag:s11], $0x2800  }
0x17f: {  	[sflag:s11] =	ssyncset.done $0x0  }
0x180: {  	s21 =	simm.s32 $0x410;
	[sflag:s11] =	ssyncadd.s32 $0xFFFFD800  }
0x181: {  	[tilespmem:s30], [sflag:$0x2] =	stream.indirect.gather [hbm4b:s1+s28], $0x80, s21, s28, $0xb8;
	[tilespmem:$0x1C800] =	vst v63  }
0x182: {  	_ =	swait.ge [sflag:s2], $0x2800  }
0x183: {  	[sflag:s2] =	ssyncset.done $0x0  }
0x184: {  	s22 =	simm.s32 $0xBC0;
	[sflag:s2] =	ssyncadd.s32 $0xFFFFD800  }
0x185: {  	[spmem:s3] =	stream.indirect.scatter.add.f32 [tilespmem:s29], [sflag:$0x4], $0x80, s22, s28, $0xb8;
	[tilespmem:$0x1C800] =	vst v63  }
0x186: {  	_ =	swait.ge [sflag:s14], $0x2800  }
0x187: {  	[sflag:s14] =	ssyncset.done $0x0  }
0x188: {  	s23 =	simm.s32 $0x460;
	[sflag:s14] =	ssyncadd.s32 $0xFFFFD800  }
0x189: {  	[tilespmem:s31], [sflag:$0x3] =	stream.indirect.gather [hbm4b:s1+s28], $0x80, s23, s28, $0xb8;
	[tilespmem:$0x1C800] =	vst v63  }
0x18a: {  	_ =	swait.ge [sflag:s5], $0x2800  }
0x18b: {  	[sflag:s5] =	ssyncset.done $0x0  }
0x18c: {  	s24 =	simm.s32 $0xC10;
	[sflag:s5] =	ssyncadd.s32 $0xFFFFD800  }
0x18d: {  	[spmem:s3] =	stream.indirect.scatter.add.f32 [tilespmem:s30], [sflag:$0x5], $0x80, s24, s28, $0xb8;
	[tilespmem:$0x1C800] =	vst v63  }
0x18e: {  	_ =	swait.ge [sflag:s7], $0x2800  }
0x18f: {  	[sflag:s7] =	ssyncset.done $0x0  }
0x190: {  	s6 =	simm.s32 $0x4B0;
	[sflag:s7] =	ssyncadd.s32 $0xFFFFD800  }
0x191: {  	[tilespmem:s29], [sflag:$0x1] =	stream.indirect.gather [hbm4b:s1+s28], $0x80, s6, s28, $0xb8;
	[tilespmem:$0x1C800] =	vst v63  }
0x192: {  	_ =	swait.ge [sflag:s9], $0x2800  }
0x193: {  	[sflag:s9] =	ssyncset.done $0x0  }
0x194: {  	s8 =	simm.s32 $0xC60;
	[sflag:s9] =	ssyncadd.s32 $0xFFFFD800  }
0x195: {  	[spmem:s3] =	stream.indirect.scatter.add.f32 [tilespmem:s31], [sflag:$0x6], $0x80, s8, s28, $0xb8;
	[tilespmem:$0x1C800] =	vst v63  }
0x196: {  	_ =	swait.ge [sflag:s11], $0x2800  }
0x197: {  	[sflag:s11] =	ssyncset.done $0x0  }
0x198: {  	s10 =	simm.s32 $0x500;
	[sflag:s11] =	ssyncadd.s32 $0xFFFFD800  }
0x199: {  	[tilespmem:s30], [sflag:$0x2] =	stream.indirect.gather [hbm4b:s1+s28], $0x80, s10, s28, $0xb8;
	[tilespmem:$0x1C800] =	vst v63  }
0x19a: {  	_ =	swait.ge [sflag:s2], $0x2800  }
0x19b: {  	[sflag:s2] =	ssyncset.done $0x0  }
0x19c: {  	s13 =	simm.s32 $0xCB0;
	[sflag:s2] =	ssyncadd.s32 $0xFFFFD800  }
0x19d: {  	[spmem:s3] =	stream.indirect.scatter.add.f32 [tilespmem:s29], [sflag:$0x4], $0x80, s13, s28, $0xb8;
	[tilespmem:$0x1C800] =	vst v63  }
0x19e: {  	_ =	swait.ge [sflag:s14], $0x2800  }
0x19f: {  	[sflag:s14] =	ssyncset.done $0x0  }
0x1a0: {  	s15 =	simm.s32 $0x550;
	[sflag:s14] =	ssyncadd.s32 $0xFFFFD800  }
0x1a1: {  	[tilespmem:s31], [sflag:$0x3] =	stream.indirect.gather [hbm4b:s1+s28], $0x80, s15, s28, $0xb8;
	[tilespmem:$0x1C800] =	vst v63  }
0x1a2: {  	_ =	swait.ge [sflag:s5], $0x2800  }
0x1a3: {  	[sflag:s5] =	ssyncset.done $0x0  }
0x1a4: {  	s16 =	simm.s32 $0xD00;
	[sflag:s5] =	ssyncadd.s32 $0xFFFFD800  }
0x1a5: {  	[spmem:s3] =	stream.indirect.scatter.add.f32 [tilespmem:s30], [sflag:$0x5], $0x80, s16, s28, $0xb8;
	[tilespmem:$0x1C800] =	vst v63  }
0x1a6: {  	_ =	swait.ge [sflag:s7], $0x2800  }
0x1a7: {  	[sflag:s7] =	ssyncset.done $0x0  }
0x1a8: {  	s17 =	simm.s32 $0x5A0;
	[sflag:s7] =	ssyncadd.s32 $0xFFFFD800  }
0x1a9: {  	[tilespmem:s29], [sflag:$0x1] =	stream.indirect.gather [hbm4b:s1+s28], $0x80, s17, s28, $0xb8;
	[tilespmem:$0x1C800] =	vst v63  }
0x1aa: {  	_ =	swait.ge [sflag:s9], $0x2800  }
0x1ab: {  	[sflag:s9] =	ssyncset.done $0x0  }
0x1ac: {  	s18 =	simm.s32 $0xD50;
	[sflag:s9] =	ssyncadd.s32 $0xFFFFD800  }
0x1ad: {  	[spmem:s3] =	stream.indirect.scatter.add.f32 [tilespmem:s31], [sflag:$0x6], $0x80, s18, s28, $0xb8;
	[tilespmem:$0x1C800] =	vst v63  }
0x1ae: {  	_ =	swait.ge [sflag:s11], $0x2800  }
0x1af: {  	[sflag:s11] =	ssyncset.done $0x0  }
0x1b0: {  	s19 =	simm.s32 $0x5F0;
	[sflag:s11] =	ssyncadd.s32 $0xFFFFD800  }
0x1b1: {  	[tilespmem:s30], [sflag:$0x2] =	stream.indirect.gather [hbm4b:s1+s28], $0x80, s19, s28, $0xb8;
	[tilespmem:$0x1C800] =	vst v63  }
0x1b2: {  	_ =	swait.ge [sflag:s2], $0x2800  }
0x1b3: {  	[sflag:s2] =	ssyncset.done $0x0  }
0x1b4: {  	s20 =	simm.s32 $0xDA0;
	[sflag:s2] =	ssyncadd.s32 $0xFFFFD800  }
0x1b5: {  	[spmem:s3] =	stream.indirect.scatter.add.f32 [tilespmem:s29], [sflag:$0x4], $0x80, s20, s28, $0xb8;
	[tilespmem:$0x1C800] =	vst v63  }
0x1b6: {  	_ =	swait.ge [sflag:s14], $0x2800  }
0x1b7: {  	[sflag:s14] =	ssyncset.done $0x0  }
0x1b8: {  	s21 =	simm.s32 $0x640;
	[sflag:s14] =	ssyncadd.s32 $0xFFFFD800  }
0x1b9: {  	[tilespmem:s31], [sflag:$0x3] =	stream.indirect.gather [hbm4b:s1+s28], $0x80, s21, s28, $0xb8;
	[tilespmem:$0x1C800] =	vst v63  }
0x1ba: {  	_ =	swait.ge [sflag:s5], $0x2800  }
0x1bb: {  	[sflag:s5] =	ssyncset.done $0x0  }
0x1bc: {  	s22 =	simm.s32 $0xDF0;
	[sflag:s5] =	ssyncadd.s32 $0xFFFFD800  }
0x1bd: {  	[spmem:s3] =	stream.indirect.scatter.add.f32 [tilespmem:s30], [sflag:$0x5], $0x80, s22, s28, $0xb8;
	[tilespmem:$0x1C800] =	vst v63  }
0x1be: {  	_ =	swait.ge [sflag:s7], $0x2800  }
0x1bf: {  	[sflag:s7] =	ssyncset.done $0x0  }
0x1c0: {  	s23 =	simm.s32 $0x690;
	[sflag:s7] =	ssyncadd.s32 $0xFFFFD800  }
0x1c1: {  	[tilespmem:s29], [sflag:$0x1] =	stream.indirect.gather [hbm4b:s1+s28], $0x80, s23, s28, $0xb8;
	[tilespmem:$0x1C800] =	vst v63  }
0x1c2: {  	_ =	swait.ge [sflag:s9], $0x2800  }
0x1c3: {  	[sflag:s9] =	ssyncset.done $0x0  }
0x1c4: {  	s26 =	simm.s32 $0xE40;
	[sflag:s9] =	ssyncadd.s32 $0xFFFFD800  }
0x1c5: {  	[spmem:s3] =	stream.indirect.scatter.add.f32 [tilespmem:s31], [sflag:$0x6], $0x80, s26, s28, $0xb8;
	[tilespmem:$0x1C800] =	vst v63  }
0x1c6: {  	_ =	swait.ge [sflag:s11], $0x2800  }
0x1c7: {  	[sflag:s11] =	ssyncset.done $0x0  }
0x1c8: {  	s12 =	simm.s32 $0x6E0;
	[sflag:s11] =	ssyncadd.s32 $0xFFFFD800  }
0x1c9: {  	[tilespmem:s30], [sflag:$0x2] =	stream.indirect.gather [hbm4b:s1+s28], $0x80, s12, s28, $0xb8;
	[tilespmem:$0x1C800] =	vst v63  }
0x1ca: {  	_ =	swait.ge [sflag:s2], $0x2800  }
0x1cb: {  	[sflag:s2] =	ssyncset.done $0x0  }
0x1cc: {  	s0 =	simm.s32 $0xE90;
	[sflag:s2] =	ssyncadd.s32 $0xFFFFD800  }
0x1cd: {  	[spmem:s3] =	stream.indirect.scatter.add.f32 [tilespmem:s29], [sflag:$0x4], $0x80, s0, s28, $0xb8;
	[tilespmem:$0x1C800] =	vst v63  }
0x1ce: {  	_ =	swait.ge [sflag:s14], $0x2800  }
0x1cf: {  	[sflag:s14] =	ssyncset.done $0x0  }
0x1d0: {  	s0 =	simm.s32 $0x730;
	[sflag:s14] =	ssyncadd.s32 $0xFFFFD800  }
0x1d1: {  	[tilespmem:s31], [sflag:$0x3] =	stream.indirect.gather [hbm4b:s1+s28], $0x80, s0, s28, $0xb8;
	[tilespmem:$0x1C800] =	vst v63  }
0x1d2: {  	_ =	swait.ge [sflag:s5], $0x2800  }
0x1d3: {  	[sflag:s5] =	ssyncset.done $0x0  }
0x1d4: {  	s0 =	simm.s32 $0xEE0;
	[sflag:s5] =	ssyncadd.s32 $0xFFFFD800  }
0x1d5: {  	[spmem:s3] =	stream.indirect.scatter.add.f32 [tilespmem:s30], [sflag:$0x5], $0x80, s0, s28, $0xb8;
	[tilespmem:$0x1C800] =	vst v63  }
0x1d6: {  	_ =	swait.ge [sflag:s7], $0x2800  }
0x1d7: {  	[sflag:s7] =	ssyncset.done $0x0  }
0x1d8: {  	s0 =	simm.s32 $0x780;
	[sflag:s7] =	ssyncadd.s32 $0xFFFFD800  }
0x1d9: {  	[tilespmem:s29], [sflag:$0x1] =	stream.indirect.gather [hbm4b:s1+s28], $0x80, s0, s28, $0xb8;
	[tilespmem:$0x1C800] =	vst v63  }
0x1da: {  	_ =	swait.ge [sflag:s9], $0x2800  }
0x1db: {  	[sflag:s9] =	ssyncset.done $0x0  }
0x1dc: {  	s0 =	simm.s32 $0xF30;
	[sflag:s9] =	ssyncadd.s32 $0xFFFFD800  }
0x1dd: {  	[spmem:s3] =	stream.indirect.scatter.add.f32 [tilespmem:s31], [sflag:$0x6], $0x80, s0, s28, $0xb8;
	[tilespmem:$0x1C800] =	vst v63  }
0x1de: {  	_ =	swait.ge [sflag:s11], $0x2800  }
0x1df: {  	[sflag:s11] =	ssyncset.done $0x0  }
0x1e0: {  	[sflag:s11] =	ssyncadd.s32 $0xFFFFD800  }
0x1e1: {  	_ =	swait.ge [sflag:s2], $0x2800  }
0x1e2: {  	[sflag:s2] =	ssyncset.done $0x0  }
0x1e3: {  	s0 =	simm.s32 $0xF80;
	[sflag:s2] =	ssyncadd.s32 $0xFFFFD800  }
0x1e4: {  	[spmem:s3] =	stream.indirect.scatter.add.f32 [tilespmem:s29], [sflag:$0x4], $0x80, s0, s28, $0xb8;
	[tilespmem:$0x1C800] =	vst v63  }
0x1e5: {  	s0 =	rddreg [dreg:$0x8]  }
0x1e6: {  	[tilespmem:s4], [sflag:$0x7] =	stream.linear.gather [hbm4b:s0+s4], $0x7D0, $0x38;
	[tilespmem:$0x1C800] =	vst v63  }
0x1e7: {  	_ =	swait.ge [sflag:s25], $0x7D0  }
0x1e8: {  	[sflag:s25] =	ssyncset.done $0x0  }
0x1e9: {  	[sflag:s25] =	ssyncadd.s32 $0xFFFFF830  }
0x1ea: {  	[tilespmem:s30], [sflag:$0x2] =	stream.indirect.gather [hbm4b:s1+s28], $0x80, s28, s28, $0xb8;
	[tilespmem:$0x1C800] =	vst v63  }
0x1eb: {  	_ =	swait.ge [sflag:s14], $0x2800  }
0x1ec: {  	[sflag:s14] =	ssyncset.done $0x0  }
0x1ed: {  	[sflag:s14] =	ssyncadd.s32 $0xFFFFD800  }
0x1ee: {  	_ =	swait.ge [sflag:s7], $0x2800  }
0x1ef: {  	[sflag:s7] =	ssyncset.done $0x0  }
0x1f0: {  	s24 =	simm.s32 $0x800;
	s0 =	rddreg [dreg:$0x9];
	[sflag:s7] =	ssyncadd.s32 $0xFFFFD800  }
0x1f1: {  	[tilespmem:s24], [sflag:$0x7] =	stream.linear.gather [hbm4b:s0+s4], $0x7D0, $0x38;
	[tilespmem:$0x1C800] =	vst v63  }
0x1f2: {  	_ =	swait.ge [sflag:s25], $0x7D0  }
0x1f3: {  	[sflag:s25] =	ssyncset.done $0x0  }
0x1f4: {  	[sflag:s25] =	ssyncadd.s32 $0xFFFFF830  }
0x1f5: {  	[tilespmem:s29], [sflag:$0x1] =	stream.indirect.gather [hbm4b:s1+s28], $0x80, s4, s28, $0xb8;
	[tilespmem:$0x1C800] =	vst v63  }
0x1f6: {  	_ =	swait.ge [sflag:s2], $0x2800  }
0x1f7: {  	[sflag:s2] =	ssyncset.done $0x0  }
0x1f8: {  	[sflag:s2] =	ssyncadd.s32 $0xFFFFD800  }
0x1f9: {  	[spmem:s3] =	stream.indirect.scatter.add.f32 [tilespmem:s29], [sflag:$0x4], $0x80, s24, s28, $0xb8;
	[tilespmem:$0x1C800] =	vst v63  }
0x1fa: {  	s0 =	simm.s32 $0xA0  }
0x1fb: {  	[tilespmem:s31], [sflag:$0x3] =	stream.indirect.gather [hbm4b:s1+s28], $0x80, s0, s28, $0xb8;
	[tilespmem:$0x1C800] =	vst v63  }
0x1fc: {  	_ =	swait.ge [sflag:s5], $0x2800  }
0x1fd: {  	[sflag:s5] =	ssyncset.done $0x0  }
0x1fe: {  	s0 =	simm.s32 $0x850;
	[sflag:s5] =	ssyncadd.s32 $0xFFFFD800  }
0x1ff: {  	[spmem:s3] =	stream.indirect.scatter.add.f32 [tilespmem:s30], [sflag:$0x5], $0x80, s0, s28, $0xb8;
	[tilespmem:$0x1C800] =	vst v63  }
0x200: {  	_ =	swait.ge [sflag:s7], $0x2800  }
0x201: {  	[sflag:s7] =	ssyncset.done $0x0  }
0x202: {  	s0 =	simm.s32 $0xF0;
	[sflag:s7] =	ssyncadd.s32 $0xFFFFD800  }
0x203: {  	[tilespmem:s29], [sflag:$0x1] =	stream.indirect.gather [hbm4b:s1+s28], $0x80, s0, s28, $0xb8;
	[tilespmem:$0x1C800] =	vst v63  }
0x204: {  	_ =	swait.ge [sflag:s9], $0x2800  }
0x205: {  	[sflag:s9] =	ssyncset.done $0x0  }
0x206: {  	s0 =	simm.s32 $0x8A0;
	[sflag:s9] =	ssyncadd.s32 $0xFFFFD800  }
0x207: {  	[spmem:s3] =	stream.indirect.scatter.add.f32 [tilespmem:s31], [sflag:$0x6], $0x80, s0, s28, $0xb8;
	[tilespmem:$0x1C800] =	vst v63  }
0x208: {  	_ =	swait.ge [sflag:s11], $0x2800  }
0x209: {  	[sflag:s11] =	ssyncset.done $0x0  }
0x20a: {  	s0 =	simm.s32 $0x140;
	[sflag:s11] =	ssyncadd.s32 $0xFFFFD800  }
0x20b: {  	[tilespmem:s30], [sflag:$0x2] =	stream.indirect.gather [hbm4b:s1+s28], $0x80, s0, s28, $0xb8;
	[tilespmem:$0x1C800] =	vst v63  }
0x20c: {  	_ =	swait.ge [sflag:s2], $0x2800  }
0x20d: {  	[sflag:s2] =	ssyncset.done $0x0  }
0x20e: {  	s0 =	simm.s32 $0x8F0;
	[sflag:s2] =	ssyncadd.s32 $0xFFFFD800  }
0x20f: {  	[spmem:s3] =	stream.indirect.scatter.add.f32 [tilespmem:s29], [sflag:$0x4], $0x80, s0, s28, $0xb8;
	[tilespmem:$0x1C800] =	vst v63  }
0x210: {  	_ =	swait.ge [sflag:s14], $0x2800  }
0x211: {  	[sflag:s14] =	ssyncset.done $0x0  }
0x212: {  	s0 =	simm.s32 $0x190;
	[sflag:s14] =	ssyncadd.s32 $0xFFFFD800  }
0x213: {  	[tilespmem:s31], [sflag:$0x3] =	stream.indirect.gather [hbm4b:s1+s28], $0x80, s0, s28, $0xb8;
	[tilespmem:$0x1C800] =	vst v63  }
0x214: {  	_ =	swait.ge [sflag:s5], $0x2800  }
0x215: {  	[sflag:s5] =	ssyncset.done $0x0  }
0x216: {  	s0 =	simm.s32 $0x940;
	[sflag:s5] =	ssyncadd.s32 $0xFFFFD800  }
0x217: {  	[spmem:s3] =	stream.indirect.scatter.add.f32 [tilespmem:s30], [sflag:$0x5], $0x80, s0, s28, $0xb8;
	[tilespmem:$0x1C800] =	vst v63  }
0x218: {  	_ =	swait.ge [sflag:s7], $0x2800  }
0x219: {  	[sflag:s7] =	ssyncset.done $0x0  }
0x21a: {  	s0 =	simm.s32 $0x1E0;
	[sflag:s7] =	ssyncadd.s32 $0xFFFFD800  }
0x21b: {  	[tilespmem:s29], [sflag:$0x1] =	stream.indirect.gather [hbm4b:s1+s28], $0x80, s0, s28, $0xb8;
	[tilespmem:$0x1C800] =	vst v63  }
0x21c: {  	_ =	swait.ge [sflag:s9], $0x2800  }
0x21d: {  	[sflag:s9] =	ssyncset.done $0x0  }
0x21e: {  	s0 =	simm.s32 $0x990;
	[sflag:s9] =	ssyncadd.s32 $0xFFFFD800  }
0x21f: {  	[spmem:s3] =	stream.indirect.scatter.add.f32 [tilespmem:s31], [sflag:$0x6], $0x80, s0, s28, $0xb8;
	[tilespmem:$0x1C800] =	vst v63  }
0x220: {  	_ =	swait.ge [sflag:s11], $0x2800  }
0x221: {  	[sflag:s11] =	ssyncset.done $0x0  }
0x222: {  	s0 =	simm.s32 $0x230;
	[sflag:s11] =	ssyncadd.s32 $0xFFFFD800  }
0x223: {  	[tilespmem:s30], [sflag:$0x2] =	stream.indirect.gather [hbm4b:s1+s28], $0x80, s0, s28, $0xb8;
	[tilespmem:$0x1C800] =	vst v63  }
0x224: {  	_ =	swait.ge [sflag:s2], $0x2800  }
0x225: {  	[sflag:s2] =	ssyncset.done $0x0  }
0x226: {  	s0 =	simm.s32 $0x9E0;
	[sflag:s2] =	ssyncadd.s32 $0xFFFFD800  }
0x227: {  	[spmem:s3] =	stream.indirect.scatter.add.f32 [tilespmem:s29], [sflag:$0x4], $0x80, s0, s28, $0xb8;
	[tilespmem:$0x1C800] =	vst v63  }
0x228: {  	_ =	swait.ge [sflag:s14], $0x2800  }
0x229: {  	[sflag:s14] =	ssyncset.done $0x0  }
0x22a: {  	s0 =	simm.s32 $0x280;
	[sflag:s14] =	ssyncadd.s32 $0xFFFFD800  }
0x22b: {  	[tilespmem:s31], [sflag:$0x3] =	stream.indirect.gather [hbm4b:s1+s28], $0x80, s0, s28, $0xb8;
	[tilespmem:$0x1C800] =	vst v63  }
0x22c: {  	_ =	swait.ge [sflag:s5], $0x2800  }
0x22d: {  	[sflag:s5] =	ssyncset.done $0x0  }
0x22e: {  	s0 =	simm.s32 $0xA30;
	[sflag:s5] =	ssyncadd.s32 $0xFFFFD800  }
0x22f: {  	[spmem:s3] =	stream.indirect.scatter.add.f32 [tilespmem:s30], [sflag:$0x5], $0x80, s0, s28, $0xb8;
	[tilespmem:$0x1C800] =	vst v63  }
0x230: {  	_ =	swait.ge [sflag:s7], $0x2800  }
0x231: {  	[sflag:s7] =	ssyncset.done $0x0  }
0x232: {  	s0 =	simm.s32 $0x2D0;
	[sflag:s7] =	ssyncadd.s32 $0xFFFFD800  }
0x233: {  	[tilespmem:s29], [sflag:$0x1] =	stream.indirect.gather [hbm4b:s1+s28], $0x80, s0, s28, $0xb8;
	[tilespmem:$0x1C800] =	vst v63  }
0x234: {  	_ =	swait.ge [sflag:s9], $0x2800  }
0x235: {  	[sflag:s9] =	ssyncset.done $0x0  }
0x236: {  	s0 =	simm.s32 $0xA80;
	[sflag:s9] =	ssyncadd.s32 $0xFFFFD800  }
0x237: {  	[spmem:s3] =	stream.indirect.scatter.add.f32 [tilespmem:s31], [sflag:$0x6], $0x80, s0, s28, $0xb8;
	[tilespmem:$0x1C800] =	vst v63  }
0x238: {  	_ =	swait.ge [sflag:s11], $0x2800  }
0x239: {  	[sflag:s11] =	ssyncset.done $0x0  }
0x23a: {  	s0 =	simm.s32 $0x320;
	[sflag:s11] =	ssyncadd.s32 $0xFFFFD800  }
0x23b: {  	[tilespmem:s30], [sflag:$0x2] =	stream.indirect.gather [hbm4b:s1+s28], $0x80, s0, s28, $0xb8;
	[tilespmem:$0x1C800] =	vst v63  }
0x23c: {  	_ =	swait.ge [sflag:s2], $0x2800  }
0x23d: {  	[sflag:s2] =	ssyncset.done $0x0  }
0x23e: {  	s0 =	simm.s32 $0xAD0;
	[sflag:s2] =	ssyncadd.s32 $0xFFFFD800  }
0x23f: {  	[spmem:s3] =	stream.indirect.scatter.add.f32 [tilespmem:s29], [sflag:$0x4], $0x80, s0, s28, $0xb8;
	[tilespmem:$0x1C800] =	vst v63  }
0x240: {  	_ =	swait.ge [sflag:s14], $0x2800  }
0x241: {  	[sflag:s14] =	ssyncset.done $0x0  }
0x242: {  	s0 =	simm.s32 $0x370;
	[sflag:s14] =	ssyncadd.s32 $0xFFFFD800  }
0x243: {  	[tilespmem:s31], [sflag:$0x3] =	stream.indirect.gather [hbm4b:s1+s28], $0x80, s0, s28, $0xb8;
	[tilespmem:$0x1C800] =	vst v63  }
0x244: {  	_ =	swait.ge [sflag:s5], $0x2800  }
0x245: {  	[sflag:s5] =	ssyncset.done $0x0  }
0x246: {  	s0 =	simm.s32 $0xB20;
	[sflag:s5] =	ssyncadd.s32 $0xFFFFD800  }
0x247: {  	[spmem:s3] =	stream.indirect.scatter.add.f32 [tilespmem:s30], [sflag:$0x5], $0x80, s0, s28, $0xb8;
	[tilespmem:$0x1C800] =	vst v63  }
0x248: {  	_ =	swait.ge [sflag:s7], $0x2800  }
0x249: {  	[sflag:s7] =	ssyncset.done $0x0  }
0x24a: {  	s0 =	simm.s32 $0x3C0;
	[sflag:s7] =	ssyncadd.s32 $0xFFFFD800  }
0x24b: {  	[tilespmem:s29], [sflag:$0x1] =	stream.indirect.gather [hbm4b:s1+s28], $0x80, s0, s28, $0xb8;
	[tilespmem:$0x1C800] =	vst v63  }
0x24c: {  	_ =	swait.ge [sflag:s9], $0x2800  }
0x24d: {  	[sflag:s9] =	ssyncset.done $0x0  }
0x24e: {  	s0 =	simm.s32 $0xB70;
	[sflag:s9] =	ssyncadd.s32 $0xFFFFD800  }
0x24f: {  	[spmem:s3] =	stream.indirect.scatter.add.f32 [tilespmem:s31], [sflag:$0x6], $0x80, s0, s28, $0xb8;
	[tilespmem:$0x1C800] =	vst v63  }
0x250: {  	_ =	swait.ge [sflag:s11], $0x2800  }
0x251: {  	[sflag:s11] =	ssyncset.done $0x0  }
0x252: {  	s0 =	simm.s32 $0x410;
	[sflag:s11] =	ssyncadd.s32 $0xFFFFD800  }
0x253: {  	[tilespmem:s30], [sflag:$0x2] =	stream.indirect.gather [hbm4b:s1+s28], $0x80, s0, s28, $0xb8;
	[tilespmem:$0x1C800] =	vst v63  }
0x254: {  	_ =	swait.ge [sflag:s2], $0x2800  }
0x255: {  	[sflag:s2] =	ssyncset.done $0x0  }
0x256: {  	s0 =	simm.s32 $0xBC0;
	[sflag:s2] =	ssyncadd.s32 $0xFFFFD800  }
0x257: {  	[spmem:s3] =	stream.indirect.scatter.add.f32 [tilespmem:s29], [sflag:$0x4], $0x80, s0, s28, $0xb8;
	[tilespmem:$0x1C800] =	vst v63  }
0x258: {  	_ =	swait.ge [sflag:s14], $0x2800  }
0x259: {  	[sflag:s14] =	ssyncset.done $0x0  }
0x25a: {  	s0 =	simm.s32 $0x460;
	[sflag:s14] =	ssyncadd.s32 $0xFFFFD800  }
0x25b: {  	[tilespmem:s31], [sflag:$0x3] =	stream.indirect.gather [hbm4b:s1+s28], $0x80, s0, s28, $0xb8;
	[tilespmem:$0x1C800] =	vst v63  }
0x25c: {  	_ =	swait.ge [sflag:s5], $0x2800  }
0x25d: {  	[sflag:s5] =	ssyncset.done $0x0  }
0x25e: {  	s0 =	simm.s32 $0xC10;
	[sflag:s5] =	ssyncadd.s32 $0xFFFFD800  }
0x25f: {  	[spmem:s3] =	stream.indirect.scatter.add.f32 [tilespmem:s30], [sflag:$0x5], $0x80, s0, s28, $0xb8;
	[tilespmem:$0x1C800] =	vst v63  }
0x260: {  	_ =	swait.ge [sflag:s7], $0x2800  }
0x261: {  	[sflag:s7] =	ssyncset.done $0x0  }
0x262: {  	[sflag:s7] =	ssyncadd.s32 $0xFFFFD800  }
0x263: {  	[tilespmem:s29], [sflag:$0x1] =	stream.indirect.gather [hbm4b:s1+s28], $0x80, s6, s28, $0xb8;
	[tilespmem:$0x1C800] =	vst v63  }
0x264: {  	_ =	swait.ge [sflag:s9], $0x2800  }
0x265: {  	[sflag:s9] =	ssyncset.done $0x0  }
0x266: {  	[sflag:s9] =	ssyncadd.s32 $0xFFFFD800  }
0x267: {  	[spmem:s3] =	stream.indirect.scatter.add.f32 [tilespmem:s31], [sflag:$0x6], $0x80, s8, s28, $0xb8;
	[tilespmem:$0x1C800] =	vst v63  }
0x268: {  	_ =	swait.ge [sflag:s11], $0x2800  }
0x269: {  	[sflag:s11] =	ssyncset.done $0x0  }
0x26a: {  	[sflag:s11] =	ssyncadd.s32 $0xFFFFD800  }
0x26b: {  	[tilespmem:s30], [sflag:$0x2] =	stream.indirect.gather [hbm4b:s1+s28], $0x80, s10, s28, $0xb8;
	[tilespmem:$0x1C800] =	vst v63  }
0x26c: {  	_ =	swait.ge [sflag:s2], $0x2800  }
0x26d: {  	[sflag:s2] =	ssyncset.done $0x0  }
0x26e: {  	[sflag:s2] =	ssyncadd.s32 $0xFFFFD800  }
0x26f: {  	[spmem:s3] =	stream.indirect.scatter.add.f32 [tilespmem:s29], [sflag:$0x4], $0x80, s13, s28, $0xb8;
	[tilespmem:$0x1C800] =	vst v63  }
0x270: {  	_ =	swait.ge [sflag:s14], $0x2800  }
0x271: {  	[sflag:s14] =	ssyncset.done $0x0  }
0x272: {  	[sflag:s14] =	ssyncadd.s32 $0xFFFFD800  }
0x273: {  	[tilespmem:s31], [sflag:$0x3] =	stream.indirect.gather [hbm4b:s1+s28], $0x80, s15, s28, $0xb8;
	[tilespmem:$0x1C800] =	vst v63  }
0x274: {  	_ =	swait.ge [sflag:s5], $0x2800  }
0x275: {  	[sflag:s5] =	ssyncset.done $0x0  }
0x276: {  	[sflag:s5] =	ssyncadd.s32 $0xFFFFD800  }
0x277: {  	[spmem:s3] =	stream.indirect.scatter.add.f32 [tilespmem:s30], [sflag:$0x5], $0x80, s16, s28, $0xb8;
	[tilespmem:$0x1C800] =	vst v63  }
0x278: {  	_ =	swait.ge [sflag:s7], $0x2800  }
0x279: {  	[sflag:s7] =	ssyncset.done $0x0  }
0x27a: {  	[sflag:s7] =	ssyncadd.s32 $0xFFFFD800  }
0x27b: {  	[tilespmem:s29], [sflag:$0x1] =	stream.indirect.gather [hbm4b:s1+s28], $0x80, s17, s28, $0xb8;
	[tilespmem:$0x1C800] =	vst v63  }
0x27c: {  	_ =	swait.ge [sflag:s9], $0x2800  }
0x27d: {  	[sflag:s9] =	ssyncset.done $0x0  }
0x27e: {  	[sflag:s9] =	ssyncadd.s32 $0xFFFFD800  }
0x27f: {  	[spmem:s3] =	stream.indirect.scatter.add.f32 [tilespmem:s31], [sflag:$0x6], $0x80, s18, s28, $0xb8;
	[tilespmem:$0x1C800] =	vst v63  }
0x280: {  	_ =	swait.ge [sflag:s11], $0x2800  }
0x281: {  	[sflag:s11] =	ssyncset.done $0x0  }
0x282: {  	[sflag:s11] =	ssyncadd.s32 $0xFFFFD800  }
0x283: {  	[tilespmem:s30], [sflag:$0x2] =	stream.indirect.gather [hbm4b:s1+s28], $0x80, s19, s28, $0xb8;
	[tilespmem:$0x1C800] =	vst v63  }
0x284: {  	_ =	swait.ge [sflag:s2], $0x2800  }
0x285: {  	[sflag:s2] =	ssyncset.done $0x0  }
0x286: {  	[sflag:s2] =	ssyncadd.s32 $0xFFFFD800  }
0x287: {  	[spmem:s3] =	stream.indirect.scatter.add.f32 [tilespmem:s29], [sflag:$0x4], $0x80, s20, s28, $0xb8;
	[tilespmem:$0x1C800] =	vst v63  }
0x288: {  	_ =	swait.ge [sflag:s14], $0x2800  }
0x289: {  	[sflag:s14] =	ssyncset.done $0x0  }
0x28a: {  	[sflag:s14] =	ssyncadd.s32 $0xFFFFD800  }
0x28b: {  	[tilespmem:s31], [sflag:$0x3] =	stream.indirect.gather [hbm4b:s1+s28], $0x80, s21, s28, $0xb8;
	[tilespmem:$0x1C800] =	vst v63  }
0x28c: {  	_ =	swait.ge [sflag:s5], $0x2800  }
0x28d: {  	[sflag:s5] =	ssyncset.done $0x0  }
0x28e: {  	[sflag:s5] =	ssyncadd.s32 $0xFFFFD800  }
0x28f: {  	[spmem:s3] =	stream.indirect.scatter.add.f32 [tilespmem:s30], [sflag:$0x5], $0x80, s22, s28, $0xb8;
	[tilespmem:$0x1C800] =	vst v63  }
0x290: {  	_ =	swait.ge [sflag:s7], $0x2800  }
0x291: {  	[sflag:s7] =	ssyncset.done $0x0  }
0x292: {  	[sflag:s7] =	ssyncadd.s32 $0xFFFFD800  }
0x293: {  	[tilespmem:s29], [sflag:$0x1] =	stream.indirect.gather [hbm4b:s1+s28], $0x80, s23, s28, $0xb8;
	[tilespmem:$0x1C800] =	vst v63  }
0x294: {  	_ =	swait.ge [sflag:s9], $0x2800  }
0x295: {  	[sflag:s9] =	ssyncset.done $0x0  }
0x296: {  	[sflag:s9] =	ssyncadd.s32 $0xFFFFD800  }
0x297: {  	[spmem:s3] =	stream.indirect.scatter.add.f32 [tilespmem:s31], [sflag:$0x6], $0x80, s26, s28, $0xb8;
	[tilespmem:$0x1C800] =	vst v63  }
0x298: {  	_ =	swait.ge [sflag:s11], $0x2800  }
0x299: {  	[sflag:s11] =	ssyncset.done $0x0  }
0x29a: {  	[sflag:s11] =	ssyncadd.s32 $0xFFFFD800  }
0x29b: {  	[tilespmem:s30], [sflag:$0x2] =	stream.indirect.gather [hbm4b:s1+s28], $0x80, s12, s28, $0xb8;
	[tilespmem:$0x1C800] =	vst v63  }
0x29c: {  	_ =	swait.ge [sflag:s2], $0x2800  }
0x29d: {  	[sflag:s2] =	ssyncset.done $0x0  }
0x29e: {  	s0 =	simm.s32 $0xE90;
	[sflag:s2] =	ssyncadd.s32 $0xFFFFD800  }
0x29f: {  	[spmem:s3] =	stream.indirect.scatter.add.f32 [tilespmem:s29], [sflag:$0x4], $0x80, s0, s28, $0xb8;
	[tilespmem:$0x1C800] =	vst v63  }
0x2a0: {  	_ =	swait.ge [sflag:s14], $0x2800  }
0x2a1: {  	[sflag:s14] =	ssyncset.done $0x0  }
0x2a2: {  	s0 =	simm.s32 $0x730;
	[sflag:s14] =	ssyncadd.s32 $0xFFFFD800  }
0x2a3: {  	[tilespmem:s31], [sflag:$0x3] =	stream.indirect.gather [hbm4b:s1+s28], $0x80, s0, s28, $0xb8;
	[tilespmem:$0x1C800] =	vst v63  }
0x2a4: {  	_ =	swait.ge [sflag:s5], $0x2800  }
0x2a5: {  	[sflag:s5] =	ssyncset.done $0x0  }
0x2a6: {  	s0 =	simm.s32 $0xEE0;
	[sflag:s5] =	ssyncadd.s32 $0xFFFFD800  }
0x2a7: {  	[spmem:s3] =	stream.indirect.scatter.add.f32 [tilespmem:s30], [sflag:$0x5], $0x80, s0, s28, $0xb8;
	[tilespmem:$0x1C800] =	vst v63  }
0x2a8: {  	_ =	swait.ge [sflag:s7], $0x2800  }
0x2a9: {  	[sflag:s7] =	ssyncset.done $0x0  }
0x2aa: {  	s0 =	simm.s32 $0x780;
	[sflag:s7] =	ssyncadd.s32 $0xFFFFD800  }
0x2ab: {  	[tilespmem:s29], [sflag:$0x1] =	stream.indirect.gather [hbm4b:s1+s28], $0x80, s0, s28, $0xb8;
	[tilespmem:$0x1C800] =	vst v63  }
0x2ac: {  	_ =	swait.ge [sflag:s9], $0x2800  }
0x2ad: {  	[sflag:s9] =	ssyncset.done $0x0  }
0x2ae: {  	s0 =	simm.s32 $0xF30;
	[sflag:s9] =	ssyncadd.s32 $0xFFFFD800  }
0x2af: {  	[spmem:s3] =	stream.indirect.scatter.add.f32 [tilespmem:s31], [sflag:$0x6], $0x80, s0, s28, $0xb8;
	[tilespmem:$0x1C800] =	vst v63  }
0x2b0: {  	_ =	swait.ge [sflag:s11], $0x2800  }
0x2b1: {  	[sflag:s11] =	ssyncset.done $0x0  }
0x2b2: {  	[sflag:s11] =	ssyncadd.s32 $0xFFFFD800  }
0x2b3: {  	_ =	swait.ge [sflag:s2], $0x2800  }
0x2b4: {  	[sflag:s2] =	ssyncset.done $0x0  }
0x2b5: {  	s0 =	simm.s32 $0xF80;
	[sflag:s2] =	ssyncadd.s32 $0xFFFFD800  }
0x2b6: {  	[spmem:s3] =	stream.indirect.scatter.add.f32 [tilespmem:s29], [sflag:$0x4], $0x80, s0, s28, $0xb8;
	[tilespmem:$0x1C800] =	vst v63  }
0x2b7: {  	s0 =	rddreg [dreg:$0xa]  }
0x2b8: {  	[tilespmem:s4], [sflag:$0x7] =	stream.linear.gather [hbm4b:s0+s4], $0x7D0, $0x38;
	[tilespmem:$0x1C800] =	vst v63  }
0x2b9: {  	_ =	swait.ge [sflag:s25], $0x7D0  }
0x2ba: {  	[sflag:s25] =	ssyncset.done $0x0  }
0x2bb: {  	[sflag:s25] =	ssyncadd.s32 $0xFFFFF830  }
0x2bc: {  	[tilespmem:s30], [sflag:$0x2] =	stream.indirect.gather [hbm4b:s1+s28], $0x80, s28, s28, $0xb8;
	[tilespmem:$0x1C800] =	vst v63  }
0x2bd: {  	_ =	swait.ge [sflag:s14], $0x2800  }
0x2be: {  	[sflag:s14] =	ssyncset.done $0x0  }
0x2bf: {  	[sflag:s14] =	ssyncadd.s32 $0xFFFFD800  }
0x2c0: {  	_ =	swait.ge [sflag:s7], $0x2800  }
0x2c1: {  	[sflag:s7] =	ssyncset.done $0x0  }
0x2c2: {  	s0 =	rddreg [dreg:$0xb];
	[sflag:s7] =	ssyncadd.s32 $0xFFFFD800  }
0x2c3: {  	[tilespmem:s24], [sflag:$0x7] =	stream.linear.gather [hbm4b:s0+s4], $0x7D0, $0x38;
	[tilespmem:$0x1C800] =	vst v63  }
0x2c4: {  	_ =	swait.ge [sflag:s25], $0x7D0  }
0x2c5: {  	[sflag:s25] =	ssyncset.done $0x0  }
0x2c6: {  	[sflag:s25] =	ssyncadd.s32 $0xFFFFF830  }
0x2c7: {  	[tilespmem:s29], [sflag:$0x1] =	stream.indirect.gather [hbm4b:s1+s28], $0x80, s4, s28, $0xb8;
	[tilespmem:$0x1C800] =	vst v63  }
0x2c8: {  	_ =	swait.ge [sflag:s2], $0x2800  }
0x2c9: {  	[sflag:s2] =	ssyncset.done $0x0  }
0x2ca: {  	[sflag:s2] =	ssyncadd.s32 $0xFFFFD800  }
0x2cb: {  	[spmem:s3] =	stream.indirect.scatter.add.f32 [tilespmem:s29], [sflag:$0x4], $0x80, s24, s28, $0xb8;
	[tilespmem:$0x1C800] =	vst v63  }
0x2cc: {  	s0 =	simm.s32 $0xA0  }
0x2cd: {  	[tilespmem:s31], [sflag:$0x3] =	stream.indirect.gather [hbm4b:s1+s28], $0x80, s0, s28, $0xb8;
	[tilespmem:$0x1C800] =	vst v63  }
0x2ce: {  	_ =	swait.ge [sflag:s5], $0x2800  }
0x2cf: {  	[sflag:s5] =	ssyncset.done $0x0  }
0x2d0: {  	s0 =	simm.s32 $0x850;
	[sflag:s5] =	ssyncadd.s32 $0xFFFFD800  }
0x2d1: {  	[spmem:s3] =	stream.indirect.scatter.add.f32 [tilespmem:s30], [sflag:$0x5], $0x80, s0, s28, $0xb8;
	[tilespmem:$0x1C800] =	vst v63  }
0x2d2: {  	_ =	swait.ge [sflag:s7], $0x2800  }
0x2d3: {  	[sflag:s7] =	ssyncset.done $0x0  }
0x2d4: {  	s0 =	simm.s32 $0xF0;
	[sflag:s7] =	ssyncadd.s32 $0xFFFFD800  }
0x2d5: {  	[tilespmem:s29], [sflag:$0x1] =	stream.indirect.gather [hbm4b:s1+s28], $0x80, s0, s28, $0xb8;
	[tilespmem:$0x1C800] =	vst v63  }
0x2d6: {  	_ =	swait.ge [sflag:s9], $0x2800  }
0x2d7: {  	[sflag:s9] =	ssyncset.done $0x0  }
0x2d8: {  	s0 =	simm.s32 $0x8A0;
	[sflag:s9] =	ssyncadd.s32 $0xFFFFD800  }
0x2d9: {  	[spmem:s3] =	stream.indirect.scatter.add.f32 [tilespmem:s31], [sflag:$0x6], $0x80, s0, s28, $0xb8;
	[tilespmem:$0x1C800] =	vst v63  }
0x2da: {  	_ =	swait.ge [sflag:s11], $0x2800  }
0x2db: {  	[sflag:s11] =	ssyncset.done $0x0  }
0x2dc: {  	s0 =	simm.s32 $0x140;
	[sflag:s11] =	ssyncadd.s32 $0xFFFFD800  }
0x2dd: {  	[tilespmem:s30], [sflag:$0x2] =	stream.indirect.gather [hbm4b:s1+s28], $0x80, s0, s28, $0xb8;
	[tilespmem:$0x1C800] =	vst v63  }
0x2de: {  	_ =	swait.ge [sflag:s2], $0x2800  }
0x2df: {  	[sflag:s2] =	ssyncset.done $0x0  }
0x2e0: {  	s0 =	simm.s32 $0x8F0;
	[sflag:s2] =	ssyncadd.s32 $0xFFFFD800  }
0x2e1: {  	[spmem:s3] =	stream.indirect.scatter.add.f32 [tilespmem:s29], [sflag:$0x4], $0x80, s0, s28, $0xb8;
	[tilespmem:$0x1C800] =	vst v63  }
0x2e2: {  	_ =	swait.ge [sflag:s14], $0x2800  }
0x2e3: {  	[sflag:s14] =	ssyncset.done $0x0  }
0x2e4: {  	s0 =	simm.s32 $0x190;
	[sflag:s14] =	ssyncadd.s32 $0xFFFFD800  }
0x2e5: {  	[tilespmem:s31], [sflag:$0x3] =	stream.indirect.gather [hbm4b:s1+s28], $0x80, s0, s28, $0xb8;
	[tilespmem:$0x1C800] =	vst v63  }
0x2e6: {  	_ =	swait.ge [sflag:s5], $0x2800  }
0x2e7: {  	[sflag:s5] =	ssyncset.done $0x0  }
0x2e8: {  	s0 =	simm.s32 $0x940;
	[sflag:s5] =	ssyncadd.s32 $0xFFFFD800  }
0x2e9: {  	[spmem:s3] =	stream.indirect.scatter.add.f32 [tilespmem:s30], [sflag:$0x5], $0x80, s0, s28, $0xb8;
	[tilespmem:$0x1C800] =	vst v63  }
0x2ea: {  	_ =	swait.ge [sflag:s7], $0x2800  }
0x2eb: {  	[sflag:s7] =	ssyncset.done $0x0  }
0x2ec: {  	s0 =	simm.s32 $0x1E0;
	[sflag:s7] =	ssyncadd.s32 $0xFFFFD800  }
0x2ed: {  	[tilespmem:s29], [sflag:$0x1] =	stream.indirect.gather [hbm4b:s1+s28], $0x80, s0, s28, $0xb8;
	[tilespmem:$0x1C800] =	vst v63  }
0x2ee: {  	_ =	swait.ge [sflag:s9], $0x2800  }
0x2ef: {  	[sflag:s9] =	ssyncset.done $0x0  }
0x2f0: {  	s0 =	simm.s32 $0x990;
	[sflag:s9] =	ssyncadd.s32 $0xFFFFD800  }
0x2f1: {  	[spmem:s3] =	stream.indirect.scatter.add.f32 [tilespmem:s31], [sflag:$0x6], $0x80, s0, s28, $0xb8;
	[tilespmem:$0x1C800] =	vst v63  }
0x2f2: {  	_ =	swait.ge [sflag:s11], $0x2800  }
0x2f3: {  	[sflag:s11] =	ssyncset.done $0x0  }
0x2f4: {  	s0 =	simm.s32 $0x230;
	[sflag:s11] =	ssyncadd.s32 $0xFFFFD800  }
0x2f5: {  	[tilespmem:s30], [sflag:$0x2] =	stream.indirect.gather [hbm4b:s1+s28], $0x80, s0, s28, $0xb8;
	[tilespmem:$0x1C800] =	vst v63  }
0x2f6: {  	_ =	swait.ge [sflag:s2], $0x2800  }
0x2f7: {  	[sflag:s2] =	ssyncset.done $0x0  }
0x2f8: {  	s0 =	simm.s32 $0x9E0;
	[sflag:s2] =	ssyncadd.s32 $0xFFFFD800  }
0x2f9: {  	[spmem:s3] =	stream.indirect.scatter.add.f32 [tilespmem:s29], [sflag:$0x4], $0x80, s0, s28, $0xb8;
	[tilespmem:$0x1C800] =	vst v63  }
0x2fa: {  	_ =	swait.ge [sflag:s14], $0x2800  }
0x2fb: {  	[sflag:s14] =	ssyncset.done $0x0  }
0x2fc: {  	s0 =	simm.s32 $0x280;
	[sflag:s14] =	ssyncadd.s32 $0xFFFFD800  }
0x2fd: {  	[tilespmem:s31], [sflag:$0x3] =	stream.indirect.gather [hbm4b:s1+s28], $0x80, s0, s28, $0xb8;
	[tilespmem:$0x1C800] =	vst v63  }
0x2fe: {  	_ =	swait.ge [sflag:s5], $0x2800  }
0x2ff: {  	[sflag:s5] =	ssyncset.done $0x0  }
0x300: {  	s0 =	simm.s32 $0xA30;
	[sflag:s5] =	ssyncadd.s32 $0xFFFFD800  }
0x301: {  	[spmem:s3] =	stream.indirect.scatter.add.f32 [tilespmem:s30], [sflag:$0x5], $0x80, s0, s28, $0xb8;
	[tilespmem:$0x1C800] =	vst v63  }
0x302: {  	_ =	swait.ge [sflag:s7], $0x2800  }
0x303: {  	[sflag:s7] =	ssyncset.done $0x0  }
0x304: {  	s0 =	simm.s32 $0x2D0;
	[sflag:s7] =	ssyncadd.s32 $0xFFFFD800  }
0x305: {  	[tilespmem:s29], [sflag:$0x1] =	stream.indirect.gather [hbm4b:s1+s28], $0x80, s0, s28, $0xb8;
	[tilespmem:$0x1C800] =	vst v63  }
0x306: {  	_ =	swait.ge [sflag:s9], $0x2800  }
0x307: {  	[sflag:s9] =	ssyncset.done $0x0  }
0x308: {  	s0 =	simm.s32 $0xA80;
	[sflag:s9] =	ssyncadd.s32 $0xFFFFD800  }
0x309: {  	[spmem:s3] =	stream.indirect.scatter.add.f32 [tilespmem:s31], [sflag:$0x6], $0x80, s0, s28, $0xb8;
	[tilespmem:$0x1C800] =	vst v63  }
0x30a: {  	_ =	swait.ge [sflag:s11], $0x2800  }
0x30b: {  	[sflag:s11] =	ssyncset.done $0x0  }
0x30c: {  	s0 =	simm.s32 $0x320;
	[sflag:s11] =	ssyncadd.s32 $0xFFFFD800  }
0x30d: {  	[tilespmem:s30], [sflag:$0x2] =	stream.indirect.gather [hbm4b:s1+s28], $0x80, s0, s28, $0xb8;
	[tilespmem:$0x1C800] =	vst v63  }
0x30e: {  	_ =	swait.ge [sflag:s2], $0x2800  }
0x30f: {  	[sflag:s2] =	ssyncset.done $0x0  }
0x310: {  	s0 =	simm.s32 $0xAD0;
	[sflag:s2] =	ssyncadd.s32 $0xFFFFD800  }
0x311: {  	[spmem:s3] =	stream.indirect.scatter.add.f32 [tilespmem:s29], [sflag:$0x4], $0x80, s0, s28, $0xb8;
	[tilespmem:$0x1C800] =	vst v63  }
0x312: {  	_ =	swait.ge [sflag:s14], $0x2800  }
0x313: {  	[sflag:s14] =	ssyncset.done $0x0  }
0x314: {  	s0 =	simm.s32 $0x370;
	[sflag:s14] =	ssyncadd.s32 $0xFFFFD800  }
0x315: {  	[tilespmem:s31], [sflag:$0x3] =	stream.indirect.gather [hbm4b:s1+s28], $0x80, s0, s28, $0xb8;
	[tilespmem:$0x1C800] =	vst v63  }
0x316: {  	_ =	swait.ge [sflag:s5], $0x2800  }
0x317: {  	[sflag:s5] =	ssyncset.done $0x0  }
0x318: {  	s0 =	simm.s32 $0xB20;
	[sflag:s5] =	ssyncadd.s32 $0xFFFFD800  }
0x319: {  	[spmem:s3] =	stream.indirect.scatter.add.f32 [tilespmem:s30], [sflag:$0x5], $0x80, s0, s28, $0xb8;
	[tilespmem:$0x1C800] =	vst v63  }
0x31a: {  	_ =	swait.ge [sflag:s7], $0x2800  }
0x31b: {  	[sflag:s7] =	ssyncset.done $0x0  }
0x31c: {  	s0 =	simm.s32 $0x3C0;
	[sflag:s7] =	ssyncadd.s32 $0xFFFFD800  }
0x31d: {  	[tilespmem:s29], [sflag:$0x1] =	stream.indirect.gather [hbm4b:s1+s28], $0x80, s0, s28, $0xb8;
	[tilespmem:$0x1C800] =	vst v63  }
0x31e: {  	_ =	swait.ge [sflag:s9], $0x2800  }
0x31f: {  	[sflag:s9] =	ssyncset.done $0x0  }
0x320: {  	s0 =	simm.s32 $0xB70;
	[sflag:s9] =	ssyncadd.s32 $0xFFFFD800  }
0x321: {  	[spmem:s3] =	stream.indirect.scatter.add.f32 [tilespmem:s31], [sflag:$0x6], $0x80, s0, s28, $0xb8;
	[tilespmem:$0x1C800] =	vst v63  }
0x322: {  	_ =	swait.ge [sflag:s11], $0x2800  }
0x323: {  	[sflag:s11] =	ssyncset.done $0x0  }
0x324: {  	s0 =	simm.s32 $0x410;
	[sflag:s11] =	ssyncadd.s32 $0xFFFFD800  }
0x325: {  	[tilespmem:s30], [sflag:$0x2] =	stream.indirect.gather [hbm4b:s1+s28], $0x80, s0, s28, $0xb8;
	[tilespmem:$0x1C800] =	vst v63  }
0x326: {  	_ =	swait.ge [sflag:s2], $0x2800  }
0x327: {  	[sflag:s2] =	ssyncset.done $0x0  }
0x328: {  	s0 =	simm.s32 $0xBC0;
	[sflag:s2] =	ssyncadd.s32 $0xFFFFD800  }
0x329: {  	[spmem:s3] =	stream.indirect.scatter.add.f32 [tilespmem:s29], [sflag:$0x4], $0x80, s0, s28, $0xb8;
	[tilespmem:$0x1C800] =	vst v63  }
0x32a: {  	_ =	swait.ge [sflag:s14], $0x2800  }
0x32b: {  	[sflag:s14] =	ssyncset.done $0x0  }
0x32c: {  	s0 =	simm.s32 $0x460;
	[sflag:s14] =	ssyncadd.s32 $0xFFFFD800  }
0x32d: {  	[tilespmem:s31], [sflag:$0x3] =	stream.indirect.gather [hbm4b:s1+s28], $0x80, s0, s28, $0xb8;
	[tilespmem:$0x1C800] =	vst v63  }
0x32e: {  	_ =	swait.ge [sflag:s5], $0x2800  }
0x32f: {  	[sflag:s5] =	ssyncset.done $0x0  }
0x330: {  	s0 =	simm.s32 $0xC10;
	[sflag:s5] =	ssyncadd.s32 $0xFFFFD800  }
0x331: {  	[spmem:s3] =	stream.indirect.scatter.add.f32 [tilespmem:s30], [sflag:$0x5], $0x80, s0, s28, $0xb8;
	[tilespmem:$0x1C800] =	vst v63  }
0x332: {  	_ =	swait.ge [sflag:s7], $0x2800  }
0x333: {  	[sflag:s7] =	ssyncset.done $0x0  }
0x334: {  	s6 =	simm.s32 $0x4B0;
	[sflag:s7] =	ssyncadd.s32 $0xFFFFD800  }
0x335: {  	[tilespmem:s29], [sflag:$0x1] =	stream.indirect.gather [hbm4b:s1+s28], $0x80, s6, s28, $0xb8;
	[tilespmem:$0x1C800] =	vst v63  }
0x336: {  	_ =	swait.ge [sflag:s9], $0x2800  }
0x337: {  	[sflag:s9] =	ssyncset.done $0x0  }
0x338: {  	s8 =	simm.s32 $0xC60;
	[sflag:s9] =	ssyncadd.s32 $0xFFFFD800  }
0x339: {  	[spmem:s3] =	stream.indirect.scatter.add.f32 [tilespmem:s31], [sflag:$0x6], $0x80, s8, s28, $0xb8;
	[tilespmem:$0x1C800] =	vst v63  }
0x33a: {  	_ =	swait.ge [sflag:s11], $0x2800  }
0x33b: {  	[sflag:s11] =	ssyncset.done $0x0  }
0x33c: {  	s10 =	simm.s32 $0x500;
	[sflag:s11] =	ssyncadd.s32 $0xFFFFD800  }
0x33d: {  	[tilespmem:s30], [sflag:$0x2] =	stream.indirect.gather [hbm4b:s1+s28], $0x80, s10, s28, $0xb8;
	[tilespmem:$0x1C800] =	vst v63  }
0x33e: {  	_ =	swait.ge [sflag:s2], $0x2800  }
0x33f: {  	[sflag:s2] =	ssyncset.done $0x0  }
0x340: {  	s13 =	simm.s32 $0xCB0;
	[sflag:s2] =	ssyncadd.s32 $0xFFFFD800  }
0x341: {  	[spmem:s3] =	stream.indirect.scatter.add.f32 [tilespmem:s29], [sflag:$0x4], $0x80, s13, s28, $0xb8;
	[tilespmem:$0x1C800] =	vst v63  }
0x342: {  	_ =	swait.ge [sflag:s14], $0x2800  }
0x343: {  	[sflag:s14] =	ssyncset.done $0x0  }
0x344: {  	s15 =	simm.s32 $0x550;
	[sflag:s14] =	ssyncadd.s32 $0xFFFFD800  }
0x345: {  	[tilespmem:s31], [sflag:$0x3] =	stream.indirect.gather [hbm4b:s1+s28], $0x80, s15, s28, $0xb8;
	[tilespmem:$0x1C800] =	vst v63  }
0x346: {  	_ =	swait.ge [sflag:s5], $0x2800  }
0x347: {  	[sflag:s5] =	ssyncset.done $0x0  }
0x348: {  	s16 =	simm.s32 $0xD00;
	[sflag:s5] =	ssyncadd.s32 $0xFFFFD800  }
0x349: {  	[spmem:s3] =	stream.indirect.scatter.add.f32 [tilespmem:s30], [sflag:$0x5], $0x80, s16, s28, $0xb8;
	[tilespmem:$0x1C800] =	vst v63  }
0x34a: {  	_ =	swait.ge [sflag:s7], $0x2800  }
0x34b: {  	[sflag:s7] =	ssyncset.done $0x0  }
0x34c: {  	s17 =	simm.s32 $0x5A0;
	[sflag:s7] =	ssyncadd.s32 $0xFFFFD800  }
0x34d: {  	[tilespmem:s29], [sflag:$0x1] =	stream.indirect.gather [hbm4b:s1+s28], $0x80, s17, s28, $0xb8;
	[tilespmem:$0x1C800] =	vst v63  }
0x34e: {  	_ =	swait.ge [sflag:s9], $0x2800  }
0x34f: {  	[sflag:s9] =	ssyncset.done $0x0  }
0x350: {  	s18 =	simm.s32 $0xD50;
	[sflag:s9] =	ssyncadd.s32 $0xFFFFD800  }
0x351: {  	[spmem:s3] =	stream.indirect.scatter.add.f32 [tilespmem:s31], [sflag:$0x6], $0x80, s18, s28, $0xb8;
	[tilespmem:$0x1C800] =	vst v63  }
0x352: {  	_ =	swait.ge [sflag:s11], $0x2800  }
0x353: {  	[sflag:s11] =	ssyncset.done $0x0  }
0x354: {  	s19 =	simm.s32 $0x5F0;
	[sflag:s11] =	ssyncadd.s32 $0xFFFFD800  }
0x355: {  	[tilespmem:s30], [sflag:$0x2] =	stream.indirect.gather [hbm4b:s1+s28], $0x80, s19, s28, $0xb8;
	[tilespmem:$0x1C800] =	vst v63  }
0x356: {  	_ =	swait.ge [sflag:s2], $0x2800  }
0x357: {  	[sflag:s2] =	ssyncset.done $0x0  }
0x358: {  	s20 =	simm.s32 $0xDA0;
	[sflag:s2] =	ssyncadd.s32 $0xFFFFD800  }
0x359: {  	[spmem:s3] =	stream.indirect.scatter.add.f32 [tilespmem:s29], [sflag:$0x4], $0x80, s20, s28, $0xb8;
	[tilespmem:$0x1C800] =	vst v63  }
0x35a: {  	_ =	swait.ge [sflag:s14], $0x2800  }
0x35b: {  	[sflag:s14] =	ssyncset.done $0x0  }
0x35c: {  	s21 =	simm.s32 $0x640;
	[sflag:s14] =	ssyncadd.s32 $0xFFFFD800  }
0x35d: {  	[tilespmem:s31], [sflag:$0x3] =	stream.indirect.gather [hbm4b:s1+s28], $0x80, s21, s28, $0xb8;
	[tilespmem:$0x1C800] =	vst v63  }
0x35e: {  	_ =	swait.ge [sflag:s5], $0x2800  }
0x35f: {  	[sflag:s5] =	ssyncset.done $0x0  }
0x360: {  	s22 =	simm.s32 $0xDF0;
	[sflag:s5] =	ssyncadd.s32 $0xFFFFD800  }
0x361: {  	[spmem:s3] =	stream.indirect.scatter.add.f32 [tilespmem:s30], [sflag:$0x5], $0x80, s22, s28, $0xb8;
	[tilespmem:$0x1C800] =	vst v63  }
0x362: {  	_ =	swait.ge [sflag:s7], $0x2800  }
0x363: {  	[sflag:s7] =	ssyncset.done $0x0  }
0x364: {  	s23 =	simm.s32 $0x690;
	[sflag:s7] =	ssyncadd.s32 $0xFFFFD800  }
0x365: {  	[tilespmem:s29], [sflag:$0x1] =	stream.indirect.gather [hbm4b:s1+s28], $0x80, s23, s28, $0xb8;
	[tilespmem:$0x1C800] =	vst v63  }
0x366: {  	_ =	swait.ge [sflag:s9], $0x2800  }
0x367: {  	[sflag:s9] =	ssyncset.done $0x0  }
0x368: {  	s26 =	simm.s32 $0xE40;
	[sflag:s9] =	ssyncadd.s32 $0xFFFFD800  }
0x369: {  	[spmem:s3] =	stream.indirect.scatter.add.f32 [tilespmem:s31], [sflag:$0x6], $0x80, s26, s28, $0xb8;
	[tilespmem:$0x1C800] =	vst v63  }
0x36a: {  	_ =	swait.ge [sflag:s11], $0x2800  }
0x36b: {  	[sflag:s11] =	ssyncset.done $0x0  }
0x36c: {  	s12 =	simm.s32 $0x6E0;
	[sflag:s11] =	ssyncadd.s32 $0xFFFFD800  }
0x36d: {  	[tilespmem:s30], [sflag:$0x2] =	stream.indirect.gather [hbm4b:s1+s28], $0x80, s12, s28, $0xb8;
	[tilespmem:$0x1C800] =	vst v63  }
0x36e: {  	_ =	swait.ge [sflag:s2], $0x2800  }
0x36f: {  	[sflag:s2] =	ssyncset.done $0x0  }
0x370: {  	s0 =	simm.s32 $0xE90;
	[sflag:s2] =	ssyncadd.s32 $0xFFFFD800  }
0x371: {  	[spmem:s3] =	stream.indirect.scatter.add.f32 [tilespmem:s29], [sflag:$0x4], $0x80, s0, s28, $0xb8;
	[tilespmem:$0x1C800] =	vst v63  }
0x372: {  	_ =	swait.ge [sflag:s14], $0x2800  }
0x373: {  	[sflag:s14] =	ssyncset.done $0x0  }
0x374: {  	s0 =	simm.s32 $0x730;
	[sflag:s14] =	ssyncadd.s32 $0xFFFFD800  }
0x375: {  	[tilespmem:s31], [sflag:$0x3] =	stream.indirect.gather [hbm4b:s1+s28], $0x80, s0, s28, $0xb8;
	[tilespmem:$0x1C800] =	vst v63  }
0x376: {  	_ =	swait.ge [sflag:s5], $0x2800  }
0x377: {  	[sflag:s5] =	ssyncset.done $0x0  }
0x378: {  	s0 =	simm.s32 $0xEE0;
	[sflag:s5] =	ssyncadd.s32 $0xFFFFD800  }
0x379: {  	[spmem:s3] =	stream.indirect.scatter.add.f32 [tilespmem:s30], [sflag:$0x5], $0x80, s0, s28, $0xb8;
	[tilespmem:$0x1C800] =	vst v63  }
0x37a: {  	_ =	swait.ge [sflag:s7], $0x2800  }
0x37b: {  	[sflag:s7] =	ssyncset.done $0x0  }
0x37c: {  	s0 =	simm.s32 $0x780;
	[sflag:s7] =	ssyncadd.s32 $0xFFFFD800  }
0x37d: {  	[tilespmem:s29], [sflag:$0x1] =	stream.indirect.gather [hbm4b:s1+s28], $0x80, s0, s28, $0xb8;
	[tilespmem:$0x1C800] =	vst v63  }
0x37e: {  	_ =	swait.ge [sflag:s9], $0x2800  }
0x37f: {  	[sflag:s9] =	ssyncset.done $0x0  }
0x380: {  	s0 =	simm.s32 $0xF30;
	[sflag:s9] =	ssyncadd.s32 $0xFFFFD800  }
0x381: {  	[spmem:s3] =	stream.indirect.scatter.add.f32 [tilespmem:s31], [sflag:$0x6], $0x80, s0, s28, $0xb8;
	[tilespmem:$0x1C800] =	vst v63  }
0x382: {  	_ =	swait.ge [sflag:s11], $0x2800  }
0x383: {  	[sflag:s11] =	ssyncset.done $0x0  }
0x384: {  	[sflag:s11] =	ssyncadd.s32 $0xFFFFD800  }
0x385: {  	_ =	swait.ge [sflag:s2], $0x2800  }
0x386: {  	[sflag:s2] =	ssyncset.done $0x0  }
0x387: {  	s0 =	simm.s32 $0xF80;
	[sflag:s2] =	ssyncadd.s32 $0xFFFFD800  }
0x388: {  	[spmem:s3] =	stream.indirect.scatter.add.f32 [tilespmem:s29], [sflag:$0x4], $0x80, s0, s28, $0xb8;
	[tilespmem:$0x1C800] =	vst v63  }
0x389: {  	s0 =	rddreg [dreg:$0xc]  }
0x38a: {  	[tilespmem:s4], [sflag:$0x7] =	stream.linear.gather [hbm4b:s0+s4], $0x7D0, $0x38;
	[tilespmem:$0x1C800] =	vst v63  }
0x38b: {  	_ =	swait.ge [sflag:s25], $0x7D0  }
0x38c: {  	[sflag:s25] =	ssyncset.done $0x0  }
0x38d: {  	[sflag:s25] =	ssyncadd.s32 $0xFFFFF830  }
0x38e: {  	[tilespmem:s30], [sflag:$0x2] =	stream.indirect.gather [hbm4b:s1+s28], $0x80, s28, s28, $0xb8;
	[tilespmem:$0x1C800] =	vst v63  }
0x38f: {  	_ =	swait.ge [sflag:s14], $0x2800  }
0x390: {  	[sflag:s14] =	ssyncset.done $0x0  }
0x391: {  	[sflag:s14] =	ssyncadd.s32 $0xFFFFD800  }
0x392: {  	_ =	swait.ge [sflag:s7], $0x2800  }
0x393: {  	[sflag:s7] =	ssyncset.done $0x0  }
0x394: {  	s0 =	rddreg [dreg:$0xd];
	[sflag:s7] =	ssyncadd.s32 $0xFFFFD800  }
0x395: {  	[tilespmem:s24], [sflag:$0x7] =	stream.linear.gather [hbm4b:s0+s4], $0x7D0, $0x38;
	[tilespmem:$0x1C800] =	vst v63  }
0x396: {  	_ =	swait.ge [sflag:s25], $0x7D0  }
0x397: {  	[sflag:s25] =	ssyncset.done $0x0  }
0x398: {  	[sflag:s25] =	ssyncadd.s32 $0xFFFFF830  }
0x399: {  	[tilespmem:s29], [sflag:$0x1] =	stream.indirect.gather [hbm4b:s1+s28], $0x80, s4, s28, $0xb8;
	[tilespmem:$0x1C800] =	vst v63  }
0x39a: {  	_ =	swait.ge [sflag:s2], $0x2800  }
0x39b: {  	[sflag:s2] =	ssyncset.done $0x0  }
0x39c: {  	[sflag:s2] =	ssyncadd.s32 $0xFFFFD800  }
0x39d: {  	[spmem:s3] =	stream.indirect.scatter.add.f32 [tilespmem:s29], [sflag:$0x4], $0x80, s24, s28, $0xb8;
	[tilespmem:$0x1C800] =	vst v63  }
0x39e: {  	s0 =	simm.s32 $0xA0  }
0x39f: {  	[tilespmem:s31], [sflag:$0x3] =	stream.indirect.gather [hbm4b:s1+s28], $0x80, s0, s28, $0xb8;
	[tilespmem:$0x1C800] =	vst v63  }
0x3a0: {  	_ =	swait.ge [sflag:s5], $0x2800  }
0x3a1: {  	[sflag:s5] =	ssyncset.done $0x0  }
0x3a2: {  	s0 =	simm.s32 $0x850;
	[sflag:s5] =	ssyncadd.s32 $0xFFFFD800  }
0x3a3: {  	[spmem:s3] =	stream.indirect.scatter.add.f32 [tilespmem:s30], [sflag:$0x5], $0x80, s0, s28, $0xb8;
	[tilespmem:$0x1C800] =	vst v63  }
0x3a4: {  	_ =	swait.ge [sflag:s7], $0x2800  }
0x3a5: {  	[sflag:s7] =	ssyncset.done $0x0  }
0x3a6: {  	s0 =	simm.s32 $0xF0;
	[sflag:s7] =	ssyncadd.s32 $0xFFFFD800  }
0x3a7: {  	[tilespmem:s29], [sflag:$0x1] =	stream.indirect.gather [hbm4b:s1+s28], $0x80, s0, s28, $0xb8;
	[tilespmem:$0x1C800] =	vst v63  }
0x3a8: {  	_ =	swait.ge [sflag:s9], $0x2800  }
0x3a9: {  	[sflag:s9] =	ssyncset.done $0x0  }
0x3aa: {  	s0 =	simm.s32 $0x8A0;
	[sflag:s9] =	ssyncadd.s32 $0xFFFFD800  }
0x3ab: {  	[spmem:s3] =	stream.indirect.scatter.add.f32 [tilespmem:s31], [sflag:$0x6], $0x80, s0, s28, $0xb8;
	[tilespmem:$0x1C800] =	vst v63  }
0x3ac: {  	_ =	swait.ge [sflag:s11], $0x2800  }
0x3ad: {  	[sflag:s11] =	ssyncset.done $0x0  }
0x3ae: {  	s0 =	simm.s32 $0x140;
	[sflag:s11] =	ssyncadd.s32 $0xFFFFD800  }
0x3af: {  	[tilespmem:s30], [sflag:$0x2] =	stream.indirect.gather [hbm4b:s1+s28], $0x80, s0, s28, $0xb8;
	[tilespmem:$0x1C800] =	vst v63  }
0x3b0: {  	_ =	swait.ge [sflag:s2], $0x2800  }
0x3b1: {  	[sflag:s2] =	ssyncset.done $0x0  }
0x3b2: {  	s0 =	simm.s32 $0x8F0;
	[sflag:s2] =	ssyncadd.s32 $0xFFFFD800  }
0x3b3: {  	[spmem:s3] =	stream.indirect.scatter.add.f32 [tilespmem:s29], [sflag:$0x4], $0x80, s0, s28, $0xb8;
	[tilespmem:$0x1C800] =	vst v63  }
0x3b4: {  	_ =	swait.ge [sflag:s14], $0x2800  }
0x3b5: {  	[sflag:s14] =	ssyncset.done $0x0  }
0x3b6: {  	s0 =	simm.s32 $0x190;
	[sflag:s14] =	ssyncadd.s32 $0xFFFFD800  }
0x3b7: {  	[tilespmem:s31], [sflag:$0x3] =	stream.indirect.gather [hbm4b:s1+s28], $0x80, s0, s28, $0xb8;
	[tilespmem:$0x1C800] =	vst v63  }
0x3b8: {  	_ =	swait.ge [sflag:s5], $0x2800  }
0x3b9: {  	[sflag:s5] =	ssyncset.done $0x0  }
0x3ba: {  	s0 =	simm.s32 $0x940;
	[sflag:s5] =	ssyncadd.s32 $0xFFFFD800  }
0x3bb: {  	[spmem:s3] =	stream.indirect.scatter.add.f32 [tilespmem:s30], [sflag:$0x5], $0x80, s0, s28, $0xb8;
	[tilespmem:$0x1C800] =	vst v63  }
0x3bc: {  	_ =	swait.ge [sflag:s7], $0x2800  }
0x3bd: {  	[sflag:s7] =	ssyncset.done $0x0  }
0x3be: {  	s0 =	simm.s32 $0x1E0;
	[sflag:s7] =	ssyncadd.s32 $0xFFFFD800  }
0x3bf: {  	[tilespmem:s29], [sflag:$0x1] =	stream.indirect.gather [hbm4b:s1+s28], $0x80, s0, s28, $0xb8;
	[tilespmem:$0x1C800] =	vst v63  }
0x3c0: {  	_ =	swait.ge [sflag:s9], $0x2800  }
0x3c1: {  	[sflag:s9] =	ssyncset.done $0x0  }
0x3c2: {  	s0 =	simm.s32 $0x990;
	[sflag:s9] =	ssyncadd.s32 $0xFFFFD800  }
0x3c3: {  	[spmem:s3] =	stream.indirect.scatter.add.f32 [tilespmem:s31], [sflag:$0x6], $0x80, s0, s28, $0xb8;
	[tilespmem:$0x1C800] =	vst v63  }
0x3c4: {  	_ =	swait.ge [sflag:s11], $0x2800  }
0x3c5: {  	[sflag:s11] =	ssyncset.done $0x0  }
0x3c6: {  	s0 =	simm.s32 $0x230;
	[sflag:s11] =	ssyncadd.s32 $0xFFFFD800  }
0x3c7: {  	[tilespmem:s30], [sflag:$0x2] =	stream.indirect.gather [hbm4b:s1+s28], $0x80, s0, s28, $0xb8;
	[tilespmem:$0x1C800] =	vst v63  }
0x3c8: {  	_ =	swait.ge [sflag:s2], $0x2800  }
0x3c9: {  	[sflag:s2] =	ssyncset.done $0x0  }
0x3ca: {  	s0 =	simm.s32 $0x9E0;
	[sflag:s2] =	ssyncadd.s32 $0xFFFFD800  }
0x3cb: {  	[spmem:s3] =	stream.indirect.scatter.add.f32 [tilespmem:s29], [sflag:$0x4], $0x80, s0, s28, $0xb8;
	[tilespmem:$0x1C800] =	vst v63  }
0x3cc: {  	_ =	swait.ge [sflag:s14], $0x2800  }
0x3cd: {  	[sflag:s14] =	ssyncset.done $0x0  }
0x3ce: {  	s0 =	simm.s32 $0x280;
	[sflag:s14] =	ssyncadd.s32 $0xFFFFD800  }
0x3cf: {  	[tilespmem:s31], [sflag:$0x3] =	stream.indirect.gather [hbm4b:s1+s28], $0x80, s0, s28, $0xb8;
	[tilespmem:$0x1C800] =	vst v63  }
0x3d0: {  	_ =	swait.ge [sflag:s5], $0x2800  }
0x3d1: {  	[sflag:s5] =	ssyncset.done $0x0  }
0x3d2: {  	s0 =	simm.s32 $0xA30;
	[sflag:s5] =	ssyncadd.s32 $0xFFFFD800  }
0x3d3: {  	[spmem:s3] =	stream.indirect.scatter.add.f32 [tilespmem:s30], [sflag:$0x5], $0x80, s0, s28, $0xb8;
	[tilespmem:$0x1C800] =	vst v63  }
0x3d4: {  	_ =	swait.ge [sflag:s7], $0x2800  }
0x3d5: {  	[sflag:s7] =	ssyncset.done $0x0  }
0x3d6: {  	s0 =	simm.s32 $0x2D0;
	[sflag:s7] =	ssyncadd.s32 $0xFFFFD800  }
0x3d7: {  	[tilespmem:s29], [sflag:$0x1] =	stream.indirect.gather [hbm4b:s1+s28], $0x80, s0, s28, $0xb8;
	[tilespmem:$0x1C800] =	vst v63  }
0x3d8: {  	_ =	swait.ge [sflag:s9], $0x2800  }
0x3d9: {  	[sflag:s9] =	ssyncset.done $0x0  }
0x3da: {  	s0 =	simm.s32 $0xA80;
	[sflag:s9] =	ssyncadd.s32 $0xFFFFD800  }
0x3db: {  	[spmem:s3] =	stream.indirect.scatter.add.f32 [tilespmem:s31], [sflag:$0x6], $0x80, s0, s28, $0xb8;
	[tilespmem:$0x1C800] =	vst v63  }
0x3dc: {  	_ =	swait.ge [sflag:s11], $0x2800  }
0x3dd: {  	[sflag:s11] =	ssyncset.done $0x0  }
0x3de: {  	s0 =	simm.s32 $0x320;
	[sflag:s11] =	ssyncadd.s32 $0xFFFFD800  }
0x3df: {  	[tilespmem:s30], [sflag:$0x2] =	stream.indirect.gather [hbm4b:s1+s28], $0x80, s0, s28, $0xb8;
	[tilespmem:$0x1C800] =	vst v63  }
0x3e0: {  	_ =	swait.ge [sflag:s2], $0x2800  }
0x3e1: {  	[sflag:s2] =	ssyncset.done $0x0  }
0x3e2: {  	s0 =	simm.s32 $0xAD0;
	[sflag:s2] =	ssyncadd.s32 $0xFFFFD800  }
0x3e3: {  	[spmem:s3] =	stream.indirect.scatter.add.f32 [tilespmem:s29], [sflag:$0x4], $0x80, s0, s28, $0xb8;
	[tilespmem:$0x1C800] =	vst v63  }
0x3e4: {  	_ =	swait.ge [sflag:s14], $0x2800  }
0x3e5: {  	[sflag:s14] =	ssyncset.done $0x0  }
0x3e6: {  	s0 =	simm.s32 $0x370;
	[sflag:s14] =	ssyncadd.s32 $0xFFFFD800  }
0x3e7: {  	[tilespmem:s31], [sflag:$0x3] =	stream.indirect.gather [hbm4b:s1+s28], $0x80, s0, s28, $0xb8;
	[tilespmem:$0x1C800] =	vst v63  }
0x3e8: {  	_ =	swait.ge [sflag:s5], $0x2800  }
0x3e9: {  	[sflag:s5] =	ssyncset.done $0x0  }
0x3ea: {  	s0 =	simm.s32 $0xB20;
	[sflag:s5] =	ssyncadd.s32 $0xFFFFD800  }
0x3eb: {  	[spmem:s3] =	stream.indirect.scatter.add.f32 [tilespmem:s30], [sflag:$0x5], $0x80, s0, s28, $0xb8;
	[tilespmem:$0x1C800] =	vst v63  }
0x3ec: {  	_ =	swait.ge [sflag:s7], $0x2800  }
0x3ed: {  	[sflag:s7] =	ssyncset.done $0x0  }
0x3ee: {  	s0 =	simm.s32 $0x3C0;
	[sflag:s7] =	ssyncadd.s32 $0xFFFFD800  }
0x3ef: {  	[tilespmem:s29], [sflag:$0x1] =	stream.indirect.gather [hbm4b:s1+s28], $0x80, s0, s28, $0xb8;
	[tilespmem:$0x1C800] =	vst v63  }
0x3f0: {  	_ =	swait.ge [sflag:s9], $0x2800  }
0x3f1: {  	[sflag:s9] =	ssyncset.done $0x0  }
0x3f2: {  	s0 =	simm.s32 $0xB70;
	[sflag:s9] =	ssyncadd.s32 $0xFFFFD800  }
0x3f3: {  	[spmem:s3] =	stream.indirect.scatter.add.f32 [tilespmem:s31], [sflag:$0x6], $0x80, s0, s28, $0xb8;
	[tilespmem:$0x1C800] =	vst v63  }
0x3f4: {  	_ =	swait.ge [sflag:s11], $0x2800  }
0x3f5: {  	[sflag:s11] =	ssyncset.done $0x0  }
0x3f6: {  	s0 =	simm.s32 $0x410;
	[sflag:s11] =	ssyncadd.s32 $0xFFFFD800  }
0x3f7: {  	[tilespmem:s30], [sflag:$0x2] =	stream.indirect.gather [hbm4b:s1+s28], $0x80, s0, s28, $0xb8;
	[tilespmem:$0x1C800] =	vst v63  }
0x3f8: {  	_ =	swait.ge [sflag:s2], $0x2800  }
0x3f9: {  	[sflag:s2] =	ssyncset.done $0x0  }
0x3fa: {  	s0 =	simm.s32 $0xBC0;
	[sflag:s2] =	ssyncadd.s32 $0xFFFFD800  }
0x3fb: {  	[spmem:s3] =	stream.indirect.scatter.add.f32 [tilespmem:s29], [sflag:$0x4], $0x80, s0, s28, $0xb8;
	[tilespmem:$0x1C800] =	vst v63  }
0x3fc: {  	_ =	swait.ge [sflag:s14], $0x2800  }
0x3fd: {  	[sflag:s14] =	ssyncset.done $0x0  }
0x3fe: {  	s0 =	simm.s32 $0x460;
	[sflag:s14] =	ssyncadd.s32 $0xFFFFD800  }
0x3ff: {  	[tilespmem:s31], [sflag:$0x3] =	stream.indirect.gather [hbm4b:s1+s28], $0x80, s0, s28, $0xb8;
	[tilespmem:$0x1C800] =	vst v63  }
0x400: {  	_ =	swait.ge [sflag:s5], $0x2800  }
0x401: {  	[sflag:s5] =	ssyncset.done $0x0  }
0x402: {  	s0 =	simm.s32 $0xC10;
	[sflag:s5] =	ssyncadd.s32 $0xFFFFD800  }
0x403: {  	[spmem:s3] =	stream.indirect.scatter.add.f32 [tilespmem:s30], [sflag:$0x5], $0x80, s0, s28, $0xb8;
	[tilespmem:$0x1C800] =	vst v63  }
0x404: {  	_ =	swait.ge [sflag:s7], $0x2800  }
0x405: {  	[sflag:s7] =	ssyncset.done $0x0  }
0x406: {  	s6 =	simm.s32 $0x4B0;
	[sflag:s7] =	ssyncadd.s32 $0xFFFFD800  }
0x407: {  	[tilespmem:s29], [sflag:$0x1] =	stream.indirect.gather [hbm4b:s1+s28], $0x80, s6, s28, $0xb8;
	[tilespmem:$0x1C800] =	vst v63  }
0x408: {  	_ =	swait.ge [sflag:s9], $0x2800  }
0x409: {  	[sflag:s9] =	ssyncset.done $0x0  }
0x40a: {  	s8 =	simm.s32 $0xC60;
	[sflag:s9] =	ssyncadd.s32 $0xFFFFD800  }
0x40b: {  	[spmem:s3] =	stream.indirect.scatter.add.f32 [tilespmem:s31], [sflag:$0x6], $0x80, s8, s28, $0xb8;
	[tilespmem:$0x1C800] =	vst v63  }
0x40c: {  	_ =	swait.ge [sflag:s11], $0x2800  }
0x40d: {  	[sflag:s11] =	ssyncset.done $0x0  }
0x40e: {  	s10 =	simm.s32 $0x500;
	[sflag:s11] =	ssyncadd.s32 $0xFFFFD800  }
0x40f: {  	[tilespmem:s30], [sflag:$0x2] =	stream.indirect.gather [hbm4b:s1+s28], $0x80, s10, s28, $0xb8;
	[tilespmem:$0x1C800] =	vst v63  }
0x410: {  	_ =	swait.ge [sflag:s2], $0x2800  }
0x411: {  	[sflag:s2] =	ssyncset.done $0x0  }
0x412: {  	s13 =	simm.s32 $0xCB0;
	[sflag:s2] =	ssyncadd.s32 $0xFFFFD800  }
0x413: {  	[spmem:s3] =	stream.indirect.scatter.add.f32 [tilespmem:s29], [sflag:$0x4], $0x80, s13, s28, $0xb8;
	[tilespmem:$0x1C800] =	vst v63  }
0x414: {  	_ =	swait.ge [sflag:s14], $0x2800  }
0x415: {  	[sflag:s14] =	ssyncset.done $0x0  }
0x416: {  	s15 =	simm.s32 $0x550;
	[sflag:s14] =	ssyncadd.s32 $0xFFFFD800  }
0x417: {  	[tilespmem:s31], [sflag:$0x3] =	stream.indirect.gather [hbm4b:s1+s28], $0x80, s15, s28, $0xb8;
	[tilespmem:$0x1C800] =	vst v63  }
0x418: {  	_ =	swait.ge [sflag:s5], $0x2800  }
0x419: {  	[sflag:s5] =	ssyncset.done $0x0  }
0x41a: {  	s16 =	simm.s32 $0xD00;
	[sflag:s5] =	ssyncadd.s32 $0xFFFFD800  }
0x41b: {  	[spmem:s3] =	stream.indirect.scatter.add.f32 [tilespmem:s30], [sflag:$0x5], $0x80, s16, s28, $0xb8;
	[tilespmem:$0x1C800] =	vst v63  }
0x41c: {  	_ =	swait.ge [sflag:s7], $0x2800  }
0x41d: {  	[sflag:s7] =	ssyncset.done $0x0  }
0x41e: {  	s17 =	simm.s32 $0x5A0;
	[sflag:s7] =	ssyncadd.s32 $0xFFFFD800  }
0x41f: {  	[tilespmem:s29], [sflag:$0x1] =	stream.indirect.gather [hbm4b:s1+s28], $0x80, s17, s28, $0xb8;
	[tilespmem:$0x1C800] =	vst v63  }
0x420: {  	_ =	swait.ge [sflag:s9], $0x2800  }
0x421: {  	[sflag:s9] =	ssyncset.done $0x0  }
0x422: {  	s18 =	simm.s32 $0xD50;
	[sflag:s9] =	ssyncadd.s32 $0xFFFFD800  }
0x423: {  	[spmem:s3] =	stream.indirect.scatter.add.f32 [tilespmem:s31], [sflag:$0x6], $0x80, s18, s28, $0xb8;
	[tilespmem:$0x1C800] =	vst v63  }
0x424: {  	_ =	swait.ge [sflag:s11], $0x2800  }
0x425: {  	[sflag:s11] =	ssyncset.done $0x0  }
0x426: {  	s19 =	simm.s32 $0x5F0;
	[sflag:s11] =	ssyncadd.s32 $0xFFFFD800  }
0x427: {  	[tilespmem:s30], [sflag:$0x2] =	stream.indirect.gather [hbm4b:s1+s28], $0x80, s19, s28, $0xb8;
	[tilespmem:$0x1C800] =	vst v63  }
0x428: {  	_ =	swait.ge [sflag:s2], $0x2800  }
0x429: {  	[sflag:s2] =	ssyncset.done $0x0  }
0x42a: {  	s20 =	simm.s32 $0xDA0;
	[sflag:s2] =	ssyncadd.s32 $0xFFFFD800  }
0x42b: {  	[spmem:s3] =	stream.indirect.scatter.add.f32 [tilespmem:s29], [sflag:$0x4], $0x80, s20, s28, $0xb8;
	[tilespmem:$0x1C800] =	vst v63  }
0x42c: {  	_ =	swait.ge [sflag:s14], $0x2800  }
0x42d: {  	[sflag:s14] =	ssyncset.done $0x0  }
0x42e: {  	s21 =	simm.s32 $0x640;
	[sflag:s14] =	ssyncadd.s32 $0xFFFFD800  }
0x42f: {  	[tilespmem:s31], [sflag:$0x3] =	stream.indirect.gather [hbm4b:s1+s28], $0x80, s21, s28, $0xb8;
	[tilespmem:$0x1C800] =	vst v63  }
0x430: {  	_ =	swait.ge [sflag:s5], $0x2800  }
0x431: {  	[sflag:s5] =	ssyncset.done $0x0  }
0x432: {  	s22 =	simm.s32 $0xDF0;
	[sflag:s5] =	ssyncadd.s32 $0xFFFFD800  }
0x433: {  	[spmem:s3] =	stream.indirect.scatter.add.f32 [tilespmem:s30], [sflag:$0x5], $0x80, s22, s28, $0xb8;
	[tilespmem:$0x1C800] =	vst v63  }
0x434: {  	_ =	swait.ge [sflag:s7], $0x2800  }
0x435: {  	[sflag:s7] =	ssyncset.done $0x0  }
0x436: {  	s23 =	simm.s32 $0x690;
	[sflag:s7] =	ssyncadd.s32 $0xFFFFD800  }
0x437: {  	[tilespmem:s29], [sflag:$0x1] =	stream.indirect.gather [hbm4b:s1+s28], $0x80, s23, s28, $0xb8;
	[tilespmem:$0x1C800] =	vst v63  }
0x438: {  	_ =	swait.ge [sflag:s9], $0x2800  }
0x439: {  	[sflag:s9] =	ssyncset.done $0x0  }
0x43a: {  	s26 =	simm.s32 $0xE40;
	[sflag:s9] =	ssyncadd.s32 $0xFFFFD800  }
0x43b: {  	[spmem:s3] =	stream.indirect.scatter.add.f32 [tilespmem:s31], [sflag:$0x6], $0x80, s26, s28, $0xb8;
	[tilespmem:$0x1C800] =	vst v63  }
0x43c: {  	_ =	swait.ge [sflag:s11], $0x2800  }
0x43d: {  	[sflag:s11] =	ssyncset.done $0x0  }
0x43e: {  	s12 =	simm.s32 $0x6E0;
	[sflag:s11] =	ssyncadd.s32 $0xFFFFD800  }
0x43f: {  	[tilespmem:s30], [sflag:$0x2] =	stream.indirect.gather [hbm4b:s1+s28], $0x80, s12, s28, $0xb8;
	[tilespmem:$0x1C800] =	vst v63  }
0x440: {  	_ =	swait.ge [sflag:s2], $0x2800  }
0x441: {  	[sflag:s2] =	ssyncset.done $0x0  }
0x442: {  	s13 =	simm.s32 $0xE90;
	[sflag:s2] =	ssyncadd.s32 $0xFFFFD800  }
0x443: {  	[spmem:s3] =	stream.indirect.scatter.add.f32 [tilespmem:s29], [sflag:$0x4], $0x80, s13, s28, $0xb8;
	[tilespmem:$0x1C800] =	vst v63  }
0x444: {  	_ =	swait.ge [sflag:s14], $0x2800  }
0x445: {  	[sflag:s14] =	ssyncset.done $0x0  }
0x446: {  	s15 =	simm.s32 $0x730;
	[sflag:s14] =	ssyncadd.s32 $0xFFFFD800  }
0x447: {  	[tilespmem:s31], [sflag:$0x3] =	stream.indirect.gather [hbm4b:s1+s28], $0x80, s15, s28, $0xb8;
	[tilespmem:$0x1C800] =	vst v63  }
0x448: {  	_ =	swait.ge [sflag:s5], $0x2800  }
0x449: {  	[sflag:s5] =	ssyncset.done $0x0  }
0x44a: {  	s16 =	simm.s32 $0xEE0;
	[sflag:s5] =	ssyncadd.s32 $0xFFFFD800  }
0x44b: {  	[spmem:s3] =	stream.indirect.scatter.add.f32 [tilespmem:s30], [sflag:$0x5], $0x80, s16, s28, $0xb8;
	[tilespmem:$0x1C800] =	vst v63  }
0x44c: {  	_ =	swait.ge [sflag:s7], $0x2800  }
0x44d: {  	[sflag:s7] =	ssyncset.done $0x0  }
0x44e: {  	s17 =	simm.s32 $0x780;
	[sflag:s7] =	ssyncadd.s32 $0xFFFFD800  }
0x44f: {  	[tilespmem:s29], [sflag:$0x1] =	stream.indirect.gather [hbm4b:s1+s28], $0x80, s17, s28, $0xb8;
	[tilespmem:$0x1C800] =	vst v63  }
0x450: {  	_ =	swait.ge [sflag:s9], $0x2800  }
0x451: {  	[sflag:s9] =	ssyncset.done $0x0  }
0x452: {  	s18 =	simm.s32 $0xF30;
	[sflag:s9] =	ssyncadd.s32 $0xFFFFD800  }
0x453: {  	[spmem:s3] =	stream.indirect.scatter.add.f32 [tilespmem:s31], [sflag:$0x6], $0x80, s18, s28, $0xb8;
	[tilespmem:$0x1C800] =	vst v63  }
0x454: {  	_ =	swait.ge [sflag:s11], $0x2800  }
0x455: {  	[sflag:s11] =	ssyncset.done $0x0  }
0x456: {  	[sflag:s11] =	ssyncadd.s32 $0xFFFFD800  }
0x457: {  	_ =	swait.ge [sflag:s2], $0x2800  }
0x458: {  	[sflag:s2] =	ssyncset.done $0x0  }
0x459: {  	s19 =	simm.s32 $0xF80;
	[sflag:s2] =	ssyncadd.s32 $0xFFFFD800  }
0x45a: {  	[spmem:s3] =	stream.indirect.scatter.add.f32 [tilespmem:s29], [sflag:$0x4], $0x80, s19, s28, $0xb8;
	[tilespmem:$0x1C800] =	vst v63  }
0x45b: {  	_ =	swait.ge [sflag:s14], $0x2800  }
0x45c: {  	[sflag:s14] =	ssyncset.done $0x0  }
0x45d: {  	[sflag:s14] =	ssyncadd.s32 $0xFFFFD800  }
0x45e: {  	_ =	swait.ge [sflag:s7], $0x2800  }
0x45f: {  	[sflag:s7] =	ssyncset.done $0x0  }
0x460: {  	[sflag:s7] =	ssyncadd.s32 $0xFFFFD800  }
0x461: {  	s20 =	stileid.u32;
	[bflag:$0x0] =	sbarrier.arrive $0xFFFF  }
0x462: {  	s0 =	sshll.u32 s20, $0x6;
	s21 =	rddreg [dreg:$0xe]  }
0x463: {  	s0 =	sor.u32 $0x1C07, s0;
	s22 =	rddreg [dreg:$0xf];
	s6 =	sshrl.u32 s21, $0x3  }
0x464: {  	[hbm:s22], [sflag:s0] =	dma.local [spmem:s6], $0x2800  }
0x465: {  	_ =	swait.ge [sflag:s25], $0x2800  }
0x466: {  	s23 =	rddreg [dreg:$0x18]  }
0x467: {  	s26 =	rddreg [dreg:$0x10];
	s6 =	sadd.s32 $0x1, s23  }
0x468: {  	p0 =	sne.s32 s6, s26  }
.Ltmp1:
0x469: {  	_ = 	snop;
	(pc) =	sbr.rel @p0 .LBB2_1-.Ltmp1, $3  }
0x46a: {  	_ =	sdelay $0x1  }
0x46b: {  	[sflag:s25] =	ssyncset.done $0x0  }
0x46c: {  	[sflag:s25] =	ssyncadd.s32 $0xFFFFD800  }
0x46d: {  	_ =	sfence.sel $0x180000  }
0x46e: {  	[bflag:$0x0] =	sbarrier.arrive $0xFFFF  }
0x46f: {  	_ =	strace $0x9000004A  }
0x470: {  	s0 =	stileid.u32;
	[bflag:$0x2] =	sbarrier.arrive $0xFFFF  }
0x471: {  	p0 =	sne.s32 s0, $0x0;
	s0 =	rddreg [dreg:$0x3]  }
0x472: {  	s0 =	sadd.s32 @!p0 $0x100000, s0  }
0x473: {  	[sflag:s0] =	ssyncadd.tile.s32 @!p0 $0x1;
	_ =	shalt  }
.Lfunc_end2:
_tile_overlayer_lowered:
.L_overlay_start_2:
0x474: {  	(tag) =	ssettag $0x2  }
0x475: {  	s0 =	rddreg [dreg:$0x0];
	s2 =	stileid.u32  }
0x476: {  	s1 =	rddreg [dreg:$0x1];
	p0 =	sne.s32 s2, $0x0  }
0x477: {  	s3 =	rddreg [dreg:$0x2];
	[bflag:$0x3] =	sbarrier.arrive $0xFFFF;
	s2 =	simm.s32 @!p0 $0x1C07  }
0x478: {  	[timem:s3], [sflag:s2] =	dma.local @!p0 [hbm:s0], s1  }
0x479: {  	s0 =	simm.s32 @!p0 $0x7  }
0x47a: {  	_ =	swait.ge @!p0 [sflag:s0], s1  }
0x47b: {  	s1 =	ssub.s32 @!p0 $0x0, s1;
	[sflag:s0] =	ssyncset.done @!p0 $0x0  }
0x47c: {  	[sflag:s0] =	ssyncadd.s32 @!p0 s1  }
0x47d: {  	[bflag:$0x3] =	sbarrier.arrive $0xFFFF  }
0x47e: {  	_ =	shalt  }

// kernel: kernel.7.cloned.1.call-start
scs
__scs_entry_jumppad:
0x0: {  	(pc) =	sbr.rel $0x88, $3  }
0x1: {  	(tag) =	ssettag $0x0;
	lr =	simm.s32 $0x1  }
0x2: {  	[smem:$0x3F93] =	sst lr;
	_ =	strace $0xD0000000  }
0x3: {  	_ = 	snop  }
0x4: {  	_ = 	snop  }
0x5: {  	_ = 	snop  }
0x6: {  	_ = 	snop  }
0x7: {  	_ = 	snop  }
__scs_overlays_trampoline_lowered:
0x8: {  	[smem:$0x3FA2] =	sst s0  }
0x9: {  	[smem:$0x3FA3] =	sst s1  }
0xa: {  	[smem:$0x3FA4] =	sst s2  }
0xb: {  	[smem:$0x3FA5] =	sst s3  }
0xc: {  	[smem:$0x3FA6] =	sst s4  }
0xd: {  	[smem:$0x3FA7] =	sst s5  }
0xe: {  	[smem:$0x3FA8] =	sst s6  }
0xf: {  	[smem:$0x3FA9] =	sst s7  }
0x10: {  	[smem:$0x3FAA] =	sst s8  }
0x11: {  	[smem:$0x3FAB] =	sst s9;
	s0 =	simm.s32 @!p0 $0x0  }
0x12: {  	s1 =	sld [smem:$0x3F91];
	s0 =	simm.s32 @p0 $0x1  }
0x13: {  	[smem:$0x3FAC] =	sst s0;
	s0 =	simm.s32 @!p1 $0x0  }
0x14: {  	s2 =	sld [smem:$0x3F90];
	s0 =	simm.s32 @p1 $0x1  }
0x15: {  	[smem:$0x3FAD] =	sst s0;
	s0 =	simm.s32 @!p2 $0x0  }
0x16: {  	s3 =	sld [smem:$0x3FDB];
	s0 =	simm.s32 @p2 $0x1  }
0x17: {  	s4 =	simm.s32 $0x1BF5;
	[smem:$0x3FAF] =	sst s0  }
0x18: {  	s0 =	sld [smem:$0x3F92];
	_ =	swait.ge [sflag:s4], $0x0  }
0x19: {  	s7 =	sld [smem:$0x3F93]  }
0x1a: {  	s8 =	sadd.s32 $0xFFFFE003, lr  }
0x1b: {  	s9 =	sadd.s32 $0xFFFFFEF7, lr;
	s5 =	simm.s32 $0xFFFFFFFF;
	p2 =	slt.u32 s8, $0xFFFFF086  }
0x1c: {  	p1 =	slt.u32 s9, $0xF7A;
	s5 =	simm.s32 @!p2 $0x0  }
0x1d: {  	s5 =	simm.s32 @p1 $0x1;
	p0 =	seq.s32 s7, s2  }
0x1e: {  	s7 =	smul.u32 @!p0 $0xF7A, s2;
	p2 =	seq.s32 @!p0 s5, $0x0  }
0x1f: {  	s9 =	smul.u32 $0xF7A, s1;
	s8 =	simm.s32 @!p0 $0x1BF5;
	p2 =	por !p2, p0  }
0x20: {  	[sflag:s8] =	ssyncset.s32 @!p0 $0xFFFFF086;
	s6 =	sadd.s32 @!p0 s3, s7;
	s7 =	simm.s32 @!p0 $0x108  }
0x21: {  	s3 =	sadd.s32 s3, s9;
	s6 =	sadd.s32 @!p0 $0x88, s6;
	s7 =	simm.s32 @p2 $0x1082  }
0x22: {  	[simem:s7], [sflag:s8] =	dma.local @!p0 [hbm:s6], $0xF7A  }
0x23: {  	s9 =	sor.u32 $0xD0000000, s2;
	s6 =	simm.s32 $0x108;
	_ =	swait.ge @!p0 [sflag:s8], $0x0  }
0x24: {  	s3 =	sadd.s32 $0x88, s3;
	s6 =	simm.s32 @!p1 $0x1082;
	[sflag:s4] =	ssyncset.s32 $0xFFFFF086  }
0x25: {  	[simem:s6], [sflag:s4] =	dma.local [hbm:s3], $0xF7A  }
0x26: {  	[smem:$0x3F93] =	sst s1;
	(tag) =	ssettag s2;
	_ =	strace s9  }
0x27: {  	s1 =	sld [smem:$0x3FA3]  }
0x28: {  	s2 =	sld [smem:$0x3FA4]  }
0x29: {  	s4 =	sld [smem:$0x3FA6]  }
0x2a: {  	p0 =	seq.s32 s5, $0x0;
	s5 =	sld [smem:$0x3FA7]  }
0x2b: {  	s6 =	sld [smem:$0x3FA8]  }
0x2c: {  	s7 =	sld [smem:$0x3FA9]  }
0x2d: {  	s3 =	simm.s32 $0x108;
	s8 =	sld [smem:$0x3FAA]  }
0x2e: {  	s3 =	simm.s32 @!p0 $0x1082;
	s9 =	sld [smem:$0x3FAB]  }
0x2f: {  	lr =	sadd.s32 s0, s3;
	s0 =	sld [smem:$0x3FA2]  }
0x30: {  	s3 =	sld [smem:$0x3FA5]  }
0x31: {  	[smem:$0x3FAE] =	sst s10  }
0x32: {  	s10 =	sld [smem:$0x3FAC];
	_ =	sdelay $0x3  }
0x33: {  	p0 =	seq.s32 s10, $0x1;
	s10 =	sld [smem:$0x3FAE];
	_ =	sdelay $0x3  }
0x34: {  	[smem:$0x3FAE] =	sst s10  }
0x35: {  	s10 =	sld [smem:$0x3FAD];
	_ =	sdelay $0x3  }
0x36: {  	p1 =	seq.s32 s10, $0x1;
	s10 =	sld [smem:$0x3FAE];
	_ =	sdelay $0x3  }
0x37: {  	[smem:$0x3FAE] =	sst s10  }
0x38: {  	s10 =	sld [smem:$0x3FAF]  }
0x39: {  	_ = 	snop;
	(pc) =	sbr.ind lr, $3  }
0x3a: {  	_ = 	snop  }
0x3b: {  	_ = 	snop  }
0x3c: {  	p2 =	seq.s32 s10, $0x1;
	s10 =	sld [smem:$0x3FAE]  }
0x3d: {  	_ =	shalt  }
0x3e: {  	_ =	shalt  }
0x3f: {  	_ =	shalt  }
0x40: {  	_ =	shalt  }
0x41: {  	_ =	shalt  }
0x42: {  	_ =	shalt  }
0x43: {  	_ =	shalt  }
0x44: {  	_ =	shalt  }
0x45: {  	_ =	shalt  }
0x46: {  	_ =	shalt  }
0x47: {  	_ =	shalt  }
0x48: {  	_ =	shalt  }
0x49: {  	_ =	shalt  }
0x4a: {  	_ =	shalt  }
0x4b: {  	_ =	shalt  }
0x4c: {  	_ =	shalt  }
0x4d: {  	_ =	shalt  }
0x4e: {  	_ =	shalt  }
0x4f: {  	_ =	shalt  }
0x50: {  	_ =	shalt  }
0x51: {  	_ =	shalt  }
0x52: {  	_ =	shalt  }
0x53: {  	_ =	shalt  }
0x54: {  	_ =	shalt  }
0x55: {  	_ =	shalt  }
0x56: {  	_ =	shalt  }
0x57: {  	_ =	shalt  }
0x58: {  	_ =	shalt  }
0x59: {  	_ =	shalt  }
0x5a: {  	_ =	shalt  }
0x5b: {  	_ =	shalt  }
0x5c: {  	_ =	shalt  }
0x5d: {  	_ =	shalt  }
0x5e: {  	_ =	shalt  }
0x5f: {  	_ =	shalt  }
0x60: {  	_ =	shalt  }
0x61: {  	_ =	shalt  }
0x62: {  	_ =	shalt  }
0x63: {  	_ =	shalt  }
0x64: {  	_ =	shalt  }
0x65: {  	_ =	shalt  }
0x66: {  	_ =	shalt  }
0x67: {  	_ =	shalt  }
0x68: {  	_ =	shalt  }
0x69: {  	_ =	shalt  }
0x6a: {  	_ =	shalt  }
0x6b: {  	_ =	shalt  }
0x6c: {  	_ =	shalt  }
0x6d: {  	_ =	shalt  }
0x6e: {  	_ =	shalt  }
0x6f: {  	_ =	shalt  }
0x70: {  	_ =	shalt  }
0x71: {  	_ =	shalt  }
0x72: {  	_ =	shalt  }
0x73: {  	_ =	shalt  }
0x74: {  	_ =	shalt  }
0x75: {  	_ =	shalt  }
0x76: {  	_ =	shalt  }
0x77: {  	_ =	shalt  }
0x78: {  	_ =	shalt  }
0x79: {  	_ =	shalt  }
0x7a: {  	_ =	shalt  }
0x7b: {  	_ =	shalt  }
0x7c: {  	_ =	shalt  }
0x7d: {  	_ =	shalt  }
0x7e: {  	_ =	shalt  }
0x7f: {  	_ =	shalt  }
0x80: {  	_ =	shalt  }
0x81: {  	_ =	shalt  }
0x82: {  	_ =	shalt  }
0x83: {  	_ =	shalt  }
0x84: {  	_ =	shalt  }
0x85: {  	_ =	shalt  }
0x86: {  	_ =	shalt  }
0x87: {  	_ =	shalt  }
.Lfunc_end0:
.L_simem_size_0:
called_computation_lowered:
.L_overlay_start_0:
0x88: {  	s2 =	sld [smem:$0x3FD9]  }
0x89: {  	s3 =	sld [smem:$0x3FFE];
	_ =	sdelay $0x1  }
0x8a: {  	s1 =	srdreg.scid  }
0x8b: {  	s0 =	sand.u32 $0x1, s1  }
0x8c: {  	s14 =	sshll.u32 s0, $0xA;
	s2 =	sadd.s32 s3, s2  }
0x8d: {  	s2 =	sadd.s32 s2, s14  }
0x8e: {  	[smem:$0x3FBA] =	sst s2  }
0x8f: {  	_ = 	snop  }
0x90: {  	s2 =	sld [smem:$0x3FD0];
	_ =	sdelay $0x2  }
0x91: {  	s15 =	simm.s32 $0xA;
	s4 =	simm.s32 $0x10  }
0x92: {  	[smem:s4], [sflag:s15] =	dma.local [hbm:s2], $0x1  }
0x93: {  	_ =	swait.eq [sflag:s15], $0x1  }
0x94: {  	[sflag:s15] =	ssyncset.done $0x0  }
0x95: {  	[sflag:s15] =	ssyncadd.s32 $0xFFFFFFFF  }
0x96: {  	s16 =	sld [smem:$0x10];
	(tm) =	ssettm $0x1  }
0x97: {  	s17 =	sld [smem:$0x3FFB];
	_ =	sdelay $0x3  }
0x98: {  	_ =	strace s17  }
0x99: {  	s3 =	sld [smem:$0x3FFC];
	_ =	sdelay $0x3  }
0x9a: {  	_ =	strace s3  }
0x9b: {  	s3 =	sld [smem:$0x3FFD];
	_ =	sdelay $0x3  }
0x9c: {  	_ =	strace s3  }
0x9d: {  	_ =	strace $0x8FFFFFFF  }
0x9e: {  	s18 =	sld [smem:$0x3FDB];
	_ =	sdelay $0x1  }
0x9f: {  	s19 =	simm.s32 $_scs_section_size  }
0xa0: {  	s5 =	simm.s32 $_size__tile_overlayer_lowered;
	s6 =	simm.s32 $_tile_overlayer_lowered  }
0xa1: {  	s22 =	simm.s32 $0x1BFF;
	s21 =	sshll.u32 s6, $0x1;
	s3 =	sadd.s32 s19, s18  }
0xa2: {  	s7 =	simm.s32 $0x0;
	s20 =	sshll.u32 s5, $0x1;
	s5 =	sadd.s32 s21, s3  }
0xa3: {  	[timem:s7], [sflag:s22] =	dma.local [hbm:s5], s20  }
0xa4: {  	_ =	swait.ge [sflag:s22], s20  }
0xa5: {  	s4 =	ssub.s32 $0x0, s20;
	[sflag:s22] =	ssyncset.done $0x0  }
0xa6: {  	[sflag:s22] =	ssyncadd.s32 s4;
	_ =	sdelay $0x1  }
0xa7: {  	s23 =	simm.s32 $0x1B8B  }
0xa8: {  	_ =	swait.ge [sflag:s23], $0x1  }
0xa9: {  	[sflag:s23] =	ssyncset.done $0x0  }
0xaa: {  	s25 =	simm.s32 $0x1B8E;
	s24 =	sld [smem:$0x3FFE];
	[sflag:s23] =	ssyncadd.s32 $0xFFFFFFFF  }
0xab: {  	s26 =	simm.s32 $execute0_lowered;
	[smem:$0x3FD2] =	sst s25  }
0xac: {  	s5 =	sshll.u32 s26, $0x1;
	_ =	strace $0x80000046;
	[dreg:$0x1] =	wrdreg $0xFFFFFFFF  }
0xad: {  	s28 =	simm.s32 $_size_execute0_lowered;
	s3 =	sadd.s32 s3, s5;
	[dreg:$0x0] =	wrdreg $0x0  }
0xae: {  	s5 =	sshll.u32 s28, $0x1;
	[dreg:$0x2] =	wrdreg s3  }
0xaf: {  	[dreg:$0x3] =	wrdreg s5  }
0xb0: {  	[dreg:$0x4] =	wrdreg $0xC0  }
0xb1: {  	_ =	task [dreg:s7], $0x5FFFF  }
0xb2: {  	[dreg:$0x1] =	wrdreg $0xFFFFFFFF  }
0xb3: {  	[dreg:$0x0] =	wrdreg $0x60  }
0xb4: {  	[dreg:$0x2] =	wrdreg s16  }
0xb5: {  	[dreg:$0x3] =	wrdreg s24  }
0xb6: {  	[dreg:$0x4] =	wrdreg $0x88000  }
0xb7: {  	[dreg:$0x5] =	wrdreg $0x9  }
0xb8: {  	_ =	task.clear_ibuf [dreg:s7], $0x6FFFF;
	_ =	strace $0x90000046  }
0xb9: {  	s29 =	simm.s32 $0x9;
	_ =	strace $0x80000048  }
0xba: {  	_ =	swait.ge [sflag:s29], $0x1  }
0xbb: {  	[sflag:s29] =	ssyncadd.s32 $0xFFFFFFFF  }
0xbc: {  	_ =	strace $0x90000048  }
0xbd: {  	_ =	sfence  }
0xbe: {  	s30 =	sld [smem:$0x0];
	_ =	sdelay $0x2  }
0xbf: {  	s31 =	sshll.u32 s1, $0xD;
	s1 =	sshrl.u32 s1, $0x2  }
0xc0: {  	s3 =	sand.u32 $0x4000, s31;
	s1 =	sadd.s32 s1, s30  }
0xc1: {  	s0 =	sor.u32 s3, s0;
	s1 =	sshll.u32 s1, $0x11  }
0xc2: {  	s0 =	sor.u32 s1, s0  }
0xc3: {  	s0 =	sadd.s32 $0x8F2B, s0  }
0xc4: {  	[sflag:s0] =	ssyncadd.remote.s32 $0x1  }
0xc5: {  	_ =	sfence.sel $0xFFFF  }
0xc6: {  	[dreg:$0x0] =	wrdreg $0xFFFFFFFF;
	(pc) =	sbr.abs _section_cstart, $3  }
0xc7: {  	[dreg:$0x1] =	wrdreg $0xFFFFFFFF  }
0xc8: {  	_ =	task.clear_ibuf [dreg:s7], $0x2FFFF;
	_ =	strace $0x9FFFFFFF  }
0xc9: {  	(tm) =	ssettm $0x7FFFFFFF  }
tec
execute0_lowered:
.L_overlay_start_1:
0x0: {  	(tag) =	ssettag $0x1  }
0x1: {  	s0 =	srdreg.scid;
	s8 =	stileid.u32  }
0x2: {  	s0 =	sand.u32 $0x1, s0;
	s2 =	sshll.u32 s8, $0x1  }
0x3: {  	s1 =	rddreg [dreg:$0x0];
	s2 =	sor.u32 s0, s2;
	s6 =	smul.u32 $0x140000, s0  }
0x4: {  	s5 =	rddreg [dreg:$0x1];
	s0 =	ssub.s32 $0x2, s0;
	s2 =	smul.u32 $0x2710, s2  }
0x5: {  	s3 =	rddreg [dreg:$0x2];
	s26 =	sshrl.u32 s0, $0x1  }
0x6: {  	s4 =	simm.s32 $0x0;
	s0 =	ssub.s32 s0, s26;
	s2 =	sshrl.u32 s2, $0x3  }
0x7: {  	[smem:$0x7FF] =	sst s4;
	s0 =	smax.u32 s0, $0x1;
	s2 =	sadd.s32 s2, s5  }
0x8: {  	_ =	strace $0x80000047;
	[dreg:$0x10] =	wrdreg s0;
	s9 =	sadd.s32 $0x2A00, s2  }
0x9: {  	s10 =	sadd.s32 $0xC640, s2;
	[dreg:$0x4] =	wrdreg s9  }
0xa: {  	s28 =	simm.s32 $0x50;
	s11 =	sadd.s32 $0x2AFA, s2;
	[dreg:$0x5] =	wrdreg s10  }
0xb: {  	s29 =	simm.s32 $0x1000;
	s13 =	sadd.s32 $0xC73A, s2;
	[dreg:$0x6] =	wrdreg s11  }
0xc: {  	s30 =	simm.s32 $0x3800;
	s14 =	sadd.s32 $0x2BF4, s2;
	[dreg:$0x7] =	wrdreg s13  }
0xd: {  	s7 =	smul.u32 $0x14000, s8;
	s15 =	sadd.s32 $0xC834, s2;
	[dreg:$0x8] =	wrdreg s14  }
0xe: {  	s12 =	smul.u32 $0x50000, s8;
	s16 =	sadd.s32 $0x2CEE, s2;
	[dreg:$0x9] =	wrdreg s15  }
0xf: {  	s6 =	sadd.s32 s7, s6;
	s17 =	sadd.s32 $0xC92E, s2;
	[dreg:$0xa] =	wrdreg s16  }
0x10: {  	s6 =	sshrl.u32 s6, $0x3;
	s18 =	sadd.s32 $0x2DE8, s2;
	[dreg:$0xb] =	wrdreg s17  }
0x11: {  	s5 =	sadd.s32 s6, s5;
	s2 =	sadd.s32 $0xCA28, s2;
	[dreg:$0xc] =	wrdreg s18  }
0x12: {  	s6 =	sshrl.u32 s12, $0x2;
	s5 =	sadd.s32 $0x16400, s5;
	[dreg:$0xd] =	wrdreg s2  }
0x13: {  	s31 =	simm.s32 $0x6000;
	s19 =	sadd.s32 s6, s3;
	[dreg:$0xf] =	wrdreg s5  }
0x14: {  	s7 =	simm.s32 $0x4;
	s20 =	sadd.s32 $0x2800, s19;
	[dreg:$0xe] =	wrdreg s19  }
0x15: {  	s6 =	simm.s32 $0x0;
	s21 =	sadd.s32 $0x5000, s19;
	[dreg:$0x11] =	wrdreg s20  }
0x16: {  	s22 =	sadd.s32 $0x7800, s19;
	s23 =	sadd.s32 $0xA000, s19;
	[dreg:$0x12] =	wrdreg s21  }
0x17: {  	s24 =	sadd.s32 $0xC800, s19;
	s25 =	sadd.s32 $0xF000, s19;
	[dreg:$0x13] =	wrdreg s22  }
0x18: {  	s26 =	sadd.s32 $0x11800, s19;
	s2 =	simm.s32 $0x1;
	[dreg:$0x14] =	wrdreg s23  }
0x19: {  	s5 =	simm.s32 $0x2;
	s9 =	simm.s32 $0x3;
	[dreg:$0x15] =	wrdreg s24  }
0x1a: {  	s11 =	simm.s32 $0x5;
	s14 =	simm.s32 $0x6;
	[dreg:$0x16] =	wrdreg s25  }
0x1b: {  	v0 =	vimm.f32 $0.0e+00;
	[dreg:$0x17] =	wrdreg s26;
	s25 =	simm.s32 $0x7;
	s24 =	simm.s32 $0x800  }
.LBB2_1:
0x1c: {  	[dreg:$0x18] =	wrdreg s6  }
0x1d: {  	s0 =	rddreg [dreg:$0x4]  }
0x1e: {  	[tilespmem:s4], [sflag:$0x7] =	stream.linear.gather [hbm4b:s0+s4], $0x7D0, $0x38;
	[tilespmem:$0x1C800] =	vst v63  }
0x1f: {  	_ =	swait.ge [sflag:s25], $0x7D0  }
0x20: {  	[sflag:s25] =	ssyncset.done $0x0  }
0x21: {  	s22 =	rddreg [dreg:$0x5];
	[sflag:s25] =	ssyncadd.s32 $0xFFFFF830  }
0x22: {  	[tilespmem:s24], [sflag:$0x7] =	stream.linear.gather [hbm4b:s22+s4], $0x7D0, $0x38;
	[tilespmem:$0x1C800] =	vst v63  }
0x23: {  	_ =	swait.ge [sflag:s25], $0x7D0  }
0x24: {  	s23 =	sand.u32 $0xFE00, s4;
	[sflag:s25] =	ssyncset.done $0x0  }
0x25: {  	s26 =	sand.u32 $0x70, s4;
	s8 =	sshrl.u32 s23, $0x2;
	[sflag:s25] =	ssyncadd.s32 $0xFFFFF830  }
0x26: {  	[tilespmem:s29], [sflag:$0x1] =	stream.indirect.gather [hbm4b:s1+s28], $0x80, s4, s28, $0xb8;
	[tilespmem:$0x1C800] =	vst v63  }
0x27: {  	s6 =	simm.s32 $0x0;
	s0 =	simm.s32 $0x40;
	s8 =	sor.u32 s26, s8  }
0x28: {  	[tilespmem:s30], [sflag:$0x2] =	stream.indirect.gather [hbm4b:s1+s28], $0x80, s28, s28, $0xb8;
	[tilespmem:$0x1C800] =	vst v63  }
.LBB2_2:
0x29: {  	p0 =	sne.s32 s0, $0x9FC0  }
0x2a: {  	[tilespmem:s8+$0x6000] =	vst v0;
	s6 =	sadd.s32 $0x10, s6;
	s8 =	smov.u32 s0;
	s0 =	sadd.s32 $0x40, s0  }
.Ltmp0:
0x2b: {  	(pc) =	sbr.rel @p0 .LBB2_2-.Ltmp0, $4  }
0x2c: {  	_ = 	snop  }
0x2d: {  	s8 =	sand.u32 $0xFE00, s8  }
0x2e: {  	s10 =	sand.u32 $0x70, s6;
	s8 =	sshrl.u32 s8, $0x2  }
0x2f: {  	s8 =	sor.u32 s10, s8  }
0x30: {  	[tilespmem:s8+$0x6000] =	vst v0;
	s0 =	rddreg [dreg:$0xe]  }
0x31: {  	[spmem:s0] =	stream.linear.scatter [tilespmem:s31], [sflag:$0x7], $0x2800, $0x38;
	[tilespmem:$0x1C800] =	vst v63  }
0x32: {  	_ =	swait.ge [sflag:s25], $0x2800  }
0x33: {  	[sflag:s25] =	ssyncset.done $0x0  }
0x34: {  	s20 =	rddreg [dreg:$0x11];
	[sflag:s25] =	ssyncadd.s32 $0xFFFFD800  }
0x35: {  	[spmem:s20] =	stream.linear.scatter [tilespmem:s31], [sflag:$0x7], $0x2800, $0x38;
	[tilespmem:$0x1C800] =	vst v63  }
0x36: {  	_ =	swait.ge [sflag:s25], $0x2800  }
0x37: {  	[sflag:s25] =	ssyncset.done $0x0  }
0x38: {  	s21 =	rddreg [dreg:$0x12];
	[sflag:s25] =	ssyncadd.s32 $0xFFFFD800  }
0x39: {  	[spmem:s21] =	stream.linear.scatter [tilespmem:s31], [sflag:$0x7], $0x2800, $0x38;
	[tilespmem:$0x1C800] =	vst v63  }
0x3a: {  	_ =	swait.ge [sflag:s25], $0x2800  }
0x3b: {  	[sflag:s25] =	ssyncset.done $0x0  }
0x3c: {  	s22 =	rddreg [dreg:$0x13];
	[sflag:s25] =	ssyncadd.s32 $0xFFFFD800  }
0x3d: {  	[spmem:s22] =	stream.linear.scatter [tilespmem:s31], [sflag:$0x7], $0x2800, $0x38;
	[tilespmem:$0x1C800] =	vst v63  }
0x3e: {  	_ =	swait.ge [sflag:s25], $0x2800  }
0x3f: {  	[sflag:s25] =	ssyncset.done $0x0  }
0x40: {  	s23 =	rddreg [dreg:$0x14];
	[sflag:s25] =	ssyncadd.s32 $0xFFFFD800  }
0x41: {  	[spmem:s23] =	stream.linear.scatter [tilespmem:s31], [sflag:$0x7], $0x2800, $0x38;
	[tilespmem:$0x1C800] =	vst v63  }
0x42: {  	_ =	swait.ge [sflag:s25], $0x2800  }
0x43: {  	[sflag:s25] =	ssyncset.done $0x0  }
0x44: {  	s26 =	rddreg [dreg:$0x15];
	[sflag:s25] =	ssyncadd.s32 $0xFFFFD800  }
0x45: {  	[spmem:s26] =	stream.linear.scatter [tilespmem:s31], [sflag:$0x7], $0x2800, $0x38;
	[tilespmem:$0x1C800] =	vst v63  }
0x46: {  	_ =	swait.ge [sflag:s25], $0x2800  }
0x47: {  	[sflag:s25] =	ssyncset.done $0x0  }
0x48: {  	s6 =	rddreg [dreg:$0x16];
	[sflag:s25] =	ssyncadd.s32 $0xFFFFD800  }
0x49: {  	[spmem:s6] =	stream.linear.scatter [tilespmem:s31], [sflag:$0x7], $0x2800, $0x38;
	[tilespmem:$0x1C800] =	vst v63  }
0x4a: {  	_ =	swait.ge [sflag:s25], $0x2800  }
0x4b: {  	[sflag:s25] =	ssyncset.done $0x0  }
0x4c: {  	s8 =	rddreg [dreg:$0x17];
	[sflag:s25] =	ssyncadd.s32 $0xFFFFD800  }
0x4d: {  	[spmem:s8] =	stream.linear.scatter [tilespmem:s31], [sflag:$0x7], $0x2800, $0x38;
	[tilespmem:$0x1C800] =	vst v63  }
0x4e: {  	_ =	swait.ge [sflag:s25], $0x2800  }
0x4f: {  	[sflag:s25] =	ssyncset.done $0x0  }
0x50: {  	[sflag:s25] =	ssyncadd.s32 $0xFFFFD800  }
0x51: {  	[bflag:$0x0] =	sbarrier.arrive $0xFFFF  }
0x52: {  	_ =	swait.ge [sflag:s2], $0x2800  }
0x53: {  	[sflag:s2] =	ssyncset.done $0x0  }
0x54: {  	[sflag:s2] =	ssyncadd.s32 $0xFFFFD800  }
0x55: {  	[spmem:s3] =	stream.indirect.scatter.add.f32 [tilespmem:s29], [sflag:$0x4], $0x80, s24, s28, $0xb8;
	[tilespmem:$0x1C800] =	vst v63  }
0x56: {  	s10 =	simm.s32 $0xA0  }
0x57: {  	[tilespmem:s31], [sflag:$0x3] =	stream.indirect.gather [hbm4b:s1+s28], $0x80, s10, s28, $0xb8;
	[tilespmem:$0x1C800] =	vst v63  }
0x58: {  	_ =	swait.ge [sflag:s5], $0x2800  }
0x59: {  	[sflag:s5] =	ssyncset.done $0x0  }
0x5a: {  	s12 =	simm.s32 $0x850;
	[sflag:s5] =	ssyncadd.s32 $0xFFFFD800  }
0x5b: {  	[spmem:s3] =	stream.indirect.scatter.add.f32 [tilespmem:s30], [sflag:$0x5], $0x80, s12, s28, $0xb8;
	[tilespmem:$0x1C800] =	vst v63  }
0x5c: {  	_ =	swait.ge [sflag:s7], $0x2800  }
0x5d: {  	[sflag:s7] =	ssyncset.done $0x0  }
0x5e: {  	s13 =	simm.s32 $0xF0;
	[sflag:s7] =	ssyncadd.s32 $0xFFFFD800  }
0x5f: {  	[tilespmem:s29], [sflag:$0x1] =	stream.indirect.gather [hbm4b:s1+s28], $0x80, s13, s28, $0xb8;
	[tilespmem:$0x1C800] =	vst v63  }
0x60: {  	_ =	swait.ge [sflag:s9], $0x2800  }
0x61: {  	[sflag:s9] =	ssyncset.done $0x0  }
0x62: {  	s15 =	simm.s32 $0x8A0;
	[sflag:s9] =	ssyncadd.s32 $0xFFFFD800  }
0x63: {  	[spmem:s3] =	stream.indirect.scatter.add.f32 [tilespmem:s31], [sflag:$0x6], $0x80, s15, s28, $0xb8;
	[tilespmem:$0x1C800] =	vst v63  }
0x64: {  	_ =	swait.ge [sflag:s11], $0x2800  }
0x65: {  	[sflag:s11] =	ssyncset.done $0x0  }
0x66: {  	s16 =	simm.s32 $0x140;
	[sflag:s11] =	ssyncadd.s32 $0xFFFFD800  }
0x67: {  	[tilespmem:s30], [sflag:$0x2] =	stream.indirect.gather [hbm4b:s1+s28], $0x80, s16, s28, $0xb8;
	[tilespmem:$0x1C800] =	vst v63  }
0x68: {  	_ =	swait.ge [sflag:s2], $0x2800  }
0x69: {  	[sflag:s2] =	ssyncset.done $0x0  }
0x6a: {  	s17 =	simm.s32 $0x8F0;
	[sflag:s2] =	ssyncadd.s32 $0xFFFFD800  }
0x6b: {  	[spmem:s3] =	stream.indirect.scatter.add.f32 [tilespmem:s29], [sflag:$0x4], $0x80, s17, s28, $0xb8;
	[tilespmem:$0x1C800] =	vst v63  }
0x6c: {  	_ =	swait.ge [sflag:s14], $0x2800  }
0x6d: {  	[sflag:s14] =	ssyncset.done $0x0  }
0x6e: {  	s18 =	simm.s32 $0x190;
	[sflag:s14] =	ssyncadd.s32 $0xFFFFD800  }
0x6f: {  	[tilespmem:s31], [sflag:$0x3] =	stream.indirect.gather [hbm4b:s1+s28], $0x80, s18, s28, $0xb8;
	[tilespmem:$0x1C800] =	vst v63  }
0x70: {  	_ =	swait.ge [sflag:s5], $0x2800  }
0x71: {  	[sflag:s5] =	ssyncset.done $0x0  }
0x72: {  	s19 =	simm.s32 $0x940;
	[sflag:s5] =	ssyncadd.s32 $0xFFFFD800  }
0x73: {  	[spmem:s3] =	stream.indirect.scatter.add.f32 [tilespmem:s30], [sflag:$0x5], $0x80, s19, s28, $0xb8;
	[tilespmem:$0x1C800] =	vst v63  }
0x74: {  	_ =	swait.ge [sflag:s7], $0x2800  }
0x75: {  	[sflag:s7] =	ssyncset.done $0x0  }
0x76: {  	s20 =	simm.s32 $0x1E0;
	[sflag:s7] =	ssyncadd.s32 $0xFFFFD800  }
0x77: {  	[tilespmem:s29], [sflag:$0x1] =	stream.indirect.gather [hbm4b:s1+s28], $0x80, s20, s28, $0xb8;
	[tilespmem:$0x1C800] =	vst v63  }
0x78: {  	_ =	swait.ge [sflag:s9], $0x2800  }
0x79: {  	[sflag:s9] =	ssyncset.done $0x0  }
0x7a: {  	s21 =	simm.s32 $0x990;
	[sflag:s9] =	ssyncadd.s32 $0xFFFFD800  }
0x7b: {  	[spmem:s3] =	stream.indirect.scatter.add.f32 [tilespmem:s31], [sflag:$0x6], $0x80, s21, s28, $0xb8;
	[tilespmem:$0x1C800] =	vst v63  }
0x7c: {  	_ =	swait.ge [sflag:s11], $0x2800  }
0x7d: {  	[sflag:s11] =	ssyncset.done $0x0  }
0x7e: {  	s22 =	simm.s32 $0x230;
	[sflag:s11] =	ssyncadd.s32 $0xFFFFD800  }
0x7f: {  	[tilespmem:s30], [sflag:$0x2] =	stream.indirect.gather [hbm4b:s1+s28], $0x80, s22, s28, $0xb8;
	[tilespmem:$0x1C800] =	vst v63  }
0x80: {  	_ =	swait.ge [sflag:s2], $0x2800  }
0x81: {  	[sflag:s2] =	ssyncset.done $0x0  }
0x82: {  	s23 =	simm.s32 $0x9E0;
	[sflag:s2] =	ssyncadd.s32 $0xFFFFD800  }
0x83: {  	[spmem:s3] =	stream.indirect.scatter.add.f32 [tilespmem:s29], [sflag:$0x4], $0x80, s23, s28, $0xb8;
	[tilespmem:$0x1C800] =	vst v63  }
0x84: {  	_ =	swait.ge [sflag:s14], $0x2800  }
0x85: {  	[sflag:s14] =	ssyncset.done $0x0  }
0x86: {  	s24 =	simm.s32 $0x280;
	[sflag:s14] =	ssyncadd.s32 $0xFFFFD800  }
0x87: {  	[tilespmem:s31], [sflag:$0x3] =	stream.indirect.gather [hbm4b:s1+s28], $0x80, s24, s28, $0xb8;
	[tilespmem:$0x1C800] =	vst v63  }
0x88: {  	_ =	swait.ge [sflag:s5], $0x2800  }
0x89: {  	[sflag:s5] =	ssyncset.done $0x0  }
0x8a: {  	s26 =	simm.s32 $0xA30;
	[sflag:s5] =	ssyncadd.s32 $0xFFFFD800  }
0x8b: {  	[spmem:s3] =	stream.indirect.scatter.add.f32 [tilespmem:s30], [sflag:$0x5], $0x80, s26, s28, $0xb8;
	[tilespmem:$0x1C800] =	vst v63  }
0x8c: {  	_ =	swait.ge [sflag:s7], $0x2800  }
0x8d: {  	[sflag:s7] =	ssyncset.done $0x0  }
0x8e: {  	s6 =	simm.s32 $0x2D0;
	[sflag:s7] =	ssyncadd.s32 $0xFFFFD800  }
0x8f: {  	[tilespmem:s29], [sflag:$0x1] =	stream.indirect.gather [hbm4b:s1+s28], $0x80, s6, s28, $0xb8;
	[tilespmem:$0x1C800] =	vst v63  }
0x90: {  	_ =	swait.ge [sflag:s9], $0x2800  }
0x91: {  	[sflag:s9] =	ssyncset.done $0x0  }
0x92: {  	s13 =	simm.s32 $0xA80;
	[sflag:s9] =	ssyncadd.s32 $0xFFFFD800  }
0x93: {  	[spmem:s3] =	stream.indirect.scatter.add.f32 [tilespmem:s31], [sflag:$0x6], $0x80, s13, s28, $0xb8;
	[tilespmem:$0x1C800] =	vst v63  }
0x94: {  	_ =	swait.ge [sflag:s11], $0x2800  }
0x95: {  	[sflag:s11] =	ssyncset.done $0x0  }
0x96: {  	s15 =	simm.s32 $0x320;
	[sflag:s11] =	ssyncadd.s32 $0xFFFFD800  }
0x97: {  	[tilespmem:s30], [sflag:$0x2] =	stream.indirect.gather [hbm4b:s1+s28], $0x80, s15, s28, $0xb8;
	[tilespmem:$0x1C800] =	vst v63  }
0x98: {  	_ =	swait.ge [sflag:s2], $0x2800  }
0x99: {  	[sflag:s2] =	ssyncset.done $0x0  }
0x9a: {  	s16 =	simm.s32 $0xAD0;
	[sflag:s2] =	ssyncadd.s32 $0xFFFFD800  }
0x9b: {  	[spmem:s3] =	stream.indirect.scatter.add.f32 [tilespmem:s29], [sflag:$0x4], $0x80, s16, s28, $0xb8;
	[tilespmem:$0x1C800] =	vst v63  }
0x9c: {  	_ =	swait.ge [sflag:s14], $0x2800  }
0x9d: {  	[sflag:s14] =	ssyncset.done $0x0  }
0x9e: {  	s17 =	simm.s32 $0x370;
	[sflag:s14] =	ssyncadd.s32 $0xFFFFD800  }
0x9f: {  	[tilespmem:s31], [sflag:$0x3] =	stream.indirect.gather [hbm4b:s1+s28], $0x80, s17, s28, $0xb8;
	[tilespmem:$0x1C800] =	vst v63  }
0xa0: {  	_ =	swait.ge [sflag:s5], $0x2800  }
0xa1: {  	[sflag:s5] =	ssyncset.done $0x0  }
0xa2: {  	s18 =	simm.s32 $0xB20;
	[sflag:s5] =	ssyncadd.s32 $0xFFFFD800  }
0xa3: {  	[spmem:s3] =	stream.indirect.scatter.add.f32 [tilespmem:s30], [sflag:$0x5], $0x80, s18, s28, $0xb8;
	[tilespmem:$0x1C800] =	vst v63  }
0xa4: {  	_ =	swait.ge [sflag:s7], $0x2800  }
0xa5: {  	[sflag:s7] =	ssyncset.done $0x0  }
0xa6: {  	s19 =	simm.s32 $0x3C0;
	[sflag:s7] =	ssyncadd.s32 $0xFFFFD800  }
0xa7: {  	[tilespmem:s29], [sflag:$0x1] =	stream.indirect.gather [hbm4b:s1+s28], $0x80, s19, s28, $0xb8;
	[tilespmem:$0x1C800] =	vst v63  }
0xa8: {  	_ =	swait.ge [sflag:s9], $0x2800  }
0xa9: {  	[sflag:s9] =	ssyncset.done $0x0  }
0xaa: {  	s20 =	simm.s32 $0xB70;
	[sflag:s9] =	ssyncadd.s32 $0xFFFFD800  }
0xab: {  	[spmem:s3] =	stream.indirect.scatter.add.f32 [tilespmem:s31], [sflag:$0x6], $0x80, s20, s28, $0xb8;
	[tilespmem:$0x1C800] =	vst v63  }
0xac: {  	_ =	swait.ge [sflag:s11], $0x2800  }
0xad: {  	[sflag:s11] =	ssyncset.done $0x0  }
0xae: {  	s21 =	simm.s32 $0x410;
	[sflag:s11] =	ssyncadd.s32 $0xFFFFD800  }
0xaf: {  	[tilespmem:s30], [sflag:$0x2] =	stream.indirect.gather [hbm4b:s1+s28], $0x80, s21, s28, $0xb8;
	[tilespmem:$0x1C800] =	vst v63  }
0xb0: {  	_ =	swait.ge [sflag:s2], $0x2800  }
0xb1: {  	[sflag:s2] =	ssyncset.done $0x0  }
0xb2: {  	s22 =	simm.s32 $0xBC0;
	[sflag:s2] =	ssyncadd.s32 $0xFFFFD800  }
0xb3: {  	[spmem:s3] =	stream.indirect.scatter.add.f32 [tilespmem:s29], [sflag:$0x4], $0x80, s22, s28, $0xb8;
	[tilespmem:$0x1C800] =	vst v63  }
0xb4: {  	_ =	swait.ge [sflag:s14], $0x2800  }
0xb5: {  	[sflag:s14] =	ssyncset.done $0x0  }
0xb6: {  	s23 =	simm.s32 $0x460;
	[sflag:s14] =	ssyncadd.s32 $0xFFFFD800  }
0xb7: {  	[tilespmem:s31], [sflag:$0x3] =	stream.indirect.gather [hbm4b:s1+s28], $0x80, s23, s28, $0xb8;
	[tilespmem:$0x1C800] =	vst v63  }
0xb8: {  	_ =	swait.ge [sflag:s5], $0x2800  }
0xb9: {  	[sflag:s5] =	ssyncset.done $0x0  }
0xba: {  	s24 =	simm.s32 $0xC10;
	[sflag:s5] =	ssyncadd.s32 $0xFFFFD800  }
0xbb: {  	[spmem:s3] =	stream.indirect.scatter.add.f32 [tilespmem:s30], [sflag:$0x5], $0x80, s24, s28, $0xb8;
	[tilespmem:$0x1C800] =	vst v63  }
0xbc: {  	_ =	swait.ge [sflag:s7], $0x2800  }
0xbd: {  	[sflag:s7] =	ssyncset.done $0x0  }
0xbe: {  	s0 =	simm.s32 $0x4B0;
	[sflag:s7] =	ssyncadd.s32 $0xFFFFD800  }
0xbf: {  	[tilespmem:s29], [sflag:$0x1] =	stream.indirect.gather [hbm4b:s1+s28], $0x80, s0, s28, $0xb8;
	[tilespmem:$0x1C800] =	vst v63  }
0xc0: {  	_ =	swait.ge [sflag:s9], $0x2800  }
0xc1: {  	[sflag:s9] =	ssyncset.done $0x0  }
0xc2: {  	s0 =	simm.s32 $0xC60;
	[sflag:s9] =	ssyncadd.s32 $0xFFFFD800  }
0xc3: {  	[spmem:s3] =	stream.indirect.scatter.add.f32 [tilespmem:s31], [sflag:$0x6], $0x80, s0, s28, $0xb8;
	[tilespmem:$0x1C800] =	vst v63  }
0xc4: {  	_ =	swait.ge [sflag:s11], $0x2800  }
0xc5: {  	[sflag:s11] =	ssyncset.done $0x0  }
0xc6: {  	s0 =	simm.s32 $0x500;
	[sflag:s11] =	ssyncadd.s32 $0xFFFFD800  }
0xc7: {  	[tilespmem:s30], [sflag:$0x2] =	stream.indirect.gather [hbm4b:s1+s28], $0x80, s0, s28, $0xb8;
	[tilespmem:$0x1C800] =	vst v63  }
0xc8: {  	_ =	swait.ge [sflag:s2], $0x2800  }
0xc9: {  	[sflag:s2] =	ssyncset.done $0x0  }
0xca: {  	s0 =	simm.s32 $0xCB0;
	[sflag:s2] =	ssyncadd.s32 $0xFFFFD800  }
0xcb: {  	[spmem:s3] =	stream.indirect.scatter.add.f32 [tilespmem:s29], [sflag:$0x4], $0x80, s0, s28, $0xb8;
	[tilespmem:$0x1C800] =	vst v63  }
0xcc: {  	_ =	swait.ge [sflag:s14], $0x2800  }
0xcd: {  	[sflag:s14] =	ssyncset.done $0x0  }
0xce: {  	s0 =	simm.s32 $0x550;
	[sflag:s14] =	ssyncadd.s32 $0xFFFFD800  }
0xcf: {  	[tilespmem:s31], [sflag:$0x3] =	stream.indirect.gather [hbm4b:s1+s28], $0x80, s0, s28, $0xb8;
	[tilespmem:$0x1C800] =	vst v63  }
0xd0: {  	_ =	swait.ge [sflag:s5], $0x2800  }
0xd1: {  	[sflag:s5] =	ssyncset.done $0x0  }
0xd2: {  	s0 =	simm.s32 $0xD00;
	[sflag:s5] =	ssyncadd.s32 $0xFFFFD800  }
0xd3: {  	[spmem:s3] =	stream.indirect.scatter.add.f32 [tilespmem:s30], [sflag:$0x5], $0x80, s0, s28, $0xb8;
	[tilespmem:$0x1C800] =	vst v63  }
0xd4: {  	_ =	swait.ge [sflag:s7], $0x2800  }
0xd5: {  	[sflag:s7] =	ssyncset.done $0x0  }
0xd6: {  	s0 =	simm.s32 $0x5A0;
	[sflag:s7] =	ssyncadd.s32 $0xFFFFD800  }
0xd7: {  	[tilespmem:s29], [sflag:$0x1] =	stream.indirect.gather [hbm4b:s1+s28], $0x80, s0, s28, $0xb8;
	[tilespmem:$0x1C800] =	vst v63  }
0xd8: {  	_ =	swait.ge [sflag:s9], $0x2800  }
0xd9: {  	[sflag:s9] =	ssyncset.done $0x0  }
0xda: {  	s0 =	simm.s32 $0xD50;
	[sflag:s9] =	ssyncadd.s32 $0xFFFFD800  }
0xdb: {  	[spmem:s3] =	stream.indirect.scatter.add.f32 [tilespmem:s31], [sflag:$0x6], $0x80, s0, s28, $0xb8;
	[tilespmem:$0x1C800] =	vst v63  }
0xdc: {  	_ =	swait.ge [sflag:s11], $0x2800  }
0xdd: {  	[sflag:s11] =	ssyncset.done $0x0  }
0xde: {  	s0 =	simm.s32 $0x5F0;
	[sflag:s11] =	ssyncadd.s32 $0xFFFFD800  }
0xdf: {  	[tilespmem:s30], [sflag:$0x2] =	stream.indirect.gather [hbm4b:s1+s28], $0x80, s0, s28, $0xb8;
	[tilespmem:$0x1C800] =	vst v63  }
0xe0: {  	_ =	swait.ge [sflag:s2], $0x2800  }
0xe1: {  	[sflag:s2] =	ssyncset.done $0x0  }
0xe2: {  	s0 =	simm.s32 $0xDA0;
	[sflag:s2] =	ssyncadd.s32 $0xFFFFD800  }
0xe3: {  	[spmem:s3] =	stream.indirect.scatter.add.f32 [tilespmem:s29], [sflag:$0x4], $0x80, s0, s28, $0xb8;
	[tilespmem:$0x1C800] =	vst v63  }
0xe4: {  	_ =	swait.ge [sflag:s14], $0x2800  }
0xe5: {  	[sflag:s14] =	ssyncset.done $0x0  }
0xe6: {  	s0 =	simm.s32 $0x640;
	[sflag:s14] =	ssyncadd.s32 $0xFFFFD800  }
0xe7: {  	[tilespmem:s31], [sflag:$0x3] =	stream.indirect.gather [hbm4b:s1+s28], $0x80, s0, s28, $0xb8;
	[tilespmem:$0x1C800] =	vst v63  }
0xe8: {  	_ =	swait.ge [sflag:s5], $0x2800  }
0xe9: {  	[sflag:s5] =	ssyncset.done $0x0  }
0xea: {  	s0 =	simm.s32 $0xDF0;
	[sflag:s5] =	ssyncadd.s32 $0xFFFFD800  }
0xeb: {  	[spmem:s3] =	stream.indirect.scatter.add.f32 [tilespmem:s30], [sflag:$0x5], $0x80, s0, s28, $0xb8;
	[tilespmem:$0x1C800] =	vst v63  }
0xec: {  	_ =	swait.ge [sflag:s7], $0x2800  }
0xed: {  	[sflag:s7] =	ssyncset.done $0x0  }
0xee: {  	s0 =	simm.s32 $0x690;
	[sflag:s7] =	ssyncadd.s32 $0xFFFFD800  }
0xef: {  	[tilespmem:s29], [sflag:$0x1] =	stream.indirect.gather [hbm4b:s1+s28], $0x80, s0, s28, $0xb8;
	[tilespmem:$0x1C800] =	vst v63  }
0xf0: {  	_ =	swait.ge [sflag:s9], $0x2800  }
0xf1: {  	[sflag:s9] =	ssyncset.done $0x0  }
0xf2: {  	s0 =	simm.s32 $0xE40;
	[sflag:s9] =	ssyncadd.s32 $0xFFFFD800  }
0xf3: {  	[spmem:s3] =	stream.indirect.scatter.add.f32 [tilespmem:s31], [sflag:$0x6], $0x80, s0, s28, $0xb8;
	[tilespmem:$0x1C800] =	vst v63  }
0xf4: {  	_ =	swait.ge [sflag:s11], $0x2800  }
0xf5: {  	[sflag:s11] =	ssyncset.done $0x0  }
0xf6: {  	s0 =	simm.s32 $0x6E0;
	[sflag:s11] =	ssyncadd.s32 $0xFFFFD800  }
0xf7: {  	[tilespmem:s30], [sflag:$0x2] =	stream.indirect.gather [hbm4b:s1+s28], $0x80, s0, s28, $0xb8;
	[tilespmem:$0x1C800] =	vst v63  }
0xf8: {  	_ =	swait.ge [sflag:s2], $0x2800  }
0xf9: {  	[sflag:s2] =	ssyncset.done $0x0  }
0xfa: {  	s0 =	simm.s32 $0xE90;
	[sflag:s2] =	ssyncadd.s32 $0xFFFFD800  }
0xfb: {  	[spmem:s3] =	stream.indirect.scatter.add.f32 [tilespmem:s29], [sflag:$0x4], $0x80, s0, s28, $0xb8;
	[tilespmem:$0x1C800] =	vst v63  }
0xfc: {  	_ =	swait.ge [sflag:s14], $0x2800  }
0xfd: {  	[sflag:s14] =	ssyncset.done $0x0  }
0xfe: {  	s0 =	simm.s32 $0x730;
	[sflag:s14] =	ssyncadd.s32 $0xFFFFD800  }
0xff: {  	[tilespmem:s31], [sflag:$0x3] =	stream.indirect.gather [hbm4b:s1+s28], $0x80, s0, s28, $0xb8;
	[tilespmem:$0x1C800] =	vst v63  }
0x100: {  	_ =	swait.ge [sflag:s5], $0x2800  }
0x101: {  	[sflag:s5] =	ssyncset.done $0x0  }
0x102: {  	s0 =	simm.s32 $0xEE0;
	[sflag:s5] =	ssyncadd.s32 $0xFFFFD800  }
0x103: {  	[spmem:s3] =	stream.indirect.scatter.add.f32 [tilespmem:s30], [sflag:$0x5], $0x80, s0, s28, $0xb8;
	[tilespmem:$0x1C800] =	vst v63  }
0x104: {  	_ =	swait.ge [sflag:s7], $0x2800  }
0x105: {  	[sflag:s7] =	ssyncset.done $0x0  }
0x106: {  	s0 =	simm.s32 $0x780;
	[sflag:s7] =	ssyncadd.s32 $0xFFFFD800  }
0x107: {  	[tilespmem:s29], [sflag:$0x1] =	stream.indirect.gather [hbm4b:s1+s28], $0x80, s0, s28, $0xb8;
	[tilespmem:$0x1C800] =	vst v63  }
0x108: {  	_ =	swait.ge [sflag:s9], $0x2800  }
0x109: {  	[sflag:s9] =	ssyncset.done $0x0  }
0x10a: {  	s0 =	simm.s32 $0xF30;
	[sflag:s9] =	ssyncadd.s32 $0xFFFFD800  }
0x10b: {  	[spmem:s3] =	stream.indirect.scatter.add.f32 [tilespmem:s31], [sflag:$0x6], $0x80, s0, s28, $0xb8;
	[tilespmem:$0x1C800] =	vst v63  }
0x10c: {  	_ =	swait.ge [sflag:s11], $0x2800  }
0x10d: {  	[sflag:s11] =	ssyncset.done $0x0  }
0x10e: {  	[sflag:s11] =	ssyncadd.s32 $0xFFFFD800  }
0x10f: {  	_ =	swait.ge [sflag:s2], $0x2800  }
0x110: {  	[sflag:s2] =	ssyncset.done $0x0  }
0x111: {  	s0 =	simm.s32 $0xF80;
	[sflag:s2] =	ssyncadd.s32 $0xFFFFD800  }
0x112: {  	[spmem:s3] =	stream.indirect.scatter.add.f32 [tilespmem:s29], [sflag:$0x4], $0x80, s0, s28, $0xb8;
	[tilespmem:$0x1C800] =	vst v63  }
0x113: {  	s0 =	rddreg [dreg:$0x6]  }
0x114: {  	[tilespmem:s4], [sflag:$0x7] =	stream.linear.gather [hbm4b:s0+s4], $0x7D0, $0x38;
	[tilespmem:$0x1C800] =	vst v63  }
0x115: {  	_ =	swait.ge [sflag:s25], $0x7D0  }
0x116: {  	[sflag:s25] =	ssyncset.done $0x0  }
0x117: {  	[sflag:s25] =	ssyncadd.s32 $0xFFFFF830  }
0x118: {  	[tilespmem:s30], [sflag:$0x2] =	stream.indirect.gather [hbm4b:s1+s28], $0x80, s28, s28, $0xb8;
	[tilespmem:$0x1C800] =	vst v63  }
0x119: {  	_ =	swait.ge [sflag:s14], $0x2800  }
0x11a: {  	[sflag:s14] =	ssyncset.done $0x0  }
0x11b: {  	[sflag:s14] =	ssyncadd.s32 $0xFFFFD800  }
0x11c: {  	_ =	swait.ge [sflag:s7], $0x2800  }
0x11d: {  	[sflag:s7] =	ssyncset.done $0x0  }
0x11e: {  	s15 =	simm.s32 $0x800;
	s0 =	rddreg [dreg:$0x7];
	[sflag:s7] =	ssyncadd.s32 $0xFFFFD800  }
0x11f: {  	[tilespmem:s15], [sflag:$0x7] =	stream.linear.gather [hbm4b:s0+s4], $0x7D0, $0x38;
	[tilespmem:$0x1C800] =	vst v63  }
0x120: {  	_ =	swait.ge [sflag:s25], $0x7D0  }
0x121: {  	[sflag:s25] =	ssyncset.done $0x0  }
0x122: {  	[sflag:s25] =	ssyncadd.s32 $0xFFFFF830  }
0x123: {  	[tilespmem:s29], [sflag:$0x1] =	stream.indirect.gather [hbm4b:s1+s28], $0x80, s4, s28, $0xb8;
	[tilespmem:$0x1C800] =	vst v63  }
0x124: {  	_ =	swait.ge [sflag:s2], $0x2800  }
0x125: {  	[sflag:s2] =	ssyncset.done $0x0  }
0x126: {  	[sflag:s2] =	ssyncadd.s32 $0xFFFFD800  }
0x127: {  	[spmem:s3] =	stream.indirect.scatter.add.f32 [tilespmem:s29], [sflag:$0x4], $0x80, s15, s28, $0xb8;
	[tilespmem:$0x1C800] =	vst v63  }
0x128: {  	s15 =	simm.s32 $0xA0  }
0x129: {  	[tilespmem:s31], [sflag:$0x3] =	stream.indirect.gather [hbm4b:s1+s28], $0x80, s15, s28, $0xb8;
	[tilespmem:$0x1C800] =	vst v63  }
0x12a: {  	_ =	swait.ge [sflag:s5], $0x2800  }
0x12b: {  	[sflag:s5] =	ssyncset.done $0x0  }
0x12c: {  	s15 =	simm.s32 $0x850;
	[sflag:s5] =	ssyncadd.s32 $0xFFFFD800  }
0x12d: {  	[spmem:s3] =	stream.indirect.scatter.add.f32 [tilespmem:s30], [sflag:$0x5], $0x80, s15, s28, $0xb8;
	[tilespmem:$0x1C800] =	vst v63  }
0x12e: {  	_ =	swait.ge [sflag:s7], $0x2800  }
0x12f: {  	[sflag:s7] =	ssyncset.done $0x0  }
0x130: {  	s10 =	simm.s32 $0xF0;
	[sflag:s7] =	ssyncadd.s32 $0xFFFFD800  }
0x131: {  	[tilespmem:s29], [sflag:$0x1] =	stream.indirect.gather [hbm4b:s1+s28], $0x80, s10, s28, $0xb8;
	[tilespmem:$0x1C800] =	vst v63  }
0x132: {  	_ =	swait.ge [sflag:s9], $0x2800  }
0x133: {  	[sflag:s9] =	ssyncset.done $0x0  }
0x134: {  	s12 =	simm.s32 $0x8A0;
	[sflag:s9] =	ssyncadd.s32 $0xFFFFD800  }
0x135: {  	[spmem:s3] =	stream.indirect.scatter.add.f32 [tilespmem:s31], [sflag:$0x6], $0x80, s12, s28, $0xb8;
	[tilespmem:$0x1C800] =	vst v63  }
0x136: {  	_ =	swait.ge [sflag:s11], $0x2800  }
0x137: {  	[sflag:s11] =	ssyncset.done $0x0  }
0x138: {  	s15 =	simm.s32 $0x140;
	[sflag:s11] =	ssyncadd.s32 $0xFFFFD800  }
0x139: {  	[tilespmem:s30], [sflag:$0x2] =	stream.indirect.gather [hbm4b:s1+s28], $0x80, s15, s28, $0xb8;
	[tilespmem:$0x1C800] =	vst v63  }
0x13a: {  	_ =	swait.ge [sflag:s2], $0x2800  }
0x13b: {  	[sflag:s2] =	ssyncset.done $0x0  }
0x13c: {  	s10 =	simm.s32 $0x8F0;
	[sflag:s2] =	ssyncadd.s32 $0xFFFFD800  }
0x13d: {  	[spmem:s3] =	stream.indirect.scatter.add.f32 [tilespmem:s29], [sflag:$0x4], $0x80, s10, s28, $0xb8;
	[tilespmem:$0x1C800] =	vst v63  }
0x13e: {  	_ =	swait.ge [sflag:s14], $0x2800  }
0x13f: {  	[sflag:s14] =	ssyncset.done $0x0  }
0x140: {  	s12 =	simm.s32 $0x190;
	[sflag:s14] =	ssyncadd.s32 $0xFFFFD800  }
0x141: {  	[tilespmem:s31], [sflag:$0x3] =	stream.indirect.gather [hbm4b:s1+s28], $0x80, s12, s28, $0xb8;
	[tilespmem:$0x1C800] =	vst v63  }
0x142: {  	_ =	swait.ge [sflag:s5], $0x2800  }
0x143: {  	[sflag:s5] =	ssyncset.done $0x0  }
0x144: {  	s15 =	simm.s32 $0x940;
	[sflag:s5] =	ssyncadd.s32 $0xFFFFD800  }
0x145: {  	[spmem:s3] =	stream.indirect.scatter.add.f32 [tilespmem:s30], [sflag:$0x5], $0x80, s15, s28, $0xb8;
	[tilespmem:$0x1C800] =	vst v63  }
0x146: {  	_ =	swait.ge [sflag:s7], $0x2800  }
0x147: {  	[sflag:s7] =	ssyncset.done $0x0  }
0x148: {  	s10 =	simm.s32 $0x1E0;
	[sflag:s7] =	ssyncadd.s32 $0xFFFFD800  }
0x149: {  	[tilespmem:s29], [sflag:$0x1] =	stream.indirect.gather [hbm4b:s1+s28], $0x80, s10, s28, $0xb8;
	[tilespmem:$0x1C800] =	vst v63  }
0x14a: {  	_ =	swait.ge [sflag:s9], $0x2800  }
0x14b: {  	[sflag:s9] =	ssyncset.done $0x0  }
0x14c: {  	s12 =	simm.s32 $0x990;
	[sflag:s9] =	ssyncadd.s32 $0xFFFFD800  }
0x14d: {  	[spmem:s3] =	stream.indirect.scatter.add.f32 [tilespmem:s31], [sflag:$0x6], $0x80, s12, s28, $0xb8;
	[tilespmem:$0x1C800] =	vst v63  }
0x14e: {  	_ =	swait.ge [sflag:s11], $0x2800  }
0x14f: {  	[sflag:s11] =	ssyncset.done $0x0  }
0x150: {  	s15 =	simm.s32 $0x230;
	[sflag:s11] =	ssyncadd.s32 $0xFFFFD800  }
0x151: {  	[tilespmem:s30], [sflag:$0x2] =	stream.indirect.gather [hbm4b:s1+s28], $0x80, s15, s28, $0xb8;
	[tilespmem:$0x1C800] =	vst v63  }
0x152: {  	_ =	swait.ge [sflag:s2], $0x2800  }
0x153: {  	[sflag:s2] =	ssyncset.done $0x0  }
0x154: {  	s10 =	simm.s32 $0x9E0;
	[sflag:s2] =	ssyncadd.s32 $0xFFFFD800  }
0x155: {  	[spmem:s3] =	stream.indirect.scatter.add.f32 [tilespmem:s29], [sflag:$0x4], $0x80, s10, s28, $0xb8;
	[tilespmem:$0x1C800] =	vst v63  }
0x156: {  	_ =	swait.ge [sflag:s14], $0x2800  }
0x157: {  	[sflag:s14] =	ssyncset.done $0x0  }
0x158: {  	s12 =	simm.s32 $0x280;
	[sflag:s14] =	ssyncadd.s32 $0xFFFFD800  }
0x159: {  	[tilespmem:s31], [sflag:$0x3] =	stream.indirect.gather [hbm4b:s1+s28], $0x80, s12, s28, $0xb8;
	[tilespmem:$0x1C800] =	vst v63  }
0x15a: {  	_ =	swait.ge [sflag:s5], $0x2800  }
0x15b: {  	[sflag:s5] =	ssyncset.done $0x0  }
0x15c: {  	s8 =	simm.s32 $0xA30;
	[sflag:s5] =	ssyncadd.s32 $0xFFFFD800  }
0x15d: {  	[spmem:s3] =	stream.indirect.scatter.add.f32 [tilespmem:s30], [sflag:$0x5], $0x80, s8, s28, $0xb8;
	[tilespmem:$0x1C800] =	vst v63  }
0x15e: {  	_ =	swait.ge [sflag:s7], $0x2800  }
0x15f: {  	[sflag:s7] =	ssyncset.done $0x0  }
0x160: {  	s26 =	simm.s32 $0x2D0;
	[sflag:s7] =	ssyncadd.s32 $0xFFFFD800  }
0x161: {  	[tilespmem:s29], [sflag:$0x1] =	stream.indirect.gather [hbm4b:s1+s28], $0x80, s26, s28, $0xb8;
	[tilespmem:$0x1C800] =	vst v63  }
0x162: {  	_ =	swait.ge [sflag:s9], $0x2800  }
0x163: {  	[sflag:s9] =	ssyncset.done $0x0  }
0x164: {  	s6 =	simm.s32 $0xA80;
	[sflag:s9] =	ssyncadd.s32 $0xFFFFD800  }
0x165: {  	[spmem:s3] =	stream.indirect.scatter.add.f32 [tilespmem:s31], [sflag:$0x6], $0x80, s6, s28, $0xb8;
	[tilespmem:$0x1C800] =	vst v63  }
0x166: {  	_ =	swait.ge [sflag:s11], $0x2800  }
0x167: {  	[sflag:s11] =	ssyncset.done $0x0  }
0x168: {  	s13 =	simm.s32 $0x320;
	[sflag:s11] =	ssyncadd.s32 $0xFFFFD800  }
0x169: {  	[tilespmem:s30], [sflag:$0x2] =	stream.indirect.gather [hbm4b:s1+s28], $0x80, s13, s28, $0xb8;
	[tilespmem:$0x1C800] =	vst v63  }
0x16a: {  	_ =	swait.ge [sflag:s2], $0x2800  }
0x16b: {  	[sflag:s2] =	ssyncset.done $0x0  }
0x16c: {  	s16 =	simm.s32 $0xAD0;
	[sflag:s2] =	ssyncadd.s32 $0xFFFFD800  }
0x16d: {  	[spmem:s3] =	stream.indirect.scatter.add.f32 [tilespmem:s29], [sflag:$0x4], $0x80, s16, s28, $0xb8;
	[tilespmem:$0x1C800] =	vst v63  }
0x16e: {  	_ =	swait.ge [sflag:s14], $0x2800  }
0x16f: {  	[sflag:s14] =	ssyncset.done $0x0  }
0x170: {  	s17 =	simm.s32 $0x370;
	[sflag:s14] =	ssyncadd.s32 $0xFFFFD800  }
0x171: {  	[tilespmem:s31], [sflag:$0x3] =	stream.indirect.gather [hbm4b:s1+s28], $0x80, s17, s28, $0xb8;
	[tilespmem:$0x1C800] =	vst v63  }
0x172: {  	_ =	swait.ge [sflag:s5], $0x2800  }
0x173: {  	[sflag:s5] =	ssyncset.done $0x0  }
0x174: {  	s18 =	simm.s32 $0xB20;
	[sflag:s5] =	ssyncadd.s32 $0xFFFFD800  }
0x175: {  	[spmem:s3] =	stream.indirect.scatter.add.f32 [tilespmem:s30], [sflag:$0x5], $0x80, s18, s28, $0xb8;
	[tilespmem:$0x1C800] =	vst v63  }
0x176: {  	_ =	swait.ge [sflag:s7], $0x2800  }
0x177: {  	[sflag:s7] =	ssyncset.done $0x0  }
0x178: {  	s19 =	simm.s32 $0x3C0;
	[sflag:s7] =	ssyncadd.s32 $0xFFFFD800  }
0x179: {  	[tilespmem:s29], [sflag:$0x1] =	stream.indirect.gather [hbm4b:s1+s28], $0x80, s19, s28, $0xb8;
	[tilespmem:$0x1C800] =	vst v63  }
0x17a: {  	_ =	swait.ge [sflag:s9], $0x2800  }
0x17b: {  	[sflag:s9] =	ssyncset.done $0x0  }
0x17c: {  	s20 =	simm.s32 $0xB70;
	[sflag:s9] =	ssyncadd.s32 $0xFFFFD800  }
0x17d: {  	[spmem:s3] =	stream.indirect.scatter.add.f32 [tilespmem:s31], [sflag:$0x6], $0x80, s20, s28, $0xb8;
	[tilespmem:$0x1C800] =	vst v63  }
0x17e: {  	_ =	swait.ge [sflag:s11], $0x2800  }
0x17f: {  	[sflag:s11] =	ssyncset.done $0x0  }
0x180: {  	s21 =	simm.s32 $0x410;
	[sflag:s11] =	ssyncadd.s32 $0xFFFFD800  }
0x181: {  	[tilespmem:s30], [sflag:$0x2] =	stream.indirect.gather [hbm4b:s1+s28], $0x80, s21, s28, $0xb8;
	[tilespmem:$0x1C800] =	vst v63  }
0x182: {  	_ =	swait.ge [sflag:s2], $0x2800  }
0x183: {  	[sflag:s2] =	ssyncset.done $0x0  }
0x184: {  	s22 =	simm.s32 $0xBC0;
	[sflag:s2] =	ssyncadd.s32 $0xFFFFD800  }
0x185: {  	[spmem:s3] =	stream.indirect.scatter.add.f32 [tilespmem:s29], [sflag:$0x4], $0x80, s22, s28, $0xb8;
	[tilespmem:$0x1C800] =	vst v63  }
0x186: {  	_ =	swait.ge [sflag:s14], $0x2800  }
0x187: {  	[sflag:s14] =	ssyncset.done $0x0  }
0x188: {  	s23 =	simm.s32 $0x460;
	[sflag:s14] =	ssyncadd.s32 $0xFFFFD800  }
0x189: {  	[tilespmem:s31], [sflag:$0x3] =	stream.indirect.gather [hbm4b:s1+s28], $0x80, s23, s28, $0xb8;
	[tilespmem:$0x1C800] =	vst v63  }
0x18a: {  	_ =	swait.ge [sflag:s5], $0x2800  }
0x18b: {  	[sflag:s5] =	ssyncset.done $0x0  }
0x18c: {  	s24 =	simm.s32 $0xC10;
	[sflag:s5] =	ssyncadd.s32 $0xFFFFD800  }
0x18d: {  	[spmem:s3] =	stream.indirect.scatter.add.f32 [tilespmem:s30], [sflag:$0x5], $0x80, s24, s28, $0xb8;
	[tilespmem:$0x1C800] =	vst v63  }
0x18e: {  	_ =	swait.ge [sflag:s7], $0x2800  }
0x18f: {  	[sflag:s7] =	ssyncset.done $0x0  }
0x190: {  	s6 =	simm.s32 $0x4B0;
	[sflag:s7] =	ssyncadd.s32 $0xFFFFD800  }
0x191: {  	[tilespmem:s29], [sflag:$0x1] =	stream.indirect.gather [hbm4b:s1+s28], $0x80, s6, s28, $0xb8;
	[tilespmem:$0x1C800] =	vst v63  }
0x192: {  	_ =	swait.ge [sflag:s9], $0x2800  }
0x193: {  	[sflag:s9] =	ssyncset.done $0x0  }
0x194: {  	s8 =	simm.s32 $0xC60;
	[sflag:s9] =	ssyncadd.s32 $0xFFFFD800  }
0x195: {  	[spmem:s3] =	stream.indirect.scatter.add.f32 [tilespmem:s31], [sflag:$0x6], $0x80, s8, s28, $0xb8;
	[tilespmem:$0x1C800] =	vst v63  }
0x196: {  	_ =	swait.ge [sflag:s11], $0x2800  }
0x197: {  	[sflag:s11] =	ssyncset.done $0x0  }
0x198: {  	s10 =	simm.s32 $0x500;
	[sflag:s11] =	ssyncadd.s32 $0xFFFFD800  }
0x199: {  	[tilespmem:s30], [sflag:$0x2] =	stream.indirect.gather [hbm4b:s1+s28], $0x80, s10, s28, $0xb8;
	[tilespmem:$0x1C800] =	vst v63  }
0x19a: {  	_ =	swait.ge [sflag:s2], $0x2800  }
0x19b: {  	[sflag:s2] =	ssyncset.done $0x0  }
0x19c: {  	s13 =	simm.s32 $0xCB0;
	[sflag:s2] =	ssyncadd.s32 $0xFFFFD800  }
0x19d: {  	[spmem:s3] =	stream.indirect.scatter.add.f32 [tilespmem:s29], [sflag:$0x4], $0x80, s13, s28, $0xb8;
	[tilespmem:$0x1C800] =	vst v63  }
0x19e: {  	_ =	swait.ge [sflag:s14], $0x2800  }
0x19f: {  	[sflag:s14] =	ssyncset.done $0x0  }
0x1a0: {  	s15 =	simm.s32 $0x550;
	[sflag:s14] =	ssyncadd.s32 $0xFFFFD800  }
0x1a1: {  	[tilespmem:s31], [sflag:$0x3] =	stream.indirect.gather [hbm4b:s1+s28], $0x80, s15, s28, $0xb8;
	[tilespmem:$0x1C800] =	vst v63  }
0x1a2: {  	_ =	swait.ge [sflag:s5], $0x2800  }
0x1a3: {  	[sflag:s5] =	ssyncset.done $0x0  }
0x1a4: {  	s16 =	simm.s32 $0xD00;
	[sflag:s5] =	ssyncadd.s32 $0xFFFFD800  }
0x1a5: {  	[spmem:s3] =	stream.indirect.scatter.add.f32 [tilespmem:s30], [sflag:$0x5], $0x80, s16, s28, $0xb8;
	[tilespmem:$0x1C800] =	vst v63  }
0x1a6: {  	_ =	swait.ge [sflag:s7], $0x2800  }
0x1a7: {  	[sflag:s7] =	ssyncset.done $0x0  }
0x1a8: {  	s17 =	simm.s32 $0x5A0;
	[sflag:s7] =	ssyncadd.s32 $0xFFFFD800  }
0x1a9: {  	[tilespmem:s29], [sflag:$0x1] =	stream.indirect.gather [hbm4b:s1+s28], $0x80, s17, s28, $0xb8;
	[tilespmem:$0x1C800] =	vst v63  }
0x1aa: {  	_ =	swait.ge [sflag:s9], $0x2800  }
0x1ab: {  	[sflag:s9] =	ssyncset.done $0x0  }
0x1ac: {  	s18 =	simm.s32 $0xD50;
	[sflag:s9] =	ssyncadd.s32 $0xFFFFD800  }
0x1ad: {  	[spmem:s3] =	stream.indirect.scatter.add.f32 [tilespmem:s31], [sflag:$0x6], $0x80, s18, s28, $0xb8;
	[tilespmem:$0x1C800] =	vst v63  }
0x1ae: {  	_ =	swait.ge [sflag:s11], $0x2800  }
0x1af: {  	[sflag:s11] =	ssyncset.done $0x0  }
0x1b0: {  	s19 =	simm.s32 $0x5F0;
	[sflag:s11] =	ssyncadd.s32 $0xFFFFD800  }
0x1b1: {  	[tilespmem:s30], [sflag:$0x2] =	stream.indirect.gather [hbm4b:s1+s28], $0x80, s19, s28, $0xb8;
	[tilespmem:$0x1C800] =	vst v63  }
0x1b2: {  	_ =	swait.ge [sflag:s2], $0x2800  }
0x1b3: {  	[sflag:s2] =	ssyncset.done $0x0  }
0x1b4: {  	s20 =	simm.s32 $0xDA0;
	[sflag:s2] =	ssyncadd.s32 $0xFFFFD800  }
0x1b5: {  	[spmem:s3] =	stream.indirect.scatter.add.f32 [tilespmem:s29], [sflag:$0x4], $0x80, s20, s28, $0xb8;
	[tilespmem:$0x1C800] =	vst v63  }
0x1b6: {  	_ =	swait.ge [sflag:s14], $0x2800  }
0x1b7: {  	[sflag:s14] =	ssyncset.done $0x0  }
0x1b8: {  	s21 =	simm.s32 $0x640;
	[sflag:s14] =	ssyncadd.s32 $0xFFFFD800  }
0x1b9: {  	[tilespmem:s31], [sflag:$0x3] =	stream.indirect.gather [hbm4b:s1+s28], $0x80, s21, s28, $0xb8;
	[tilespmem:$0x1C800] =	vst v63  }
0x1ba: {  	_ =	swait.ge [sflag:s5], $0x2800  }
0x1bb: {  	[sflag:s5] =	ssyncset.done $0x0  }
0x1bc: {  	s22 =	simm.s32 $0xDF0;
	[sflag:s5] =	ssyncadd.s32 $0xFFFFD800  }
0x1bd: {  	[spmem:s3] =	stream.indirect.scatter.add.f32 [tilespmem:s30], [sflag:$0x5], $0x80, s22, s28, $0xb8;
	[tilespmem:$0x1C800] =	vst v63  }
0x1be: {  	_ =	swait.ge [sflag:s7], $0x2800  }
0x1bf: {  	[sflag:s7] =	ssyncset.done $0x0  }
0x1c0: {  	s23 =	simm.s32 $0x690;
	[sflag:s7] =	ssyncadd.s32 $0xFFFFD800  }
0x1c1: {  	[tilespmem:s29], [sflag:$0x1] =	stream.indirect.gather [hbm4b:s1+s28], $0x80, s23, s28, $0xb8;
	[tilespmem:$0x1C800] =	vst v63  }
0x1c2: {  	_ =	swait.ge [sflag:s9], $0x2800  }
0x1c3: {  	[sflag:s9] =	ssyncset.done $0x0  }
0x1c4: {  	s26 =	simm.s32 $0xE40;
	[sflag:s9] =	ssyncadd.s32 $0xFFFFD800  }
0x1c5: {  	[spmem:s3] =	stream.indirect.scatter.add.f32 [tilespmem:s31], [sflag:$0x6], $0x80, s26, s28, $0xb8;
	[tilespmem:$0x1C800] =	vst v63  }
0x1c6: {  	_ =	swait.ge [sflag:s11], $0x2800  }
0x1c7: {  	[sflag:s11] =	ssyncset.done $0x0  }
0x1c8: {  	s12 =	simm.s32 $0x6E0;
	[sflag:s11] =	ssyncadd.s32 $0xFFFFD800  }
0x1c9: {  	[tilespmem:s30], [sflag:$0x2] =	stream.indirect.gather [hbm4b:s1+s28], $0x80, s12, s28, $0xb8;
	[tilespmem:$0x1C800] =	vst v63  }
0x1ca: {  	_ =	swait.ge [sflag:s2], $0x2800  }
0x1cb: {  	[sflag:s2] =	ssyncset.done $0x0  }
0x1cc: {  	s0 =	simm.s32 $0xE90;
	[sflag:s2] =	ssyncadd.s32 $0xFFFFD800  }
0x1cd: {  	[spmem:s3] =	stream.indirect.scatter.add.f32 [tilespmem:s29], [sflag:$0x4], $0x80, s0, s28, $0xb8;
	[tilespmem:$0x1C800] =	vst v63  }
0x1ce: {  	_ =	swait.ge [sflag:s14], $0x2800  }
0x1cf: {  	[sflag:s14] =	ssyncset.done $0x0  }
0x1d0: {  	s0 =	simm.s32 $0x730;
	[sflag:s14] =	ssyncadd.s32 $0xFFFFD800  }
0x1d1: {  	[tilespmem:s31], [sflag:$0x3] =	stream.indirect.gather [hbm4b:s1+s28], $0x80, s0, s28, $0xb8;
	[tilespmem:$0x1C800] =	vst v63  }
0x1d2: {  	_ =	swait.ge [sflag:s5], $0x2800  }
0x1d3: {  	[sflag:s5] =	ssyncset.done $0x0  }
0x1d4: {  	s0 =	simm.s32 $0xEE0;
	[sflag:s5] =	ssyncadd.s32 $0xFFFFD800  }
0x1d5: {  	[spmem:s3] =	stream.indirect.scatter.add.f32 [tilespmem:s30], [sflag:$0x5], $0x80, s0, s28, $0xb8;
	[tilespmem:$0x1C800] =	vst v63  }
0x1d6: {  	_ =	swait.ge [sflag:s7], $0x2800  }
0x1d7: {  	[sflag:s7] =	ssyncset.done $0x0  }
0x1d8: {  	s0 =	simm.s32 $0x780;
	[sflag:s7] =	ssyncadd.s32 $0xFFFFD800  }
0x1d9: {  	[tilespmem:s29], [sflag:$0x1] =	stream.indirect.gather [hbm4b:s1+s28], $0x80, s0, s28, $0xb8;
	[tilespmem:$0x1C800] =	vst v63  }
0x1da: {  	_ =	swait.ge [sflag:s9], $0x2800  }
0x1db: {  	[sflag:s9] =	ssyncset.done $0x0  }
0x1dc: {  	s0 =	simm.s32 $0xF30;
	[sflag:s9] =	ssyncadd.s32 $0xFFFFD800  }
0x1dd: {  	[spmem:s3] =	stream.indirect.scatter.add.f32 [tilespmem:s31], [sflag:$0x6], $0x80, s0, s28, $0xb8;
	[tilespmem:$0x1C800] =	vst v63  }
0x1de: {  	_ =	swait.ge [sflag:s11], $0x2800  }
0x1df: {  	[sflag:s11] =	ssyncset.done $0x0  }
0x1e0: {  	[sflag:s11] =	ssyncadd.s32 $0xFFFFD800  }
0x1e1: {  	_ =	swait.ge [sflag:s2], $0x2800  }
0x1e2: {  	[sflag:s2] =	ssyncset.done $0x0  }
0x1e3: {  	s0 =	simm.s32 $0xF80;
	[sflag:s2] =	ssyncadd.s32 $0xFFFFD800  }
0x1e4: {  	[spmem:s3] =	stream.indirect.scatter.add.f32 [tilespmem:s29], [sflag:$0x4], $0x80, s0, s28, $0xb8;
	[tilespmem:$0x1C800] =	vst v63  }
0x1e5: {  	s0 =	rddreg [dreg:$0x8]  }
0x1e6: {  	[tilespmem:s4], [sflag:$0x7] =	stream.linear.gather [hbm4b:s0+s4], $0x7D0, $0x38;
	[tilespmem:$0x1C800] =	vst v63  }
0x1e7: {  	_ =	swait.ge [sflag:s25], $0x7D0  }
0x1e8: {  	[sflag:s25] =	ssyncset.done $0x0  }
0x1e9: {  	[sflag:s25] =	ssyncadd.s32 $0xFFFFF830  }
0x1ea: {  	[tilespmem:s30], [sflag:$0x2] =	stream.indirect.gather [hbm4b:s1+s28], $0x80, s28, s28, $0xb8;
	[tilespmem:$0x1C800] =	vst v63  }
0x1eb: {  	_ =	swait.ge [sflag:s14], $0x2800  }
0x1ec: {  	[sflag:s14] =	ssyncset.done $0x0  }
0x1ed: {  	[sflag:s14] =	ssyncadd.s32 $0xFFFFD800  }
0x1ee: {  	_ =	swait.ge [sflag:s7], $0x2800  }
0x1ef: {  	[sflag:s7] =	ssyncset.done $0x0  }
0x1f0: {  	s24 =	simm.s32 $0x800;
	s0 =	rddreg [dreg:$0x9];
	[sflag:s7] =	ssyncadd.s32 $0xFFFFD800  }
0x1f1: {  	[tilespmem:s24], [sflag:$0x7] =	stream.linear.gather [hbm4b:s0+s4], $0x7D0, $0x38;
	[tilespmem:$0x1C800] =	vst v63  }
0x1f2: {  	_ =	swait.ge [sflag:s25], $0x7D0  }
0x1f3: {  	[sflag:s25] =	ssyncset.done $0x0  }
0x1f4: {  	[sflag:s25] =	ssyncadd.s32 $0xFFFFF830  }
0x1f5: {  	[tilespmem:s29], [sflag:$0x1] =	stream.indirect.gather [hbm4b:s1+s28], $0x80, s4, s28, $0xb8;
	[tilespmem:$0x1C800] =	vst v63  }
0x1f6: {  	_ =	swait.ge [sflag:s2], $0x2800  }
0x1f7: {  	[sflag:s2] =	ssyncset.done $0x0  }
0x1f8: {  	[sflag:s2] =	ssyncadd.s32 $0xFFFFD800  }
0x1f9: {  	[spmem:s3] =	stream.indirect.scatter.add.f32 [tilespmem:s29], [sflag:$0x4], $0x80, s24, s28, $0xb8;
	[tilespmem:$0x1C800] =	vst v63  }
0x1fa: {  	s0 =	simm.s32 $0xA0  }
0x1fb: {  	[tilespmem:s31], [sflag:$0x3] =	stream.indirect.gather [hbm4b:s1+s28], $0x80, s0, s28, $0xb8;
	[tilespmem:$0x1C800] =	vst v63  }
0x1fc: {  	_ =	swait.ge [sflag:s5], $0x2800  }
0x1fd: {  	[sflag:s5] =	ssyncset.done $0x0  }
0x1fe: {  	s0 =	simm.s32 $0x850;
	[sflag:s5] =	ssyncadd.s32 $0xFFFFD800  }
0x1ff: {  	[spmem:s3] =	stream.indirect.scatter.add.f32 [tilespmem:s30], [sflag:$0x5], $0x80, s0, s28, $0xb8;
	[tilespmem:$0x1C800] =	vst v63  }
0x200: {  	_ =	swait.ge [sflag:s7], $0x2800  }
0x201: {  	[sflag:s7] =	ssyncset.done $0x0  }
0x202: {  	s0 =	simm.s32 $0xF0;
	[sflag:s7] =	ssyncadd.s32 $0xFFFFD800  }
0x203: {  	[tilespmem:s29], [sflag:$0x1] =	stream.indirect.gather [hbm4b:s1+s28], $0x80, s0, s28, $0xb8;
	[tilespmem:$0x1C800] =	vst v63  }
0x204: {  	_ =	swait.ge [sflag:s9], $0x2800  }
0x205: {  	[sflag:s9] =	ssyncset.done $0x0  }
0x206: {  	s0 =	simm.s32 $0x8A0;
	[sflag:s9] =	ssyncadd.s32 $0xFFFFD800  }
0x207: {  	[spmem:s3] =	stream.indirect.scatter.add.f32 [tilespmem:s31], [sflag:$0x6], $0x80, s0, s28, $0xb8;
	[tilespmem:$0x1C800] =	vst v63  }
0x208: {  	_ =	swait.ge [sflag:s11], $0x2800  }
0x209: {  	[sflag:s11] =	ssyncset.done $0x0  }
0x20a: {  	s0 =	simm.s32 $0x140;
	[sflag:s11] =	ssyncadd.s32 $0xFFFFD800  }
0x20b: {  	[tilespmem:s30], [sflag:$0x2] =	stream.indirect.gather [hbm4b:s1+s28], $0x80, s0, s28, $0xb8;
	[tilespmem:$0x1C800] =	vst v63  }
0x20c: {  	_ =	swait.ge [sflag:s2], $0x2800  }
0x20d: {  	[sflag:s2] =	ssyncset.done $0x0  }
0x20e: {  	s0 =	simm.s32 $0x8F0;
	[sflag:s2] =	ssyncadd.s32 $0xFFFFD800  }
0x20f: {  	[spmem:s3] =	stream.indirect.scatter.add.f32 [tilespmem:s29], [sflag:$0x4], $0x80, s0, s28, $0xb8;
	[tilespmem:$0x1C800] =	vst v63  }
0x210: {  	_ =	swait.ge [sflag:s14], $0x2800  }
0x211: {  	[sflag:s14] =	ssyncset.done $0x0  }
0x212: {  	s0 =	simm.s32 $0x190;
	[sflag:s14] =	ssyncadd.s32 $0xFFFFD800  }
0x213: {  	[tilespmem:s31], [sflag:$0x3] =	stream.indirect.gather [hbm4b:s1+s28], $0x80, s0, s28, $0xb8;
	[tilespmem:$0x1C800] =	vst v63  }
0x214: {  	_ =	swait.ge [sflag:s5], $0x2800  }
0x215: {  	[sflag:s5] =	ssyncset.done $0x0  }
0x216: {  	s0 =	simm.s32 $0x940;
	[sflag:s5] =	ssyncadd.s32 $0xFFFFD800  }
0x217: {  	[spmem:s3] =	stream.indirect.scatter.add.f32 [tilespmem:s30], [sflag:$0x5], $0x80, s0, s28, $0xb8;
	[tilespmem:$0x1C800] =	vst v63  }
0x218: {  	_ =	swait.ge [sflag:s7], $0x2800  }
0x219: {  	[sflag:s7] =	ssyncset.done $0x0  }
0x21a: {  	s0 =	simm.s32 $0x1E0;
	[sflag:s7] =	ssyncadd.s32 $0xFFFFD800  }
0x21b: {  	[tilespmem:s29], [sflag:$0x1] =	stream.indirect.gather [hbm4b:s1+s28], $0x80, s0, s28, $0xb8;
	[tilespmem:$0x1C800] =	vst v63  }
0x21c: {  	_ =	swait.ge [sflag:s9], $0x2800  }
0x21d: {  	[sflag:s9] =	ssyncset.done $0x0  }
0x21e: {  	s0 =	simm.s32 $0x990;
	[sflag:s9] =	ssyncadd.s32 $0xFFFFD800  }
0x21f: {  	[spmem:s3] =	stream.indirect.scatter.add.f32 [tilespmem:s31], [sflag:$0x6], $0x80, s0, s28, $0xb8;
	[tilespmem:$0x1C800] =	vst v63  }
0x220: {  	_ =	swait.ge [sflag:s11], $0x2800  }
0x221: {  	[sflag:s11] =	ssyncset.done $0x0  }
0x222: {  	s0 =	simm.s32 $0x230;
	[sflag:s11] =	ssyncadd.s32 $0xFFFFD800  }
0x223: {  	[tilespmem:s30], [sflag:$0x2] =	stream.indirect.gather [hbm4b:s1+s28], $0x80, s0, s28, $0xb8;
	[tilespmem:$0x1C800] =	vst v63  }
0x224: {  	_ =	swait.ge [sflag:s2], $0x2800  }
0x225: {  	[sflag:s2] =	ssyncset.done $0x0  }
0x226: {  	s0 =	simm.s32 $0x9E0;
	[sflag:s2] =	ssyncadd.s32 $0xFFFFD800  }
0x227: {  	[spmem:s3] =	stream.indirect.scatter.add.f32 [tilespmem:s29], [sflag:$0x4], $0x80, s0, s28, $0xb8;
	[tilespmem:$0x1C800] =	vst v63  }
0x228: {  	_ =	swait.ge [sflag:s14], $0x2800  }
0x229: {  	[sflag:s14] =	ssyncset.done $0x0  }
0x22a: {  	s0 =	simm.s32 $0x280;
	[sflag:s14] =	ssyncadd.s32 $0xFFFFD800  }
0x22b: {  	[tilespmem:s31], [sflag:$0x3] =	stream.indirect.gather [hbm4b:s1+s28], $0x80, s0, s28, $0xb8;
	[tilespmem:$0x1C800] =	vst v63  }
0x22c: {  	_ =	swait.ge [sflag:s5], $0x2800  }
0x22d: {  	[sflag:s5] =	ssyncset.done $0x0  }
0x22e: {  	s0 =	simm.s32 $0xA30;
	[sflag:s5] =	ssyncadd.s32 $0xFFFFD800  }
0x22f: {  	[spmem:s3] =	stream.indirect.scatter.add.f32 [tilespmem:s30], [sflag:$0x5], $0x80, s0, s28, $0xb8;
	[tilespmem:$0x1C800] =	vst v63  }
0x230: {  	_ =	swait.ge [sflag:s7], $0x2800  }
0x231: {  	[sflag:s7] =	ssyncset.done $0x0  }
0x232: {  	s0 =	simm.s32 $0x2D0;
	[sflag:s7] =	ssyncadd.s32 $0xFFFFD800  }
0x233: {  	[tilespmem:s29], [sflag:$0x1] =	stream.indirect.gather [hbm4b:s1+s28], $0x80, s0, s28, $0xb8;
	[tilespmem:$0x1C800] =	vst v63  }
0x234: {  	_ =	swait.ge [sflag:s9], $0x2800  }
0x235: {  	[sflag:s9] =	ssyncset.done $0x0  }
0x236: {  	s0 =	simm.s32 $0xA80;
	[sflag:s9] =	ssyncadd.s32 $0xFFFFD800  }
0x237: {  	[spmem:s3] =	stream.indirect.scatter.add.f32 [tilespmem:s31], [sflag:$0x6], $0x80, s0, s28, $0xb8;
	[tilespmem:$0x1C800] =	vst v63  }
0x238: {  	_ =	swait.ge [sflag:s11], $0x2800  }
0x239: {  	[sflag:s11] =	ssyncset.done $0x0  }
0x23a: {  	s0 =	simm.s32 $0x320;
	[sflag:s11] =	ssyncadd.s32 $0xFFFFD800  }
0x23b: {  	[tilespmem:s30], [sflag:$0x2] =	stream.indirect.gather [hbm4b:s1+s28], $0x80, s0, s28, $0xb8;
	[tilespmem:$0x1C800] =	vst v63  }
0x23c: {  	_ =	swait.ge [sflag:s2], $0x2800  }
0x23d: {  	[sflag:s2] =	ssyncset.done $0x0  }
0x23e: {  	s0 =	simm.s32 $0xAD0;
	[sflag:s2] =	ssyncadd.s32 $0xFFFFD800  }
0x23f: {  	[spmem:s3] =	stream.indirect.scatter.add.f32 [tilespmem:s29], [sflag:$0x4], $0x80, s0, s28, $0xb8;
	[tilespmem:$0x1C800] =	vst v63  }
0x240: {  	_ =	swait.ge [sflag:s14], $0x2800  }
0x241: {  	[sflag:s14] =	ssyncset.done $0x0  }
0x242: {  	s0 =	simm.s32 $0x370;
	[sflag:s14] =	ssyncadd.s32 $0xFFFFD800  }
0x243: {  	[tilespmem:s31], [sflag:$0x3] =	stream.indirect.gather [hbm4b:s1+s28], $0x80, s0, s28, $0xb8;
	[tilespmem:$0x1C800] =	vst v63  }
0x244: {  	_ =	swait.ge [sflag:s5], $0x2800  }
0x245: {  	[sflag:s5] =	ssyncset.done $0x0  }
0x246: {  	s0 =	simm.s32 $0xB20;
	[sflag:s5] =	ssyncadd.s32 $0xFFFFD800  }
0x247: {  	[spmem:s3] =	stream.indirect.scatter.add.f32 [tilespmem:s30], [sflag:$0x5], $0x80, s0, s28, $0xb8;
	[tilespmem:$0x1C800] =	vst v63  }
0x248: {  	_ =	swait.ge [sflag:s7], $0x2800  }
0x249: {  	[sflag:s7] =	ssyncset.done $0x0  }
0x24a: {  	s0 =	simm.s32 $0x3C0;
	[sflag:s7] =	ssyncadd.s32 $0xFFFFD800  }
0x24b: {  	[tilespmem:s29], [sflag:$0x1] =	stream.indirect.gather [hbm4b:s1+s28], $0x80, s0, s28, $0xb8;
	[tilespmem:$0x1C800] =	vst v63  }
0x24c: {  	_ =	swait.ge [sflag:s9], $0x2800  }
0x24d: {  	[sflag:s9] =	ssyncset.done $0x0  }
0x24e: {  	s0 =	simm.s32 $0xB70;
	[sflag:s9] =	ssyncadd.s32 $0xFFFFD800  }
0x24f: {  	[spmem:s3] =	stream.indirect.scatter.add.f32 [tilespmem:s31], [sflag:$0x6], $0x80, s0, s28, $0xb8;
	[tilespmem:$0x1C800] =	vst v63  }
0x250: {  	_ =	swait.ge [sflag:s11], $0x2800  }
0x251: {  	[sflag:s11] =	ssyncset.done $0x0  }
0x252: {  	s0 =	simm.s32 $0x410;
	[sflag:s11] =	ssyncadd.s32 $0xFFFFD800  }
0x253: {  	[tilespmem:s30], [sflag:$0x2] =	stream.indirect.gather [hbm4b:s1+s28], $0x80, s0, s28, $0xb8;
	[tilespmem:$0x1C800] =	vst v63  }
0x254: {  	_ =	swait.ge [sflag:s2], $0x2800  }
0x255: {  	[sflag:s2] =	ssyncset.done $0x0  }
0x256: {  	s0 =	simm.s32 $0xBC0;
	[sflag:s2] =	ssyncadd.s32 $0xFFFFD800  }
0x257: {  	[spmem:s3] =	stream.indirect.scatter.add.f32 [tilespmem:s29], [sflag:$0x4], $0x80, s0, s28, $0xb8;
	[tilespmem:$0x1C800] =	vst v63  }
0x258: {  	_ =	swait.ge [sflag:s14], $0x2800  }
0x259: {  	[sflag:s14] =	ssyncset.done $0x0  }
0x25a: {  	s0 =	simm.s32 $0x460;
	[sflag:s14] =	ssyncadd.s32 $0xFFFFD800  }
0x25b: {  	[tilespmem:s31], [sflag:$0x3] =	stream.indirect.gather [hbm4b:s1+s28], $0x80, s0, s28, $0xb8;
	[tilespmem:$0x1C800] =	vst v63  }
0x25c: {  	_ =	swait.ge [sflag:s5], $0x2800  }
0x25d: {  	[sflag:s5] =	ssyncset.done $0x0  }
0x25e: {  	s0 =	simm.s32 $0xC10;
	[sflag:s5] =	ssyncadd.s32 $0xFFFFD800  }
0x25f: {  	[spmem:s3] =	stream.indirect.scatter.add.f32 [tilespmem:s30], [sflag:$0x5], $0x80, s0, s28, $0xb8;
	[tilespmem:$0x1C800] =	vst v63  }
0x260: {  	_ =	swait.ge [sflag:s7], $0x2800  }
0x261: {  	[sflag:s7] =	ssyncset.done $0x0  }
0x262: {  	[sflag:s7] =	ssyncadd.s32 $0xFFFFD800  }
0x263: {  	[tilespmem:s29], [sflag:$0x1] =	stream.indirect.gather [hbm4b:s1+s28], $0x80, s6, s28, $0xb8;
	[tilespmem:$0x1C800] =	vst v63  }
0x264: {  	_ =	swait.ge [sflag:s9], $0x2800  }
0x265: {  	[sflag:s9] =	ssyncset.done $0x0  }
0x266: {  	[sflag:s9] =	ssyncadd.s32 $0xFFFFD800  }
0x267: {  	[spmem:s3] =	stream.indirect.scatter.add.f32 [tilespmem:s31], [sflag:$0x6], $0x80, s8, s28, $0xb8;
	[tilespmem:$0x1C800] =	vst v63  }
0x268: {  	_ =	swait.ge [sflag:s11], $0x2800  }
0x269: {  	[sflag:s11] =	ssyncset.done $0x0  }
0x26a: {  	[sflag:s11] =	ssyncadd.s32 $0xFFFFD800  }
0x26b: {  	[tilespmem:s30], [sflag:$0x2] =	stream.indirect.gather [hbm4b:s1+s28], $0x80, s10, s28, $0xb8;
	[tilespmem:$0x1C800] =	vst v63  }
0x26c: {  	_ =	swait.ge [sflag:s2], $0x2800  }
0x26d: {  	[sflag:s2] =	ssyncset.done $0x0  }
0x26e: {  	[sflag:s2] =	ssyncadd.s32 $0xFFFFD800  }
0x26f: {  	[spmem:s3] =	stream.indirect.scatter.add.f32 [tilespmem:s29], [sflag:$0x4], $0x80, s13, s28, $0xb8;
	[tilespmem:$0x1C800] =	vst v63  }
0x270: {  	_ =	swait.ge [sflag:s14], $0x2800  }
0x271: {  	[sflag:s14] =	ssyncset.done $0x0  }
0x272: {  	[sflag:s14] =	ssyncadd.s32 $0xFFFFD800  }
0x273: {  	[tilespmem:s31], [sflag:$0x3] =	stream.indirect.gather [hbm4b:s1+s28], $0x80, s15, s28, $0xb8;
	[tilespmem:$0x1C800] =	vst v63  }
0x274: {  	_ =	swait.ge [sflag:s5], $0x2800  }
0x275: {  	[sflag:s5] =	ssyncset.done $0x0  }
0x276: {  	[sflag:s5] =	ssyncadd.s32 $0xFFFFD800  }
0x277: {  	[spmem:s3] =	stream.indirect.scatter.add.f32 [tilespmem:s30], [sflag:$0x5], $0x80, s16, s28, $0xb8;
	[tilespmem:$0x1C800] =	vst v63  }
0x278: {  	_ =	swait.ge [sflag:s7], $0x2800  }
0x279: {  	[sflag:s7] =	ssyncset.done $0x0  }
0x27a: {  	[sflag:s7] =	ssyncadd.s32 $0xFFFFD800  }
0x27b: {  	[tilespmem:s29], [sflag:$0x1] =	stream.indirect.gather [hbm4b:s1+s28], $0x80, s17, s28, $0xb8;
	[tilespmem:$0x1C800] =	vst v63  }
0x27c: {  	_ =	swait.ge [sflag:s9], $0x2800  }
0x27d: {  	[sflag:s9] =	ssyncset.done $0x0  }
0x27e: {  	[sflag:s9] =	ssyncadd.s32 $0xFFFFD800  }
0x27f: {  	[spmem:s3] =	stream.indirect.scatter.add.f32 [tilespmem:s31], [sflag:$0x6], $0x80, s18, s28, $0xb8;
	[tilespmem:$0x1C800] =	vst v63  }
0x280: {  	_ =	swait.ge [sflag:s11], $0x2800  }
0x281: {  	[sflag:s11] =	ssyncset.done $0x0  }
0x282: {  	[sflag:s11] =	ssyncadd.s32 $0xFFFFD800  }
0x283: {  	[tilespmem:s30], [sflag:$0x2] =	stream.indirect.gather [hbm4b:s1+s28], $0x80, s19, s28, $0xb8;
	[tilespmem:$0x1C800] =	vst v63  }
0x284: {  	_ =	swait.ge [sflag:s2], $0x2800  }
0x285: {  	[sflag:s2] =	ssyncset.done $0x0  }
0x286: {  	[sflag:s2] =	ssyncadd.s32 $0xFFFFD800  }
0x287: {  	[spmem:s3] =	stream.indirect.scatter.add.f32 [tilespmem:s29], [sflag:$0x4], $0x80, s20, s28, $0xb8;
	[tilespmem:$0x1C800] =	vst v63  }
0x288: {  	_ =	swait.ge [sflag:s14], $0x2800  }
0x289: {  	[sflag:s14] =	ssyncset.done $0x0  }
0x28a: {  	[sflag:s14] =	ssyncadd.s32 $0xFFFFD800  }
0x28b: {  	[tilespmem:s31], [sflag:$0x3] =	stream.indirect.gather [hbm4b:s1+s28], $0x80, s21, s28, $0xb8;
	[tilespmem:$0x1C800] =	vst v63  }
0x28c: {  	_ =	swait.ge [sflag:s5], $0x2800  }
0x28d: {  	[sflag:s5] =	ssyncset.done $0x0  }
0x28e: {  	[sflag:s5] =	ssyncadd.s32 $0xFFFFD800  }
0x28f: {  	[spmem:s3] =	stream.indirect.scatter.add.f32 [tilespmem:s30], [sflag:$0x5], $0x80, s22, s28, $0xb8;
	[tilespmem:$0x1C800] =	vst v63  }
0x290: {  	_ =	swait.ge [sflag:s7], $0x2800  }
0x291: {  	[sflag:s7] =	ssyncset.done $0x0  }
0x292: {  	[sflag:s7] =	ssyncadd.s32 $0xFFFFD800  }
0x293: {  	[tilespmem:s29], [sflag:$0x1] =	stream.indirect.gather [hbm4b:s1+s28], $0x80, s23, s28, $0xb8;
	[tilespmem:$0x1C800] =	vst v63  }
0x294: {  	_ =	swait.ge [sflag:s9], $0x2800  }
0x295: {  	[sflag:s9] =	ssyncset.done $0x0  }
0x296: {  	[sflag:s9] =	ssyncadd.s32 $0xFFFFD800  }
0x297: {  	[spmem:s3] =	stream.indirect.scatter.add.f32 [tilespmem:s31], [sflag:$0x6], $0x80, s26, s28, $0xb8;
	[tilespmem:$0x1C800] =	vst v63  }
0x298: {  	_ =	swait.ge [sflag:s11], $0x2800  }
0x299: {  	[sflag:s11] =	ssyncset.done $0x0  }
0x29a: {  	[sflag:s11] =	ssyncadd.s32 $0xFFFFD800  }
0x29b: {  	[tilespmem:s30], [sflag:$0x2] =	stream.indirect.gather [hbm4b:s1+s28], $0x80, s12, s28, $0xb8;
	[tilespmem:$0x1C800] =	vst v63  }
0x29c: {  	_ =	swait.ge [sflag:s2], $0x2800  }
0x29d: {  	[sflag:s2] =	ssyncset.done $0x0  }
0x29e: {  	s0 =	simm.s32 $0xE90;
	[sflag:s2] =	ssyncadd.s32 $0xFFFFD800  }
0x29f: {  	[spmem:s3] =	stream.indirect.scatter.add.f32 [tilespmem:s29], [sflag:$0x4], $0x80, s0, s28, $0xb8;
	[tilespmem:$0x1C800] =	vst v63  }
0x2a0: {  	_ =	swait.ge [sflag:s14], $0x2800  }
0x2a1: {  	[sflag:s14] =	ssyncset.done $0x0  }
0x2a2: {  	s0 =	simm.s32 $0x730;
	[sflag:s14] =	ssyncadd.s32 $0xFFFFD800  }
0x2a3: {  	[tilespmem:s31], [sflag:$0x3] =	stream.indirect.gather [hbm4b:s1+s28], $0x80, s0, s28, $0xb8;
	[tilespmem:$0x1C800] =	vst v63  }
0x2a4: {  	_ =	swait.ge [sflag:s5], $0x2800  }
0x2a5: {  	[sflag:s5] =	ssyncset.done $0x0  }
0x2a6: {  	s0 =	simm.s32 $0xEE0;
	[sflag:s5] =	ssyncadd.s32 $0xFFFFD800  }
0x2a7: {  	[spmem:s3] =	stream.indirect.scatter.add.f32 [tilespmem:s30], [sflag:$0x5], $0x80, s0, s28, $0xb8;
	[tilespmem:$0x1C800] =	vst v63  }
0x2a8: {  	_ =	swait.ge [sflag:s7], $0x2800  }
0x2a9: {  	[sflag:s7] =	ssyncset.done $0x0  }
0x2aa: {  	s0 =	simm.s32 $0x780;
	[sflag:s7] =	ssyncadd.s32 $0xFFFFD800  }
0x2ab: {  	[tilespmem:s29], [sflag:$0x1] =	stream.indirect.gather [hbm4b:s1+s28], $0x80, s0, s28, $0xb8;
	[tilespmem:$0x1C800] =	vst v63  }
0x2ac: {  	_ =	swait.ge [sflag:s9], $0x2800  }
0x2ad: {  	[sflag:s9] =	ssyncset.done $0x0  }
0x2ae: {  	s0 =	simm.s32 $0xF30;
	[sflag:s9] =	ssyncadd.s32 $0xFFFFD800  }
0x2af: {  	[spmem:s3] =	stream.indirect.scatter.add.f32 [tilespmem:s31], [sflag:$0x6], $0x80, s0, s28, $0xb8;
	[tilespmem:$0x1C800] =	vst v63  }
0x2b0: {  	_ =	swait.ge [sflag:s11], $0x2800  }
0x2b1: {  	[sflag:s11] =	ssyncset.done $0x0  }
0x2b2: {  	[sflag:s11] =	ssyncadd.s32 $0xFFFFD800  }
0x2b3: {  	_ =	swait.ge [sflag:s2], $0x2800  }
0x2b4: {  	[sflag:s2] =	ssyncset.done $0x0  }
0x2b5: {  	s0 =	simm.s32 $0xF80;
	[sflag:s2] =	ssyncadd.s32 $0xFFFFD800  }
0x2b6: {  	[spmem:s3] =	stream.indirect.scatter.add.f32 [tilespmem:s29], [sflag:$0x4], $0x80, s0, s28, $0xb8;
	[tilespmem:$0x1C800] =	vst v63  }
0x2b7: {  	s0 =	rddreg [dreg:$0xa]  }
0x2b8: {  	[tilespmem:s4], [sflag:$0x7] =	stream.linear.gather [hbm4b:s0+s4], $0x7D0, $0x38;
	[tilespmem:$0x1C800] =	vst v63  }
0x2b9: {  	_ =	swait.ge [sflag:s25], $0x7D0  }
0x2ba: {  	[sflag:s25] =	ssyncset.done $0x0  }
0x2bb: {  	[sflag:s25] =	ssyncadd.s32 $0xFFFFF830  }
0x2bc: {  	[tilespmem:s30], [sflag:$0x2] =	stream.indirect.gather [hbm4b:s1+s28], $0x80, s28, s28, $0xb8;
	[tilespmem:$0x1C800] =	vst v63  }
0x2bd: {  	_ =	swait.ge [sflag:s14], $0x2800  }
0x2be: {  	[sflag:s14] =	ssyncset.done $0x0  }
0x2bf: {  	[sflag:s14] =	ssyncadd.s32 $0xFFFFD800  }
0x2c0: {  	_ =	swait.ge [sflag:s7], $0x2800  }
0x2c1: {  	[sflag:s7] =	ssyncset.done $0x0  }
0x2c2: {  	s0 =	rddreg [dreg:$0xb];
	[sflag:s7] =	ssyncadd.s32 $0xFFFFD800  }
0x2c3: {  	[tilespmem:s24], [sflag:$0x7] =	stream.linear.gather [hbm4b:s0+s4], $0x7D0, $0x38;
	[tilespmem:$0x1C800] =	vst v63  }
0x2c4: {  	_ =	swait.ge [sflag:s25], $0x7D0  }
0x2c5: {  	[sflag:s25] =	ssyncset.done $0x0  }
0x2c6: {  	[sflag:s25] =	ssyncadd.s32 $0xFFFFF830  }
0x2c7: {  	[tilespmem:s29], [sflag:$0x1] =	stream.indirect.gather [hbm4b:s1+s28], $0x80, s4, s28, $0xb8;
	[tilespmem:$0x1C800] =	vst v63  }
0x2c8: {  	_ =	swait.ge [sflag:s2], $0x2800  }
0x2c9: {  	[sflag:s2] =	ssyncset.done $0x0  }
0x2ca: {  	[sflag:s2] =	ssyncadd.s32 $0xFFFFD800  }
0x2cb: {  	[spmem:s3] =	stream.indirect.scatter.add.f32 [tilespmem:s29], [sflag:$0x4], $0x80, s24, s28, $0xb8;
	[tilespmem:$0x1C800] =	vst v63  }
0x2cc: {  	s0 =	simm.s32 $0xA0  }
0x2cd: {  	[tilespmem:s31], [sflag:$0x3] =	stream.indirect.gather [hbm4b:s1+s28], $0x80, s0, s28, $0xb8;
	[tilespmem:$0x1C800] =	vst v63  }
0x2ce: {  	_ =	swait.ge [sflag:s5], $0x2800  }
0x2cf: {  	[sflag:s5] =	ssyncset.done $0x0  }
0x2d0: {  	s0 =	simm.s32 $0x850;
	[sflag:s5] =	ssyncadd.s32 $0xFFFFD800  }
0x2d1: {  	[spmem:s3] =	stream.indirect.scatter.add.f32 [tilespmem:s30], [sflag:$0x5], $0x80, s0, s28, $0xb8;
	[tilespmem:$0x1C800] =	vst v63  }
0x2d2: {  	_ =	swait.ge [sflag:s7], $0x2800  }
0x2d3: {  	[sflag:s7] =	ssyncset.done $0x0  }
0x2d4: {  	s0 =	simm.s32 $0xF0;
	[sflag:s7] =	ssyncadd.s32 $0xFFFFD800  }
0x2d5: {  	[tilespmem:s29], [sflag:$0x1] =	stream.indirect.gather [hbm4b:s1+s28], $0x80, s0, s28, $0xb8;
	[tilespmem:$0x1C800] =	vst v63  }
0x2d6: {  	_ =	swait.ge [sflag:s9], $0x2800  }
0x2d7: {  	[sflag:s9] =	ssyncset.done $0x0  }
0x2d8: {  	s0 =	simm.s32 $0x8A0;
	[sflag:s9] =	ssyncadd.s32 $0xFFFFD800  }
0x2d9: {  	[spmem:s3] =	stream.indirect.scatter.add.f32 [tilespmem:s31], [sflag:$0x6], $0x80, s0, s28, $0xb8;
	[tilespmem:$0x1C800] =	vst v63  }
0x2da: {  	_ =	swait.ge [sflag:s11], $0x2800  }
0x2db: {  	[sflag:s11] =	ssyncset.done $0x0  }
0x2dc: {  	s0 =	simm.s32 $0x140;
	[sflag:s11] =	ssyncadd.s32 $0xFFFFD800  }
0x2dd: {  	[tilespmem:s30], [sflag:$0x2] =	stream.indirect.gather [hbm4b:s1+s28], $0x80, s0, s28, $0xb8;
	[tilespmem:$0x1C800] =	vst v63  }
0x2de: {  	_ =	swait.ge [sflag:s2], $0x2800  }
0x2df: {  	[sflag:s2] =	ssyncset.done $0x0  }
0x2e0: {  	s0 =	simm.s32 $0x8F0;
	[sflag:s2] =	ssyncadd.s32 $0xFFFFD800  }
0x2e1: {  	[spmem:s3] =	stream.indirect.scatter.add.f32 [tilespmem:s29], [sflag:$0x4], $0x80, s0, s28, $0xb8;
	[tilespmem:$0x1C800] =	vst v63  }
0x2e2: {  	_ =	swait.ge [sflag:s14], $0x2800  }
0x2e3: {  	[sflag:s14] =	ssyncset.done $0x0  }
0x2e4: {  	s0 =	simm.s32 $0x190;
	[sflag:s14] =	ssyncadd.s32 $0xFFFFD800  }
0x2e5: {  	[tilespmem:s31], [sflag:$0x3] =	stream.indirect.gather [hbm4b:s1+s28], $0x80, s0, s28, $0xb8;
	[tilespmem:$0x1C800] =	vst v63  }
0x2e6: {  	_ =	swait.ge [sflag:s5], $0x2800  }
0x2e7: {  	[sflag:s5] =	ssyncset.done $0x0  }
0x2e8: {  	s0 =	simm.s32 $0x940;
	[sflag:s5] =	ssyncadd.s32 $0xFFFFD800  }
0x2e9: {  	[spmem:s3] =	stream.indirect.scatter.add.f32 [tilespmem:s30], [sflag:$0x5], $0x80, s0, s28, $0xb8;
	[tilespmem:$0x1C800] =	vst v63  }
0x2ea: {  	_ =	swait.ge [sflag:s7], $0x2800  }
0x2eb: {  	[sflag:s7] =	ssyncset.done $0x0  }
0x2ec: {  	s0 =	simm.s32 $0x1E0;
	[sflag:s7] =	ssyncadd.s32 $0xFFFFD800  }
0x2ed: {  	[tilespmem:s29], [sflag:$0x1] =	stream.indirect.gather [hbm4b:s1+s28], $0x80, s0, s28, $0xb8;
	[tilespmem:$0x1C800] =	vst v63  }
0x2ee: {  	_ =	swait.ge [sflag:s9], $0x2800  }
0x2ef: {  	[sflag:s9] =	ssyncset.done $0x0  }
0x2f0: {  	s0 =	simm.s32 $0x990;
	[sflag:s9] =	ssyncadd.s32 $0xFFFFD800  }
0x2f1: {  	[spmem:s3] =	stream.indirect.scatter.add.f32 [tilespmem:s31], [sflag:$0x6], $0x80, s0, s28, $0xb8;
	[tilespmem:$0x1C800] =	vst v63  }
0x2f2: {  	_ =	swait.ge [sflag:s11], $0x2800  }
0x2f3: {  	[sflag:s11] =	ssyncset.done $0x0  }
0x2f4: {  	s0 =	simm.s32 $0x230;
	[sflag:s11] =	ssyncadd.s32 $0xFFFFD800  }
0x2f5: {  	[tilespmem:s30], [sflag:$0x2] =	stream.indirect.gather [hbm4b:s1+s28], $0x80, s0, s28, $0xb8;
	[tilespmem:$0x1C800] =	vst v63  }
0x2f6: {  	_ =	swait.ge [sflag:s2], $0x2800  }
0x2f7: {  	[sflag:s2] =	ssyncset.done $0x0  }
0x2f8: {  	s0 =	simm.s32 $0x9E0;
	[sflag:s2] =	ssyncadd.s32 $0xFFFFD800  }
0x2f9: {  	[spmem:s3] =	stream.indirect.scatter.add.f32 [tilespmem:s29], [sflag:$0x4], $0x80, s0, s28, $0xb8;
	[tilespmem:$0x1C800] =	vst v63  }
0x2fa: {  	_ =	swait.ge [sflag:s14], $0x2800  }
0x2fb: {  	[sflag:s14] =	ssyncset.done $0x0  }
0x2fc: {  	s0 =	simm.s32 $0x280;
	[sflag:s14] =	ssyncadd.s32 $0xFFFFD800  }
0x2fd: {  	[tilespmem:s31], [sflag:$0x3] =	stream.indirect.gather [hbm4b:s1+s28], $0x80, s0, s28, $0xb8;
	[tilespmem:$0x1C800] =	vst v63  }
0x2fe: {  	_ =	swait.ge [sflag:s5], $0x2800  }
0x2ff: {  	[sflag:s5] =	ssyncset.done $0x0  }
0x300: {  	s0 =	simm.s32 $0xA30;
	[sflag:s5] =	ssyncadd.s32 $0xFFFFD800  }
0x301: {  	[spmem:s3] =	stream.indirect.scatter.add.f32 [tilespmem:s30], [sflag:$0x5], $0x80, s0, s28, $0xb8;
	[tilespmem:$0x1C800] =	vst v63  }
0x302: {  	_ =	swait.ge [sflag:s7], $0x2800  }
0x303: {  	[sflag:s7] =	ssyncset.done $0x0  }
0x304: {  	s0 =	simm.s32 $0x2D0;
	[sflag:s7] =	ssyncadd.s32 $0xFFFFD800  }
0x305: {  	[tilespmem:s29], [sflag:$0x1] =	stream.indirect.gather [hbm4b:s1+s28], $0x80, s0, s28, $0xb8;
	[tilespmem:$0x1C800] =	vst v63  }
0x306: {  	_ =	swait.ge [sflag:s9], $0x2800  }
0x307: {  	[sflag:s9] =	ssyncset.done $0x0  }
0x308: {  	s0 =	simm.s32 $0xA80;
	[sflag:s9] =	ssyncadd.s32 $0xFFFFD800  }
0x309: {  	[spmem:s3] =	stream.indirect.scatter.add.f32 [tilespmem:s31], [sflag:$0x6], $0x80, s0, s28, $0xb8;
	[tilespmem:$0x1C800] =	vst v63  }
0x30a: {  	_ =	swait.ge [sflag:s11], $0x2800  }
0x30b: {  	[sflag:s11] =	ssyncset.done $0x0  }
0x30c: {  	s0 =	simm.s32 $0x320;
	[sflag:s11] =	ssyncadd.s32 $0xFFFFD800  }
0x30d: {  	[tilespmem:s30], [sflag:$0x2] =	stream.indirect.gather [hbm4b:s1+s28], $0x80, s0, s28, $0xb8;
	[tilespmem:$0x1C800] =	vst v63  }
0x30e: {  	_ =	swait.ge [sflag:s2], $0x2800  }
0x30f: {  	[sflag:s2] =	ssyncset.done $0x0  }
0x310: {  	s0 =	simm.s32 $0xAD0;
	[sflag:s2] =	ssyncadd.s32 $0xFFFFD800  }
0x311: {  	[spmem:s3] =	stream.indirect.scatter.add.f32 [tilespmem:s29], [sflag:$0x4], $0x80, s0, s28, $0xb8;
	[tilespmem:$0x1C800] =	vst v63  }
0x312: {  	_ =	swait.ge [sflag:s14], $0x2800  }
0x313: {  	[sflag:s14] =	ssyncset.done $0x0  }
0x314: {  	s0 =	simm.s32 $0x370;
	[sflag:s14] =	ssyncadd.s32 $0xFFFFD800  }
0x315: {  	[tilespmem:s31], [sflag:$0x3] =	stream.indirect.gather [hbm4b:s1+s28], $0x80, s0, s28, $0xb8;
	[tilespmem:$0x1C800] =	vst v63  }
0x316: {  	_ =	swait.ge [sflag:s5], $0x2800  }
0x317: {  	[sflag:s5] =	ssyncset.done $0x0  }
0x318: {  	s0 =	simm.s32 $0xB20;
	[sflag:s5] =	ssyncadd.s32 $0xFFFFD800  }
0x319: {  	[spmem:s3] =	stream.indirect.scatter.add.f32 [tilespmem:s30], [sflag:$0x5], $0x80, s0, s28, $0xb8;
	[tilespmem:$0x1C800] =	vst v63  }
0x31a: {  	_ =	swait.ge [sflag:s7], $0x2800  }
0x31b: {  	[sflag:s7] =	ssyncset.done $0x0  }
0x31c: {  	s0 =	simm.s32 $0x3C0;
	[sflag:s7] =	ssyncadd.s32 $0xFFFFD800  }
0x31d: {  	[tilespmem:s29], [sflag:$0x1] =	stream.indirect.gather [hbm4b:s1+s28], $0x80, s0, s28, $0xb8;
	[tilespmem:$0x1C800] =	vst v63  }
0x31e: {  	_ =	swait.ge [sflag:s9], $0x2800  }
0x31f: {  	[sflag:s9] =	ssyncset.done $0x0  }
0x320: {  	s0 =	simm.s32 $0xB70;
	[sflag:s9] =	ssyncadd.s32 $0xFFFFD800  }
0x321: {  	[spmem:s3] =	stream.indirect.scatter.add.f32 [tilespmem:s31], [sflag:$0x6], $0x80, s0, s28, $0xb8;
	[tilespmem:$0x1C800] =	vst v63  }
0x322: {  	_ =	swait.ge [sflag:s11], $0x2800  }
0x323: {  	[sflag:s11] =	ssyncset.done $0x0  }
0x324: {  	s0 =	simm.s32 $0x410;
	[sflag:s11] =	ssyncadd.s32 $0xFFFFD800  }
0x325: {  	[tilespmem:s30], [sflag:$0x2] =	stream.indirect.gather [hbm4b:s1+s28], $0x80, s0, s28, $0xb8;
	[tilespmem:$0x1C800] =	vst v63  }
0x326: {  	_ =	swait.ge [sflag:s2], $0x2800  }
0x327: {  	[sflag:s2] =	ssyncset.done $0x0  }
0x328: {  	s0 =	simm.s32 $0xBC0;
	[sflag:s2] =	ssyncadd.s32 $0xFFFFD800  }
0x329: {  	[spmem:s3] =	stream.indirect.scatter.add.f32 [tilespmem:s29], [sflag:$0x4], $0x80, s0, s28, $0xb8;
	[tilespmem:$0x1C800] =	vst v63  }
0x32a: {  	_ =	swait.ge [sflag:s14], $0x2800  }
0x32b: {  	[sflag:s14] =	ssyncset.done $0x0  }
0x32c: {  	s0 =	simm.s32 $0x460;
	[sflag:s14] =	ssyncadd.s32 $0xFFFFD800  }
0x32d: {  	[tilespmem:s31], [sflag:$0x3] =	stream.indirect.gather [hbm4b:s1+s28], $0x80, s0, s28, $0xb8;
	[tilespmem:$0x1C800] =	vst v63  }
0x32e: {  	_ =	swait.ge [sflag:s5], $0x2800  }
0x32f: {  	[sflag:s5] =	ssyncset.done $0x0  }
0x330: {  	s0 =	simm.s32 $0xC10;
	[sflag:s5] =	ssyncadd.s32 $0xFFFFD800  }
0x331: {  	[spmem:s3] =	stream.indirect.scatter.add.f32 [tilespmem:s30], [sflag:$0x5], $0x80, s0, s28, $0xb8;
	[tilespmem:$0x1C800] =	vst v63  }
0x332: {  	_ =	swait.ge [sflag:s7], $0x2800  }
0x333: {  	[sflag:s7] =	ssyncset.done $0x0  }
0x334: {  	s6 =	simm.s32 $0x4B0;
	[sflag:s7] =	ssyncadd.s32 $0xFFFFD800  }
0x335: {  	[tilespmem:s29], [sflag:$0x1] =	stream.indirect.gather [hbm4b:s1+s28], $0x80, s6, s28, $0xb8;
	[tilespmem:$0x1C800] =	vst v63  }
0x336: {  	_ =	swait.ge [sflag:s9], $0x2800  }
0x337: {  	[sflag:s9] =	ssyncset.done $0x0  }
0x338: {  	s8 =	simm.s32 $0xC60;
	[sflag:s9] =	ssyncadd.s32 $0xFFFFD800  }
0x339: {  	[spmem:s3] =	stream.indirect.scatter.add.f32 [tilespmem:s31], [sflag:$0x6], $0x80, s8, s28, $0xb8;
	[tilespmem:$0x1C800] =	vst v63  }
0x33a: {  	_ =	swait.ge [sflag:s11], $0x2800  }
0x33b: {  	[sflag:s11] =	ssyncset.done $0x0  }
0x33c: {  	s10 =	simm.s32 $0x500;
	[sflag:s11] =	ssyncadd.s32 $0xFFFFD800  }
0x33d: {  	[tilespmem:s30], [sflag:$0x2] =	stream.indirect.gather [hbm4b:s1+s28], $0x80, s10, s28, $0xb8;
	[tilespmem:$0x1C800] =	vst v63  }
0x33e: {  	_ =	swait.ge [sflag:s2], $0x2800  }
0x33f: {  	[sflag:s2] =	ssyncset.done $0x0  }
0x340: {  	s13 =	simm.s32 $0xCB0;
	[sflag:s2] =	ssyncadd.s32 $0xFFFFD800  }
0x341: {  	[spmem:s3] =	stream.indirect.scatter.add.f32 [tilespmem:s29], [sflag:$0x4], $0x80, s13, s28, $0xb8;
	[tilespmem:$0x1C800] =	vst v63  }
0x342: {  	_ =	swait.ge [sflag:s14], $0x2800  }
0x343: {  	[sflag:s14] =	ssyncset.done $0x0  }
0x344: {  	s15 =	simm.s32 $0x550;
	[sflag:s14] =	ssyncadd.s32 $0xFFFFD800  }
0x345: {  	[tilespmem:s31], [sflag:$0x3] =	stream.indirect.gather [hbm4b:s1+s28], $0x80, s15, s28, $0xb8;
	[tilespmem:$0x1C800] =	vst v63  }
0x346: {  	_ =	swait.ge [sflag:s5], $0x2800  }
0x347: {  	[sflag:s5] =	ssyncset.done $0x0  }
0x348: {  	s16 =	simm.s32 $0xD00;
	[sflag:s5] =	ssyncadd.s32 $0xFFFFD800  }
0x349: {  	[spmem:s3] =	stream.indirect.scatter.add.f32 [tilespmem:s30], [sflag:$0x5], $0x80, s16, s28, $0xb8;
	[tilespmem:$0x1C800] =	vst v63  }
0x34a: {  	_ =	swait.ge [sflag:s7], $0x2800  }
0x34b: {  	[sflag:s7] =	ssyncset.done $0x0  }
0x34c: {  	s17 =	simm.s32 $0x5A0;
	[sflag:s7] =	ssyncadd.s32 $0xFFFFD800  }
0x34d: {  	[tilespmem:s29], [sflag:$0x1] =	stream.indirect.gather [hbm4b:s1+s28], $0x80, s17, s28, $0xb8;
	[tilespmem:$0x1C800] =	vst v63  }
0x34e: {  	_ =	swait.ge [sflag:s9], $0x2800  }
0x34f: {  	[sflag:s9] =	ssyncset.done $0x0  }
0x350: {  	s18 =	simm.s32 $0xD50;
	[sflag:s9] =	ssyncadd.s32 $0xFFFFD800  }
0x351: {  	[spmem:s3] =	stream.indirect.scatter.add.f32 [tilespmem:s31], [sflag:$0x6], $0x80, s18, s28, $0xb8;
	[tilespmem:$0x1C800] =	vst v63  }
0x352: {  	_ =	swait.ge [sflag:s11], $0x2800  }
0x353: {  	[sflag:s11] =	ssyncset.done $0x0  }
0x354: {  	s19 =	simm.s32 $0x5F0;
	[sflag:s11] =	ssyncadd.s32 $0xFFFFD800  }
0x355: {  	[tilespmem:s30], [sflag:$0x2] =	stream.indirect.gather [hbm4b:s1+s28], $0x80, s19, s28, $0xb8;
	[tilespmem:$0x1C800] =	vst v63  }
0x356: {  	_ =	swait.ge [sflag:s2], $0x2800  }
0x357: {  	[sflag:s2] =	ssyncset.done $0x0  }
0x358: {  	s20 =	simm.s32 $0xDA0;
	[sflag:s2] =	ssyncadd.s32 $0xFFFFD800  }
0x359: {  	[spmem:s3] =	stream.indirect.scatter.add.f32 [tilespmem:s29], [sflag:$0x4], $0x80, s20, s28, $0xb8;
	[tilespmem:$0x1C800] =	vst v63  }
0x35a: {  	_ =	swait.ge [sflag:s14], $0x2800  }
0x35b: {  	[sflag:s14] =	ssyncset.done $0x0  }
0x35c: {  	s21 =	simm.s32 $0x640;
	[sflag:s14] =	ssyncadd.s32 $0xFFFFD800  }
0x35d: {  	[tilespmem:s31], [sflag:$0x3] =	stream.indirect.gather [hbm4b:s1+s28], $0x80, s21, s28, $0xb8;
	[tilespmem:$0x1C800] =	vst v63  }
0x35e: {  	_ =	swait.ge [sflag:s5], $0x2800  }
0x35f: {  	[sflag:s5] =	ssyncset.done $0x0  }
0x360: {  	s22 =	simm.s32 $0xDF0;
	[sflag:s5] =	ssyncadd.s32 $0xFFFFD800  }
0x361: {  	[spmem:s3] =	stream.indirect.scatter.add.f32 [tilespmem:s30], [sflag:$0x5], $0x80, s22, s28, $0xb8;
	[tilespmem:$0x1C800] =	vst v63  }
0x362: {  	_ =	swait.ge [sflag:s7], $0x2800  }
0x363: {  	[sflag:s7] =	ssyncset.done $0x0  }
0x364: {  	s23 =	simm.s32 $0x690;
	[sflag:s7] =	ssyncadd.s32 $0xFFFFD800  }
0x365: {  	[tilespmem:s29], [sflag:$0x1] =	stream.indirect.gather [hbm4b:s1+s28], $0x80, s23, s28, $0xb8;
	[tilespmem:$0x1C800] =	vst v63  }
0x366: {  	_ =	swait.ge [sflag:s9], $0x2800  }
0x367: {  	[sflag:s9] =	ssyncset.done $0x0  }
0x368: {  	s26 =	simm.s32 $0xE40;
	[sflag:s9] =	ssyncadd.s32 $0xFFFFD800  }
0x369: {  	[spmem:s3] =	stream.indirect.scatter.add.f32 [tilespmem:s31], [sflag:$0x6], $0x80, s26, s28, $0xb8;
	[tilespmem:$0x1C800] =	vst v63  }
0x36a: {  	_ =	swait.ge [sflag:s11], $0x2800  }
0x36b: {  	[sflag:s11] =	ssyncset.done $0x0  }
0x36c: {  	s12 =	simm.s32 $0x6E0;
	[sflag:s11] =	ssyncadd.s32 $0xFFFFD800  }
0x36d: {  	[tilespmem:s30], [sflag:$0x2] =	stream.indirect.gather [hbm4b:s1+s28], $0x80, s12, s28, $0xb8;
	[tilespmem:$0x1C800] =	vst v63  }
0x36e: {  	_ =	swait.ge [sflag:s2], $0x2800  }
0x36f: {  	[sflag:s2] =	ssyncset.done $0x0  }
0x370: {  	s0 =	simm.s32 $0xE90;
	[sflag:s2] =	ssyncadd.s32 $0xFFFFD800  }
0x371: {  	[spmem:s3] =	stream.indirect.scatter.add.f32 [tilespmem:s29], [sflag:$0x4], $0x80, s0, s28, $0xb8;
	[tilespmem:$0x1C800] =	vst v63  }
0x372: {  	_ =	swait.ge [sflag:s14], $0x2800  }
0x373: {  	[sflag:s14] =	ssyncset.done $0x0  }
0x374: {  	s0 =	simm.s32 $0x730;
	[sflag:s14] =	ssyncadd.s32 $0xFFFFD800  }
0x375: {  	[tilespmem:s31], [sflag:$0x3] =	stream.indirect.gather [hbm4b:s1+s28], $0x80, s0, s28, $0xb8;
	[tilespmem:$0x1C800] =	vst v63  }
0x376: {  	_ =	swait.ge [sflag:s5], $0x2800  }
0x377: {  	[sflag:s5] =	ssyncset.done $0x0  }
0x378: {  	s0 =	simm.s32 $0xEE0;
	[sflag:s5] =	ssyncadd.s32 $0xFFFFD800  }
0x379: {  	[spmem:s3] =	stream.indirect.scatter.add.f32 [tilespmem:s30], [sflag:$0x5], $0x80, s0, s28, $0xb8;
	[tilespmem:$0x1C800] =	vst v63  }
0x37a: {  	_ =	swait.ge [sflag:s7], $0x2800  }
0x37b: {  	[sflag:s7] =	ssyncset.done $0x0  }
0x37c: {  	s0 =	simm.s32 $0x780;
	[sflag:s7] =	ssyncadd.s32 $0xFFFFD800  }
0x37d: {  	[tilespmem:s29], [sflag:$0x1] =	stream.indirect.gather [hbm4b:s1+s28], $0x80, s0, s28, $0xb8;
	[tilespmem:$0x1C800] =	vst v63  }
0x37e: {  	_ =	swait.ge [sflag:s9], $0x2800  }
0x37f: {  	[sflag:s9] =	ssyncset.done $0x0  }
0x380: {  	s0 =	simm.s32 $0xF30;
	[sflag:s9] =	ssyncadd.s32 $0xFFFFD800  }
0x381: {  	[spmem:s3] =	stream.indirect.scatter.add.f32 [tilespmem:s31], [sflag:$0x6], $0x80, s0, s28, $0xb8;
	[tilespmem:$0x1C800] =	vst v63  }
0x382: {  	_ =	swait.ge [sflag:s11], $0x2800  }
0x383: {  	[sflag:s11] =	ssyncset.done $0x0  }
0x384: {  	[sflag:s11] =	ssyncadd.s32 $0xFFFFD800  }
0x385: {  	_ =	swait.ge [sflag:s2], $0x2800  }
0x386: {  	[sflag:s2] =	ssyncset.done $0x0  }
0x387: {  	s0 =	simm.s32 $0xF80;
	[sflag:s2] =	ssyncadd.s32 $0xFFFFD800  }
0x388: {  	[spmem:s3] =	stream.indirect.scatter.add.f32 [tilespmem:s29], [sflag:$0x4], $0x80, s0, s28, $0xb8;
	[tilespmem:$0x1C800] =	vst v63  }
0x389: {  	s0 =	rddreg [dreg:$0xc]  }
0x38a: {  	[tilespmem:s4], [sflag:$0x7] =	stream.linear.gather [hbm4b:s0+s4], $0x7D0, $0x38;
	[tilespmem:$0x1C800] =	vst v63  }
0x38b: {  	_ =	swait.ge [sflag:s25], $0x7D0  }
0x38c: {  	[sflag:s25] =	ssyncset.done $0x0  }
0x38d: {  	[sflag:s25] =	ssyncadd.s32 $0xFFFFF830  }
0x38e: {  	[tilespmem:s30], [sflag:$0x2] =	stream.indirect.gather [hbm4b:s1+s28], $0x80, s28, s28, $0xb8;
	[tilespmem:$0x1C800] =	vst v63  }
0x38f: {  	_ =	swait.ge [sflag:s14], $0x2800  }
0x390: {  	[sflag:s14] =	ssyncset.done $0x0  }
0x391: {  	[sflag:s14] =	ssyncadd.s32 $0xFFFFD800  }
0x392: {  	_ =	swait.ge [sflag:s7], $0x2800  }
0x393: {  	[sflag:s7] =	ssyncset.done $0x0  }
0x394: {  	s0 =	rddreg [dreg:$0xd];
	[sflag:s7] =	ssyncadd.s32 $0xFFFFD800  }
0x395: {  	[tilespmem:s24], [sflag:$0x7] =	stream.linear.gather [hbm4b:s0+s4], $0x7D0, $0x38;
	[tilespmem:$0x1C800] =	vst v63  }
0x396: {  	_ =	swait.ge [sflag:s25], $0x7D0  }
0x397: {  	[sflag:s25] =	ssyncset.done $0x0  }
0x398: {  	[sflag:s25] =	ssyncadd.s32 $0xFFFFF830  }
0x399: {  	[tilespmem:s29], [sflag:$0x1] =	stream.indirect.gather [hbm4b:s1+s28], $0x80, s4, s28, $0xb8;
	[tilespmem:$0x1C800] =	vst v63  }
0x39a: {  	_ =	swait.ge [sflag:s2], $0x2800  }
0x39b: {  	[sflag:s2] =	ssyncset.done $0x0  }
0x39c: {  	[sflag:s2] =	ssyncadd.s32 $0xFFFFD800  }
0x39d: {  	[spmem:s3] =	stream.indirect.scatter.add.f32 [tilespmem:s29], [sflag:$0x4], $0x80, s24, s28, $0xb8;
	[tilespmem:$0x1C800] =	vst v63  }
0x39e: {  	s0 =	simm.s32 $0xA0  }
0x39f: {  	[tilespmem:s31], [sflag:$0x3] =	stream.indirect.gather [hbm4b:s1+s28], $0x80, s0, s28, $0xb8;
	[tilespmem:$0x1C800] =	vst v63  }
0x3a0: {  	_ =	swait.ge [sflag:s5], $0x2800  }
0x3a1: {  	[sflag:s5] =	ssyncset.done $0x0  }
0x3a2: {  	s0 =	simm.s32 $0x850;
	[sflag:s5] =	ssyncadd.s32 $0xFFFFD800  }
0x3a3: {  	[spmem:s3] =	stream.indirect.scatter.add.f32 [tilespmem:s30], [sflag:$0x5], $0x80, s0, s28, $0xb8;
	[tilespmem:$0x1C800] =	vst v63  }
0x3a4: {  	_ =	swait.ge [sflag:s7], $0x2800  }
0x3a5: {  	[sflag:s7] =	ssyncset.done $0x0  }
0x3a6: {  	s0 =	simm.s32 $0xF0;
	[sflag:s7] =	ssyncadd.s32 $0xFFFFD800  }
0x3a7: {  	[tilespmem:s29], [sflag:$0x1] =	stream.indirect.gather [hbm4b:s1+s28], $0x80, s0, s28, $0xb8;
	[tilespmem:$0x1C800] =	vst v63  }
0x3a8: {  	_ =	swait.ge [sflag:s9], $0x2800  }
0x3a9: {  	[sflag:s9] =	ssyncset.done $0x0  }
0x3aa: {  	s0 =	simm.s32 $0x8A0;
	[sflag:s9] =	ssyncadd.s32 $0xFFFFD800  }
0x3ab: {  	[spmem:s3] =	stream.indirect.scatter.add.f32 [tilespmem:s31], [sflag:$0x6], $0x80, s0, s28, $0xb8;
	[tilespmem:$0x1C800] =	vst v63  }
0x3ac: {  	_ =	swait.ge [sflag:s11], $0x2800  }
0x3ad: {  	[sflag:s11] =	ssyncset.done $0x0  }
0x3ae: {  	s0 =	simm.s32 $0x140;
	[sflag:s11] =	ssyncadd.s32 $0xFFFFD800  }
0x3af: {  	[tilespmem:s30], [sflag:$0x2] =	stream.indirect.gather [hbm4b:s1+s28], $0x80, s0, s28, $0xb8;
	[tilespmem:$0x1C800] =	vst v63  }
0x3b0: {  	_ =	swait.ge [sflag:s2], $0x2800  }
0x3b1: {  	[sflag:s2] =	ssyncset.done $0x0  }
0x3b2: {  	s0 =	simm.s32 $0x8F0;
	[sflag:s2] =	ssyncadd.s32 $0xFFFFD800  }
0x3b3: {  	[spmem:s3] =	stream.indirect.scatter.add.f32 [tilespmem:s29], [sflag:$0x4], $0x80, s0, s28, $0xb8;
	[tilespmem:$0x1C800] =	vst v63  }
0x3b4: {  	_ =	swait.ge [sflag:s14], $0x2800  }
0x3b5: {  	[sflag:s14] =	ssyncset.done $0x0  }
0x3b6: {  	s0 =	simm.s32 $0x190;
	[sflag:s14] =	ssyncadd.s32 $0xFFFFD800  }
0x3b7: {  	[tilespmem:s31], [sflag:$0x3] =	stream.indirect.gather [hbm4b:s1+s28], $0x80, s0, s28, $0xb8;
	[tilespmem:$0x1C800] =	vst v63  }
0x3b8: {  	_ =	swait.ge [sflag:s5], $0x2800  }
0x3b9: {  	[sflag:s5] =	ssyncset.done $0x0  }
0x3ba: {  	s0 =	simm.s32 $0x940;
	[sflag:s5] =	ssyncadd.s32 $0xFFFFD800  }
0x3bb: {  	[spmem:s3] =	stream.indirect.scatter.add.f32 [tilespmem:s30], [sflag:$0x5], $0x80, s0, s28, $0xb8;
	[tilespmem:$0x1C800] =	vst v63  }
0x3bc: {  	_ =	swait.ge [sflag:s7], $0x2800  }
0x3bd: {  	[sflag:s7] =	ssyncset.done $0x0  }
0x3be: {  	s0 =	simm.s32 $0x1E0;
	[sflag:s7] =	ssyncadd.s32 $0xFFFFD800  }
0x3bf: {  	[tilespmem:s29], [sflag:$0x1] =	stream.indirect.gather [hbm4b:s1+s28], $0x80, s0, s28, $0xb8;
	[tilespmem:$0x1C800] =	vst v63  }
0x3c0: {  	_ =	swait.ge [sflag:s9], $0x2800  }
0x3c1: {  	[sflag:s9] =	ssyncset.done $0x0  }
0x3c2: {  	s0 =	simm.s32 $0x990;
	[sflag:s9] =	ssyncadd.s32 $0xFFFFD800  }
0x3c3: {  	[spmem:s3] =	stream.indirect.scatter.add.f32 [tilespmem:s31], [sflag:$0x6], $0x80, s0, s28, $0xb8;
	[tilespmem:$0x1C800] =	vst v63  }
0x3c4: {  	_ =	swait.ge [sflag:s11], $0x2800  }
0x3c5: {  	[sflag:s11] =	ssyncset.done $0x0  }
0x3c6: {  	s0 =	simm.s32 $0x230;
	[sflag:s11] =	ssyncadd.s32 $0xFFFFD800  }
0x3c7: {  	[tilespmem:s30], [sflag:$0x2] =	stream.indirect.gather [hbm4b:s1+s28], $0x80, s0, s28, $0xb8;
	[tilespmem:$0x1C800] =	vst v63  }
0x3c8: {  	_ =	swait.ge [sflag:s2], $0x2800  }
0x3c9: {  	[sflag:s2] =	ssyncset.done $0x0  }
0x3ca: {  	s0 =	simm.s32 $0x9E0;
	[sflag:s2] =	ssyncadd.s32 $0xFFFFD800  }
0x3cb: {  	[spmem:s3] =	stream.indirect.scatter.add.f32 [tilespmem:s29], [sflag:$0x4], $0x80, s0, s28, $0xb8;
	[tilespmem:$0x1C800] =	vst v63  }
0x3cc: {  	_ =	swait.ge [sflag:s14], $0x2800  }
0x3cd: {  	[sflag:s14] =	ssyncset.done $0x0  }
0x3ce: {  	s0 =	simm.s32 $0x280;
	[sflag:s14] =	ssyncadd.s32 $0xFFFFD800  }
0x3cf: {  	[tilespmem:s31], [sflag:$0x3] =	stream.indirect.gather [hbm4b:s1+s28], $0x80, s0, s28, $0xb8;
	[tilespmem:$0x1C800] =	vst v63  }
0x3d0: {  	_ =	swait.ge [sflag:s5], $0x2800  }
0x3d1: {  	[sflag:s5] =	ssyncset.done $0x0  }
0x3d2: {  	s0 =	simm.s32 $0xA30;
	[sflag:s5] =	ssyncadd.s32 $0xFFFFD800  }
0x3d3: {  	[spmem:s3] =	stream.indirect.scatter.add.f32 [tilespmem:s30], [sflag:$0x5], $0x80, s0, s28, $0xb8;
	[tilespmem:$0x1C800] =	vst v63  }
0x3d4: {  	_ =	swait.ge [sflag:s7], $0x2800  }
0x3d5: {  	[sflag:s7] =	ssyncset.done $0x0  }
0x3d6: {  	s0 =	simm.s32 $0x2D0;
	[sflag:s7] =	ssyncadd.s32 $0xFFFFD800  }
0x3d7: {  	[tilespmem:s29], [sflag:$0x1] =	stream.indirect.gather [hbm4b:s1+s28], $0x80, s0, s28, $0xb8;
	[tilespmem:$0x1C800] =	vst v63  }
0x3d8: {  	_ =	swait.ge [sflag:s9], $0x2800  }
0x3d9: {  	[sflag:s9] =	ssyncset.done $0x0  }
0x3da: {  	s0 =	simm.s32 $0xA80;
	[sflag:s9] =	ssyncadd.s32 $0xFFFFD800  }
0x3db: {  	[spmem:s3] =	stream.indirect.scatter.add.f32 [tilespmem:s31], [sflag:$0x6], $0x80, s0, s28, $0xb8;
	[tilespmem:$0x1C800] =	vst v63  }
0x3dc: {  	_ =	swait.ge [sflag:s11], $0x2800  }
0x3dd: {  	[sflag:s11] =	ssyncset.done $0x0  }
0x3de: {  	s0 =	simm.s32 $0x320;
	[sflag:s11] =	ssyncadd.s32 $0xFFFFD800  }
0x3df: {  	[tilespmem:s30], [sflag:$0x2] =	stream.indirect.gather [hbm4b:s1+s28], $0x80, s0, s28, $0xb8;
	[tilespmem:$0x1C800] =	vst v63  }
0x3e0: {  	_ =	swait.ge [sflag:s2], $0x2800  }
0x3e1: {  	[sflag:s2] =	ssyncset.done $0x0  }
0x3e2: {  	s0 =	simm.s32 $0xAD0;
	[sflag:s2] =	ssyncadd.s32 $0xFFFFD800  }
0x3e3: {  	[spmem:s3] =	stream.indirect.scatter.add.f32 [tilespmem:s29], [sflag:$0x4], $0x80, s0, s28, $0xb8;
	[tilespmem:$0x1C800] =	vst v63  }
0x3e4: {  	_ =	swait.ge [sflag:s14], $0x2800  }
0x3e5: {  	[sflag:s14] =	ssyncset.done $0x0  }
0x3e6: {  	s0 =	simm.s32 $0x370;
	[sflag:s14] =	ssyncadd.s32 $0xFFFFD800  }
0x3e7: {  	[tilespmem:s31], [sflag:$0x3] =	stream.indirect.gather [hbm4b:s1+s28], $0x80, s0, s28, $0xb8;
	[tilespmem:$0x1C800] =	vst v63  }
0x3e8: {  	_ =	swait.ge [sflag:s5], $0x2800  }
0x3e9: {  	[sflag:s5] =	ssyncset.done $0x0  }
0x3ea: {  	s0 =	simm.s32 $0xB20;
	[sflag:s5] =	ssyncadd.s32 $0xFFFFD800  }
0x3eb: {  	[spmem:s3] =	stream.indirect.scatter.add.f32 [tilespmem:s30], [sflag:$0x5], $0x80, s0, s28, $0xb8;
	[tilespmem:$0x1C800] =	vst v63  }
0x3ec: {  	_ =	swait.ge [sflag:s7], $0x2800  }
0x3ed: {  	[sflag:s7] =	ssyncset.done $0x0  }
0x3ee: {  	s0 =	simm.s32 $0x3C0;
	[sflag:s7] =	ssyncadd.s32 $0xFFFFD800  }
0x3ef: {  	[tilespmem:s29], [sflag:$0x1] =	stream.indirect.gather [hbm4b:s1+s28], $0x80, s0, s28, $0xb8;
	[tilespmem:$0x1C800] =	vst v63  }
0x3f0: {  	_ =	swait.ge [sflag:s9], $0x2800  }
0x3f1: {  	[sflag:s9] =	ssyncset.done $0x0  }
0x3f2: {  	s0 =	simm.s32 $0xB70;
	[sflag:s9] =	ssyncadd.s32 $0xFFFFD800  }
0x3f3: {  	[spmem:s3] =	stream.indirect.scatter.add.f32 [tilespmem:s31], [sflag:$0x6], $0x80, s0, s28, $0xb8;
	[tilespmem:$0x1C800] =	vst v63  }
0x3f4: {  	_ =	swait.ge [sflag:s11], $0x2800  }
0x3f5: {  	[sflag:s11] =	ssyncset.done $0x0  }
0x3f6: {  	s0 =	simm.s32 $0x410;
	[sflag:s11] =	ssyncadd.s32 $0xFFFFD800  }
0x3f7: {  	[tilespmem:s30], [sflag:$0x2] =	stream.indirect.gather [hbm4b:s1+s28], $0x80, s0, s28, $0xb8;
	[tilespmem:$0x1C800] =	vst v63  }
0x3f8: {  	_ =	swait.ge [sflag:s2], $0x2800  }
0x3f9: {  	[sflag:s2] =	ssyncset.done $0x0  }
0x3fa: {  	s0 =	simm.s32 $0xBC0;
	[sflag:s2] =	ssyncadd.s32 $0xFFFFD800  }
0x3fb: {  	[spmem:s3] =	stream.indirect.scatter.add.f32 [tilespmem:s29], [sflag:$0x4], $0x80, s0, s28, $0xb8;
	[tilespmem:$0x1C800] =	vst v63  }
0x3fc: {  	_ =	swait.ge [sflag:s14], $0x2800  }
0x3fd: {  	[sflag:s14] =	ssyncset.done $0x0  }
0x3fe: {  	s0 =	simm.s32 $0x460;
	[sflag:s14] =	ssyncadd.s32 $0xFFFFD800  }
0x3ff: {  	[tilespmem:s31], [sflag:$0x3] =	stream.indirect.gather [hbm4b:s1+s28], $0x80, s0, s28, $0xb8;
	[tilespmem:$0x1C800] =	vst v63  }
0x400: {  	_ =	swait.ge [sflag:s5], $0x2800  }
0x401: {  	[sflag:s5] =	ssyncset.done $0x0  }
0x402: {  	s0 =	simm.s32 $0xC10;
	[sflag:s5] =	ssyncadd.s32 $0xFFFFD800  }
0x403: {  	[spmem:s3] =	stream.indirect.scatter.add.f32 [tilespmem:s30], [sflag:$0x5], $0x80, s0, s28, $0xb8;
	[tilespmem:$0x1C800] =	vst v63  }
0x404: {  	_ =	swait.ge [sflag:s7], $0x2800  }
0x405: {  	[sflag:s7] =	ssyncset.done $0x0  }
0x406: {  	s6 =	simm.s32 $0x4B0;
	[sflag:s7] =	ssyncadd.s32 $0xFFFFD800  }
0x407: {  	[tilespmem:s29], [sflag:$0x1] =	stream.indirect.gather [hbm4b:s1+s28], $0x80, s6, s28, $0xb8;
	[tilespmem:$0x1C800] =	vst v63  }
0x408: {  	_ =	swait.ge [sflag:s9], $0x2800  }
0x409: {  	[sflag:s9] =	ssyncset.done $0x0  }
0x40a: {  	s8 =	simm.s32 $0xC60;
	[sflag:s9] =	ssyncadd.s32 $0xFFFFD800  }
0x40b: {  	[spmem:s3] =	stream.indirect.scatter.add.f32 [tilespmem:s31], [sflag:$0x6], $0x80, s8, s28, $0xb8;
	[tilespmem:$0x1C800] =	vst v63  }
0x40c: {  	_ =	swait.ge [sflag:s11], $0x2800  }
0x40d: {  	[sflag:s11] =	ssyncset.done $0x0  }
0x40e: {  	s10 =	simm.s32 $0x500;
	[sflag:s11] =	ssyncadd.s32 $0xFFFFD800  }
0x40f: {  	[tilespmem:s30], [sflag:$0x2] =	stream.indirect.gather [hbm4b:s1+s28], $0x80, s10, s28, $0xb8;
	[tilespmem:$0x1C800] =	vst v63  }
0x410: {  	_ =	swait.ge [sflag:s2], $0x2800  }
0x411: {  	[sflag:s2] =	ssyncset.done $0x0  }
0x412: {  	s13 =	simm.s32 $0xCB0;
	[sflag:s2] =	ssyncadd.s32 $0xFFFFD800  }
0x413: {  	[spmem:s3] =	stream.indirect.scatter.add.f32 [tilespmem:s29], [sflag:$0x4], $0x80, s13, s28, $0xb8;
	[tilespmem:$0x1C800] =	vst v63  }
0x414: {  	_ =	swait.ge [sflag:s14], $0x2800  }
0x415: {  	[sflag:s14] =	ssyncset.done $0x0  }
0x416: {  	s15 =	simm.s32 $0x550;
	[sflag:s14] =	ssyncadd.s32 $0xFFFFD800  }
0x417: {  	[tilespmem:s31], [sflag:$0x3] =	stream.indirect.gather [hbm4b:s1+s28], $0x80, s15, s28, $0xb8;
	[tilespmem:$0x1C800] =	vst v63  }
0x418: {  	_ =	swait.ge [sflag:s5], $0x2800  }
0x419: {  	[sflag:s5] =	ssyncset.done $0x0  }
0x41a: {  	s16 =	simm.s32 $0xD00;
	[sflag:s5] =	ssyncadd.s32 $0xFFFFD800  }
0x41b: {  	[spmem:s3] =	stream.indirect.scatter.add.f32 [tilespmem:s30], [sflag:$0x5], $0x80, s16, s28, $0xb8;
	[tilespmem:$0x1C800] =	vst v63  }
0x41c: {  	_ =	swait.ge [sflag:s7], $0x2800  }
0x41d: {  	[sflag:s7] =	ssyncset.done $0x0  }
0x41e: {  	s17 =	simm.s32 $0x5A0;
	[sflag:s7] =	ssyncadd.s32 $0xFFFFD800  }
0x41f: {  	[tilespmem:s29], [sflag:$0x1] =	stream.indirect.gather [hbm4b:s1+s28], $0x80, s17, s28, $0xb8;
	[tilespmem:$0x1C800] =	vst v63  }
0x420: {  	_ =	swait.ge [sflag:s9], $0x2800  }
0x421: {  	[sflag:s9] =	ssyncset.done $0x0  }
0x422: {  	s18 =	simm.s32 $0xD50;
	[sflag:s9] =	ssyncadd.s32 $0xFFFFD800  }
0x423: {  	[spmem:s3] =	stream.indirect.scatter.add.f32 [tilespmem:s31], [sflag:$0x6], $0x80, s18, s28, $0xb8;
	[tilespmem:$0x1C800] =	vst v63  }
0x424: {  	_ =	swait.ge [sflag:s11], $0x2800  }
0x425: {  	[sflag:s11] =	ssyncset.done $0x0  }
0x426: {  	s19 =	simm.s32 $0x5F0;
	[sflag:s11] =	ssyncadd.s32 $0xFFFFD800  }
0x427: {  	[tilespmem:s30], [sflag:$0x2] =	stream.indirect.gather [hbm4b:s1+s28], $0x80, s19, s28, $0xb8;
	[tilespmem:$0x1C800] =	vst v63  }
0x428: {  	_ =	swait.ge [sflag:s2], $0x2800  }
0x429: {  	[sflag:s2] =	ssyncset.done $0x0  }
0x42a: {  	s20 =	simm.s32 $0xDA0;
	[sflag:s2] =	ssyncadd.s32 $0xFFFFD800  }
0x42b: {  	[spmem:s3] =	stream.indirect.scatter.add.f32 [tilespmem:s29], [sflag:$0x4], $0x80, s20, s28, $0xb8;
	[tilespmem:$0x1C800] =	vst v63  }
0x42c: {  	_ =	swait.ge [sflag:s14], $0x2800  }
0x42d: {  	[sflag:s14] =	ssyncset.done $0x0  }
0x42e: {  	s21 =	simm.s32 $0x640;
	[sflag:s14] =	ssyncadd.s32 $0xFFFFD800  }
0x42f: {  	[tilespmem:s31], [sflag:$0x3] =	stream.indirect.gather [hbm4b:s1+s28], $0x80, s21, s28, $0xb8;
	[tilespmem:$0x1C800] =	vst v63  }
0x430: {  	_ =	swait.ge [sflag:s5], $0x2800  }
0x431: {  	[sflag:s5] =	ssyncset.done $0x0  }
0x432: {  	s22 =	simm.s32 $0xDF0;
	[sflag:s5] =	ssyncadd.s32 $0xFFFFD800  }
0x433: {  	[spmem:s3] =	stream.indirect.scatter.add.f32 [tilespmem:s30], [sflag:$0x5], $0x80, s22, s28, $0xb8;
	[tilespmem:$0x1C800] =	vst v63  }
0x434: {  	_ =	swait.ge [sflag:s7], $0x2800  }
0x435: {  	[sflag:s7] =	ssyncset.done $0x0  }
0x436: {  	s23 =	simm.s32 $0x690;
	[sflag:s7] =	ssyncadd.s32 $0xFFFFD800  }
0x437: {  	[tilespmem:s29], [sflag:$0x1] =	stream.indirect.gather [hbm4b:s1+s28], $0x80, s23, s28, $0xb8;
	[tilespmem:$0x1C800] =	vst v63  }
0x438: {  	_ =	swait.ge [sflag:s9], $0x2800  }
0x439: {  	[sflag:s9] =	ssyncset.done $0x0  }
0x43a: {  	s26 =	simm.s32 $0xE40;
	[sflag:s9] =	ssyncadd.s32 $0xFFFFD800  }
0x43b: {  	[spmem:s3] =	stream.indirect.scatter.add.f32 [tilespmem:s31], [sflag:$0x6], $0x80, s26, s28, $0xb8;
	[tilespmem:$0x1C800] =	vst v63  }
0x43c: {  	_ =	swait.ge [sflag:s11], $0x2800  }
0x43d: {  	[sflag:s11] =	ssyncset.done $0x0  }
0x43e: {  	s12 =	simm.s32 $0x6E0;
	[sflag:s11] =	ssyncadd.s32 $0xFFFFD800  }
0x43f: {  	[tilespmem:s30], [sflag:$0x2] =	stream.indirect.gather [hbm4b:s1+s28], $0x80, s12, s28, $0xb8;
	[tilespmem:$0x1C800] =	vst v63  }
0x440: {  	_ =	swait.ge [sflag:s2], $0x2800  }
0x441: {  	[sflag:s2] =	ssyncset.done $0x0  }
0x442: {  	s13 =	simm.s32 $0xE90;
	[sflag:s2] =	ssyncadd.s32 $0xFFFFD800  }
0x443: {  	[spmem:s3] =	stream.indirect.scatter.add.f32 [tilespmem:s29], [sflag:$0x4], $0x80, s13, s28, $0xb8;
	[tilespmem:$0x1C800] =	vst v63  }
0x444: {  	_ =	swait.ge [sflag:s14], $0x2800  }
0x445: {  	[sflag:s14] =	ssyncset.done $0x0  }
0x446: {  	s15 =	simm.s32 $0x730;
	[sflag:s14] =	ssyncadd.s32 $0xFFFFD800  }
0x447: {  	[tilespmem:s31], [sflag:$0x3] =	stream.indirect.gather [hbm4b:s1+s28], $0x80, s15, s28, $0xb8;
	[tilespmem:$0x1C800] =	vst v63  }
0x448: {  	_ =	swait.ge [sflag:s5], $0x2800  }
0x449: {  	[sflag:s5] =	ssyncset.done $0x0  }
0x44a: {  	s16 =	simm.s32 $0xEE0;
	[sflag:s5] =	ssyncadd.s32 $0xFFFFD800  }
0x44b: {  	[spmem:s3] =	stream.indirect.scatter.add.f32 [tilespmem:s30], [sflag:$0x5], $0x80, s16, s28, $0xb8;
	[tilespmem:$0x1C800] =	vst v63  }
0x44c: {  	_ =	swait.ge [sflag:s7], $0x2800  }
0x44d: {  	[sflag:s7] =	ssyncset.done $0x0  }
0x44e: {  	s17 =	simm.s32 $0x780;
	[sflag:s7] =	ssyncadd.s32 $0xFFFFD800  }
0x44f: {  	[tilespmem:s29], [sflag:$0x1] =	stream.indirect.gather [hbm4b:s1+s28], $0x80, s17, s28, $0xb8;
	[tilespmem:$0x1C800] =	vst v63  }
0x450: {  	_ =	swait.ge [sflag:s9], $0x2800  }
0x451: {  	[sflag:s9] =	ssyncset.done $0x0  }
0x452: {  	s18 =	simm.s32 $0xF30;
	[sflag:s9] =	ssyncadd.s32 $0xFFFFD800  }
0x453: {  	[spmem:s3] =	stream.indirect.scatter.add.f32 [tilespmem:s31], [sflag:$0x6], $0x80, s18, s28, $0xb8;
	[tilespmem:$0x1C800] =	vst v63  }
0x454: {  	_ =	swait.ge [sflag:s11], $0x2800  }
0x455: {  	[sflag:s11] =	ssyncset.done $0x0  }
0x456: {  	[sflag:s11] =	ssyncadd.s32 $0xFFFFD800  }
0x457: {  	_ =	swait.ge [sflag:s2], $0x2800  }
0x458: {  	[sflag:s2] =	ssyncset.done $0x0  }
0x459: {  	s19 =	simm.s32 $0xF80;
	[sflag:s2] =	ssyncadd.s32 $0xFFFFD800  }
0x45a: {  	[spmem:s3] =	stream.indirect.scatter.add.f32 [tilespmem:s29], [sflag:$0x4], $0x80, s19, s28, $0xb8;
	[tilespmem:$0x1C800] =	vst v63  }
0x45b: {  	_ =	swait.ge [sflag:s14], $0x2800  }
0x45c: {  	[sflag:s14] =	ssyncset.done $0x0  }
0x45d: {  	[sflag:s14] =	ssyncadd.s32 $0xFFFFD800  }
0x45e: {  	_ =	swait.ge [sflag:s7], $0x2800  }
0x45f: {  	[sflag:s7] =	ssyncset.done $0x0  }
0x460: {  	[sflag:s7] =	ssyncadd.s32 $0xFFFFD800  }
0x461: {  	s20 =	stileid.u32;
	[bflag:$0x0] =	sbarrier.arrive $0xFFFF  }
0x462: {  	s0 =	sshll.u32 s20, $0x6;
	s21 =	rddreg [dreg:$0xe]  }
0x463: {  	s0 =	sor.u32 $0x1C07, s0;
	s22 =	rddreg [dreg:$0xf];
	s6 =	sshrl.u32 s21, $0x3  }
0x464: {  	[hbm:s22], [sflag:s0] =	dma.local [spmem:s6], $0x2800  }
0x465: {  	_ =	swait.ge [sflag:s25], $0x2800  }
0x466: {  	s23 =	rddreg [dreg:$0x18]  }
0x467: {  	s26 =	rddreg [dreg:$0x10];
	s6 =	sadd.s32 $0x1, s23  }
0x468: {  	p0 =	sne.s32 s6, s26  }
.Ltmp1:
0x469: {  	_ = 	snop;
	(pc) =	sbr.rel @p0 .LBB2_1-.Ltmp1, $3  }
0x46a: {  	_ =	sdelay $0x1  }
0x46b: {  	[sflag:s25] =	ssyncset.done $0x0  }
0x46c: {  	[sflag:s25] =	ssyncadd.s32 $0xFFFFD800  }
0x46d: {  	_ =	sfence.sel $0x180000  }
0x46e: {  	[bflag:$0x0] =	sbarrier.arrive $0xFFFF  }
0x46f: {  	_ =	strace $0x90000047  }
0x470: {  	s0 =	stileid.u32;
	[bflag:$0x2] =	sbarrier.arrive $0xFFFF  }
0x471: {  	p0 =	sne.s32 s0, $0x0;
	s0 =	rddreg [dreg:$0x3]  }
0x472: {  	s0 =	sadd.s32 @!p0 $0x100000, s0  }
0x473: {  	[sflag:s0] =	ssyncadd.tile.s32 @!p0 $0x1;
	_ =	shalt  }
.Lfunc_end2:
_tile_overlayer_lowered:
.L_overlay_start_2:
0x474: {  	(tag) =	ssettag $0x2  }
0x475: {  	s0 =	rddreg [dreg:$0x0];
	s2 =	stileid.u32  }
0x476: {  	s1 =	rddreg [dreg:$0x1];
	p0 =	sne.s32 s2, $0x0  }
0x477: {  	s3 =	rddreg [dreg:$0x2];
	[bflag:$0x3] =	sbarrier.arrive $0xFFFF;
	s2 =	simm.s32 @!p0 $0x1C07  }
0x478: {  	[timem:s3], [sflag:s2] =	dma.local @!p0 [hbm:s0], s1  }
0x479: {  	s0 =	simm.s32 @!p0 $0x7  }
0x47a: {  	_ =	swait.ge @!p0 [sflag:s0], s1  }
0x47b: {  	s1 =	ssub.s32 @!p0 $0x0, s1;
	[sflag:s0] =	ssyncset.done @!p0 $0x0  }
0x47c: {  	[sflag:s0] =	ssyncadd.s32 @!p0 s1  }
0x47d: {  	[bflag:$0x3] =	sbarrier.arrive $0xFFFF  }
0x47e: {  	_ =	shalt  }

</sc_bundles>
